<compile_context>
chip_gen: v7x
topology: tpu7x:2x2x1
jax: 0.10.2.dev20260603
libtpu: 0.0.44.dev20260713+nightly
codegen_flags: <defaults>
</compile_context>

<pallas_src>
import functools
import math

import jax
import jax.numpy as jnp
from jax import lax
from jax.experimental import pallas as pl
from jax.experimental.pallas import tpu as pltpu
from jax.experimental.pallas import tpu_sc as plsc

N = 10000
E = 320000
IN_CH = 128
OUT_CH = 128
NUM_RADIAL = 8
RBF_START = 0.0
RBF_STOP = 5.0

NC = 2
NS = 16
NW = NC * NS

S = 5
ES = E // S
EPW = ES // NW
CH = 80
NCH = EPW // CH
NP = 10240
RPT = NP // NS


def _mesh():
    return plsc.VectorSubcoreMesh(core_axis_name="c", subcore_axis_name="s")


@functools.cache
def _make_gather_k():
    @functools.partial(
        pl.kernel,
        out_type=jax.ShapeDtypeStruct((ES, IN_CH), jnp.float32),
        mesh=_mesh(),
        scratch_types=[
            pltpu.VMEM((NCH, CH), jnp.int32),
            pltpu.VMEM((2, CH, IN_CH), jnp.float32),
            pltpu.SemaphoreType.DMA((2,)),
            pltpu.SemaphoreType.DMA((2,)),
        ],
    )
    def _gather_k(x_hbm, src_hbm, out_hbm, idx2, rows, gsem, wsem):
        wid = lax.axis_index("s") * NC + lax.axis_index("c")
        base = wid * EPW
        pltpu.sync_copy(src_hbm.at[wid], idx2)
        pltpu.async_copy(x_hbm.at[idx2.at[0]], rows.at[0], gsem.at[0])

        def body(c, carry):
            b = c % 2
            nb = 1 - b

            @pl.when(c + 1 < NCH)
            def _():
                @pl.when(c >= 1)
                def _():
                    pltpu.make_async_copy(
                        rows.at[nb], out_hbm.at[pl.ds(base, CH)],
                        wsem.at[nb]).wait()

                pltpu.async_copy(x_hbm.at[idx2.at[c + 1]], rows.at[nb],
                                 gsem.at[nb])

            pltpu.make_async_copy(
                x_hbm.at[pl.ds(0, CH)], rows.at[b], gsem.at[b]).wait()
            pltpu.async_copy(rows.at[b], out_hbm.at[pl.ds(base + c * CH, CH)],
                             wsem.at[b])
            return carry

        lax.fori_loop(0, NCH, body, 0)
        pltpu.make_async_copy(rows.at[0], out_hbm.at[pl.ds(base, CH)],
                              wsem.at[0]).wait()
        pltpu.make_async_copy(rows.at[1], out_hbm.at[pl.ds(base, CH)],
                              wsem.at[1]).wait()

    return _gather_k


EB = 3200


def _msg_body(xj_ref, ev_ref, w2_ref, e8_ref, msg_ref):
    evt = ev_ref[...]
    d2 = (evt[0:1] * evt[0:1] + evt[1:2] * evt[1:2]
          + evt[2:3] * evt[2:3])
    d = jnp.sqrt(d2 + 1e-12)
    width = (RBF_STOP - RBF_START) / (NUM_RADIAL - 1)
    centers = RBF_START + width * lax.broadcasted_iota(
        jnp.int32, (NUM_RADIAL, 1), 0).astype(jnp.float32)
    scaling = 1.0 / math.sqrt(2.0 * math.pi)
    z = (d - centers) / width
    rbf = jnp.exp(-0.5 * z * z)
    rbf_t = scaling * jnp.transpose(rbf)
    rbfw = jnp.dot(rbf_t, e8_ref[...],
                   preferred_element_type=jnp.float32)
    xj = xj_ref[...].astype(jnp.bfloat16)
    t = jnp.dot(xj, w2_ref[...], preferred_element_type=jnp.float32)
    p = t * rbfw
    acc = p[:, 0:OUT_CH]
    for r in range(1, NUM_RADIAL):
        acc = acc + p[:, r * OUT_CH:(r + 1) * OUT_CH]
    msg_ref[...] = acc


def _msg_call(x_j, evt, w2, e8, s):
    off = s * (ES // EB)
    grid = (ES // EB,)
    return pl.pallas_call(
        _msg_body,
        grid=grid,
        in_specs=[
            pl.BlockSpec((EB, IN_CH), lambda i: (i, 0)),
            pl.BlockSpec((3, EB), lambda i: (0, i + off)),
            pl.BlockSpec((IN_CH, NUM_RADIAL * OUT_CH), lambda i: (0, 0)),
            pl.BlockSpec((NUM_RADIAL, NUM_RADIAL * OUT_CH), lambda i: (0, 0)),
        ],
        out_specs=pl.BlockSpec((EB, OUT_CH), lambda i: (i, 0)),
        out_shape=jax.ShapeDtypeStruct((ES, OUT_CH), jnp.float32),
        compiler_params=pltpu.CompilerParams(
            dimension_semantics=("parallel",)),
    )(x_j, evt, w2, e8)


@functools.cache
def _make_scatter_k():
    @functools.partial(
        pl.kernel,
        out_type=jax.ShapeDtypeStruct((NC, NP, OUT_CH), jnp.float32),
        mesh=_mesh(),
        scratch_types=[
            pltpu.VMEM((NCH, CH), jnp.int32),
            pltpu.VMEM((2, CH, OUT_CH), jnp.float32),
            pltpu.VMEM_SHARED((NP, OUT_CH), jnp.float32),
            pltpu.SemaphoreType.DMA((2,)),
            pltpu.SemaphoreType.DMA((2,)),
        ],
    )
    def _scatter_k(msg_hbm, dst_hbm, zeros_hbm, out_hbm, idx2, rows, acc_sh,
                   lsem, ssem):
        cid = lax.axis_index("c")
        sid = lax.axis_index("s")
        wid = sid * NC + cid
        base = wid * EPW

        pltpu.sync_copy(zeros_hbm, acc_sh.at[pl.ds(sid * RPT, RPT)])
        pltpu.sync_copy(dst_hbm.at[wid], idx2)
        plsc.subcore_barrier()

        pltpu.async_copy(msg_hbm.at[pl.ds(base, CH)], rows.at[0], lsem.at[0])

        def body(c, carry):
            b = c % 2
            nb = 1 - b

            @pl.when(c + 1 < NCH)
            def _():
                pltpu.async_copy(msg_hbm.at[pl.ds(base + (c + 1) * CH, CH)],
                                 rows.at[nb], lsem.at[nb])

            pltpu.make_async_copy(
                msg_hbm.at[pl.ds(0, CH)], rows.at[b], lsem.at[b]).wait()
            pltpu.sync_copy(rows.at[b], acc_sh.at[idx2.at[c]], add=True)
            return carry

        lax.fori_loop(0, NCH, body, 0)
        plsc.subcore_barrier()

        pltpu.sync_copy(acc_sh.at[pl.ds(sid * RPT, RPT)],
                        out_hbm.at[cid].at[pl.ds(sid * RPT, RPT)])

    return _scatter_k


def _add_body(*refs):
    ps = refs[:-1]
    o_ref = refs[-1]
    acc = ps[0][0] + ps[0][1]
    for p in ps[1:]:
        acc = acc + (p[0] + p[1])
    o_ref[...] = acc


def _add_call(partials):
    nb = 10
    return pl.pallas_call(
        _add_body,
        grid=(nb,),
        in_specs=[pl.BlockSpec((NC, N // nb, OUT_CH), lambda i: (0, i, 0))
                  for _ in partials],
        out_specs=pl.BlockSpec((N // nb, OUT_CH), lambda i: (i, 0)),
        out_shape=jax.ShapeDtypeStruct((N, OUT_CH), jnp.float32),
    )(*partials)


def kernel(x, edge_index, edge_vector, W):
    src3 = edge_index[0].reshape(S, NW, NCH, CH)
    dst3 = edge_index[1].reshape(S, NW, NCH, CH)
    evt = edge_vector.T
    w2 = W.reshape(IN_CH, NUM_RADIAL * OUT_CH).astype(jnp.bfloat16)
    e8 = jnp.repeat(jnp.eye(NUM_RADIAL, dtype=jnp.float32), OUT_CH, axis=1)
    zeros = jnp.zeros((RPT, OUT_CH), jnp.float32)

    gather_k = _make_gather_k()
    scatter_k = _make_scatter_k()
    partials = []
    for s in range(S):
        x_j = gather_k(x, src3[s])
        msg = _msg_call(x_j, evt, w2, e8, s)
        partials.append(scatter_k(msg, dst3[s], zeros))
    return _add_call(partials)

# --- scband reference (transcript-rebuilt; emitter-appended) ---
"""Pipeline reference for scband-nequ-ipconv-18038862643914 (READ-ONLY COPY).

The authoritative reference and input builder live on the scoring server;
editing this copy changes nothing except your own understanding.
"""

import jax, jax.numpy as jnp
import numpy as np

N = 10000
E = 320000
IN_CH = 128
OUT_CH = 128
NUM_RADIAL = 8
RBF_START = 0.0
RBF_STOP = 5.0


def setup_inputs(seed: int = 0) -> dict:
    key = jax.random.key(seed)
    k1, k2, k3, k4 = jax.random.split(key, 4)
    x = jax.random.normal(k1, (N, IN_CH), dtype=jnp.float32)
    edge_index = jax.random.randint(k2, (2, E), 0, N, dtype=jnp.int32)
    edge_vector = jax.random.normal(k3, (E, 3), dtype=jnp.float32)
    # TensorProduct learnable weight (in_channels, num_radial, out_channels), xavier uniform
    limit = float(np.sqrt(6.0 / (IN_CH * NUM_RADIAL + NUM_RADIAL * OUT_CH)))
    W = jax.random.uniform(k4, (IN_CH, NUM_RADIAL, OUT_CH), minval=-limit, maxval=limit, dtype=jnp.float32)
    return {"x": x, "edge_index": edge_index, "edge_vector": edge_vector, "W": W}


def reference(x, edge_index, edge_vector, W):
    src = edge_index[0]
    dst = edge_index[1]
    # gather neighbor features
    x_j = jnp.take(x, src, axis=0)  # [E, IN_CH]
    # edge distances from edge vectors
    d = jnp.sqrt(jnp.sum(edge_vector * edge_vector, axis=-1, keepdims=True) + 1e-12)  # [E, 1]
    # GaussianSmearing
    centers = jnp.linspace(RBF_START, RBF_STOP, NUM_RADIAL)
    width = (RBF_STOP - RBF_START) / (NUM_RADIAL - 1)
    scaling = 1.0 / jnp.sqrt(2.0 * jnp.pi)
    rbf = scaling * jnp.exp(-0.5 * ((d - centers) / width) ** 2)  # [E, NUM_RADIAL]
    # TensorProduct: out[e,r,c] = sum_i x_j[e,i] * W[i,r,c] * rbf[e,r]; summed over radial channel
    msg = jnp.einsum('ei,irc,er->ec', x_j, W, rbf)  # [E, OUT_CH]
    # scatter-add messages to destination nodes
    out = jnp.zeros((x.shape[0], W.shape[2]), dtype=msg.dtype).at[dst].add(msg)
    return out

if __name__ == "__main__":
    import jax
    _d = setup_inputs()
    print(jax.jit(kernel)(*tuple(_d.values())))

</pallas_src>

<mosaic_0001>
#map = affine_map<(d0, d1) -> (0, 0)>
#map1 = affine_map<(d0, d1) -> (0, 0, 0)>
module attributes {stable_mosaic.version = 14 : i64} {
  func.func @_gather_k(%arg0: i32, %arg1: i32, %arg2: memref<10000x128xf32, #tpu.memory_space<hbm>>, %arg3: memref<32x25x80xi32, #tpu.memory_space<hbm>>, %arg4: memref<64000x128xf32, #tpu.memory_space<hbm>>, %arg5: memref<25x80xi32, #tpu.memory_space<vmem>>, %arg6: memref<2x80x128xf32, #tpu.memory_space<vmem>>, %arg7: memref<2x!tpu.dma_semaphore, #tpu.memory_space<semaphore_mem>>, %arg8: memref<2x!tpu.dma_semaphore, #tpu.memory_space<semaphore_mem>>) attributes {dimension_semantics = [#tpu.dimension_semantics<core_parallel>, #tpu.dimension_semantics<subcore_parallel>], iteration_bounds = array<i64: 2, 16>, scalar_prefetch = 0 : i64, scratch_operands = 4 : i64, tpu.core_type = #tpu.core_type<sc_vector_subcore>, window_params = [{transform_indices = #map}, {transform_indices = #map1}, {transform_indices = #map}]} {
    %mul3A = arith.constant 2 : i32
    %mul3A_0 = arith.muli %arg1, %mul3A : i32
    %add3A = arith.addi %mul3A_0, %arg0 : i32
    %mul3A_1 = arith.constant 2000 : i32
    %mul3A_2 = arith.muli %add3A, %mul3A_1 : i32
    "tpu.region"() ({
      %run_scoped3A = tpu.sem_alloc : memref<!tpu.dma_semaphore, #tpu.memory_space<semaphore_mem>>
      %dma_start3A_53 = arith.constant 0 : i32
      %dma_start3A_54 = arith.constant 0 : i32
      %dma_start3A_55 = tpu.memref_slice %arg3[%add3A, %dma_start3A_53, %dma_start3A_54] : memref<32x25x80xi32, #tpu.memory_space<hbm>> -> memref<1x25x80xi32, #tpu.memory_space<hbm>>
      %dma_start3A_56 = tpu.memref_squeeze %dma_start3A_55 : memref<1x25x80xi32, #tpu.memory_space<hbm>> -> memref<25x80xi32, #tpu.memory_space<hbm>>
      %dma_start3A_57 = arith.constant 0 : i32
      %dma_start3A_58 = arith.constant 0 : i32
      %dma_start3A_59 = tpu.memref_slice %arg3[%add3A, %dma_start3A_57, %dma_start3A_58] : memref<32x25x80xi32, #tpu.memory_space<hbm>> -> memref<1x25x80xi32, #tpu.memory_space<hbm>>
      %dma_start3A_60 = tpu.memref_squeeze %dma_start3A_59 : memref<1x25x80xi32, #tpu.memory_space<hbm>> -> memref<25x80xi32, #tpu.memory_space<hbm>>
      tpu.enqueue_dma source(%dma_start3A_60 : memref<25x80xi32, #tpu.memory_space<hbm>>) target(%arg5 : memref<25x80xi32, #tpu.memory_space<vmem>>) target_semaphore(%run_scoped3A : memref<!tpu.dma_semaphore, #tpu.memory_space<semaphore_mem>>)
      %dma_wait3A_61 = arith.constant 0 : i32
      %dma_wait3A_62 = arith.constant 0 : i32
      %dma_wait3A_63 = tpu.memref_slice %arg3[%add3A, %dma_wait3A_61, %dma_wait3A_62] : memref<32x25x80xi32, #tpu.memory_space<hbm>> -> memref<1x25x80xi32, #tpu.memory_space<hbm>>
      %dma_wait3A_64 = tpu.memref_squeeze %dma_wait3A_63 : memref<1x25x80xi32, #tpu.memory_space<hbm>> -> memref<25x80xi32, #tpu.memory_space<hbm>>
      %dma_wait3A_65 = arith.constant 0 : i32
      %dma_wait3A_66 = arith.constant 0 : i32
      %dma_wait3A_67 = tpu.memref_slice %arg3[%add3A, %dma_wait3A_65, %dma_wait3A_66] : memref<32x25x80xi32, #tpu.memory_space<hbm>> -> memref<1x25x80xi32, #tpu.memory_space<hbm>>
      %dma_wait3A_68 = tpu.memref_squeeze %dma_wait3A_67 : memref<1x25x80xi32, #tpu.memory_space<hbm>> -> memref<25x80xi32, #tpu.memory_space<hbm>>
      tpu.wait_dma2 semaphore(%run_scoped3A : memref<!tpu.dma_semaphore, #tpu.memory_space<semaphore_mem>>) src(%dma_wait3A_68 : memref<25x80xi32, #tpu.memory_space<hbm>>) dst(%arg5 : memref<25x80xi32, #tpu.memory_space<vmem>>)
      tpu.yield
    }) : () -> ()
    %dma_start3A = arith.constant 0 : i32
    %dma_start3A_3 = arith.constant 0 : i32
    %dma_start3A_4 = arith.constant 0 : i32
    %dma_start3A_5 = arith.constant 0 : i32
    %dma_start3A_6 = arith.constant 0 : i32
    %dma_start3A_7 = tpu.memref_slice %arg6[%dma_start3A_3, %dma_start3A_5, %dma_start3A_6] : memref<2x80x128xf32, #tpu.memory_space<vmem>> -> memref<1x80x128xf32, #tpu.memory_space<vmem>>
    %dma_start3A_8 = tpu.memref_squeeze %dma_start3A_7 : memref<1x80x128xf32, #tpu.memory_space<vmem>> -> memref<80x128xf32, #tpu.memory_space<vmem>>
    %dma_start3A_9 = arith.constant 0 : i32
    %dma_start3A_10 = tpu.memref_slice %arg5[%dma_start3A, %dma_start3A_9] : memref<25x80xi32, #tpu.memory_space<vmem>> -> memref<1x80xi32, #tpu.memory_space<vmem>>
    %dma_start3A_11 = tpu.memref_squeeze %dma_start3A_10 : memref<1x80xi32, #tpu.memory_space<vmem>> -> memref<80xi32, #tpu.memory_space<vmem>>
    %dma_start3A_12 = arith.constant 0 : i32
    %dma_start3A_13 = arith.constant 0 : i32
    %dma_start3A_14 = tpu.memref_slice %arg2[%dma_start3A_12, %dma_start3A_13] : memref<10000x128xf32, #tpu.memory_space<hbm>> -> memref<10000x128xf32, #tpu.memory_space<hbm>>
    %dma_start3A_15 = tpu.memref_slice %arg7[%dma_start3A_4] : memref<2x!tpu.dma_semaphore, #tpu.memory_space<semaphore_mem>> -> memref<1x!tpu.dma_semaphore, #tpu.memory_space<semaphore_mem>>
    %dma_start3A_16 = tpu.memref_squeeze %dma_start3A_15 : memref<1x!tpu.dma_semaphore, #tpu.memory_space<semaphore_mem>> -> memref<!tpu.dma_semaphore, #tpu.memory_space<semaphore_mem>>
    tpu.enqueue_indirect_dma source(%dma_start3A_14 : memref<10000x128xf32, #tpu.memory_space<hbm>>) target(%dma_start3A_8 : memref<80x128xf32, #tpu.memory_space<vmem>>) offsets(%dma_start3A_11 : memref<80xi32, #tpu.memory_space<vmem>>) semaphore(%dma_start3A_16 : memref<!tpu.dma_semaphore, #tpu.memory_space<semaphore_mem>>)
    %scan3A = arith.constant 0 : i32
    %scan3A_17 = arith.constant 0 : i32
    %scan3A_18 = arith.constant 25 : i32
    %scan3A_19 = arith.addi %scan3A_17, %scan3A_18 : i32
    %scan3A_20 = arith.constant 1 : i32
    scf.for %scan3A_53 = %scan3A_17 to %scan3A_19 step %scan3A_20  : i32 {
      %jit3A = arith.constant 2 : i32
      %eq3A = arith.constant 0 : i32
      %eq3A_54 = arith.cmpi eq, %jit3A, %eq3A : i32
      %jit3A_55 = arith.constant 1 : i32
      %select_n3A = arith.select %eq3A_54, %jit3A_55, %jit3A : i32
      %rem3A = arith.remsi %scan3A_53, %select_n3A : i32
      %ne3A = arith.constant 0 : i32
      %ne3A_56 = arith.cmpi ne, %rem3A, %ne3A : i32
      %lt3A = arith.constant 0 : i32
      %lt3A_57 = arith.cmpi slt, %rem3A, %lt3A : i32
      %lt3A_58 = arith.constant 0 : i32
      %lt3A_59 = arith.cmpi slt, %select_n3A, %lt3A_58 : i32
      %ne3A_60 = arith.xori %lt3A_57, %lt3A_59 : i1
      %and3A = arith.andi %ne3A_60, %ne3A_56 : i1
      %add3A_61 = arith.addi %rem3A, %select_n3A : i32
      %select_n3A_62 = arith.select %and3A, %add3A_61, %rem3A : i32
      %sub3A = arith.constant 1 : i32
      %sub3A_63 = arith.subi %sub3A, %select_n3A_62 : i32
      %add3A_64 = arith.constant 1 : i32
      %add3A_65 = arith.addi %scan3A_53, %add3A_64 : i32
      %lt3A_66 = arith.constant 25 : i32
      %lt3A_67 = arith.cmpi slt, %add3A_65, %lt3A_66 : i32
      %convert_element_type3A = arith.extui %lt3A_67 : i1 to i32
      %cond3A = arith.constant 0 : i32
      %cond3A_68 = arith.cmpi ne, %convert_element_type3A, %cond3A : i32
      scf.if %cond3A_68 {
        %ge3A = arith.constant 1 : i32
        %ge3A_102 = arith.cmpi sge, %scan3A_53, %ge3A : i32
        %convert_element_type3A_103 = arith.extui %ge3A_102 : i1 to i32
        %cond3A_104 = arith.constant 0 : i32
        %cond3A_105 = arith.cmpi ne, %convert_element_type3A_103, %cond3A_104 : i32
        scf.if %cond3A_105 {
          %dma_wait3A_120 = arith.constant 0 : i32
          %dma_wait3A_121 = arith.constant 0 : i32
          %dma_wait3A_122 = tpu.memref_slice %arg6[%sub3A_63, %dma_wait3A_120, %dma_wait3A_121] : memref<2x80x128xf32, #tpu.memory_space<vmem>> -> memref<1x80x128xf32, #tpu.memory_space<vmem>>
          %dma_wait3A_123 = tpu.memref_squeeze %dma_wait3A_122 : memref<1x80x128xf32, #tpu.memory_space<vmem>> -> memref<80x128xf32, #tpu.memory_space<vmem>>
          %dma_wait3A_124 = arith.constant 0 : i32
          %dma_wait3A_125 = tpu.memref_slice %arg4[%mul3A_2, %dma_wait3A_124] : memref<64000x128xf32, #tpu.memory_space<hbm>> -> memref<80x128xf32, #tpu.memory_space<hbm>>
          %dma_wait3A_126 = tpu.memref_slice %arg8[%sub3A_63] : memref<2x!tpu.dma_semaphore, #tpu.memory_space<semaphore_mem>> -> memref<1x!tpu.dma_semaphore, #tpu.memory_space<semaphore_mem>>
          %dma_wait3A_127 = tpu.memref_squeeze %dma_wait3A_126 : memref<1x!tpu.dma_semaphore, #tpu.memory_space<semaphore_mem>> -> memref<!tpu.dma_semaphore, #tpu.memory_space<semaphore_mem>>
          %dma_wait3A_128 = arith.constant 0 : i32
          %dma_wait3A_129 = tpu.memref_slice %arg4[%mul3A_2, %dma_wait3A_128] : memref<64000x128xf32, #tpu.memory_space<hbm>> -> memref<80x128xf32, #tpu.memory_space<hbm>>
          %dma_wait3A_130 = arith.constant 0 : i32
          %dma_wait3A_131 = arith.constant 0 : i32
          %dma_wait3A_132 = tpu.memref_slice %arg6[%sub3A_63, %dma_wait3A_130, %dma_wait3A_131] : memref<2x80x128xf32, #tpu.memory_space<vmem>> -> memref<1x80x128xf32, #tpu.memory_space<vmem>>
          %dma_wait3A_133 = tpu.memref_squeeze %dma_wait3A_132 : memref<1x80x128xf32, #tpu.memory_space<vmem>> -> memref<80x128xf32, #tpu.memory_space<vmem>>
          tpu.wait_dma2 semaphore(%dma_wait3A_127 : memref<!tpu.dma_semaphore, #tpu.memory_space<semaphore_mem>>) src(%dma_wait3A_133 : memref<80x128xf32, #tpu.memory_space<vmem>>) dst(%dma_wait3A_129 : memref<80x128xf32, #tpu.memory_space<hbm>>)
        } else {
        }
        %add3A_106 = arith.constant 1 : i32
        %add3A_107 = arith.addi %scan3A_53, %add3A_106 : i32
        %dma_start3A_108 = arith.constant 0 : i32
        %dma_start3A_109 = arith.constant 0 : i32
        %dma_start3A_110 = tpu.memref_slice %arg6[%sub3A_63, %dma_start3A_108, %dma_start3A_109] : memref<2x80x128xf32, #tpu.memory_space<vmem>> -> memref<1x80x128xf32, #tpu.memory_space<vmem>>
        %dma_start3A_111 = tpu.memref_squeeze %dma_start3A_110 : memref<1x80x128xf32, #tpu.memory_space<vmem>> -> memref<80x128xf32, #tpu.memory_space<vmem>>
        %dma_start3A_112 = arith.constant 0 : i32
        %dma_start3A_113 = tpu.memref_slice %arg5[%add3A_107, %dma_start3A_112] : memref<25x80xi32, #tpu.memory_space<vmem>> -> memref<1x80xi32, #tpu.memory_space<vmem>>
        %dma_start3A_114 = tpu.memref_squeeze %dma_start3A_113 : memref<1x80xi32, #tpu.memory_space<vmem>> -> memref<80xi32, #tpu.memory_space<vmem>>
        %dma_start3A_115 = arith.constant 0 : i32
        %dma_start3A_116 = arith.constant 0 : i32
        %dma_start3A_117 = tpu.memref_slice %arg2[%dma_start3A_115, %dma_start3A_116] : memref<10000x128xf32, #tpu.memory_space<hbm>> -> memref<10000x128xf32, #tpu.memory_space<hbm>>
        %dma_start3A_118 = tpu.memref_slice %arg7[%sub3A_63] : memref<2x!tpu.dma_semaphore, #tpu.memory_space<semaphore_mem>> -> memref<1x!tpu.dma_semaphore, #tpu.memory_space<semaphore_mem>>
        %dma_start3A_119 = tpu.memref_squeeze %dma_start3A_118 : memref<1x!tpu.dma_semaphore, #tpu.memory_space<semaphore_mem>> -> memref<!tpu.dma_semaphore, #tpu.memory_space<semaphore_mem>>
        tpu.enqueue_indirect_dma source(%dma_start3A_117 : memref<10000x128xf32, #tpu.memory_space<hbm>>) target(%dma_start3A_111 : memref<80x128xf32, #tpu.memory_space<vmem>>) offsets(%dma_start3A_114 : memref<80xi32, #tpu.memory_space<vmem>>) semaphore(%dma_start3A_119 : memref<!tpu.dma_semaphore, #tpu.memory_space<semaphore_mem>>)
      } else {
      }
      %dma_wait3A_69 = arith.constant 0 : i32
      %dma_wait3A_70 = arith.constant 0 : i32
      %dma_wait3A_71 = tpu.memref_slice %arg6[%select_n3A_62, %dma_wait3A_69, %dma_wait3A_70] : memref<2x80x128xf32, #tpu.memory_space<vmem>> -> memref<1x80x128xf32, #tpu.memory_space<vmem>>
      %dma_wait3A_72 = tpu.memref_squeeze %dma_wait3A_71 : memref<1x80x128xf32, #tpu.memory_space<vmem>> -> memref<80x128xf32, #tpu.memory_space<vmem>>
      %dma_wait3A_73 = arith.constant 0 : i32
      %dma_wait3A_74 = arith.constant 0 : i32
      %dma_wait3A_75 = tpu.memref_slice %arg2[%dma_wait3A_73, %dma_wait3A_74] : memref<10000x128xf32, #tpu.memory_space<hbm>> -> memref<80x128xf32, #tpu.memory_space<hbm>>
      %dma_wait3A_76 = tpu.memref_slice %arg7[%select_n3A_62] : memref<2x!tpu.dma_semaphore, #tpu.memory_space<semaphore_mem>> -> memref<1x!tpu.dma_semaphore, #tpu.memory_space<semaphore_mem>>
      %dma_wait3A_77 = tpu.memref_squeeze %dma_wait3A_76 : memref<1x!tpu.dma_semaphore, #tpu.memory_space<semaphore_mem>> -> memref<!tpu.dma_semaphore, #tpu.memory_space<semaphore_mem>>
      %dma_wait3A_78 = arith.constant 0 : i32
      %dma_wait3A_79 = arith.constant 0 : i32
      %dma_wait3A_80 = tpu.memref_slice %arg6[%select_n3A_62, %dma_wait3A_78, %dma_wait3A_79] : memref<2x80x128xf32, #tpu.memory_space<vmem>> -> memref<1x80x128xf32, #tpu.memory_space<vmem>>
      %dma_wait3A_81 = tpu.memref_squeeze %dma_wait3A_80 : memref<1x80x128xf32, #tpu.memory_space<vmem>> -> memref<80x128xf32, #tpu.memory_space<vmem>>
      %dma_wait3A_82 = arith.constant 0 : i32
      %dma_wait3A_83 = arith.constant 0 : i32
      %dma_wait3A_84 = tpu.memref_slice %arg2[%dma_wait3A_82, %dma_wait3A_83] : memref<10000x128xf32, #tpu.memory_space<hbm>> -> memref<80x128xf32, #tpu.memory_space<hbm>>
      tpu.wait_dma2 semaphore(%dma_wait3A_77 : memref<!tpu.dma_semaphore, #tpu.memory_space<semaphore_mem>>) src(%dma_wait3A_84 : memref<80x128xf32, #tpu.memory_space<hbm>>) dst(%dma_wait3A_81 : memref<80x128xf32, #tpu.memory_space<vmem>>)
      %mul3A_85 = arith.constant 80 : i32
      %mul3A_86 = arith.muli %scan3A_53, %mul3A_85 : i32
      %add3A_87 = arith.addi %mul3A_2, %mul3A_86 : i32
      %dma_start3A_88 = arith.constant 0 : i32
      %dma_start3A_89 = arith.constant 0 : i32
      %dma_start3A_90 = tpu.memref_slice %arg6[%select_n3A_62, %dma_start3A_88, %dma_start3A_89] : memref<2x80x128xf32, #tpu.memory_space<vmem>> -> memref<1x80x128xf32, #tpu.memory_space<vmem>>
      %dma_start3A_91 = tpu.memref_squeeze %dma_start3A_90 : memref<1x80x128xf32, #tpu.memory_space<vmem>> -> memref<80x128xf32, #tpu.memory_space<vmem>>
      %dma_start3A_92 = arith.constant 0 : i32
      %dma_start3A_93 = tpu.memref_slice %arg4[%add3A_87, %dma_start3A_92] : memref<64000x128xf32, #tpu.memory_space<hbm>> -> memref<80x128xf32, #tpu.memory_space<hbm>>
      %dma_start3A_94 = tpu.memref_slice %arg8[%select_n3A_62] : memref<2x!tpu.dma_semaphore, #tpu.memory_space<semaphore_mem>> -> memref<1x!tpu.dma_semaphore, #tpu.memory_space<semaphore_mem>>
      %dma_start3A_95 = tpu.memref_squeeze %dma_start3A_94 : memref<1x!tpu.dma_semaphore, #tpu.memory_space<semaphore_mem>> -> memref<!tpu.dma_semaphore, #tpu.memory_space<semaphore_mem>>
      %dma_start3A_96 = arith.constant 0 : i32
      %dma_start3A_97 = tpu.memref_slice %arg4[%add3A_87, %dma_start3A_96] : memref<64000x128xf32, #tpu.memory_space<hbm>> -> memref<80x128xf32, #tpu.memory_space<hbm>>
      %dma_start3A_98 = arith.constant 0 : i32
      %dma_start3A_99 = arith.constant 0 : i32
      %dma_start3A_100 = tpu.memref_slice %arg6[%select_n3A_62, %dma_start3A_98, %dma_start3A_99] : memref<2x80x128xf32, #tpu.memory_space<vmem>> -> memref<1x80x128xf32, #tpu.memory_space<vmem>>
      %dma_start3A_101 = tpu.memref_squeeze %dma_start3A_100 : memref<1x80x128xf32, #tpu.memory_space<vmem>> -> memref<80x128xf32, #tpu.memory_space<vmem>>
      tpu.enqueue_dma source(%dma_start3A_101 : memref<80x128xf32, #tpu.memory_space<vmem>>) target(%dma_start3A_97 : memref<80x128xf32, #tpu.memory_space<hbm>>) target_semaphore(%dma_start3A_95 : memref<!tpu.dma_semaphore, #tpu.memory_space<semaphore_mem>>)
    }
    %scan3A_21 = arith.constant 25 : i32
    %dma_wait3A = arith.constant 0 : i32
    %dma_wait3A_22 = arith.constant 0 : i32
    %dma_wait3A_23 = arith.constant 0 : i32
    %dma_wait3A_24 = arith.constant 0 : i32
    %dma_wait3A_25 = tpu.memref_slice %arg6[%dma_wait3A, %dma_wait3A_23, %dma_wait3A_24] : memref<2x80x128xf32, #tpu.memory_space<vmem>> -> memref<1x80x128xf32, #tpu.memory_space<vmem>>
    %dma_wait3A_26 = tpu.memref_squeeze %dma_wait3A_25 : memref<1x80x128xf32, #tpu.memory_space<vmem>> -> memref<80x128xf32, #tpu.memory_space<vmem>>
    %dma_wait3A_27 = arith.constant 0 : i32
    %dma_wait3A_28 = tpu.memref_slice %arg4[%mul3A_2, %dma_wait3A_27] : memref<64000x128xf32, #tpu.memory_space<hbm>> -> memref<80x128xf32, #tpu.memory_space<hbm>>
    %dma_wait3A_29 = tpu.memref_slice %arg8[%dma_wait3A_22] : memref<2x!tpu.dma_semaphore, #tpu.memory_space<semaphore_mem>> -> memref<1x!tpu.dma_semaphore, #tpu.memory_space<semaphore_mem>>
    %dma_wait3A_30 = tpu.memref_squeeze %dma_wait3A_29 : memref<1x!tpu.dma_semaphore, #tpu.memory_space<semaphore_mem>> -> memref<!tpu.dma_semaphore, #tpu.memory_space<semaphore_mem>>
    %dma_wait3A_31 = arith.constant 0 : i32
    %dma_wait3A_32 = tpu.memref_slice %arg4[%mul3A_2, %dma_wait3A_31] : memref<64000x128xf32, #tpu.memory_space<hbm>> -> memref<80x128xf32, #tpu.memory_space<hbm>>
    %dma_wait3A_33 = arith.constant 0 : i32
    %dma_wait3A_34 = arith.constant 0 : i32
    %dma_wait3A_35 = tpu.memref_slice %arg6[%dma_wait3A, %dma_wait3A_33, %dma_wait3A_34] : memref<2x80x128xf32, #tpu.memory_space<vmem>> -> memref<1x80x128xf32, #tpu.memory_space<vmem>>
    %dma_wait3A_36 = tpu.memref_squeeze %dma_wait3A_35 : memref<1x80x128xf32, #tpu.memory_space<vmem>> -> memref<80x128xf32, #tpu.memory_space<vmem>>
    tpu.wait_dma2 semaphore(%dma_wait3A_30 : memref<!tpu.dma_semaphore, #tpu.memory_space<semaphore_mem>>) src(%dma_wait3A_36 : memref<80x128xf32, #tpu.memory_space<vmem>>) dst(%dma_wait3A_32 : memref<80x128xf32, #tpu.memory_space<hbm>>)
    %dma_wait3A_37 = arith.constant 1 : i32
    %dma_wait3A_38 = arith.constant 1 : i32
    %dma_wait3A_39 = arith.constant 0 : i32
    %dma_wait3A_40 = arith.constant 0 : i32
    %dma_wait3A_41 = tpu.memref_slice %arg6[%dma_wait3A_37, %dma_wait3A_39, %dma_wait3A_40] : memref<2x80x128xf32, #tpu.memory_space<vmem>> -> memref<1x80x128xf32, #tpu.memory_space<vmem>>
    %dma_wait3A_42 = tpu.memref_squeeze %dma_wait3A_41 : memref<1x80x128xf32, #tpu.memory_space<vmem>> -> memref<80x128xf32, #tpu.memory_space<vmem>>
    %dma_wait3A_43 = arith.constant 0 : i32
    %dma_wait3A_44 = tpu.memref_slice %arg4[%mul3A_2, %dma_wait3A_43] : memref<64000x128xf32, #tpu.memory_space<hbm>> -> memref<80x128xf32, #tpu.memory_space<hbm>>
    %dma_wait3A_45 = tpu.memref_slice %arg8[%dma_wait3A_38] : memref<2x!tpu.dma_semaphore, #tpu.memory_space<semaphore_mem>> -> memref<1x!tpu.dma_semaphore, #tpu.memory_space<semaphore_mem>>
    %dma_wait3A_46 = tpu.memref_squeeze %dma_wait3A_45 : memref<1x!tpu.dma_semaphore, #tpu.memory_space<semaphore_mem>> -> memref<!tpu.dma_semaphore, #tpu.memory_space<semaphore_mem>>
    %dma_wait3A_47 = arith.constant 0 : i32
    %dma_wait3A_48 = tpu.memref_slice %arg4[%mul3A_2, %dma_wait3A_47] : memref<64000x128xf32, #tpu.memory_space<hbm>> -> memref<80x128xf32, #tpu.memory_space<hbm>>
    %dma_wait3A_49 = arith.constant 0 : i32
    %dma_wait3A_50 = arith.constant 0 : i32
    %dma_wait3A_51 = tpu.memref_slice %arg6[%dma_wait3A_37, %dma_wait3A_49, %dma_wait3A_50] : memref<2x80x128xf32, #tpu.memory_space<vmem>> -> memref<1x80x128xf32, #tpu.memory_space<vmem>>
    %dma_wait3A_52 = tpu.memref_squeeze %dma_wait3A_51 : memref<1x80x128xf32, #tpu.memory_space<vmem>> -> memref<80x128xf32, #tpu.memory_space<vmem>>
    tpu.wait_dma2 semaphore(%dma_wait3A_46 : memref<!tpu.dma_semaphore, #tpu.memory_space<semaphore_mem>>) src(%dma_wait3A_52 : memref<80x128xf32, #tpu.memory_space<vmem>>) dst(%dma_wait3A_48 : memref<80x128xf32, #tpu.memory_space<hbm>>)
    return
  }
}

#map = affine_map<(d0, d1) -> (0, 0)>
#map1 = affine_map<(d0, d1) -> (0, 0, 0)>
module attributes {stable_mosaic.version = 14 : i64} {
  func.func @_gather_k(%arg0: i32, %arg1: i32, %arg2: memref<10000x128xf32, #tpu.memory_space<hbm>>, %arg3: memref<32x25x80xi32, #tpu.memory_space<hbm>>, %arg4: memref<64000x128xf32, #tpu.memory_space<hbm>>, %arg5: memref<25x80xi32, #tpu.memory_space<vmem>>, %arg6: memref<2x80x128xf32, #tpu.memory_space<vmem>>, %arg7: memref<2x!tpu.dma_semaphore, #tpu.memory_space<semaphore_mem>>, %arg8: memref<2x!tpu.dma_semaphore, #tpu.memory_space<semaphore_mem>>) attributes {dimension_semantics = [#tpu.dimension_semantics<core_parallel>, #tpu.dimension_semantics<subcore_parallel>], iteration_bounds = array<i64: 2, 16>, scalar_prefetch = 0 : i64, scratch_operands = 4 : i64, tpu.core_type = #tpu.core_type<sc_vector_subcore>, window_params = [{transform_indices = #map}, {transform_indices = #map1}, {transform_indices = #map}]} {
    %mul3A = arith.constant 2 : i32
    %mul3A_0 = arith.muli %arg1, %mul3A : i32
    %add3A = arith.addi %mul3A_0, %arg0 : i32
    %mul3A_1 = arith.constant 2000 : i32
    %mul3A_2 = arith.muli %add3A, %mul3A_1 : i32
    "tpu.region"() ({
      %run_scoped3A = tpu.sem_alloc : memref<!tpu.dma_semaphore, #tpu.memory_space<semaphore_mem>>
      %dma_start3A_53 = arith.constant 0 : i32
      %dma_start3A_54 = arith.constant 0 : i32
      %dma_start3A_55 = tpu.memref_slice %arg3[%add3A, %dma_start3A_53, %dma_start3A_54] : memref<32x25x80xi32, #tpu.memory_space<hbm>> -> memref<1x25x80xi32, #tpu.memory_space<hbm>>
      %dma_start3A_56 = tpu.memref_squeeze %dma_start3A_55 : memref<1x25x80xi32, #tpu.memory_space<hbm>> -> memref<25x80xi32, #tpu.memory_space<hbm>>
      %dma_start3A_57 = arith.constant 0 : i32
      %dma_start3A_58 = arith.constant 0 : i32
      %dma_start3A_59 = tpu.memref_slice %arg3[%add3A, %dma_start3A_57, %dma_start3A_58] : memref<32x25x80xi32, #tpu.memory_space<hbm>> -> memref<1x25x80xi32, #tpu.memory_space<hbm>>
      %dma_start3A_60 = tpu.memref_squeeze %dma_start3A_59 : memref<1x25x80xi32, #tpu.memory_space<hbm>> -> memref<25x80xi32, #tpu.memory_space<hbm>>
      tpu.enqueue_dma source(%dma_start3A_60 : memref<25x80xi32, #tpu.memory_space<hbm>>) target(%arg5 : memref<25x80xi32, #tpu.memory_space<vmem>>) target_semaphore(%run_scoped3A : memref<!tpu.dma_semaphore, #tpu.memory_space<semaphore_mem>>)
      %dma_wait3A_61 = arith.constant 0 : i32
      %dma_wait3A_62 = arith.constant 0 : i32
      %dma_wait3A_63 = tpu.memref_slice %arg3[%add3A, %dma_wait3A_61, %dma_wait3A_62] : memref<32x25x80xi32, #tpu.memory_space<hbm>> -> memref<1x25x80xi32, #tpu.memory_space<hbm>>
      %dma_wait3A_64 = tpu.memref_squeeze %dma_wait3A_63 : memref<1x25x80xi32, #tpu.memory_space<hbm>> -> memref<25x80xi32, #tpu.memory_space<hbm>>
      %dma_wait3A_65 = arith.constant 0 : i32
      %dma_wait3A_66 = arith.constant 0 : i32
      %dma_wait3A_67 = tpu.memref_slice %arg3[%add3A, %dma_wait3A_65, %dma_wait3A_66] : memref<32x25x80xi32, #tpu.memory_space<hbm>> -> memref<1x25x80xi32, #tpu.memory_space<hbm>>
      %dma_wait3A_68 = tpu.memref_squeeze %dma_wait3A_67 : memref<1x25x80xi32, #tpu.memory_space<hbm>> -> memref<25x80xi32, #tpu.memory_space<hbm>>
      tpu.wait_dma2 semaphore(%run_scoped3A : memref<!tpu.dma_semaphore, #tpu.memory_space<semaphore_mem>>) src(%dma_wait3A_68 : memref<25x80xi32, #tpu.memory_space<hbm>>) dst(%arg5 : memref<25x80xi32, #tpu.memory_space<vmem>>)
      tpu.yield
    }) : () -> ()
    %dma_start3A = arith.constant 0 : i32
    %dma_start3A_3 = arith.constant 0 : i32
    %dma_start3A_4 = arith.constant 0 : i32
    %dma_start3A_5 = arith.constant 0 : i32
    %dma_start3A_6 = arith.constant 0 : i32
    %dma_start3A_7 = tpu.memref_slice %arg6[%dma_start3A_3, %dma_start3A_5, %dma_start3A_6] : memref<2x80x128xf32, #tpu.memory_space<vmem>> -> memref<1x80x128xf32, #tpu.memory_space<vmem>>
    %dma_start3A_8 = tpu.memref_squeeze %dma_start3A_7 : memref<1x80x128xf32, #tpu.memory_space<vmem>> -> memref<80x128xf32, #tpu.memory_space<vmem>>
    %dma_start3A_9 = arith.constant 0 : i32
    %dma_start3A_10 = tpu.memref_slice %arg5[%dma_start3A, %dma_start3A_9] : memref<25x80xi32, #tpu.memory_space<vmem>> -> memref<1x80xi32, #tpu.memory_space<vmem>>
    %dma_start3A_11 = tpu.memref_squeeze %dma_start3A_10 : memref<1x80xi32, #tpu.memory_space<vmem>> -> memref<80xi32, #tpu.memory_space<vmem>>
    %dma_start3A_12 = arith.constant 0 : i32
    %dma_start3A_13 = arith.constant 0 : i32
    %dma_start3A_14 = tpu.memref_slice %arg2[%dma_start3A_12, %dma_start3A_13] : memref<10000x128xf32, #tpu.memory_space<hbm>> -> memref<10000x128xf32, #tpu.memory_space<hbm>>
    %dma_start3A_15 = tpu.memref_slice %arg7[%dma_start3A_4] : memref<2x!tpu.dma_semaphore, #tpu.memory_space<semaphore_mem>> -> memref<1x!tpu.dma_semaphore, #tpu.memory_space<semaphore_mem>>
    %dma_start3A_16 = tpu.memref_squeeze %dma_start3A_15 : memref<1x!tpu.dma_semaphore, #tpu.memory_space<semaphore_mem>> -> memref<!tpu.dma_semaphore, #tpu.memory_space<semaphore_mem>>
    tpu.enqueue_indirect_dma source(%dma_start3A_14 : memref<10000x128xf32, #tpu.memory_space<hbm>>) target(%dma_start3A_8 : memref<80x128xf32, #tpu.memory_space<vmem>>) offsets(%dma_start3A_11 : memref<80xi32, #tpu.memory_space<vmem>>) semaphore(%dma_start3A_16 : memref<!tpu.dma_semaphore, #tpu.memory_space<semaphore_mem>>)
    %scan3A = arith.constant 0 : i32
    %scan3A_17 = arith.constant 0 : i32
    %scan3A_18 = arith.constant 25 : i32
    %scan3A_19 = arith.addi %scan3A_17, %scan3A_18 : i32
    %scan3A_20 = arith.constant 1 : i32
    scf.for %scan3A_53 = %scan3A_17 to %scan3A_19 step %scan3A_20  : i32 {
      %jit3A = arith.constant 2 : i32
      %eq3A = arith.constant 0 : i32
      %eq3A_54 = arith.cmpi eq, %jit3A, %eq3A : i32
      %jit3A_55 = arith.constant 1 : i32
      %select_n3A = arith.select %eq3A_54, %jit3A_55, %jit3A : i32
      %rem3A = arith.remsi %scan3A_53, %select_n3A : i32
      %ne3A = arith.constant 0 : i32
      %ne3A_56 = arith.cmpi ne, %rem3A, %ne3A : i32
      %lt3A = arith.constant 0 : i32
      %lt3A_57 = arith.cmpi slt, %rem3A, %lt3A : i32
      %lt3A_58 = arith.constant 0 : i32
      %lt3A_59 = arith.cmpi slt, %select_n3A, %lt3A_58 : i32
      %ne3A_60 = arith.xori %lt3A_57, %lt3A_59 : i1
      %and3A = arith.andi %ne3A_60, %ne3A_56 : i1
      %add3A_61 = arith.addi %rem3A, %select_n3A : i32
      %select_n3A_62 = arith.select %and3A, %add3A_61, %rem3A : i32
      %sub3A = arith.constant 1 : i32
      %sub3A_63 = arith.subi %sub3A, %select_n3A_62 : i32
      %add3A_64 = arith.constant 1 : i32
      %add3A_65 = arith.addi %scan3A_53, %add3A_64 : i32
      %lt3A_66 = arith.constant 25 : i32
      %lt3A_67 = arith.cmpi slt, %add3A_65, %lt3A_66 : i32
      %convert_element_type3A = arith.extui %lt3A_67 : i1 to i32
      %cond3A = arith.constant 0 : i32
      %cond3A_68 = arith.cmpi ne, %convert_element_type3A, %cond3A : i32
      scf.if %cond3A_68 {
        %ge3A = arith.constant 1 : i32
        %ge3A_102 = arith.cmpi sge, %scan3A_53, %ge3A : i32
        %convert_element_type3A_103 = arith.extui %ge3A_102 : i1 to i32
        %cond3A_104 = arith.constant 0 : i32
        %cond3A_105 = arith.cmpi ne, %convert_element_type3A_103, %cond3A_104 : i32
        scf.if %cond3A_105 {
          %dma_wait3A_120 = arith.constant 0 : i32
          %dma_wait3A_121 = arith.constant 0 : i32
          %dma_wait3A_122 = tpu.memref_slice %arg6[%sub3A_63, %dma_wait3A_120, %dma_wait3A_121] : memref<2x80x128xf32, #tpu.memory_space<vmem>> -> memref<1x80x128xf32, #tpu.memory_space<vmem>>
          %dma_wait3A_123 = tpu.memref_squeeze %dma_wait3A_122 : memref<1x80x128xf32, #tpu.memory_space<vmem>> -> memref<80x128xf32, #tpu.memory_space<vmem>>
          %dma_wait3A_124 = arith.constant 0 : i32
          %dma_wait3A_125 = tpu.memref_slice %arg4[%mul3A_2, %dma_wait3A_124] : memref<64000x128xf32, #tpu.memory_space<hbm>> -> memref<80x128xf32, #tpu.memory_space<hbm>>
          %dma_wait3A_126 = tpu.memref_slice %arg8[%sub3A_63] : memref<2x!tpu.dma_semaphore, #tpu.memory_space<semaphore_mem>> -> memref<1x!tpu.dma_semaphore, #tpu.memory_space<semaphore_mem>>
          %dma_wait3A_127 = tpu.memref_squeeze %dma_wait3A_126 : memref<1x!tpu.dma_semaphore, #tpu.memory_space<semaphore_mem>> -> memref<!tpu.dma_semaphore, #tpu.memory_space<semaphore_mem>>
          %dma_wait3A_128 = arith.constant 0 : i32
          %dma_wait3A_129 = tpu.memref_slice %arg4[%mul3A_2, %dma_wait3A_128] : memref<64000x128xf32, #tpu.memory_space<hbm>> -> memref<80x128xf32, #tpu.memory_space<hbm>>
          %dma_wait3A_130 = arith.constant 0 : i32
          %dma_wait3A_131 = arith.constant 0 : i32
          %dma_wait3A_132 = tpu.memref_slice %arg6[%sub3A_63, %dma_wait3A_130, %dma_wait3A_131] : memref<2x80x128xf32, #tpu.memory_space<vmem>> -> memref<1x80x128xf32, #tpu.memory_space<vmem>>
          %dma_wait3A_133 = tpu.memref_squeeze %dma_wait3A_132 : memref<1x80x128xf32, #tpu.memory_space<vmem>> -> memref<80x128xf32, #tpu.memory_space<vmem>>
          tpu.wait_dma2 semaphore(%dma_wait3A_127 : memref<!tpu.dma_semaphore, #tpu.memory_space<semaphore_mem>>) src(%dma_wait3A_133 : memref<80x128xf32, #tpu.memory_space<vmem>>) dst(%dma_wait3A_129 : memref<80x128xf32, #tpu.memory_space<hbm>>)
        } else {
        }
        %add3A_106 = arith.constant 1 : i32
        %add3A_107 = arith.addi %scan3A_53, %add3A_106 : i32
        %dma_start3A_108 = arith.constant 0 : i32
        %dma_start3A_109 = arith.constant 0 : i32
        %dma_start3A_110 = tpu.memref_slice %arg6[%sub3A_63, %dma_start3A_108, %dma_start3A_109] : memref<2x80x128xf32, #tpu.memory_space<vmem>> -> memref<1x80x128xf32, #tpu.memory_space<vmem>>
        %dma_start3A_111 = tpu.memref_squeeze %dma_start3A_110 : memref<1x80x128xf32, #tpu.memory_space<vmem>> -> memref<80x128xf32, #tpu.memory_space<vmem>>
        %dma_start3A_112 = arith.constant 0 : i32
        %dma_start3A_113 = tpu.memref_slice %arg5[%add3A_107, %dma_start3A_112] : memref<25x80xi32, #tpu.memory_space<vmem>> -> memref<1x80xi32, #tpu.memory_space<vmem>>
        %dma_start3A_114 = tpu.memref_squeeze %dma_start3A_113 : memref<1x80xi32, #tpu.memory_space<vmem>> -> memref<80xi32, #tpu.memory_space<vmem>>
        %dma_start3A_115 = arith.constant 0 : i32
        %dma_start3A_116 = arith.constant 0 : i32
        %dma_start3A_117 = tpu.memref_slice %arg2[%dma_start3A_115, %dma_start3A_116] : memref<10000x128xf32, #tpu.memory_space<hbm>> -> memref<10000x128xf32, #tpu.memory_space<hbm>>
        %dma_start3A_118 = tpu.memref_slice %arg7[%sub3A_63] : memref<2x!tpu.dma_semaphore, #tpu.memory_space<semaphore_mem>> -> memref<1x!tpu.dma_semaphore, #tpu.memory_space<semaphore_mem>>
        %dma_start3A_119 = tpu.memref_squeeze %dma_start3A_118 : memref<1x!tpu.dma_semaphore, #tpu.memory_space<semaphore_mem>> -> memref<!tpu.dma_semaphore, #tpu.memory_space<semaphore_mem>>
        tpu.enqueue_indirect_dma source(%dma_start3A_117 : memref<10000x128xf32, #tpu.memory_space<hbm>>) target(%dma_start3A_111 : memref<80x128xf32, #tpu.memory_space<vmem>>) offsets(%dma_start3A_114 : memref<80xi32, #tpu.memory_space<vmem>>) semaphore(%dma_start3A_119 : memref<!tpu.dma_semaphore, #tpu.memory_space<semaphore_mem>>)
      } else {
      }
      %dma_wait3A_69 = arith.constant 0 : i32
      %dma_wait3A_70 = arith.constant 0 : i32
      %dma_wait3A_71 = tpu.memref_slice %arg6[%select_n3A_62, %dma_wait3A_69, %dma_wait3A_70] : memref<2x80x128xf32, #tpu.memory_space<vmem>> -> memref<1x80x128xf32, #tpu.memory_space<vmem>>
      %dma_wait3A_72 = tpu.memref_squeeze %dma_wait3A_71 : memref<1x80x128xf32, #tpu.memory_space<vmem>> -> memref<80x128xf32, #tpu.memory_space<vmem>>
      %dma_wait3A_73 = arith.constant 0 : i32
      %dma_wait3A_74 = arith.constant 0 : i32
      %dma_wait3A_75 = tpu.memref_slice %arg2[%dma_wait3A_73, %dma_wait3A_74] : memref<10000x128xf32, #tpu.memory_space<hbm>> -> memref<80x128xf32, #tpu.memory_space<hbm>>
      %dma_wait3A_76 = tpu.memref_slice %arg7[%select_n3A_62] : memref<2x!tpu.dma_semaphore, #tpu.memory_space<semaphore_mem>> -> memref<1x!tpu.dma_semaphore, #tpu.memory_space<semaphore_mem>>
      %dma_wait3A_77 = tpu.memref_squeeze %dma_wait3A_76 : memref<1x!tpu.dma_semaphore, #tpu.memory_space<semaphore_mem>> -> memref<!tpu.dma_semaphore, #tpu.memory_space<semaphore_mem>>
      %dma_wait3A_78 = arith.constant 0 : i32
      %dma_wait3A_79 = arith.constant 0 : i32
      %dma_wait3A_80 = tpu.memref_slice %arg6[%select_n3A_62, %dma_wait3A_78, %dma_wait3A_79] : memref<2x80x128xf32, #tpu.memory_space<vmem>> -> memref<1x80x128xf32, #tpu.memory_space<vmem>>
      %dma_wait3A_81 = tpu.memref_squeeze %dma_wait3A_80 : memref<1x80x128xf32, #tpu.memory_space<vmem>> -> memref<80x128xf32, #tpu.memory_space<vmem>>
      %dma_wait3A_82 = arith.constant 0 : i32
      %dma_wait3A_83 = arith.constant 0 : i32
      %dma_wait3A_84 = tpu.memref_slice %arg2[%dma_wait3A_82, %dma_wait3A_83] : memref<10000x128xf32, #tpu.memory_space<hbm>> -> memref<80x128xf32, #tpu.memory_space<hbm>>
      tpu.wait_dma2 semaphore(%dma_wait3A_77 : memref<!tpu.dma_semaphore, #tpu.memory_space<semaphore_mem>>) src(%dma_wait3A_84 : memref<80x128xf32, #tpu.memory_space<hbm>>) dst(%dma_wait3A_81 : memref<80x128xf32, #tpu.memory_space<vmem>>)
      %mul3A_85 = arith.constant 80 : i32
      %mul3A_86 = arith.muli %scan3A_53, %mul3A_85 : i32
      %add3A_87 = arith.addi %mul3A_2, %mul3A_86 : i32
      %dma_start3A_88 = arith.constant 0 : i32
      %dma_start3A_89 = arith.constant 0 : i32
      %dma_start3A_90 = tpu.memref_slice %arg6[%select_n3A_62, %dma_start3A_88, %dma_start3A_89] : memref<2x80x128xf32, #tpu.memory_space<vmem>> -> memref<1x80x128xf32, #tpu.memory_space<vmem>>
      %dma_start3A_91 = tpu.memref_squeeze %dma_start3A_90 : memref<1x80x128xf32, #tpu.memory_space<vmem>> -> memref<80x128xf32, #tpu.memory_space<vmem>>
      %dma_start3A_92 = arith.constant 0 : i32
      %dma_start3A_93 = tpu.memref_slice %arg4[%add3A_87, %dma_start3A_92] : memref<64000x128xf32, #tpu.memory_space<hbm>> -> memref<80x128xf32, #tpu.memory_space<hbm>>
      %dma_start3A_94 = tpu.memref_slice %arg8[%select_n3A_62] : memref<2x!tpu.dma_semaphore, #tpu.memory_space<semaphore_mem>> -> memref<1x!tpu.dma_semaphore, #tpu.memory_space<semaphore_mem>>
      %dma_start3A_95 = tpu.memref_squeeze %dma_start3A_94 : memref<1x!tpu.dma_semaphore, #tpu.memory_space<semaphore_mem>> -> memref<!tpu.dma_semaphore, #tpu.memory_space<semaphore_mem>>
      %dma_start3A_96 = arith.constant 0 : i32
      %dma_start3A_97 = tpu.memref_slice %arg4[%add3A_87, %dma_start3A_96] : memref<64000x128xf32, #tpu.memory_space<hbm>> -> memref<80x128xf32, #tpu.memory_space<hbm>>
      %dma_start3A_98 = arith.constant 0 : i32
      %dma_start3A_99 = arith.constant 0 : i32
      %dma_start3A_100 = tpu.memref_slice %arg6[%select_n3A_62, %dma_start3A_98, %dma_start3A_99] : memref<2x80x128xf32, #tpu.memory_space<vmem>> -> memref<1x80x128xf32, #tpu.memory_space<vmem>>
      %dma_start3A_101 = tpu.memref_squeeze %dma_start3A_100 : memref<1x80x128xf32, #tpu.memory_space<vmem>> -> memref<80x128xf32, #tpu.memory_space<vmem>>
      tpu.enqueue_dma source(%dma_start3A_101 : memref<80x128xf32, #tpu.memory_space<vmem>>) target(%dma_start3A_97 : memref<80x128xf32, #tpu.memory_space<hbm>>) target_semaphore(%dma_start3A_95 : memref<!tpu.dma_semaphore, #tpu.memory_space<semaphore_mem>>)
    }
    %scan3A_21 = arith.constant 25 : i32
    %dma_wait3A = arith.constant 0 : i32
    %dma_wait3A_22 = arith.constant 0 : i32
    %dma_wait3A_23 = arith.constant 0 : i32
    %dma_wait3A_24 = arith.constant 0 : i32
    %dma_wait3A_25 = tpu.memref_slice %arg6[%dma_wait3A, %dma_wait3A_23, %dma_wait3A_24] : memref<2x80x128xf32, #tpu.memory_space<vmem>> -> memref<1x80x128xf32, #tpu.memory_space<vmem>>
    %dma_wait3A_26 = tpu.memref_squeeze %dma_wait3A_25 : memref<1x80x128xf32, #tpu.memory_space<vmem>> -> memref<80x128xf32, #tpu.memory_space<vmem>>
    %dma_wait3A_27 = arith.constant 0 : i32
    %dma_wait3A_28 = tpu.memref_slice %arg4[%mul3A_2, %dma_wait3A_27] : memref<64000x128xf32, #tpu.memory_space<hbm>> -> memref<80x128xf32, #tpu.memory_space<hbm>>
    %dma_wait3A_29 = tpu.memref_slice %arg8[%dma_wait3A_22] : memref<2x!tpu.dma_semaphore, #tpu.memory_space<semaphore_mem>> -> memref<1x!tpu.dma_semaphore, #tpu.memory_space<semaphore_mem>>
    %dma_wait3A_30 = tpu.memref_squeeze %dma_wait3A_29 : memref<1x!tpu.dma_semaphore, #tpu.memory_space<semaphore_mem>> -> memref<!tpu.dma_semaphore, #tpu.memory_space<semaphore_mem>>
    %dma_wait3A_31 = arith.constant 0 : i32
    %dma_wait3A_32 = tpu.memref_slice %arg4[%mul3A_2, %dma_wait3A_31] : memref<64000x128xf32, #tpu.memory_space<hbm>> -> memref<80x128xf32, #tpu.memory_space<hbm>>
    %dma_wait3A_33 = arith.constant 0 : i32
    %dma_wait3A_34 = arith.constant 0 : i32
    %dma_wait3A_35 = tpu.memref_slice %arg6[%dma_wait3A, %dma_wait3A_33, %dma_wait3A_34] : memref<2x80x128xf32, #tpu.memory_space<vmem>> -> memref<1x80x128xf32, #tpu.memory_space<vmem>>
    %dma_wait3A_36 = tpu.memref_squeeze %dma_wait3A_35 : memref<1x80x128xf32, #tpu.memory_space<vmem>> -> memref<80x128xf32, #tpu.memory_space<vmem>>
    tpu.wait_dma2 semaphore(%dma_wait3A_30 : memref<!tpu.dma_semaphore, #tpu.memory_space<semaphore_mem>>) src(%dma_wait3A_36 : memref<80x128xf32, #tpu.memory_space<vmem>>) dst(%dma_wait3A_32 : memref<80x128xf32, #tpu.memory_space<hbm>>)
    %dma_wait3A_37 = arith.constant 1 : i32
    %dma_wait3A_38 = arith.constant 1 : i32
    %dma_wait3A_39 = arith.constant 0 : i32
    %dma_wait3A_40 = arith.constant 0 : i32
    %dma_wait3A_41 = tpu.memref_slice %arg6[%dma_wait3A_37, %dma_wait3A_39, %dma_wait3A_40] : memref<2x80x128xf32, #tpu.memory_space<vmem>> -> memref<1x80x128xf32, #tpu.memory_space<vmem>>
    %dma_wait3A_42 = tpu.memref_squeeze %dma_wait3A_41 : memref<1x80x128xf32, #tpu.memory_space<vmem>> -> memref<80x128xf32, #tpu.memory_space<vmem>>
    %dma_wait3A_43 = arith.constant 0 : i32
    %dma_wait3A_44 = tpu.memref_slice %arg4[%mul3A_2, %dma_wait3A_43] : memref<64000x128xf32, #tpu.memory_space<hbm>> -> memref<80x128xf32, #tpu.memory_space<hbm>>
    %dma_wait3A_45 = tpu.memref_slice %arg8[%dma_wait3A_38] : memref<2x!tpu.dma_semaphore, #tpu.memory_space<semaphore_mem>> -> memref<1x!tpu.dma_semaphore, #tpu.memory_space<semaphore_mem>>
    %dma_wait3A_46 = tpu.memref_squeeze %dma_wait3A_45 : memref<1x!tpu.dma_semaphore, #tpu.memory_space<semaphore_mem>> -> memref<!tpu.dma_semaphore, #tpu.memory_space<semaphore_mem>>
    %dma_wait3A_47 = arith.constant 0 : i32
    %dma_wait3A_48 = tpu.memref_slice %arg4[%mul3A_2, %dma_wait3A_47] : memref<64000x128xf32, #tpu.memory_space<hbm>> -> memref<80x128xf32, #tpu.memory_space<hbm>>
    %dma_wait3A_49 = arith.constant 0 : i32
    %dma_wait3A_50 = arith.constant 0 : i32
    %dma_wait3A_51 = tpu.memref_slice %arg6[%dma_wait3A_37, %dma_wait3A_49, %dma_wait3A_50] : memref<2x80x128xf32, #tpu.memory_space<vmem>> -> memref<1x80x128xf32, #tpu.memory_space<vmem>>
    %dma_wait3A_52 = tpu.memref_squeeze %dma_wait3A_51 : memref<1x80x128xf32, #tpu.memory_space<vmem>> -> memref<80x128xf32, #tpu.memory_space<vmem>>
    tpu.wait_dma2 semaphore(%dma_wait3A_46 : memref<!tpu.dma_semaphore, #tpu.memory_space<semaphore_mem>>) src(%dma_wait3A_52 : memref<80x128xf32, #tpu.memory_space<vmem>>) dst(%dma_wait3A_48 : memref<80x128xf32, #tpu.memory_space<hbm>>)
    return
  }
}

#map = affine_map<(d0, d1) -> (0, 0)>
#map1 = affine_map<(d0, d1) -> (0, 0, 0)>
module attributes {stable_mosaic.version = 14 : i64} {
  func.func @_gather_k(%arg0: i32, %arg1: i32, %arg2: memref<10000x128xf32, #tpu.memory_space<hbm>>, %arg3: memref<32x25x80xi32, #tpu.memory_space<hbm>>, %arg4: memref<64000x128xf32, #tpu.memory_space<hbm>>, %arg5: memref<25x80xi32, #tpu.memory_space<vmem>>, %arg6: memref<2x80x128xf32, #tpu.memory_space<vmem>>, %arg7: memref<2x!tpu.dma_semaphore, #tpu.memory_space<semaphore_mem>>, %arg8: memref<2x!tpu.dma_semaphore, #tpu.memory_space<semaphore_mem>>) attributes {dimension_semantics = [#tpu.dimension_semantics<core_parallel>, #tpu.dimension_semantics<subcore_parallel>], iteration_bounds = array<i64: 2, 16>, scalar_prefetch = 0 : i64, scratch_operands = 4 : i64, tpu.core_type = #tpu.core_type<sc_vector_subcore>, window_params = [{transform_indices = #map}, {transform_indices = #map1}, {transform_indices = #map}]} {
    %mul3A = arith.constant 2 : i32
    %mul3A_0 = arith.muli %arg1, %mul3A : i32
    %add3A = arith.addi %mul3A_0, %arg0 : i32
    %mul3A_1 = arith.constant 2000 : i32
    %mul3A_2 = arith.muli %add3A, %mul3A_1 : i32
    "tpu.region"() ({
      %run_scoped3A = tpu.sem_alloc : memref<!tpu.dma_semaphore, #tpu.memory_space<semaphore_mem>>
      %dma_start3A_53 = arith.constant 0 : i32
      %dma_start3A_54 = arith.constant 0 : i32
      %dma_start3A_55 = tpu.memref_slice %arg3[%add3A, %dma_start3A_53, %dma_start3A_54] : memref<32x25x80xi32, #tpu.memory_space<hbm>> -> memref<1x25x80xi32, #tpu.memory_space<hbm>>
      %dma_start3A_56 = tpu.memref_squeeze %dma_start3A_55 : memref<1x25x80xi32, #tpu.memory_space<hbm>> -> memref<25x80xi32, #tpu.memory_space<hbm>>
      %dma_start3A_57 = arith.constant 0 : i32
      %dma_start3A_58 = arith.constant 0 : i32
      %dma_start3A_59 = tpu.memref_slice %arg3[%add3A, %dma_start3A_57, %dma_start3A_58] : memref<32x25x80xi32, #tpu.memory_space<hbm>> -> memref<1x25x80xi32, #tpu.memory_space<hbm>>
      %dma_start3A_60 = tpu.memref_squeeze %dma_start3A_59 : memref<1x25x80xi32, #tpu.memory_space<hbm>> -> memref<25x80xi32, #tpu.memory_space<hbm>>
      tpu.enqueue_dma source(%dma_start3A_60 : memref<25x80xi32, #tpu.memory_space<hbm>>) target(%arg5 : memref<25x80xi32, #tpu.memory_space<vmem>>) target_semaphore(%run_scoped3A : memref<!tpu.dma_semaphore, #tpu.memory_space<semaphore_mem>>)
      %dma_wait3A_61 = arith.constant 0 : i32
      %dma_wait3A_62 = arith.constant 0 : i32
      %dma_wait3A_63 = tpu.memref_slice %arg3[%add3A, %dma_wait3A_61, %dma_wait3A_62] : memref<32x25x80xi32, #tpu.memory_space<hbm>> -> memref<1x25x80xi32, #tpu.memory_space<hbm>>
      %dma_wait3A_64 = tpu.memref_squeeze %dma_wait3A_63 : memref<1x25x80xi32, #tpu.memory_space<hbm>> -> memref<25x80xi32, #tpu.memory_space<hbm>>
      %dma_wait3A_65 = arith.constant 0 : i32
      %dma_wait3A_66 = arith.constant 0 : i32
      %dma_wait3A_67 = tpu.memref_slice %arg3[%add3A, %dma_wait3A_65, %dma_wait3A_66] : memref<32x25x80xi32, #tpu.memory_space<hbm>> -> memref<1x25x80xi32, #tpu.memory_space<hbm>>
      %dma_wait3A_68 = tpu.memref_squeeze %dma_wait3A_67 : memref<1x25x80xi32, #tpu.memory_space<hbm>> -> memref<25x80xi32, #tpu.memory_space<hbm>>
      tpu.wait_dma2 semaphore(%run_scoped3A : memref<!tpu.dma_semaphore, #tpu.memory_space<semaphore_mem>>) src(%dma_wait3A_68 : memref<25x80xi32, #tpu.memory_space<hbm>>) dst(%arg5 : memref<25x80xi32, #tpu.memory_space<vmem>>)
      tpu.yield
    }) : () -> ()
    %dma_start3A = arith.constant 0 : i32
    %dma_start3A_3 = arith.constant 0 : i32
    %dma_start3A_4 = arith.constant 0 : i32
    %dma_start3A_5 = arith.constant 0 : i32
    %dma_start3A_6 = arith.constant 0 : i32
    %dma_start3A_7 = tpu.memref_slice %arg6[%dma_start3A_3, %dma_start3A_5, %dma_start3A_6] : memref<2x80x128xf32, #tpu.memory_space<vmem>> -> memref<1x80x128xf32, #tpu.memory_space<vmem>>
    %dma_start3A_8 = tpu.memref_squeeze %dma_start3A_7 : memref<1x80x128xf32, #tpu.memory_space<vmem>> -> memref<80x128xf32, #tpu.memory_space<vmem>>
    %dma_start3A_9 = arith.constant 0 : i32
    %dma_start3A_10 = tpu.memref_slice %arg5[%dma_start3A, %dma_start3A_9] : memref<25x80xi32, #tpu.memory_space<vmem>> -> memref<1x80xi32, #tpu.memory_space<vmem>>
    %dma_start3A_11 = tpu.memref_squeeze %dma_start3A_10 : memref<1x80xi32, #tpu.memory_space<vmem>> -> memref<80xi32, #tpu.memory_space<vmem>>
    %dma_start3A_12 = arith.constant 0 : i32
    %dma_start3A_13 = arith.constant 0 : i32
    %dma_start3A_14 = tpu.memref_slice %arg2[%dma_start3A_12, %dma_start3A_13] : memref<10000x128xf32, #tpu.memory_space<hbm>> -> memref<10000x128xf32, #tpu.memory_space<hbm>>
    %dma_start3A_15 = tpu.memref_slice %arg7[%dma_start3A_4] : memref<2x!tpu.dma_semaphore, #tpu.memory_space<semaphore_mem>> -> memref<1x!tpu.dma_semaphore, #tpu.memory_space<semaphore_mem>>
    %dma_start3A_16 = tpu.memref_squeeze %dma_start3A_15 : memref<1x!tpu.dma_semaphore, #tpu.memory_space<semaphore_mem>> -> memref<!tpu.dma_semaphore, #tpu.memory_space<semaphore_mem>>
    tpu.enqueue_indirect_dma source(%dma_start3A_14 : memref<10000x128xf32, #tpu.memory_space<hbm>>) target(%dma_start3A_8 : memref<80x128xf32, #tpu.memory_space<vmem>>) offsets(%dma_start3A_11 : memref<80xi32, #tpu.memory_space<vmem>>) semaphore(%dma_start3A_16 : memref<!tpu.dma_semaphore, #tpu.memory_space<semaphore_mem>>)
    %scan3A = arith.constant 0 : i32
    %scan3A_17 = arith.constant 0 : i32
    %scan3A_18 = arith.constant 25 : i32
    %scan3A_19 = arith.addi %scan3A_17, %scan3A_18 : i32
    %scan3A_20 = arith.constant 1 : i32
    scf.for %scan3A_53 = %scan3A_17 to %scan3A_19 step %scan3A_20  : i32 {
      %jit3A = arith.constant 2 : i32
      %eq3A = arith.constant 0 : i32
      %eq3A_54 = arith.cmpi eq, %jit3A, %eq3A : i32
      %jit3A_55 = arith.constant 1 : i32
      %select_n3A = arith.select %eq3A_54, %jit3A_55, %jit3A : i32
      %rem3A = arith.remsi %scan3A_53, %select_n3A : i32
      %ne3A = arith.constant 0 : i32
      %ne3A_56 = arith.cmpi ne, %rem3A, %ne3A : i32
      %lt3A = arith.constant 0 : i32
      %lt3A_57 = arith.cmpi slt, %rem3A, %lt3A : i32
      %lt3A_58 = arith.constant 0 : i32
      %lt3A_59 = arith.cmpi slt, %select_n3A, %lt3A_58 : i32
      %ne3A_60 = arith.xori %lt3A_57, %lt3A_59 : i1
      %and3A = arith.andi %ne3A_60, %ne3A_56 : i1
      %add3A_61 = arith.addi %rem3A, %select_n3A : i32
      %select_n3A_62 = arith.select %and3A, %add3A_61, %rem3A : i32
      %sub3A = arith.constant 1 : i32
      %sub3A_63 = arith.subi %sub3A, %select_n3A_62 : i32
      %add3A_64 = arith.constant 1 : i32
      %add3A_65 = arith.addi %scan3A_53, %add3A_64 : i32
      %lt3A_66 = arith.constant 25 : i32
      %lt3A_67 = arith.cmpi slt, %add3A_65, %lt3A_66 : i32
      %convert_element_type3A = arith.extui %lt3A_67 : i1 to i32
      %cond3A = arith.constant 0 : i32
      %cond3A_68 = arith.cmpi ne, %convert_element_type3A, %cond3A : i32
      scf.if %cond3A_68 {
        %ge3A = arith.constant 1 : i32
        %ge3A_102 = arith.cmpi sge, %scan3A_53, %ge3A : i32
        %convert_element_type3A_103 = arith.extui %ge3A_102 : i1 to i32
        %cond3A_104 = arith.constant 0 : i32
        %cond3A_105 = arith.cmpi ne, %convert_element_type3A_103, %cond3A_104 : i32
        scf.if %cond3A_105 {
          %dma_wait3A_120 = arith.constant 0 : i32
          %dma_wait3A_121 = arith.constant 0 : i32
          %dma_wait3A_122 = tpu.memref_slice %arg6[%sub3A_63, %dma_wait3A_120, %dma_wait3A_121] : memref<2x80x128xf32, #tpu.memory_space<vmem>> -> memref<1x80x128xf32, #tpu.memory_space<vmem>>
          %dma_wait3A_123 = tpu.memref_squeeze %dma_wait3A_122 : memref<1x80x128xf32, #tpu.memory_space<vmem>> -> memref<80x128xf32, #tpu.memory_space<vmem>>
          %dma_wait3A_124 = arith.constant 0 : i32
          %dma_wait3A_125 = tpu.memref_slice %arg4[%mul3A_2, %dma_wait3A_124] : memref<64000x128xf32, #tpu.memory_space<hbm>> -> memref<80x128xf32, #tpu.memory_space<hbm>>
          %dma_wait3A_126 = tpu.memref_slice %arg8[%sub3A_63] : memref<2x!tpu.dma_semaphore, #tpu.memory_space<semaphore_mem>> -> memref<1x!tpu.dma_semaphore, #tpu.memory_space<semaphore_mem>>
          %dma_wait3A_127 = tpu.memref_squeeze %dma_wait3A_126 : memref<1x!tpu.dma_semaphore, #tpu.memory_space<semaphore_mem>> -> memref<!tpu.dma_semaphore, #tpu.memory_space<semaphore_mem>>
          %dma_wait3A_128 = arith.constant 0 : i32
          %dma_wait3A_129 = tpu.memref_slice %arg4[%mul3A_2, %dma_wait3A_128] : memref<64000x128xf32, #tpu.memory_space<hbm>> -> memref<80x128xf32, #tpu.memory_space<hbm>>
          %dma_wait3A_130 = arith.constant 0 : i32
          %dma_wait3A_131 = arith.constant 0 : i32
          %dma_wait3A_132 = tpu.memref_slice %arg6[%sub3A_63, %dma_wait3A_130, %dma_wait3A_131] : memref<2x80x128xf32, #tpu.memory_space<vmem>> -> memref<1x80x128xf32, #tpu.memory_space<vmem>>
          %dma_wait3A_133 = tpu.memref_squeeze %dma_wait3A_132 : memref<1x80x128xf32, #tpu.memory_space<vmem>> -> memref<80x128xf32, #tpu.memory_space<vmem>>
          tpu.wait_dma2 semaphore(%dma_wait3A_127 : memref<!tpu.dma_semaphore, #tpu.memory_space<semaphore_mem>>) src(%dma_wait3A_133 : memref<80x128xf32, #tpu.memory_space<vmem>>) dst(%dma_wait3A_129 : memref<80x128xf32, #tpu.memory_space<hbm>>)
        } else {
        }
        %add3A_106 = arith.constant 1 : i32
        %add3A_107 = arith.addi %scan3A_53, %add3A_106 : i32
        %dma_start3A_108 = arith.constant 0 : i32
        %dma_start3A_109 = arith.constant 0 : i32
        %dma_start3A_110 = tpu.memref_slice %arg6[%sub3A_63, %dma_start3A_108, %dma_start3A_109] : memref<2x80x128xf32, #tpu.memory_space<vmem>> -> memref<1x80x128xf32, #tpu.memory_space<vmem>>
        %dma_start3A_111 = tpu.memref_squeeze %dma_start3A_110 : memref<1x80x128xf32, #tpu.memory_space<vmem>> -> memref<80x128xf32, #tpu.memory_space<vmem>>
        %dma_start3A_112 = arith.constant 0 : i32
        %dma_start3A_113 = tpu.memref_slice %arg5[%add3A_107, %dma_start3A_112] : memref<25x80xi32, #tpu.memory_space<vmem>> -> memref<1x80xi32, #tpu.memory_space<vmem>>
        %dma_start3A_114 = tpu.memref_squeeze %dma_start3A_113 : memref<1x80xi32, #tpu.memory_space<vmem>> -> memref<80xi32, #tpu.memory_space<vmem>>
        %dma_start3A_115 = arith.constant 0 : i32
        %dma_start3A_116 = arith.constant 0 : i32
        %dma_start3A_117 = tpu.memref_slice %arg2[%dma_start3A_115, %dma_start3A_116] : memref<10000x128xf32, #tpu.memory_space<hbm>> -> memref<10000x128xf32, #tpu.memory_space<hbm>>
        %dma_start3A_118 = tpu.memref_slice %arg7[%sub3A_63] : memref<2x!tpu.dma_semaphore, #tpu.memory_space<semaphore_mem>> -> memref<1x!tpu.dma_semaphore, #tpu.memory_space<semaphore_mem>>
        %dma_start3A_119 = tpu.memref_squeeze %dma_start3A_118 : memref<1x!tpu.dma_semaphore, #tpu.memory_space<semaphore_mem>> -> memref<!tpu.dma_semaphore, #tpu.memory_space<semaphore_mem>>
        tpu.enqueue_indirect_dma source(%dma_start3A_117 : memref<10000x128xf32, #tpu.memory_space<hbm>>) target(%dma_start3A_111 : memref<80x128xf32, #tpu.memory_space<vmem>>) offsets(%dma_start3A_114 : memref<80xi32, #tpu.memory_space<vmem>>) semaphore(%dma_start3A_119 : memref<!tpu.dma_semaphore, #tpu.memory_space<semaphore_mem>>)
      } else {
      }
      %dma_wait3A_69 = arith.constant 0 : i32
      %dma_wait3A_70 = arith.constant 0 : i32
      %dma_wait3A_71 = tpu.memref_slice %arg6[%select_n3A_62, %dma_wait3A_69, %dma_wait3A_70] : memref<2x80x128xf32, #tpu.memory_space<vmem>> -> memref<1x80x128xf32, #tpu.memory_space<vmem>>
      %dma_wait3A_72 = tpu.memref_squeeze %dma_wait3A_71 : memref<1x80x128xf32, #tpu.memory_space<vmem>> -> memref<80x128xf32, #tpu.memory_space<vmem>>
      %dma_wait3A_73 = arith.constant 0 : i32
      %dma_wait3A_74 = arith.constant 0 : i32
      %dma_wait3A_75 = tpu.memref_slice %arg2[%dma_wait3A_73, %dma_wait3A_74] : memref<10000x128xf32, #tpu.memory_space<hbm>> -> memref<80x128xf32, #tpu.memory_space<hbm>>
      %dma_wait3A_76 = tpu.memref_slice %arg7[%select_n3A_62] : memref<2x!tpu.dma_semaphore, #tpu.memory_space<semaphore_mem>> -> memref<1x!tpu.dma_semaphore, #tpu.memory_space<semaphore_mem>>
      %dma_wait3A_77 = tpu.memref_squeeze %dma_wait3A_76 : memref<1x!tpu.dma_semaphore, #tpu.memory_space<semaphore_mem>> -> memref<!tpu.dma_semaphore, #tpu.memory_space<semaphore_mem>>
      %dma_wait3A_78 = arith.constant 0 : i32
      %dma_wait3A_79 = arith.constant 0 : i32
      %dma_wait3A_80 = tpu.memref_slice %arg6[%select_n3A_62, %dma_wait3A_78, %dma_wait3A_79] : memref<2x80x128xf32, #tpu.memory_space<vmem>> -> memref<1x80x128xf32, #tpu.memory_space<vmem>>
      %dma_wait3A_81 = tpu.memref_squeeze %dma_wait3A_80 : memref<1x80x128xf32, #tpu.memory_space<vmem>> -> memref<80x128xf32, #tpu.memory_space<vmem>>
      %dma_wait3A_82 = arith.constant 0 : i32
      %dma_wait3A_83 = arith.constant 0 : i32
      %dma_wait3A_84 = tpu.memref_slice %arg2[%dma_wait3A_82, %dma_wait3A_83] : memref<10000x128xf32, #tpu.memory_space<hbm>> -> memref<80x128xf32, #tpu.memory_space<hbm>>
      tpu.wait_dma2 semaphore(%dma_wait3A_77 : memref<!tpu.dma_semaphore, #tpu.memory_space<semaphore_mem>>) src(%dma_wait3A_84 : memref<80x128xf32, #tpu.memory_space<hbm>>) dst(%dma_wait3A_81 : memref<80x128xf32, #tpu.memory_space<vmem>>)
      %mul3A_85 = arith.constant 80 : i32
      %mul3A_86 = arith.muli %scan3A_53, %mul3A_85 : i32
      %add3A_87 = arith.addi %mul3A_2, %mul3A_86 : i32
      %dma_start3A_88 = arith.constant 0 : i32
      %dma_start3A_89 = arith.constant 0 : i32
      %dma_start3A_90 = tpu.memref_slice %arg6[%select_n3A_62, %dma_start3A_88, %dma_start3A_89] : memref<2x80x128xf32, #tpu.memory_space<vmem>> -> memref<1x80x128xf32, #tpu.memory_space<vmem>>
      %dma_start3A_91 = tpu.memref_squeeze %dma_start3A_90 : memref<1x80x128xf32, #tpu.memory_space<vmem>> -> memref<80x128xf32, #tpu.memory_space<vmem>>
      %dma_start3A_92 = arith.constant 0 : i32
      %dma_start3A_93 = tpu.memref_slice %arg4[%add3A_87, %dma_start3A_92] : memref<64000x128xf32, #tpu.memory_space<hbm>> -> memref<80x128xf32, #tpu.memory_space<hbm>>
      %dma_start3A_94 = tpu.memref_slice %arg8[%select_n3A_62] : memref<2x!tpu.dma_semaphore, #tpu.memory_space<semaphore_mem>> -> memref<1x!tpu.dma_semaphore, #tpu.memory_space<semaphore_mem>>
      %dma_start3A_95 = tpu.memref_squeeze %dma_start3A_94 : memref<1x!tpu.dma_semaphore, #tpu.memory_space<semaphore_mem>> -> memref<!tpu.dma_semaphore, #tpu.memory_space<semaphore_mem>>
      %dma_start3A_96 = arith.constant 0 : i32
      %dma_start3A_97 = tpu.memref_slice %arg4[%add3A_87, %dma_start3A_96] : memref<64000x128xf32, #tpu.memory_space<hbm>> -> memref<80x128xf32, #tpu.memory_space<hbm>>
      %dma_start3A_98 = arith.constant 0 : i32
      %dma_start3A_99 = arith.constant 0 : i32
      %dma_start3A_100 = tpu.memref_slice %arg6[%select_n3A_62, %dma_start3A_98, %dma_start3A_99] : memref<2x80x128xf32, #tpu.memory_space<vmem>> -> memref<1x80x128xf32, #tpu.memory_space<vmem>>
      %dma_start3A_101 = tpu.memref_squeeze %dma_start3A_100 : memref<1x80x128xf32, #tpu.memory_space<vmem>> -> memref<80x128xf32, #tpu.memory_space<vmem>>
      tpu.enqueue_dma source(%dma_start3A_101 : memref<80x128xf32, #tpu.memory_space<vmem>>) target(%dma_start3A_97 : memref<80x128xf32, #tpu.memory_space<hbm>>) target_semaphore(%dma_start3A_95 : memref<!tpu.dma_semaphore, #tpu.memory_space<semaphore_mem>>)
    }
    %scan3A_21 = arith.constant 25 : i32
    %dma_wait3A = arith.constant 0 : i32
    %dma_wait3A_22 = arith.constant 0 : i32
    %dma_wait3A_23 = arith.constant 0 : i32
    %dma_wait3A_24 = arith.constant 0 : i32
    %dma_wait3A_25 = tpu.memref_slice %arg6[%dma_wait3A, %dma_wait3A_23, %dma_wait3A_24] : memref<2x80x128xf32, #tpu.memory_space<vmem>> -> memref<1x80x128xf32, #tpu.memory_space<vmem>>
    %dma_wait3A_26 = tpu.memref_squeeze %dma_wait3A_25 : memref<1x80x128xf32, #tpu.memory_space<vmem>> -> memref<80x128xf32, #tpu.memory_space<vmem>>
    %dma_wait3A_27 = arith.constant 0 : i32
    %dma_wait3A_28 = tpu.memref_slice %arg4[%mul3A_2, %dma_wait3A_27] : memref<64000x128xf32, #tpu.memory_space<hbm>> -> memref<80x128xf32, #tpu.memory_space<hbm>>
    %dma_wait3A_29 = tpu.memref_slice %arg8[%dma_wait3A_22] : memref<2x!tpu.dma_semaphore, #tpu.memory_space<semaphore_mem>> -> memref<1x!tpu.dma_semaphore, #tpu.memory_space<semaphore_mem>>
    %dma_wait3A_30 = tpu.memref_squeeze %dma_wait3A_29 : memref<1x!tpu.dma_semaphore, #tpu.memory_space<semaphore_mem>> -> memref<!tpu.dma_semaphore, #tpu.memory_space<semaphore_mem>>
    %dma_wait3A_31 = arith.constant 0 : i32
    %dma_wait3A_32 = tpu.memref_slice %arg4[%mul3A_2, %dma_wait3A_31] : memref<64000x128xf32, #tpu.memory_space<hbm>> -> memref<80x128xf32, #tpu.memory_space<hbm>>
    %dma_wait3A_33 = arith.constant 0 : i32
    %dma_wait3A_34 = arith.constant 0 : i32
    %dma_wait3A_35 = tpu.memref_slice %arg6[%dma_wait3A, %dma_wait3A_33, %dma_wait3A_34] : memref<2x80x128xf32, #tpu.memory_space<vmem>> -> memref<1x80x128xf32, #tpu.memory_space<vmem>>
    %dma_wait3A_36 = tpu.memref_squeeze %dma_wait3A_35 : memref<1x80x128xf32, #tpu.memory_space<vmem>> -> memref<80x128xf32, #tpu.memory_space<vmem>>
    tpu.wait_dma2 semaphore(%dma_wait3A_30 : memref<!tpu.dma_semaphore, #tpu.memory_space<semaphore_mem>>) src(%dma_wait3A_36 : memref<80x128xf32, #tpu.memory_space<vmem>>) dst(%dma_wait3A_32 : memref<80x128xf32, #tpu.memory_space<hbm>>)
    %dma_wait3A_37 = arith.constant 1 : i32
    %dma_wait3A_38 = arith.constant 1 : i32
    %dma_wait3A_39 = arith.constant 0 : i32
    %dma_wait3A_40 = arith.constant 0 : i32
    %dma_wait3A_41 = tpu.memref_slice %arg6[%dma_wait3A_37, %dma_wait3A_39, %dma_wait3A_40] : memref<2x80x128xf32, #tpu.memory_space<vmem>> -> memref<1x80x128xf32, #tpu.memory_space<vmem>>
    %dma_wait3A_42 = tpu.memref_squeeze %dma_wait3A_41 : memref<1x80x128xf32, #tpu.memory_space<vmem>> -> memref<80x128xf32, #tpu.memory_space<vmem>>
    %dma_wait3A_43 = arith.constant 0 : i32
    %dma_wait3A_44 = tpu.memref_slice %arg4[%mul3A_2, %dma_wait3A_43] : memref<64000x128xf32, #tpu.memory_space<hbm>> -> memref<80x128xf32, #tpu.memory_space<hbm>>
    %dma_wait3A_45 = tpu.memref_slice %arg8[%dma_wait3A_38] : memref<2x!tpu.dma_semaphore, #tpu.memory_space<semaphore_mem>> -> memref<1x!tpu.dma_semaphore, #tpu.memory_space<semaphore_mem>>
    %dma_wait3A_46 = tpu.memref_squeeze %dma_wait3A_45 : memref<1x!tpu.dma_semaphore, #tpu.memory_space<semaphore_mem>> -> memref<!tpu.dma_semaphore, #tpu.memory_space<semaphore_mem>>
    %dma_wait3A_47 = arith.constant 0 : i32
    %dma_wait3A_48 = tpu.memref_slice %arg4[%mul3A_2, %dma_wait3A_47] : memref<64000x128xf32, #tpu.memory_space<hbm>> -> memref<80x128xf32, #tpu.memory_space<hbm>>
    %dma_wait3A_49 = arith.constant 0 : i32
    %dma_wait3A_50 = arith.constant 0 : i32
    %dma_wait3A_51 = tpu.memref_slice %arg6[%dma_wait3A_37, %dma_wait3A_49, %dma_wait3A_50] : memref<2x80x128xf32, #tpu.memory_space<vmem>> -> memref<1x80x128xf32, #tpu.memory_space<vmem>>
    %dma_wait3A_52 = tpu.memref_squeeze %dma_wait3A_51 : memref<1x80x128xf32, #tpu.memory_space<vmem>> -> memref<80x128xf32, #tpu.memory_space<vmem>>
    tpu.wait_dma2 semaphore(%dma_wait3A_46 : memref<!tpu.dma_semaphore, #tpu.memory_space<semaphore_mem>>) src(%dma_wait3A_52 : memref<80x128xf32, #tpu.memory_space<vmem>>) dst(%dma_wait3A_48 : memref<80x128xf32, #tpu.memory_space<hbm>>)
    return
  }
}

#map = affine_map<(d0, d1) -> (0, 0)>
#map1 = affine_map<(d0, d1) -> (0, 0, 0)>
module attributes {stable_mosaic.version = 14 : i64} {
  func.func @_gather_k(%arg0: i32, %arg1: i32, %arg2: memref<10000x128xf32, #tpu.memory_space<hbm>>, %arg3: memref<32x25x80xi32, #tpu.memory_space<hbm>>, %arg4: memref<64000x128xf32, #tpu.memory_space<hbm>>, %arg5: memref<25x80xi32, #tpu.memory_space<vmem>>, %arg6: memref<2x80x128xf32, #tpu.memory_space<vmem>>, %arg7: memref<2x!tpu.dma_semaphore, #tpu.memory_space<semaphore_mem>>, %arg8: memref<2x!tpu.dma_semaphore, #tpu.memory_space<semaphore_mem>>) attributes {dimension_semantics = [#tpu.dimension_semantics<core_parallel>, #tpu.dimension_semantics<subcore_parallel>], iteration_bounds = array<i64: 2, 16>, scalar_prefetch = 0 : i64, scratch_operands = 4 : i64, tpu.core_type = #tpu.core_type<sc_vector_subcore>, window_params = [{transform_indices = #map}, {transform_indices = #map1}, {transform_indices = #map}]} {
    %mul3A = arith.constant 2 : i32
    %mul3A_0 = arith.muli %arg1, %mul3A : i32
    %add3A = arith.addi %mul3A_0, %arg0 : i32
    %mul3A_1 = arith.constant 2000 : i32
    %mul3A_2 = arith.muli %add3A, %mul3A_1 : i32
    "tpu.region"() ({
      %run_scoped3A = tpu.sem_alloc : memref<!tpu.dma_semaphore, #tpu.memory_space<semaphore_mem>>
      %dma_start3A_53 = arith.constant 0 : i32
      %dma_start3A_54 = arith.constant 0 : i32
      %dma_start3A_55 = tpu.memref_slice %arg3[%add3A, %dma_start3A_53, %dma_start3A_54] : memref<32x25x80xi32, #tpu.memory_space<hbm>> -> memref<1x25x80xi32, #tpu.memory_space<hbm>>
      %dma_start3A_56 = tpu.memref_squeeze %dma_start3A_55 : memref<1x25x80xi32, #tpu.memory_space<hbm>> -> memref<25x80xi32, #tpu.memory_space<hbm>>
      %dma_start3A_57 = arith.constant 0 : i32
      %dma_start3A_58 = arith.constant 0 : i32
      %dma_start3A_59 = tpu.memref_slice %arg3[%add3A, %dma_start3A_57, %dma_start3A_58] : memref<32x25x80xi32, #tpu.memory_space<hbm>> -> memref<1x25x80xi32, #tpu.memory_space<hbm>>
      %dma_start3A_60 = tpu.memref_squeeze %dma_start3A_59 : memref<1x25x80xi32, #tpu.memory_space<hbm>> -> memref<25x80xi32, #tpu.memory_space<hbm>>
      tpu.enqueue_dma source(%dma_start3A_60 : memref<25x80xi32, #tpu.memory_space<hbm>>) target(%arg5 : memref<25x80xi32, #tpu.memory_space<vmem>>) target_semaphore(%run_scoped3A : memref<!tpu.dma_semaphore, #tpu.memory_space<semaphore_mem>>)
      %dma_wait3A_61 = arith.constant 0 : i32
      %dma_wait3A_62 = arith.constant 0 : i32
      %dma_wait3A_63 = tpu.memref_slice %arg3[%add3A, %dma_wait3A_61, %dma_wait3A_62] : memref<32x25x80xi32, #tpu.memory_space<hbm>> -> memref<1x25x80xi32, #tpu.memory_space<hbm>>
      %dma_wait3A_64 = tpu.memref_squeeze %dma_wait3A_63 : memref<1x25x80xi32, #tpu.memory_space<hbm>> -> memref<25x80xi32, #tpu.memory_space<hbm>>
      %dma_wait3A_65 = arith.constant 0 : i32
      %dma_wait3A_66 = arith.constant 0 : i32
      %dma_wait3A_67 = tpu.memref_slice %arg3[%add3A, %dma_wait3A_65, %dma_wait3A_66] : memref<32x25x80xi32, #tpu.memory_space<hbm>> -> memref<1x25x80xi32, #tpu.memory_space<hbm>>
      %dma_wait3A_68 = tpu.memref_squeeze %dma_wait3A_67 : memref<1x25x80xi32, #tpu.memory_space<hbm>> -> memref<25x80xi32, #tpu.memory_space<hbm>>
      tpu.wait_dma2 semaphore(%run_scoped3A : memref<!tpu.dma_semaphore, #tpu.memory_space<semaphore_mem>>) src(%dma_wait3A_68 : memref<25x80xi32, #tpu.memory_space<hbm>>) dst(%arg5 : memref<25x80xi32, #tpu.memory_space<vmem>>)
      tpu.yield
    }) : () -> ()
    %dma_start3A = arith.constant 0 : i32
    %dma_start3A_3 = arith.constant 0 : i32
    %dma_start3A_4 = arith.constant 0 : i32
    %dma_start3A_5 = arith.constant 0 : i32
    %dma_start3A_6 = arith.constant 0 : i32
    %dma_start3A_7 = tpu.memref_slice %arg6[%dma_start3A_3, %dma_start3A_5, %dma_start3A_6] : memref<2x80x128xf32, #tpu.memory_space<vmem>> -> memref<1x80x128xf32, #tpu.memory_space<vmem>>
    %dma_start3A_8 = tpu.memref_squeeze %dma_start3A_7 : memref<1x80x128xf32, #tpu.memory_space<vmem>> -> memref<80x128xf32, #tpu.memory_space<vmem>>
    %dma_start3A_9 = arith.constant 0 : i32
    %dma_start3A_10 = tpu.memref_slice %arg5[%dma_start3A, %dma_start3A_9] : memref<25x80xi32, #tpu.memory_space<vmem>> -> memref<1x80xi32, #tpu.memory_space<vmem>>
    %dma_start3A_11 = tpu.memref_squeeze %dma_start3A_10 : memref<1x80xi32, #tpu.memory_space<vmem>> -> memref<80xi32, #tpu.memory_space<vmem>>
    %dma_start3A_12 = arith.constant 0 : i32
    %dma_start3A_13 = arith.constant 0 : i32
    %dma_start3A_14 = tpu.memref_slice %arg2[%dma_start3A_12, %dma_start3A_13] : memref<10000x128xf32, #tpu.memory_space<hbm>> -> memref<10000x128xf32, #tpu.memory_space<hbm>>
    %dma_start3A_15 = tpu.memref_slice %arg7[%dma_start3A_4] : memref<2x!tpu.dma_semaphore, #tpu.memory_space<semaphore_mem>> -> memref<1x!tpu.dma_semaphore, #tpu.memory_space<semaphore_mem>>
    %dma_start3A_16 = tpu.memref_squeeze %dma_start3A_15 : memref<1x!tpu.dma_semaphore, #tpu.memory_space<semaphore_mem>> -> memref<!tpu.dma_semaphore, #tpu.memory_space<semaphore_mem>>
    tpu.enqueue_indirect_dma source(%dma_start3A_14 : memref<10000x128xf32, #tpu.memory_space<hbm>>) target(%dma_start3A_8 : memref<80x128xf32, #tpu.memory_space<vmem>>) offsets(%dma_start3A_11 : memref<80xi32, #tpu.memory_space<vmem>>) semaphore(%dma_start3A_16 : memref<!tpu.dma_semaphore, #tpu.memory_space<semaphore_mem>>)
    %scan3A = arith.constant 0 : i32
    %scan3A_17 = arith.constant 0 : i32
    %scan3A_18 = arith.constant 25 : i32
    %scan3A_19 = arith.addi %scan3A_17, %scan3A_18 : i32
    %scan3A_20 = arith.constant 1 : i32
    scf.for %scan3A_53 = %scan3A_17 to %scan3A_19 step %scan3A_20  : i32 {
      %jit3A = arith.constant 2 : i32
      %eq3A = arith.constant 0 : i32
      %eq3A_54 = arith.cmpi eq, %jit3A, %eq3A : i32
      %jit3A_55 = arith.constant 1 : i32
      %select_n3A = arith.select %eq3A_54, %jit3A_55, %jit3A : i32
      %rem3A = arith.remsi %scan3A_53, %select_n3A : i32
      %ne3A = arith.constant 0 : i32
      %ne3A_56 = arith.cmpi ne, %rem3A, %ne3A : i32
      %lt3A = arith.constant 0 : i32
      %lt3A_57 = arith.cmpi slt, %rem3A, %lt3A : i32
      %lt3A_58 = arith.constant 0 : i32
      %lt3A_59 = arith.cmpi slt, %select_n3A, %lt3A_58 : i32
      %ne3A_60 = arith.xori %lt3A_57, %lt3A_59 : i1
      %and3A = arith.andi %ne3A_60, %ne3A_56 : i1
      %add3A_61 = arith.addi %rem3A, %select_n3A : i32
      %select_n3A_62 = arith.select %and3A, %add3A_61, %rem3A : i32
      %sub3A = arith.constant 1 : i32
      %sub3A_63 = arith.subi %sub3A, %select_n3A_62 : i32
      %add3A_64 = arith.constant 1 : i32
      %add3A_65 = arith.addi %scan3A_53, %add3A_64 : i32
      %lt3A_66 = arith.constant 25 : i32
      %lt3A_67 = arith.cmpi slt, %add3A_65, %lt3A_66 : i32
      %convert_element_type3A = arith.extui %lt3A_67 : i1 to i32
      %cond3A = arith.constant 0 : i32
      %cond3A_68 = arith.cmpi ne, %convert_element_type3A, %cond3A : i32
      scf.if %cond3A_68 {
        %ge3A = arith.constant 1 : i32
        %ge3A_102 = arith.cmpi sge, %scan3A_53, %ge3A : i32
        %convert_element_type3A_103 = arith.extui %ge3A_102 : i1 to i32
        %cond3A_104 = arith.constant 0 : i32
        %cond3A_105 = arith.cmpi ne, %convert_element_type3A_103, %cond3A_104 : i32
        scf.if %cond3A_105 {
          %dma_wait3A_120 = arith.constant 0 : i32
          %dma_wait3A_121 = arith.constant 0 : i32
          %dma_wait3A_122 = tpu.memref_slice %arg6[%sub3A_63, %dma_wait3A_120, %dma_wait3A_121] : memref<2x80x128xf32, #tpu.memory_space<vmem>> -> memref<1x80x128xf32, #tpu.memory_space<vmem>>
          %dma_wait3A_123 = tpu.memref_squeeze %dma_wait3A_122 : memref<1x80x128xf32, #tpu.memory_space<vmem>> -> memref<80x128xf32, #tpu.memory_space<vmem>>
          %dma_wait3A_124 = arith.constant 0 : i32
          %dma_wait3A_125 = tpu.memref_slice %arg4[%mul3A_2, %dma_wait3A_124] : memref<64000x128xf32, #tpu.memory_space<hbm>> -> memref<80x128xf32, #tpu.memory_space<hbm>>
          %dma_wait3A_126 = tpu.memref_slice %arg8[%sub3A_63] : memref<2x!tpu.dma_semaphore, #tpu.memory_space<semaphore_mem>> -> memref<1x!tpu.dma_semaphore, #tpu.memory_space<semaphore_mem>>
          %dma_wait3A_127 = tpu.memref_squeeze %dma_wait3A_126 : memref<1x!tpu.dma_semaphore, #tpu.memory_space<semaphore_mem>> -> memref<!tpu.dma_semaphore, #tpu.memory_space<semaphore_mem>>
          %dma_wait3A_128 = arith.constant 0 : i32
          %dma_wait3A_129 = tpu.memref_slice %arg4[%mul3A_2, %dma_wait3A_128] : memref<64000x128xf32, #tpu.memory_space<hbm>> -> memref<80x128xf32, #tpu.memory_space<hbm>>
          %dma_wait3A_130 = arith.constant 0 : i32
          %dma_wait3A_131 = arith.constant 0 : i32
          %dma_wait3A_132 = tpu.memref_slice %arg6[%sub3A_63, %dma_wait3A_130, %dma_wait3A_131] : memref<2x80x128xf32, #tpu.memory_space<vmem>> -> memref<1x80x128xf32, #tpu.memory_space<vmem>>
          %dma_wait3A_133 = tpu.memref_squeeze %dma_wait3A_132 : memref<1x80x128xf32, #tpu.memory_space<vmem>> -> memref<80x128xf32, #tpu.memory_space<vmem>>
          tpu.wait_dma2 semaphore(%dma_wait3A_127 : memref<!tpu.dma_semaphore, #tpu.memory_space<semaphore_mem>>) src(%dma_wait3A_133 : memref<80x128xf32, #tpu.memory_space<vmem>>) dst(%dma_wait3A_129 : memref<80x128xf32, #tpu.memory_space<hbm>>)
        } else {
        }
        %add3A_106 = arith.constant 1 : i32
        %add3A_107 = arith.addi %scan3A_53, %add3A_106 : i32
        %dma_start3A_108 = arith.constant 0 : i32
        %dma_start3A_109 = arith.constant 0 : i32
        %dma_start3A_110 = tpu.memref_slice %arg6[%sub3A_63, %dma_start3A_108, %dma_start3A_109] : memref<2x80x128xf32, #tpu.memory_space<vmem>> -> memref<1x80x128xf32, #tpu.memory_space<vmem>>
        %dma_start3A_111 = tpu.memref_squeeze %dma_start3A_110 : memref<1x80x128xf32, #tpu.memory_space<vmem>> -> memref<80x128xf32, #tpu.memory_space<vmem>>
        %dma_start3A_112 = arith.constant 0 : i32
        %dma_start3A_113 = tpu.memref_slice %arg5[%add3A_107, %dma_start3A_112] : memref<25x80xi32, #tpu.memory_space<vmem>> -> memref<1x80xi32, #tpu.memory_space<vmem>>
        %dma_start3A_114 = tpu.memref_squeeze %dma_start3A_113 : memref<1x80xi32, #tpu.memory_space<vmem>> -> memref<80xi32, #tpu.memory_space<vmem>>
        %dma_start3A_115 = arith.constant 0 : i32
        %dma_start3A_116 = arith.constant 0 : i32
        %dma_start3A_117 = tpu.memref_slice %arg2[%dma_start3A_115, %dma_start3A_116] : memref<10000x128xf32, #tpu.memory_space<hbm>> -> memref<10000x128xf32, #tpu.memory_space<hbm>>
        %dma_start3A_118 = tpu.memref_slice %arg7[%sub3A_63] : memref<2x!tpu.dma_semaphore, #tpu.memory_space<semaphore_mem>> -> memref<1x!tpu.dma_semaphore, #tpu.memory_space<semaphore_mem>>
        %dma_start3A_119 = tpu.memref_squeeze %dma_start3A_118 : memref<1x!tpu.dma_semaphore, #tpu.memory_space<semaphore_mem>> -> memref<!tpu.dma_semaphore, #tpu.memory_space<semaphore_mem>>
        tpu.enqueue_indirect_dma source(%dma_start3A_117 : memref<10000x128xf32, #tpu.memory_space<hbm>>) target(%dma_start3A_111 : memref<80x128xf32, #tpu.memory_space<vmem>>) offsets(%dma_start3A_114 : memref<80xi32, #tpu.memory_space<vmem>>) semaphore(%dma_start3A_119 : memref<!tpu.dma_semaphore, #tpu.memory_space<semaphore_mem>>)
      } else {
      }
      %dma_wait3A_69 = arith.constant 0 : i32
      %dma_wait3A_70 = arith.constant 0 : i32
      %dma_wait3A_71 = tpu.memref_slice %arg6[%select_n3A_62, %dma_wait3A_69, %dma_wait3A_70] : memref<2x80x128xf32, #tpu.memory_space<vmem>> -> memref<1x80x128xf32, #tpu.memory_space<vmem>>
      %dma_wait3A_72 = tpu.memref_squeeze %dma_wait3A_71 : memref<1x80x128xf32, #tpu.memory_space<vmem>> -> memref<80x128xf32, #tpu.memory_space<vmem>>
      %dma_wait3A_73 = arith.constant 0 : i32
      %dma_wait3A_74 = arith.constant 0 : i32
      %dma_wait3A_75 = tpu.memref_slice %arg2[%dma_wait3A_73, %dma_wait3A_74] : memref<10000x128xf32, #tpu.memory_space<hbm>> -> memref<80x128xf32, #tpu.memory_space<hbm>>
      %dma_wait3A_76 = tpu.memref_slice %arg7[%select_n3A_62] : memref<2x!tpu.dma_semaphore, #tpu.memory_space<semaphore_mem>> -> memref<1x!tpu.dma_semaphore, #tpu.memory_space<semaphore_mem>>
      %dma_wait3A_77 = tpu.memref_squeeze %dma_wait3A_76 : memref<1x!tpu.dma_semaphore, #tpu.memory_space<semaphore_mem>> -> memref<!tpu.dma_semaphore, #tpu.memory_space<semaphore_mem>>
      %dma_wait3A_78 = arith.constant 0 : i32
      %dma_wait3A_79 = arith.constant 0 : i32
      %dma_wait3A_80 = tpu.memref_slice %arg6[%select_n3A_62, %dma_wait3A_78, %dma_wait3A_79] : memref<2x80x128xf32, #tpu.memory_space<vmem>> -> memref<1x80x128xf32, #tpu.memory_space<vmem>>
      %dma_wait3A_81 = tpu.memref_squeeze %dma_wait3A_80 : memref<1x80x128xf32, #tpu.memory_space<vmem>> -> memref<80x128xf32, #tpu.memory_space<vmem>>
      %dma_wait3A_82 = arith.constant 0 : i32
      %dma_wait3A_83 = arith.constant 0 : i32
      %dma_wait3A_84 = tpu.memref_slice %arg2[%dma_wait3A_82, %dma_wait3A_83] : memref<10000x128xf32, #tpu.memory_space<hbm>> -> memref<80x128xf32, #tpu.memory_space<hbm>>
      tpu.wait_dma2 semaphore(%dma_wait3A_77 : memref<!tpu.dma_semaphore, #tpu.memory_space<semaphore_mem>>) src(%dma_wait3A_84 : memref<80x128xf32, #tpu.memory_space<hbm>>) dst(%dma_wait3A_81 : memref<80x128xf32, #tpu.memory_space<vmem>>)
      %mul3A_85 = arith.constant 80 : i32
      %mul3A_86 = arith.muli %scan3A_53, %mul3A_85 : i32
      %add3A_87 = arith.addi %mul3A_2, %mul3A_86 : i32
      %dma_start3A_88 = arith.constant 0 : i32
      %dma_start3A_89 = arith.constant 0 : i32
      %dma_start3A_90 = tpu.memref_slice %arg6[%select_n3A_62, %dma_start3A_88, %dma_start3A_89] : memref<2x80x128xf32, #tpu.memory_space<vmem>> -> memref<1x80x128xf32, #tpu.memory_space<vmem>>
      %dma_start3A_91 = tpu.memref_squeeze %dma_start3A_90 : memref<1x80x128xf32, #tpu.memory_space<vmem>> -> memref<80x128xf32, #tpu.memory_space<vmem>>
      %dma_start3A_92 = arith.constant 0 : i32
      %dma_start3A_93 = tpu.memref_slice %arg4[%add3A_87, %dma_start3A_92] : memref<64000x128xf32, #tpu.memory_space<hbm>> -> memref<80x128xf32, #tpu.memory_space<hbm>>
      %dma_start3A_94 = tpu.memref_slice %arg8[%select_n3A_62] : memref<2x!tpu.dma_semaphore, #tpu.memory_space<semaphore_mem>> -> memref<1x!tpu.dma_semaphore, #tpu.memory_space<semaphore_mem>>
      %dma_start3A_95 = tpu.memref_squeeze %dma_start3A_94 : memref<1x!tpu.dma_semaphore, #tpu.memory_space<semaphore_mem>> -> memref<!tpu.dma_semaphore, #tpu.memory_space<semaphore_mem>>
      %dma_start3A_96 = arith.constant 0 : i32
      %dma_start3A_97 = tpu.memref_slice %arg4[%add3A_87, %dma_start3A_96] : memref<64000x128xf32, #tpu.memory_space<hbm>> -> memref<80x128xf32, #tpu.memory_space<hbm>>
      %dma_start3A_98 = arith.constant 0 : i32
      %dma_start3A_99 = arith.constant 0 : i32
      %dma_start3A_100 = tpu.memref_slice %arg6[%select_n3A_62, %dma_start3A_98, %dma_start3A_99] : memref<2x80x128xf32, #tpu.memory_space<vmem>> -> memref<1x80x128xf32, #tpu.memory_space<vmem>>
      %dma_start3A_101 = tpu.memref_squeeze %dma_start3A_100 : memref<1x80x128xf32, #tpu.memory_space<vmem>> -> memref<80x128xf32, #tpu.memory_space<vmem>>
      tpu.enqueue_dma source(%dma_start3A_101 : memref<80x128xf32, #tpu.memory_space<vmem>>) target(%dma_start3A_97 : memref<80x128xf32, #tpu.memory_space<hbm>>) target_semaphore(%dma_start3A_95 : memref<!tpu.dma_semaphore, #tpu.memory_space<semaphore_mem>>)
    }
    %scan3A_21 = arith.constant 25 : i32
    %dma_wait3A = arith.constant 0 : i32
    %dma_wait3A_22 = arith.constant 0 : i32
    %dma_wait3A_23 = arith.constant 0 : i32
    %dma_wait3A_24 = arith.constant 0 : i32
    %dma_wait3A_25 = tpu.memref_slice %arg6[%dma_wait3A, %dma_wait3A_23, %dma_wait3A_24] : memref<2x80x128xf32, #tpu.memory_space<vmem>> -> memref<1x80x128xf32, #tpu.memory_space<vmem>>
    %dma_wait3A_26 = tpu.memref_squeeze %dma_wait3A_25 : memref<1x80x128xf32, #tpu.memory_space<vmem>> -> memref<80x128xf32, #tpu.memory_space<vmem>>
    %dma_wait3A_27 = arith.constant 0 : i32
    %dma_wait3A_28 = tpu.memref_slice %arg4[%mul3A_2, %dma_wait3A_27] : memref<64000x128xf32, #tpu.memory_space<hbm>> -> memref<80x128xf32, #tpu.memory_space<hbm>>
    %dma_wait3A_29 = tpu.memref_slice %arg8[%dma_wait3A_22] : memref<2x!tpu.dma_semaphore, #tpu.memory_space<semaphore_mem>> -> memref<1x!tpu.dma_semaphore, #tpu.memory_space<semaphore_mem>>
    %dma_wait3A_30 = tpu.memref_squeeze %dma_wait3A_29 : memref<1x!tpu.dma_semaphore, #tpu.memory_space<semaphore_mem>> -> memref<!tpu.dma_semaphore, #tpu.memory_space<semaphore_mem>>
    %dma_wait3A_31 = arith.constant 0 : i32
    %dma_wait3A_32 = tpu.memref_slice %arg4[%mul3A_2, %dma_wait3A_31] : memref<64000x128xf32, #tpu.memory_space<hbm>> -> memref<80x128xf32, #tpu.memory_space<hbm>>
    %dma_wait3A_33 = arith.constant 0 : i32
    %dma_wait3A_34 = arith.constant 0 : i32
    %dma_wait3A_35 = tpu.memref_slice %arg6[%dma_wait3A, %dma_wait3A_33, %dma_wait3A_34] : memref<2x80x128xf32, #tpu.memory_space<vmem>> -> memref<1x80x128xf32, #tpu.memory_space<vmem>>
    %dma_wait3A_36 = tpu.memref_squeeze %dma_wait3A_35 : memref<1x80x128xf32, #tpu.memory_space<vmem>> -> memref<80x128xf32, #tpu.memory_space<vmem>>
    tpu.wait_dma2 semaphore(%dma_wait3A_30 : memref<!tpu.dma_semaphore, #tpu.memory_space<semaphore_mem>>) src(%dma_wait3A_36 : memref<80x128xf32, #tpu.memory_space<vmem>>) dst(%dma_wait3A_32 : memref<80x128xf32, #tpu.memory_space<hbm>>)
    %dma_wait3A_37 = arith.constant 1 : i32
    %dma_wait3A_38 = arith.constant 1 : i32
    %dma_wait3A_39 = arith.constant 0 : i32
    %dma_wait3A_40 = arith.constant 0 : i32
    %dma_wait3A_41 = tpu.memref_slice %arg6[%dma_wait3A_37, %dma_wait3A_39, %dma_wait3A_40] : memref<2x80x128xf32, #tpu.memory_space<vmem>> -> memref<1x80x128xf32, #tpu.memory_space<vmem>>
    %dma_wait3A_42 = tpu.memref_squeeze %dma_wait3A_41 : memref<1x80x128xf32, #tpu.memory_space<vmem>> -> memref<80x128xf32, #tpu.memory_space<vmem>>
    %dma_wait3A_43 = arith.constant 0 : i32
    %dma_wait3A_44 = tpu.memref_slice %arg4[%mul3A_2, %dma_wait3A_43] : memref<64000x128xf32, #tpu.memory_space<hbm>> -> memref<80x128xf32, #tpu.memory_space<hbm>>
    %dma_wait3A_45 = tpu.memref_slice %arg8[%dma_wait3A_38] : memref<2x!tpu.dma_semaphore, #tpu.memory_space<semaphore_mem>> -> memref<1x!tpu.dma_semaphore, #tpu.memory_space<semaphore_mem>>
    %dma_wait3A_46 = tpu.memref_squeeze %dma_wait3A_45 : memref<1x!tpu.dma_semaphore, #tpu.memory_space<semaphore_mem>> -> memref<!tpu.dma_semaphore, #tpu.memory_space<semaphore_mem>>
    %dma_wait3A_47 = arith.constant 0 : i32
    %dma_wait3A_48 = tpu.memref_slice %arg4[%mul3A_2, %dma_wait3A_47] : memref<64000x128xf32, #tpu.memory_space<hbm>> -> memref<80x128xf32, #tpu.memory_space<hbm>>
    %dma_wait3A_49 = arith.constant 0 : i32
    %dma_wait3A_50 = arith.constant 0 : i32
    %dma_wait3A_51 = tpu.memref_slice %arg6[%dma_wait3A_37, %dma_wait3A_49, %dma_wait3A_50] : memref<2x80x128xf32, #tpu.memory_space<vmem>> -> memref<1x80x128xf32, #tpu.memory_space<vmem>>
    %dma_wait3A_52 = tpu.memref_squeeze %dma_wait3A_51 : memref<1x80x128xf32, #tpu.memory_space<vmem>> -> memref<80x128xf32, #tpu.memory_space<vmem>>
    tpu.wait_dma2 semaphore(%dma_wait3A_46 : memref<!tpu.dma_semaphore, #tpu.memory_space<semaphore_mem>>) src(%dma_wait3A_52 : memref<80x128xf32, #tpu.memory_space<vmem>>) dst(%dma_wait3A_48 : memref<80x128xf32, #tpu.memory_space<hbm>>)
    return
  }
}

#map = affine_map<(d0, d1) -> (0, 0)>
#map1 = affine_map<(d0, d1) -> (0, 0, 0)>
module attributes {stable_mosaic.version = 14 : i64} {
  func.func @_gather_k(%arg0: i32, %arg1: i32, %arg2: memref<10000x128xf32, #tpu.memory_space<hbm>>, %arg3: memref<32x25x80xi32, #tpu.memory_space<hbm>>, %arg4: memref<64000x128xf32, #tpu.memory_space<hbm>>, %arg5: memref<25x80xi32, #tpu.memory_space<vmem>>, %arg6: memref<2x80x128xf32, #tpu.memory_space<vmem>>, %arg7: memref<2x!tpu.dma_semaphore, #tpu.memory_space<semaphore_mem>>, %arg8: memref<2x!tpu.dma_semaphore, #tpu.memory_space<semaphore_mem>>) attributes {dimension_semantics = [#tpu.dimension_semantics<core_parallel>, #tpu.dimension_semantics<subcore_parallel>], iteration_bounds = array<i64: 2, 16>, scalar_prefetch = 0 : i64, scratch_operands = 4 : i64, tpu.core_type = #tpu.core_type<sc_vector_subcore>, window_params = [{transform_indices = #map}, {transform_indices = #map1}, {transform_indices = #map}]} {
    %mul3A = arith.constant 2 : i32
    %mul3A_0 = arith.muli %arg1, %mul3A : i32
    %add3A = arith.addi %mul3A_0, %arg0 : i32
    %mul3A_1 = arith.constant 2000 : i32
    %mul3A_2 = arith.muli %add3A, %mul3A_1 : i32
    "tpu.region"() ({
      %run_scoped3A = tpu.sem_alloc : memref<!tpu.dma_semaphore, #tpu.memory_space<semaphore_mem>>
      %dma_start3A_53 = arith.constant 0 : i32
      %dma_start3A_54 = arith.constant 0 : i32
      %dma_start3A_55 = tpu.memref_slice %arg3[%add3A, %dma_start3A_53, %dma_start3A_54] : memref<32x25x80xi32, #tpu.memory_space<hbm>> -> memref<1x25x80xi32, #tpu.memory_space<hbm>>
      %dma_start3A_56 = tpu.memref_squeeze %dma_start3A_55 : memref<1x25x80xi32, #tpu.memory_space<hbm>> -> memref<25x80xi32, #tpu.memory_space<hbm>>
      %dma_start3A_57 = arith.constant 0 : i32
      %dma_start3A_58 = arith.constant 0 : i32
      %dma_start3A_59 = tpu.memref_slice %arg3[%add3A, %dma_start3A_57, %dma_start3A_58] : memref<32x25x80xi32, #tpu.memory_space<hbm>> -> memref<1x25x80xi32, #tpu.memory_space<hbm>>
      %dma_start3A_60 = tpu.memref_squeeze %dma_start3A_59 : memref<1x25x80xi32, #tpu.memory_space<hbm>> -> memref<25x80xi32, #tpu.memory_space<hbm>>
      tpu.enqueue_dma source(%dma_start3A_60 : memref<25x80xi32, #tpu.memory_space<hbm>>) target(%arg5 : memref<25x80xi32, #tpu.memory_space<vmem>>) target_semaphore(%run_scoped3A : memref<!tpu.dma_semaphore, #tpu.memory_space<semaphore_mem>>)
      %dma_wait3A_61 = arith.constant 0 : i32
      %dma_wait3A_62 = arith.constant 0 : i32
      %dma_wait3A_63 = tpu.memref_slice %arg3[%add3A, %dma_wait3A_61, %dma_wait3A_62] : memref<32x25x80xi32, #tpu.memory_space<hbm>> -> memref<1x25x80xi32, #tpu.memory_space<hbm>>
      %dma_wait3A_64 = tpu.memref_squeeze %dma_wait3A_63 : memref<1x25x80xi32, #tpu.memory_space<hbm>> -> memref<25x80xi32, #tpu.memory_space<hbm>>
      %dma_wait3A_65 = arith.constant 0 : i32
      %dma_wait3A_66 = arith.constant 0 : i32
      %dma_wait3A_67 = tpu.memref_slice %arg3[%add3A, %dma_wait3A_65, %dma_wait3A_66] : memref<32x25x80xi32, #tpu.memory_space<hbm>> -> memref<1x25x80xi32, #tpu.memory_space<hbm>>
      %dma_wait3A_68 = tpu.memref_squeeze %dma_wait3A_67 : memref<1x25x80xi32, #tpu.memory_space<hbm>> -> memref<25x80xi32, #tpu.memory_space<hbm>>
      tpu.wait_dma2 semaphore(%run_scoped3A : memref<!tpu.dma_semaphore, #tpu.memory_space<semaphore_mem>>) src(%dma_wait3A_68 : memref<25x80xi32, #tpu.memory_space<hbm>>) dst(%arg5 : memref<25x80xi32, #tpu.memory_space<vmem>>)
      tpu.yield
    }) : () -> ()
    %dma_start3A = arith.constant 0 : i32
    %dma_start3A_3 = arith.constant 0 : i32
    %dma_start3A_4 = arith.constant 0 : i32
    %dma_start3A_5 = arith.constant 0 : i32
    %dma_start3A_6 = arith.constant 0 : i32
    %dma_start3A_7 = tpu.memref_slice %arg6[%dma_start3A_3, %dma_start3A_5, %dma_start3A_6] : memref<2x80x128xf32, #tpu.memory_space<vmem>> -> memref<1x80x128xf32, #tpu.memory_space<vmem>>
    %dma_start3A_8 = tpu.memref_squeeze %dma_start3A_7 : memref<1x80x128xf32, #tpu.memory_space<vmem>> -> memref<80x128xf32, #tpu.memory_space<vmem>>
    %dma_start3A_9 = arith.constant 0 : i32
    %dma_start3A_10 = tpu.memref_slice %arg5[%dma_start3A, %dma_start3A_9] : memref<25x80xi32, #tpu.memory_space<vmem>> -> memref<1x80xi32, #tpu.memory_space<vmem>>
    %dma_start3A_11 = tpu.memref_squeeze %dma_start3A_10 : memref<1x80xi32, #tpu.memory_space<vmem>> -> memref<80xi32, #tpu.memory_space<vmem>>
    %dma_start3A_12 = arith.constant 0 : i32
    %dma_start3A_13 = arith.constant 0 : i32
    %dma_start3A_14 = tpu.memref_slice %arg2[%dma_start3A_12, %dma_start3A_13] : memref<10000x128xf32, #tpu.memory_space<hbm>> -> memref<10000x128xf32, #tpu.memory_space<hbm>>
    %dma_start3A_15 = tpu.memref_slice %arg7[%dma_start3A_4] : memref<2x!tpu.dma_semaphore, #tpu.memory_space<semaphore_mem>> -> memref<1x!tpu.dma_semaphore, #tpu.memory_space<semaphore_mem>>
    %dma_start3A_16 = tpu.memref_squeeze %dma_start3A_15 : memref<1x!tpu.dma_semaphore, #tpu.memory_space<semaphore_mem>> -> memref<!tpu.dma_semaphore, #tpu.memory_space<semaphore_mem>>
    tpu.enqueue_indirect_dma source(%dma_start3A_14 : memref<10000x128xf32, #tpu.memory_space<hbm>>) target(%dma_start3A_8 : memref<80x128xf32, #tpu.memory_space<vmem>>) offsets(%dma_start3A_11 : memref<80xi32, #tpu.memory_space<vmem>>) semaphore(%dma_start3A_16 : memref<!tpu.dma_semaphore, #tpu.memory_space<semaphore_mem>>)
    %scan3A = arith.constant 0 : i32
    %scan3A_17 = arith.constant 0 : i32
    %scan3A_18 = arith.constant 25 : i32
    %scan3A_19 = arith.addi %scan3A_17, %scan3A_18 : i32
    %scan3A_20 = arith.constant 1 : i32
    scf.for %scan3A_53 = %scan3A_17 to %scan3A_19 step %scan3A_20  : i32 {
      %jit3A = arith.constant 2 : i32
      %eq3A = arith.constant 0 : i32
      %eq3A_54 = arith.cmpi eq, %jit3A, %eq3A : i32
      %jit3A_55 = arith.constant 1 : i32
      %select_n3A = arith.select %eq3A_54, %jit3A_55, %jit3A : i32
      %rem3A = arith.remsi %scan3A_53, %select_n3A : i32
      %ne3A = arith.constant 0 : i32
      %ne3A_56 = arith.cmpi ne, %rem3A, %ne3A : i32
      %lt3A = arith.constant 0 : i32
      %lt3A_57 = arith.cmpi slt, %rem3A, %lt3A : i32
      %lt3A_58 = arith.constant 0 : i32
      %lt3A_59 = arith.cmpi slt, %select_n3A, %lt3A_58 : i32
      %ne3A_60 = arith.xori %lt3A_57, %lt3A_59 : i1
      %and3A = arith.andi %ne3A_60, %ne3A_56 : i1
      %add3A_61 = arith.addi %rem3A, %select_n3A : i32
      %select_n3A_62 = arith.select %and3A, %add3A_61, %rem3A : i32
      %sub3A = arith.constant 1 : i32
      %sub3A_63 = arith.subi %sub3A, %select_n3A_62 : i32
      %add3A_64 = arith.constant 1 : i32
      %add3A_65 = arith.addi %scan3A_53, %add3A_64 : i32
      %lt3A_66 = arith.constant 25 : i32
      %lt3A_67 = arith.cmpi slt, %add3A_65, %lt3A_66 : i32
      %convert_element_type3A = arith.extui %lt3A_67 : i1 to i32
      %cond3A = arith.constant 0 : i32
      %cond3A_68 = arith.cmpi ne, %convert_element_type3A, %cond3A : i32
      scf.if %cond3A_68 {
        %ge3A = arith.constant 1 : i32
        %ge3A_102 = arith.cmpi sge, %scan3A_53, %ge3A : i32
        %convert_element_type3A_103 = arith.extui %ge3A_102 : i1 to i32
        %cond3A_104 = arith.constant 0 : i32
        %cond3A_105 = arith.cmpi ne, %convert_element_type3A_103, %cond3A_104 : i32
        scf.if %cond3A_105 {
          %dma_wait3A_120 = arith.constant 0 : i32
          %dma_wait3A_121 = arith.constant 0 : i32
          %dma_wait3A_122 = tpu.memref_slice %arg6[%sub3A_63, %dma_wait3A_120, %dma_wait3A_121] : memref<2x80x128xf32, #tpu.memory_space<vmem>> -> memref<1x80x128xf32, #tpu.memory_space<vmem>>
          %dma_wait3A_123 = tpu.memref_squeeze %dma_wait3A_122 : memref<1x80x128xf32, #tpu.memory_space<vmem>> -> memref<80x128xf32, #tpu.memory_space<vmem>>
          %dma_wait3A_124 = arith.constant 0 : i32
          %dma_wait3A_125 = tpu.memref_slice %arg4[%mul3A_2, %dma_wait3A_124] : memref<64000x128xf32, #tpu.memory_space<hbm>> -> memref<80x128xf32, #tpu.memory_space<hbm>>
          %dma_wait3A_126 = tpu.memref_slice %arg8[%sub3A_63] : memref<2x!tpu.dma_semaphore, #tpu.memory_space<semaphore_mem>> -> memref<1x!tpu.dma_semaphore, #tpu.memory_space<semaphore_mem>>
          %dma_wait3A_127 = tpu.memref_squeeze %dma_wait3A_126 : memref<1x!tpu.dma_semaphore, #tpu.memory_space<semaphore_mem>> -> memref<!tpu.dma_semaphore, #tpu.memory_space<semaphore_mem>>
          %dma_wait3A_128 = arith.constant 0 : i32
          %dma_wait3A_129 = tpu.memref_slice %arg4[%mul3A_2, %dma_wait3A_128] : memref<64000x128xf32, #tpu.memory_space<hbm>> -> memref<80x128xf32, #tpu.memory_space<hbm>>
          %dma_wait3A_130 = arith.constant 0 : i32
          %dma_wait3A_131 = arith.constant 0 : i32
          %dma_wait3A_132 = tpu.memref_slice %arg6[%sub3A_63, %dma_wait3A_130, %dma_wait3A_131] : memref<2x80x128xf32, #tpu.memory_space<vmem>> -> memref<1x80x128xf32, #tpu.memory_space<vmem>>
          %dma_wait3A_133 = tpu.memref_squeeze %dma_wait3A_132 : memref<1x80x128xf32, #tpu.memory_space<vmem>> -> memref<80x128xf32, #tpu.memory_space<vmem>>
          tpu.wait_dma2 semaphore(%dma_wait3A_127 : memref<!tpu.dma_semaphore, #tpu.memory_space<semaphore_mem>>) src(%dma_wait3A_133 : memref<80x128xf32, #tpu.memory_space<vmem>>) dst(%dma_wait3A_129 : memref<80x128xf32, #tpu.memory_space<hbm>>)
        } else {
        }
        %add3A_106 = arith.constant 1 : i32
        %add3A_107 = arith.addi %scan3A_53, %add3A_106 : i32
        %dma_start3A_108 = arith.constant 0 : i32
        %dma_start3A_109 = arith.constant 0 : i32
        %dma_start3A_110 = tpu.memref_slice %arg6[%sub3A_63, %dma_start3A_108, %dma_start3A_109] : memref<2x80x128xf32, #tpu.memory_space<vmem>> -> memref<1x80x128xf32, #tpu.memory_space<vmem>>
        %dma_start3A_111 = tpu.memref_squeeze %dma_start3A_110 : memref<1x80x128xf32, #tpu.memory_space<vmem>> -> memref<80x128xf32, #tpu.memory_space<vmem>>
        %dma_start3A_112 = arith.constant 0 : i32
        %dma_start3A_113 = tpu.memref_slice %arg5[%add3A_107, %dma_start3A_112] : memref<25x80xi32, #tpu.memory_space<vmem>> -> memref<1x80xi32, #tpu.memory_space<vmem>>
        %dma_start3A_114 = tpu.memref_squeeze %dma_start3A_113 : memref<1x80xi32, #tpu.memory_space<vmem>> -> memref<80xi32, #tpu.memory_space<vmem>>
        %dma_start3A_115 = arith.constant 0 : i32
        %dma_start3A_116 = arith.constant 0 : i32
        %dma_start3A_117 = tpu.memref_slice %arg2[%dma_start3A_115, %dma_start3A_116] : memref<10000x128xf32, #tpu.memory_space<hbm>> -> memref<10000x128xf32, #tpu.memory_space<hbm>>
        %dma_start3A_118 = tpu.memref_slice %arg7[%sub3A_63] : memref<2x!tpu.dma_semaphore, #tpu.memory_space<semaphore_mem>> -> memref<1x!tpu.dma_semaphore, #tpu.memory_space<semaphore_mem>>
        %dma_start3A_119 = tpu.memref_squeeze %dma_start3A_118 : memref<1x!tpu.dma_semaphore, #tpu.memory_space<semaphore_mem>> -> memref<!tpu.dma_semaphore, #tpu.memory_space<semaphore_mem>>
        tpu.enqueue_indirect_dma source(%dma_start3A_117 : memref<10000x128xf32, #tpu.memory_space<hbm>>) target(%dma_start3A_111 : memref<80x128xf32, #tpu.memory_space<vmem>>) offsets(%dma_start3A_114 : memref<80xi32, #tpu.memory_space<vmem>>) semaphore(%dma_start3A_119 : memref<!tpu.dma_semaphore, #tpu.memory_space<semaphore_mem>>)
      } else {
      }
      %dma_wait3A_69 = arith.constant 0 : i32
      %dma_wait3A_70 = arith.constant 0 : i32
      %dma_wait3A_71 = tpu.memref_slice %arg6[%select_n3A_62, %dma_wait3A_69, %dma_wait3A_70] : memref<2x80x128xf32, #tpu.memory_space<vmem>> -> memref<1x80x128xf32, #tpu.memory_space<vmem>>
      %dma_wait3A_72 = tpu.memref_squeeze %dma_wait3A_71 : memref<1x80x128xf32, #tpu.memory_space<vmem>> -> memref<80x128xf32, #tpu.memory_space<vmem>>
      %dma_wait3A_73 = arith.constant 0 : i32
      %dma_wait3A_74 = arith.constant 0 : i32
      %dma_wait3A_75 = tpu.memref_slice %arg2[%dma_wait3A_73, %dma_wait3A_74] : memref<10000x128xf32, #tpu.memory_space<hbm>> -> memref<80x128xf32, #tpu.memory_space<hbm>>
      %dma_wait3A_76 = tpu.memref_slice %arg7[%select_n3A_62] : memref<2x!tpu.dma_semaphore, #tpu.memory_space<semaphore_mem>> -> memref<1x!tpu.dma_semaphore, #tpu.memory_space<semaphore_mem>>
      %dma_wait3A_77 = tpu.memref_squeeze %dma_wait3A_76 : memref<1x!tpu.dma_semaphore, #tpu.memory_space<semaphore_mem>> -> memref<!tpu.dma_semaphore, #tpu.memory_space<semaphore_mem>>
      %dma_wait3A_78 = arith.constant 0 : i32
      %dma_wait3A_79 = arith.constant 0 : i32
      %dma_wait3A_80 = tpu.memref_slice %arg6[%select_n3A_62, %dma_wait3A_78, %dma_wait3A_79] : memref<2x80x128xf32, #tpu.memory_space<vmem>> -> memref<1x80x128xf32, #tpu.memory_space<vmem>>
      %dma_wait3A_81 = tpu.memref_squeeze %dma_wait3A_80 : memref<1x80x128xf32, #tpu.memory_space<vmem>> -> memref<80x128xf32, #tpu.memory_space<vmem>>
      %dma_wait3A_82 = arith.constant 0 : i32
      %dma_wait3A_83 = arith.constant 0 : i32
      %dma_wait3A_84 = tpu.memref_slice %arg2[%dma_wait3A_82, %dma_wait3A_83] : memref<10000x128xf32, #tpu.memory_space<hbm>> -> memref<80x128xf32, #tpu.memory_space<hbm>>
      tpu.wait_dma2 semaphore(%dma_wait3A_77 : memref<!tpu.dma_semaphore, #tpu.memory_space<semaphore_mem>>) src(%dma_wait3A_84 : memref<80x128xf32, #tpu.memory_space<hbm>>) dst(%dma_wait3A_81 : memref<80x128xf32, #tpu.memory_space<vmem>>)
      %mul3A_85 = arith.constant 80 : i32
      %mul3A_86 = arith.muli %scan3A_53, %mul3A_85 : i32
      %add3A_87 = arith.addi %mul3A_2, %mul3A_86 : i32
      %dma_start3A_88 = arith.constant 0 : i32
      %dma_start3A_89 = arith.constant 0 : i32
      %dma_start3A_90 = tpu.memref_slice %arg6[%select_n3A_62, %dma_start3A_88, %dma_start3A_89] : memref<2x80x128xf32, #tpu.memory_space<vmem>> -> memref<1x80x128xf32, #tpu.memory_space<vmem>>
      %dma_start3A_91 = tpu.memref_squeeze %dma_start3A_90 : memref<1x80x128xf32, #tpu.memory_space<vmem>> -> memref<80x128xf32, #tpu.memory_space<vmem>>
      %dma_start3A_92 = arith.constant 0 : i32
      %dma_start3A_93 = tpu.memref_slice %arg4[%add3A_87, %dma_start3A_92] : memref<64000x128xf32, #tpu.memory_space<hbm>> -> memref<80x128xf32, #tpu.memory_space<hbm>>
      %dma_start3A_94 = tpu.memref_slice %arg8[%select_n3A_62] : memref<2x!tpu.dma_semaphore, #tpu.memory_space<semaphore_mem>> -> memref<1x!tpu.dma_semaphore, #tpu.memory_space<semaphore_mem>>
      %dma_start3A_95 = tpu.memref_squeeze %dma_start3A_94 : memref<1x!tpu.dma_semaphore, #tpu.memory_space<semaphore_mem>> -> memref<!tpu.dma_semaphore, #tpu.memory_space<semaphore_mem>>
      %dma_start3A_96 = arith.constant 0 : i32
      %dma_start3A_97 = tpu.memref_slice %arg4[%add3A_87, %dma_start3A_96] : memref<64000x128xf32, #tpu.memory_space<hbm>> -> memref<80x128xf32, #tpu.memory_space<hbm>>
      %dma_start3A_98 = arith.constant 0 : i32
      %dma_start3A_99 = arith.constant 0 : i32
      %dma_start3A_100 = tpu.memref_slice %arg6[%select_n3A_62, %dma_start3A_98, %dma_start3A_99] : memref<2x80x128xf32, #tpu.memory_space<vmem>> -> memref<1x80x128xf32, #tpu.memory_space<vmem>>
      %dma_start3A_101 = tpu.memref_squeeze %dma_start3A_100 : memref<1x80x128xf32, #tpu.memory_space<vmem>> -> memref<80x128xf32, #tpu.memory_space<vmem>>
      tpu.enqueue_dma source(%dma_start3A_101 : memref<80x128xf32, #tpu.memory_space<vmem>>) target(%dma_start3A_97 : memref<80x128xf32, #tpu.memory_space<hbm>>) target_semaphore(%dma_start3A_95 : memref<!tpu.dma_semaphore, #tpu.memory_space<semaphore_mem>>)
    }
    %scan3A_21 = arith.constant 25 : i32
    %dma_wait3A = arith.constant 0 : i32
    %dma_wait3A_22 = arith.constant 0 : i32
    %dma_wait3A_23 = arith.constant 0 : i32
    %dma_wait3A_24 = arith.constant 0 : i32
    %dma_wait3A_25 = tpu.memref_slice %arg6[%dma_wait3A, %dma_wait3A_23, %dma_wait3A_24] : memref<2x80x128xf32, #tpu.memory_space<vmem>> -> memref<1x80x128xf32, #tpu.memory_space<vmem>>
    %dma_wait3A_26 = tpu.memref_squeeze %dma_wait3A_25 : memref<1x80x128xf32, #tpu.memory_space<vmem>> -> memref<80x128xf32, #tpu.memory_space<vmem>>
    %dma_wait3A_27 = arith.constant 0 : i32
    %dma_wait3A_28 = tpu.memref_slice %arg4[%mul3A_2, %dma_wait3A_27] : memref<64000x128xf32, #tpu.memory_space<hbm>> -> memref<80x128xf32, #tpu.memory_space<hbm>>
    %dma_wait3A_29 = tpu.memref_slice %arg8[%dma_wait3A_22] : memref<2x!tpu.dma_semaphore, #tpu.memory_space<semaphore_mem>> -> memref<1x!tpu.dma_semaphore, #tpu.memory_space<semaphore_mem>>
    %dma_wait3A_30 = tpu.memref_squeeze %dma_wait3A_29 : memref<1x!tpu.dma_semaphore, #tpu.memory_space<semaphore_mem>> -> memref<!tpu.dma_semaphore, #tpu.memory_space<semaphore_mem>>
    %dma_wait3A_31 = arith.constant 0 : i32
    %dma_wait3A_32 = tpu.memref_slice %arg4[%mul3A_2, %dma_wait3A_31] : memref<64000x128xf32, #tpu.memory_space<hbm>> -> memref<80x128xf32, #tpu.memory_space<hbm>>
    %dma_wait3A_33 = arith.constant 0 : i32
    %dma_wait3A_34 = arith.constant 0 : i32
    %dma_wait3A_35 = tpu.memref_slice %arg6[%dma_wait3A, %dma_wait3A_33, %dma_wait3A_34] : memref<2x80x128xf32, #tpu.memory_space<vmem>> -> memref<1x80x128xf32, #tpu.memory_space<vmem>>
    %dma_wait3A_36 = tpu.memref_squeeze %dma_wait3A_35 : memref<1x80x128xf32, #tpu.memory_space<vmem>> -> memref<80x128xf32, #tpu.memory_space<vmem>>
    tpu.wait_dma2 semaphore(%dma_wait3A_30 : memref<!tpu.dma_semaphore, #tpu.memory_space<semaphore_mem>>) src(%dma_wait3A_36 : memref<80x128xf32, #tpu.memory_space<vmem>>) dst(%dma_wait3A_32 : memref<80x128xf32, #tpu.memory_space<hbm>>)
    %dma_wait3A_37 = arith.constant 1 : i32
    %dma_wait3A_38 = arith.constant 1 : i32
    %dma_wait3A_39 = arith.constant 0 : i32
    %dma_wait3A_40 = arith.constant 0 : i32
    %dma_wait3A_41 = tpu.memref_slice %arg6[%dma_wait3A_37, %dma_wait3A_39, %dma_wait3A_40] : memref<2x80x128xf32, #tpu.memory_space<vmem>> -> memref<1x80x128xf32, #tpu.memory_space<vmem>>
    %dma_wait3A_42 = tpu.memref_squeeze %dma_wait3A_41 : memref<1x80x128xf32, #tpu.memory_space<vmem>> -> memref<80x128xf32, #tpu.memory_space<vmem>>
    %dma_wait3A_43 = arith.constant 0 : i32
    %dma_wait3A_44 = tpu.memref_slice %arg4[%mul3A_2, %dma_wait3A_43] : memref<64000x128xf32, #tpu.memory_space<hbm>> -> memref<80x128xf32, #tpu.memory_space<hbm>>
    %dma_wait3A_45 = tpu.memref_slice %arg8[%dma_wait3A_38] : memref<2x!tpu.dma_semaphore, #tpu.memory_space<semaphore_mem>> -> memref<1x!tpu.dma_semaphore, #tpu.memory_space<semaphore_mem>>
    %dma_wait3A_46 = tpu.memref_squeeze %dma_wait3A_45 : memref<1x!tpu.dma_semaphore, #tpu.memory_space<semaphore_mem>> -> memref<!tpu.dma_semaphore, #tpu.memory_space<semaphore_mem>>
    %dma_wait3A_47 = arith.constant 0 : i32
    %dma_wait3A_48 = tpu.memref_slice %arg4[%mul3A_2, %dma_wait3A_47] : memref<64000x128xf32, #tpu.memory_space<hbm>> -> memref<80x128xf32, #tpu.memory_space<hbm>>
    %dma_wait3A_49 = arith.constant 0 : i32
    %dma_wait3A_50 = arith.constant 0 : i32
    %dma_wait3A_51 = tpu.memref_slice %arg6[%dma_wait3A_37, %dma_wait3A_49, %dma_wait3A_50] : memref<2x80x128xf32, #tpu.memory_space<vmem>> -> memref<1x80x128xf32, #tpu.memory_space<vmem>>
    %dma_wait3A_52 = tpu.memref_squeeze %dma_wait3A_51 : memref<1x80x128xf32, #tpu.memory_space<vmem>> -> memref<80x128xf32, #tpu.memory_space<vmem>>
    tpu.wait_dma2 semaphore(%dma_wait3A_46 : memref<!tpu.dma_semaphore, #tpu.memory_space<semaphore_mem>>) src(%dma_wait3A_52 : memref<80x128xf32, #tpu.memory_space<vmem>>) dst(%dma_wait3A_48 : memref<80x128xf32, #tpu.memory_space<hbm>>)
    return
  }
}

#map = affine_map<(d0, d1) -> (0, 0)>
#map1 = affine_map<(d0, d1) -> (0, 0, 0)>
module attributes {stable_mosaic.version = 14 : i64} {
  func.func @_scatter_k(%arg0: i32, %arg1: i32, %arg2: memref<64000x128xf32, #tpu.memory_space<hbm>>, %arg3: memref<32x25x80xi32, #tpu.memory_space<hbm>>, %arg4: memref<640x128xf32, #tpu.memory_space<hbm>>, %arg5: memref<2x10240x128xf32, #tpu.memory_space<hbm>>, %arg6: memref<25x80xi32, #tpu.memory_space<vmem>>, %arg7: memref<2x80x128xf32, #tpu.memory_space<vmem>>, %arg8: memref<10240x128xf32, #tpu.memory_space<vmem_shared>>, %arg9: memref<2x!tpu.dma_semaphore, #tpu.memory_space<semaphore_mem>>, %arg10: memref<2x!tpu.dma_semaphore, #tpu.memory_space<semaphore_mem>>) attributes {dimension_semantics = [#tpu.dimension_semantics<core_parallel>, #tpu.dimension_semantics<subcore_parallel>], iteration_bounds = array<i64: 2, 16>, scalar_prefetch = 0 : i64, scratch_operands = 5 : i64, tpu.core_type = #tpu.core_type<sc_vector_subcore>, window_params = [{transform_indices = #map}, {transform_indices = #map1}, {transform_indices = #map}, {transform_indices = #map1}]} {
    %mul3A = arith.constant 2 : i32
    %mul3A_0 = arith.muli %arg1, %mul3A : i32
    %add3A = arith.addi %mul3A_0, %arg0 : i32
    %mul3A_1 = arith.constant 2000 : i32
    %mul3A_2 = arith.muli %add3A, %mul3A_1 : i32
    %mul3A_3 = arith.constant 640 : i32
    %mul3A_4 = arith.muli %arg1, %mul3A_3 : i32
    "tpu.region"() ({
      %run_scoped3A = tpu.sem_alloc : memref<!tpu.dma_semaphore, #tpu.memory_space<semaphore_mem>>
      %dma_start3A_30 = arith.constant 0 : i32
      %dma_start3A_31 = tpu.memref_slice %arg8[%mul3A_4, %dma_start3A_30] : memref<10240x128xf32, #tpu.memory_space<vmem_shared>> -> memref<640x128xf32, #tpu.memory_space<vmem_shared>>
      tpu.enqueue_dma source(%arg4 : memref<640x128xf32, #tpu.memory_space<hbm>>) target(%dma_start3A_31 : memref<640x128xf32, #tpu.memory_space<vmem_shared>>) target_semaphore(%run_scoped3A : memref<!tpu.dma_semaphore, #tpu.memory_space<semaphore_mem>>)
      %dma_wait3A = arith.constant 0 : i32
      %dma_wait3A_32 = tpu.memref_slice %arg8[%mul3A_4, %dma_wait3A] : memref<10240x128xf32, #tpu.memory_space<vmem_shared>> -> memref<640x128xf32, #tpu.memory_space<vmem_shared>>
      tpu.wait_dma2 semaphore(%run_scoped3A : memref<!tpu.dma_semaphore, #tpu.memory_space<semaphore_mem>>) src(%arg4 : memref<640x128xf32, #tpu.memory_space<hbm>>) dst(%dma_wait3A_32 : memref<640x128xf32, #tpu.memory_space<vmem_shared>>)
      tpu.yield
    }) : () -> ()
    "tpu.region"() ({
      %run_scoped3A = tpu.sem_alloc : memref<!tpu.dma_semaphore, #tpu.memory_space<semaphore_mem>>
      %dma_start3A_30 = arith.constant 0 : i32
      %dma_start3A_31 = arith.constant 0 : i32
      %dma_start3A_32 = tpu.memref_slice %arg3[%add3A, %dma_start3A_30, %dma_start3A_31] : memref<32x25x80xi32, #tpu.memory_space<hbm>> -> memref<1x25x80xi32, #tpu.memory_space<hbm>>
      %dma_start3A_33 = tpu.memref_squeeze %dma_start3A_32 : memref<1x25x80xi32, #tpu.memory_space<hbm>> -> memref<25x80xi32, #tpu.memory_space<hbm>>
      %dma_start3A_34 = arith.constant 0 : i32
      %dma_start3A_35 = arith.constant 0 : i32
      %dma_start3A_36 = tpu.memref_slice %arg3[%add3A, %dma_start3A_34, %dma_start3A_35] : memref<32x25x80xi32, #tpu.memory_space<hbm>> -> memref<1x25x80xi32, #tpu.memory_space<hbm>>
      %dma_start3A_37 = tpu.memref_squeeze %dma_start3A_36 : memref<1x25x80xi32, #tpu.memory_space<hbm>> -> memref<25x80xi32, #tpu.memory_space<hbm>>
      tpu.enqueue_dma source(%dma_start3A_37 : memref<25x80xi32, #tpu.memory_space<hbm>>) target(%arg6 : memref<25x80xi32, #tpu.memory_space<vmem>>) target_semaphore(%run_scoped3A : memref<!tpu.dma_semaphore, #tpu.memory_space<semaphore_mem>>)
      %dma_wait3A = arith.constant 0 : i32
      %dma_wait3A_38 = arith.constant 0 : i32
      %dma_wait3A_39 = tpu.memref_slice %arg3[%add3A, %dma_wait3A, %dma_wait3A_38] : memref<32x25x80xi32, #tpu.memory_space<hbm>> -> memref<1x25x80xi32, #tpu.memory_space<hbm>>
      %dma_wait3A_40 = tpu.memref_squeeze %dma_wait3A_39 : memref<1x25x80xi32, #tpu.memory_space<hbm>> -> memref<25x80xi32, #tpu.memory_space<hbm>>
      %dma_wait3A_41 = arith.constant 0 : i32
      %dma_wait3A_42 = arith.constant 0 : i32
      %dma_wait3A_43 = tpu.memref_slice %arg3[%add3A, %dma_wait3A_41, %dma_wait3A_42] : memref<32x25x80xi32, #tpu.memory_space<hbm>> -> memref<1x25x80xi32, #tpu.memory_space<hbm>>
      %dma_wait3A_44 = tpu.memref_squeeze %dma_wait3A_43 : memref<1x25x80xi32, #tpu.memory_space<hbm>> -> memref<25x80xi32, #tpu.memory_space<hbm>>
      tpu.wait_dma2 semaphore(%run_scoped3A : memref<!tpu.dma_semaphore, #tpu.memory_space<semaphore_mem>>) src(%dma_wait3A_44 : memref<25x80xi32, #tpu.memory_space<hbm>>) dst(%arg6 : memref<25x80xi32, #tpu.memory_space<vmem>>)
      tpu.yield
    }) : () -> ()
    %barrier3A = arith.constant 0 : index
    tpu.barrier barrier_id(%barrier3A)
    %dma_start3A = arith.constant 0 : i32
    %dma_start3A_5 = arith.constant 0 : i32
    %dma_start3A_6 = arith.constant 0 : i32
    %dma_start3A_7 = arith.constant 0 : i32
    %dma_start3A_8 = tpu.memref_slice %arg7[%dma_start3A, %dma_start3A_6, %dma_start3A_7] : memref<2x80x128xf32, #tpu.memory_space<vmem>> -> memref<1x80x128xf32, #tpu.memory_space<vmem>>
    %dma_start3A_9 = tpu.memref_squeeze %dma_start3A_8 : memref<1x80x128xf32, #tpu.memory_space<vmem>> -> memref<80x128xf32, #tpu.memory_space<vmem>>
    %dma_start3A_10 = arith.constant 0 : i32
    %dma_start3A_11 = tpu.memref_slice %arg2[%mul3A_2, %dma_start3A_10] : memref<64000x128xf32, #tpu.memory_space<hbm>> -> memref<80x128xf32, #tpu.memory_space<hbm>>
    %dma_start3A_12 = tpu.memref_slice %arg9[%dma_start3A_5] : memref<2x!tpu.dma_semaphore, #tpu.memory_space<semaphore_mem>> -> memref<1x!tpu.dma_semaphore, #tpu.memory_space<semaphore_mem>>
    %dma_start3A_13 = tpu.memref_squeeze %dma_start3A_12 : memref<1x!tpu.dma_semaphore, #tpu.memory_space<semaphore_mem>> -> memref<!tpu.dma_semaphore, #tpu.memory_space<semaphore_mem>>
    %dma_start3A_14 = arith.constant 0 : i32
    %dma_start3A_15 = arith.constant 0 : i32
    %dma_start3A_16 = tpu.memref_slice %arg7[%dma_start3A, %dma_start3A_14, %dma_start3A_15] : memref<2x80x128xf32, #tpu.memory_space<vmem>> -> memref<1x80x128xf32, #tpu.memory_space<vmem>>
    %dma_start3A_17 = tpu.memref_squeeze %dma_start3A_16 : memref<1x80x128xf32, #tpu.memory_space<vmem>> -> memref<80x128xf32, #tpu.memory_space<vmem>>
    %dma_start3A_18 = arith.constant 0 : i32
    %dma_start3A_19 = tpu.memref_slice %arg2[%mul3A_2, %dma_start3A_18] : memref<64000x128xf32, #tpu.memory_space<hbm>> -> memref<80x128xf32, #tpu.memory_space<hbm>>
    tpu.enqueue_dma source(%dma_start3A_19 : memref<80x128xf32, #tpu.memory_space<hbm>>) target(%dma_start3A_17 : memref<80x128xf32, #tpu.memory_space<vmem>>) target_semaphore(%dma_start3A_13 : memref<!tpu.dma_semaphore, #tpu.memory_space<semaphore_mem>>)
    %scan3A = arith.constant 0 : i32
    %scan3A_20 = arith.constant 0 : i32
    %scan3A_21 = arith.constant 25 : i32
    %scan3A_22 = arith.addi %scan3A_20, %scan3A_21 : i32
    %scan3A_23 = arith.constant 1 : i32
    scf.for %scan3A_30 = %scan3A_20 to %scan3A_22 step %scan3A_23  : i32 {
      %jit3A = arith.constant 2 : i32
      %eq3A = arith.constant 0 : i32
      %eq3A_31 = arith.cmpi eq, %jit3A, %eq3A : i32
      %jit3A_32 = arith.constant 1 : i32
      %select_n3A = arith.select %eq3A_31, %jit3A_32, %jit3A : i32
      %rem3A = arith.remsi %scan3A_30, %select_n3A : i32
      %ne3A = arith.constant 0 : i32
      %ne3A_33 = arith.cmpi ne, %rem3A, %ne3A : i32
      %lt3A = arith.constant 0 : i32
      %lt3A_34 = arith.cmpi slt, %rem3A, %lt3A : i32
      %lt3A_35 = arith.constant 0 : i32
      %lt3A_36 = arith.cmpi slt, %select_n3A, %lt3A_35 : i32
      %ne3A_37 = arith.xori %lt3A_34, %lt3A_36 : i1
      %and3A = arith.andi %ne3A_37, %ne3A_33 : i1
      %add3A_38 = arith.addi %rem3A, %select_n3A : i32
      %select_n3A_39 = arith.select %and3A, %add3A_38, %rem3A : i32
      %sub3A = arith.constant 1 : i32
      %sub3A_40 = arith.subi %sub3A, %select_n3A_39 : i32
      %add3A_41 = arith.constant 1 : i32
      %add3A_42 = arith.addi %scan3A_30, %add3A_41 : i32
      %lt3A_43 = arith.constant 25 : i32
      %lt3A_44 = arith.cmpi slt, %add3A_42, %lt3A_43 : i32
      %convert_element_type3A = arith.extui %lt3A_44 : i1 to i32
      %cond3A = arith.constant 0 : i32
      %cond3A_45 = arith.cmpi ne, %convert_element_type3A, %cond3A : i32
      scf.if %cond3A_45 {
        %add3A_61 = arith.constant 1 : i32
        %add3A_62 = arith.addi %scan3A_30, %add3A_61 : i32
        %mul3A_63 = arith.constant 80 : i32
        %mul3A_64 = arith.muli %add3A_62, %mul3A_63 : i32
        %add3A_65 = arith.addi %mul3A_2, %mul3A_64 : i32
        %dma_start3A_66 = arith.constant 0 : i32
        %dma_start3A_67 = arith.constant 0 : i32
        %dma_start3A_68 = tpu.memref_slice %arg7[%sub3A_40, %dma_start3A_66, %dma_start3A_67] : memref<2x80x128xf32, #tpu.memory_space<vmem>> -> memref<1x80x128xf32, #tpu.memory_space<vmem>>
        %dma_start3A_69 = tpu.memref_squeeze %dma_start3A_68 : memref<1x80x128xf32, #tpu.memory_space<vmem>> -> memref<80x128xf32, #tpu.memory_space<vmem>>
        %dma_start3A_70 = arith.constant 0 : i32
        %dma_start3A_71 = tpu.memref_slice %arg2[%add3A_65, %dma_start3A_70] : memref<64000x128xf32, #tpu.memory_space<hbm>> -> memref<80x128xf32, #tpu.memory_space<hbm>>
        %dma_start3A_72 = tpu.memref_slice %arg9[%sub3A_40] : memref<2x!tpu.dma_semaphore, #tpu.memory_space<semaphore_mem>> -> memref<1x!tpu.dma_semaphore, #tpu.memory_space<semaphore_mem>>
        %dma_start3A_73 = tpu.memref_squeeze %dma_start3A_72 : memref<1x!tpu.dma_semaphore, #tpu.memory_space<semaphore_mem>> -> memref<!tpu.dma_semaphore, #tpu.memory_space<semaphore_mem>>
        %dma_start3A_74 = arith.constant 0 : i32
        %dma_start3A_75 = arith.constant 0 : i32
        %dma_start3A_76 = tpu.memref_slice %arg7[%sub3A_40, %dma_start3A_74, %dma_start3A_75] : memref<2x80x128xf32, #tpu.memory_space<vmem>> -> memref<1x80x128xf32, #tpu.memory_space<vmem>>
        %dma_start3A_77 = tpu.memref_squeeze %dma_start3A_76 : memref<1x80x128xf32, #tpu.memory_space<vmem>> -> memref<80x128xf32, #tpu.memory_space<vmem>>
        %dma_start3A_78 = arith.constant 0 : i32
        %dma_start3A_79 = tpu.memref_slice %arg2[%add3A_65, %dma_start3A_78] : memref<64000x128xf32, #tpu.memory_space<hbm>> -> memref<80x128xf32, #tpu.memory_space<hbm>>
        tpu.enqueue_dma source(%dma_start3A_79 : memref<80x128xf32, #tpu.memory_space<hbm>>) target(%dma_start3A_77 : memref<80x128xf32, #tpu.memory_space<vmem>>) target_semaphore(%dma_start3A_73 : memref<!tpu.dma_semaphore, #tpu.memory_space<semaphore_mem>>)
      } else {
      }
      %dma_wait3A = arith.constant 0 : i32
      %dma_wait3A_46 = arith.constant 0 : i32
      %dma_wait3A_47 = tpu.memref_slice %arg7[%select_n3A_39, %dma_wait3A, %dma_wait3A_46] : memref<2x80x128xf32, #tpu.memory_space<vmem>> -> memref<1x80x128xf32, #tpu.memory_space<vmem>>
      %dma_wait3A_48 = tpu.memref_squeeze %dma_wait3A_47 : memref<1x80x128xf32, #tpu.memory_space<vmem>> -> memref<80x128xf32, #tpu.memory_space<vmem>>
      %dma_wait3A_49 = arith.constant 0 : i32
      %dma_wait3A_50 = arith.constant 0 : i32
      %dma_wait3A_51 = tpu.memref_slice %arg2[%dma_wait3A_49, %dma_wait3A_50] : memref<64000x128xf32, #tpu.memory_space<hbm>> -> memref<80x128xf32, #tpu.memory_space<hbm>>
      %dma_wait3A_52 = tpu.memref_slice %arg9[%select_n3A_39] : memref<2x!tpu.dma_semaphore, #tpu.memory_space<semaphore_mem>> -> memref<1x!tpu.dma_semaphore, #tpu.memory_space<semaphore_mem>>
      %dma_wait3A_53 = tpu.memref_squeeze %dma_wait3A_52 : memref<1x!tpu.dma_semaphore, #tpu.memory_space<semaphore_mem>> -> memref<!tpu.dma_semaphore, #tpu.memory_space<semaphore_mem>>
      %dma_wait3A_54 = arith.constant 0 : i32
      %dma_wait3A_55 = arith.constant 0 : i32
      %dma_wait3A_56 = tpu.memref_slice %arg7[%select_n3A_39, %dma_wait3A_54, %dma_wait3A_55] : memref<2x80x128xf32, #tpu.memory_space<vmem>> -> memref<1x80x128xf32, #tpu.memory_space<vmem>>
      %dma_wait3A_57 = tpu.memref_squeeze %dma_wait3A_56 : memref<1x80x128xf32, #tpu.memory_space<vmem>> -> memref<80x128xf32, #tpu.memory_space<vmem>>
      %dma_wait3A_58 = arith.constant 0 : i32
      %dma_wait3A_59 = arith.constant 0 : i32
      %dma_wait3A_60 = tpu.memref_slice %arg2[%dma_wait3A_58, %dma_wait3A_59] : memref<64000x128xf32, #tpu.memory_space<hbm>> -> memref<80x128xf32, #tpu.memory_space<hbm>>
      tpu.wait_dma2 semaphore(%dma_wait3A_53 : memref<!tpu.dma_semaphore, #tpu.memory_space<semaphore_mem>>) src(%dma_wait3A_60 : memref<80x128xf32, #tpu.memory_space<hbm>>) dst(%dma_wait3A_57 : memref<80x128xf32, #tpu.memory_space<vmem>>)
      "tpu.region"() ({
        %run_scoped3A = tpu.sem_alloc : memref<!tpu.dma_semaphore, #tpu.memory_space<semaphore_mem>>
        %dma_start3A_61 = arith.constant 0 : i32
        %dma_start3A_62 = arith.constant 0 : i32
        %dma_start3A_63 = tpu.memref_slice %arg7[%select_n3A_39, %dma_start3A_61, %dma_start3A_62] : memref<2x80x128xf32, #tpu.memory_space<vmem>> -> memref<1x80x128xf32, #tpu.memory_space<vmem>>
        %dma_start3A_64 = tpu.memref_squeeze %dma_start3A_63 : memref<1x80x128xf32, #tpu.memory_space<vmem>> -> memref<80x128xf32, #tpu.memory_space<vmem>>
        %dma_start3A_65 = arith.constant 0 : i32
        %dma_start3A_66 = tpu.memref_slice %arg6[%scan3A_30, %dma_start3A_65] : memref<25x80xi32, #tpu.memory_space<vmem>> -> memref<1x80xi32, #tpu.memory_space<vmem>>
        %dma_start3A_67 = tpu.memref_squeeze %dma_start3A_66 : memref<1x80xi32, #tpu.memory_space<vmem>> -> memref<80xi32, #tpu.memory_space<vmem>>
        %dma_start3A_68 = arith.constant 0 : i32
        %dma_start3A_69 = arith.constant 0 : i32
        %dma_start3A_70 = tpu.memref_slice %arg8[%dma_start3A_68, %dma_start3A_69] : memref<10240x128xf32, #tpu.memory_space<vmem_shared>> -> memref<10240x128xf32, #tpu.memory_space<vmem_shared>>
        tpu.enqueue_indirect_dma source(%dma_start3A_64 : memref<80x128xf32, #tpu.memory_space<vmem>>) target(%dma_start3A_70 : memref<10240x128xf32, #tpu.memory_space<vmem_shared>>) offsets(%dma_start3A_67 : memref<80xi32, #tpu.memory_space<vmem>>) semaphore(%run_scoped3A : memref<!tpu.dma_semaphore, #tpu.memory_space<semaphore_mem>>) {add = true}
        %dma_wait3A_71 = arith.constant 0 : i32
        %dma_wait3A_72 = arith.constant 0 : i32
        %dma_wait3A_73 = tpu.memref_slice %arg7[%select_n3A_39, %dma_wait3A_71, %dma_wait3A_72] : memref<2x80x128xf32, #tpu.memory_space<vmem>> -> memref<1x80x128xf32, #tpu.memory_space<vmem>>
        %dma_wait3A_74 = tpu.memref_squeeze %dma_wait3A_73 : memref<1x80x128xf32, #tpu.memory_space<vmem>> -> memref<80x128xf32, #tpu.memory_space<vmem>>
        %dma_wait3A_75 = arith.constant 0 : i32
        %dma_wait3A_76 = tpu.memref_slice %arg6[%scan3A_30, %dma_wait3A_75] : memref<25x80xi32, #tpu.memory_space<vmem>> -> memref<1x80xi32, #tpu.memory_space<vmem>>
        %dma_wait3A_77 = tpu.memref_squeeze %dma_wait3A_76 : memref<1x80xi32, #tpu.memory_space<vmem>> -> memref<80xi32, #tpu.memory_space<vmem>>
        %dma_wait3A_78 = arith.constant 0 : i32
        %dma_wait3A_79 = arith.constant 0 : i32
        %dma_wait3A_80 = tpu.memref_slice %arg8[%dma_wait3A_78, %dma_wait3A_79] : memref<10240x128xf32, #tpu.memory_space<vmem_shared>> -> memref<10240x128xf32, #tpu.memory_space<vmem_shared>>
        tpu.wait_indirect_dma semaphore(%run_scoped3A : memref<!tpu.dma_semaphore, #tpu.memory_space<semaphore_mem>>) src(%dma_wait3A_74 : memref<80x128xf32, #tpu.memory_space<vmem>>) dst(%dma_wait3A_80 : memref<10240x128xf32, #tpu.memory_space<vmem_shared>>)
        tpu.yield
      }) : () -> ()
    }
    %scan3A_24 = arith.constant 25 : i32
    %barrier3A_25 = arith.constant 0 : index
    tpu.barrier barrier_id(%barrier3A_25)
    %mul3A_26 = arith.constant 640 : i32
    %mul3A_27 = arith.muli %arg1, %mul3A_26 : i32
    %mul3A_28 = arith.constant 640 : i32
    %mul3A_29 = arith.muli %arg1, %mul3A_28 : i32
    "tpu.region"() ({
      %run_scoped3A = tpu.sem_alloc : memref<!tpu.dma_semaphore, #tpu.memory_space<semaphore_mem>>
      %dma_start3A_30 = arith.constant 0 : i32
      %dma_start3A_31 = arith.constant 0 : i32
      %dma_start3A_32 = tpu.memref_slice %arg5[%arg0, %dma_start3A_30, %dma_start3A_31] : memref<2x10240x128xf32, #tpu.memory_space<hbm>> -> memref<1x10240x128xf32, #tpu.memory_space<hbm>>
      %dma_start3A_33 = tpu.memref_squeeze %dma_start3A_32 : memref<1x10240x128xf32, #tpu.memory_space<hbm>> -> memref<10240x128xf32, #tpu.memory_space<hbm>>
      %dma_start3A_34 = arith.constant 0 : i32
      %dma_start3A_35 = tpu.memref_slice %dma_start3A_33[%mul3A_29, %dma_start3A_34] : memref<10240x128xf32, #tpu.memory_space<hbm>> -> memref<640x128xf32, #tpu.memory_space<hbm>>
      %dma_start3A_36 = arith.constant 0 : i32
      %dma_start3A_37 = tpu.memref_slice %arg8[%mul3A_27, %dma_start3A_36] : memref<10240x128xf32, #tpu.memory_space<vmem_shared>> -> memref<640x128xf32, #tpu.memory_space<vmem_shared>>
      tpu.enqueue_dma source(%dma_start3A_37 : memref<640x128xf32, #tpu.memory_space<vmem_shared>>) target(%dma_start3A_35 : memref<640x128xf32, #tpu.memory_space<hbm>>) target_semaphore(%run_scoped3A : memref<!tpu.dma_semaphore, #tpu.memory_space<semaphore_mem>>)
      %dma_wait3A = arith.constant 0 : i32
      %dma_wait3A_38 = arith.constant 0 : i32
      %dma_wait3A_39 = tpu.memref_slice %arg5[%arg0, %dma_wait3A, %dma_wait3A_38] : memref<2x10240x128xf32, #tpu.memory_space<hbm>> -> memref<1x10240x128xf32, #tpu.memory_space<hbm>>
      %dma_wait3A_40 = tpu.memref_squeeze %dma_wait3A_39 : memref<1x10240x128xf32, #tpu.memory_space<hbm>> -> memref<10240x128xf32, #tpu.memory_space<hbm>>
      %dma_wait3A_41 = arith.constant 0 : i32
      %dma_wait3A_42 = tpu.memref_slice %dma_wait3A_40[%mul3A_29, %dma_wait3A_41] : memref<10240x128xf32, #tpu.memory_space<hbm>> -> memref<640x128xf32, #tpu.memory_space<hbm>>
      %dma_wait3A_43 = arith.constant 0 : i32
      %dma_wait3A_44 = tpu.memref_slice %arg8[%mul3A_27, %dma_wait3A_43] : memref<10240x128xf32, #tpu.memory_space<vmem_shared>> -> memref<640x128xf32, #tpu.memory_space<vmem_shared>>
      tpu.wait_dma2 semaphore(%run_scoped3A : memref<!tpu.dma_semaphore, #tpu.memory_space<semaphore_mem>>) src(%dma_wait3A_44 : memref<640x128xf32, #tpu.memory_space<vmem_shared>>) dst(%dma_wait3A_42 : memref<640x128xf32, #tpu.memory_space<hbm>>)
      tpu.yield
    }) : () -> ()
    return
  }
}

#map = affine_map<(d0, d1) -> (0, 0)>
#map1 = affine_map<(d0, d1) -> (0, 0, 0)>
module attributes {stable_mosaic.version = 14 : i64} {
  func.func @_scatter_k(%arg0: i32, %arg1: i32, %arg2: memref<64000x128xf32, #tpu.memory_space<hbm>>, %arg3: memref<32x25x80xi32, #tpu.memory_space<hbm>>, %arg4: memref<640x128xf32, #tpu.memory_space<hbm>>, %arg5: memref<2x10240x128xf32, #tpu.memory_space<hbm>>, %arg6: memref<25x80xi32, #tpu.memory_space<vmem>>, %arg7: memref<2x80x128xf32, #tpu.memory_space<vmem>>, %arg8: memref<10240x128xf32, #tpu.memory_space<vmem_shared>>, %arg9: memref<2x!tpu.dma_semaphore, #tpu.memory_space<semaphore_mem>>, %arg10: memref<2x!tpu.dma_semaphore, #tpu.memory_space<semaphore_mem>>) attributes {dimension_semantics = [#tpu.dimension_semantics<core_parallel>, #tpu.dimension_semantics<subcore_parallel>], iteration_bounds = array<i64: 2, 16>, scalar_prefetch = 0 : i64, scratch_operands = 5 : i64, tpu.core_type = #tpu.core_type<sc_vector_subcore>, window_params = [{transform_indices = #map}, {transform_indices = #map1}, {transform_indices = #map}, {transform_indices = #map1}]} {
    %mul3A = arith.constant 2 : i32
    %mul3A_0 = arith.muli %arg1, %mul3A : i32
    %add3A = arith.addi %mul3A_0, %arg0 : i32
    %mul3A_1 = arith.constant 2000 : i32
    %mul3A_2 = arith.muli %add3A, %mul3A_1 : i32
    %mul3A_3 = arith.constant 640 : i32
    %mul3A_4 = arith.muli %arg1, %mul3A_3 : i32
    "tpu.region"() ({
      %run_scoped3A = tpu.sem_alloc : memref<!tpu.dma_semaphore, #tpu.memory_space<semaphore_mem>>
      %dma_start3A_30 = arith.constant 0 : i32
      %dma_start3A_31 = tpu.memref_slice %arg8[%mul3A_4, %dma_start3A_30] : memref<10240x128xf32, #tpu.memory_space<vmem_shared>> -> memref<640x128xf32, #tpu.memory_space<vmem_shared>>
      tpu.enqueue_dma source(%arg4 : memref<640x128xf32, #tpu.memory_space<hbm>>) target(%dma_start3A_31 : memref<640x128xf32, #tpu.memory_space<vmem_shared>>) target_semaphore(%run_scoped3A : memref<!tpu.dma_semaphore, #tpu.memory_space<semaphore_mem>>)
      %dma_wait3A = arith.constant 0 : i32
      %dma_wait3A_32 = tpu.memref_slice %arg8[%mul3A_4, %dma_wait3A] : memref<10240x128xf32, #tpu.memory_space<vmem_shared>> -> memref<640x128xf32, #tpu.memory_space<vmem_shared>>
      tpu.wait_dma2 semaphore(%run_scoped3A : memref<!tpu.dma_semaphore, #tpu.memory_space<semaphore_mem>>) src(%arg4 : memref<640x128xf32, #tpu.memory_space<hbm>>) dst(%dma_wait3A_32 : memref<640x128xf32, #tpu.memory_space<vmem_shared>>)
      tpu.yield
    }) : () -> ()
    "tpu.region"() ({
      %run_scoped3A = tpu.sem_alloc : memref<!tpu.dma_semaphore, #tpu.memory_space<semaphore_mem>>
      %dma_start3A_30 = arith.constant 0 : i32
      %dma_start3A_31 = arith.constant 0 : i32
      %dma_start3A_32 = tpu.memref_slice %arg3[%add3A, %dma_start3A_30, %dma_start3A_31] : memref<32x25x80xi32, #tpu.memory_space<hbm>> -> memref<1x25x80xi32, #tpu.memory_space<hbm>>
      %dma_start3A_33 = tpu.memref_squeeze %dma_start3A_32 : memref<1x25x80xi32, #tpu.memory_space<hbm>> -> memref<25x80xi32, #tpu.memory_space<hbm>>
      %dma_start3A_34 = arith.constant 0 : i32
      %dma_start3A_35 = arith.constant 0 : i32
      %dma_start3A_36 = tpu.memref_slice %arg3[%add3A, %dma_start3A_34, %dma_start3A_35] : memref<32x25x80xi32, #tpu.memory_space<hbm>> -> memref<1x25x80xi32, #tpu.memory_space<hbm>>
      %dma_start3A_37 = tpu.memref_squeeze %dma_start3A_36 : memref<1x25x80xi32, #tpu.memory_space<hbm>> -> memref<25x80xi32, #tpu.memory_space<hbm>>
      tpu.enqueue_dma source(%dma_start3A_37 : memref<25x80xi32, #tpu.memory_space<hbm>>) target(%arg6 : memref<25x80xi32, #tpu.memory_space<vmem>>) target_semaphore(%run_scoped3A : memref<!tpu.dma_semaphore, #tpu.memory_space<semaphore_mem>>)
      %dma_wait3A = arith.constant 0 : i32
      %dma_wait3A_38 = arith.constant 0 : i32
      %dma_wait3A_39 = tpu.memref_slice %arg3[%add3A, %dma_wait3A, %dma_wait3A_38] : memref<32x25x80xi32, #tpu.memory_space<hbm>> -> memref<1x25x80xi32, #tpu.memory_space<hbm>>
      %dma_wait3A_40 = tpu.memref_squeeze %dma_wait3A_39 : memref<1x25x80xi32, #tpu.memory_space<hbm>> -> memref<25x80xi32, #tpu.memory_space<hbm>>
      %dma_wait3A_41 = arith.constant 0 : i32
      %dma_wait3A_42 = arith.constant 0 : i32
      %dma_wait3A_43 = tpu.memref_slice %arg3[%add3A, %dma_wait3A_41, %dma_wait3A_42] : memref<32x25x80xi32, #tpu.memory_space<hbm>> -> memref<1x25x80xi32, #tpu.memory_space<hbm>>
      %dma_wait3A_44 = tpu.memref_squeeze %dma_wait3A_43 : memref<1x25x80xi32, #tpu.memory_space<hbm>> -> memref<25x80xi32, #tpu.memory_space<hbm>>
      tpu.wait_dma2 semaphore(%run_scoped3A : memref<!tpu.dma_semaphore, #tpu.memory_space<semaphore_mem>>) src(%dma_wait3A_44 : memref<25x80xi32, #tpu.memory_space<hbm>>) dst(%arg6 : memref<25x80xi32, #tpu.memory_space<vmem>>)
      tpu.yield
    }) : () -> ()
    %barrier3A = arith.constant 0 : index
    tpu.barrier barrier_id(%barrier3A)
    %dma_start3A = arith.constant 0 : i32
    %dma_start3A_5 = arith.constant 0 : i32
    %dma_start3A_6 = arith.constant 0 : i32
    %dma_start3A_7 = arith.constant 0 : i32
    %dma_start3A_8 = tpu.memref_slice %arg7[%dma_start3A, %dma_start3A_6, %dma_start3A_7] : memref<2x80x128xf32, #tpu.memory_space<vmem>> -> memref<1x80x128xf32, #tpu.memory_space<vmem>>
    %dma_start3A_9 = tpu.memref_squeeze %dma_start3A_8 : memref<1x80x128xf32, #tpu.memory_space<vmem>> -> memref<80x128xf32, #tpu.memory_space<vmem>>
    %dma_start3A_10 = arith.constant 0 : i32
    %dma_start3A_11 = tpu.memref_slice %arg2[%mul3A_2, %dma_start3A_10] : memref<64000x128xf32, #tpu.memory_space<hbm>> -> memref<80x128xf32, #tpu.memory_space<hbm>>
    %dma_start3A_12 = tpu.memref_slice %arg9[%dma_start3A_5] : memref<2x!tpu.dma_semaphore, #tpu.memory_space<semaphore_mem>> -> memref<1x!tpu.dma_semaphore, #tpu.memory_space<semaphore_mem>>
    %dma_start3A_13 = tpu.memref_squeeze %dma_start3A_12 : memref<1x!tpu.dma_semaphore, #tpu.memory_space<semaphore_mem>> -> memref<!tpu.dma_semaphore, #tpu.memory_space<semaphore_mem>>
    %dma_start3A_14 = arith.constant 0 : i32
    %dma_start3A_15 = arith.constant 0 : i32
    %dma_start3A_16 = tpu.memref_slice %arg7[%dma_start3A, %dma_start3A_14, %dma_start3A_15] : memref<2x80x128xf32, #tpu.memory_space<vmem>> -> memref<1x80x128xf32, #tpu.memory_space<vmem>>
    %dma_start3A_17 = tpu.memref_squeeze %dma_start3A_16 : memref<1x80x128xf32, #tpu.memory_space<vmem>> -> memref<80x128xf32, #tpu.memory_space<vmem>>
    %dma_start3A_18 = arith.constant 0 : i32
    %dma_start3A_19 = tpu.memref_slice %arg2[%mul3A_2, %dma_start3A_18] : memref<64000x128xf32, #tpu.memory_space<hbm>> -> memref<80x128xf32, #tpu.memory_space<hbm>>
    tpu.enqueue_dma source(%dma_start3A_19 : memref<80x128xf32, #tpu.memory_space<hbm>>) target(%dma_start3A_17 : memref<80x128xf32, #tpu.memory_space<vmem>>) target_semaphore(%dma_start3A_13 : memref<!tpu.dma_semaphore, #tpu.memory_space<semaphore_mem>>)
    %scan3A = arith.constant 0 : i32
    %scan3A_20 = arith.constant 0 : i32
    %scan3A_21 = arith.constant 25 : i32
    %scan3A_22 = arith.addi %scan3A_20, %scan3A_21 : i32
    %scan3A_23 = arith.constant 1 : i32
    scf.for %scan3A_30 = %scan3A_20 to %scan3A_22 step %scan3A_23  : i32 {
      %jit3A = arith.constant 2 : i32
      %eq3A = arith.constant 0 : i32
      %eq3A_31 = arith.cmpi eq, %jit3A, %eq3A : i32
      %jit3A_32 = arith.constant 1 : i32
      %select_n3A = arith.select %eq3A_31, %jit3A_32, %jit3A : i32
      %rem3A = arith.remsi %scan3A_30, %select_n3A : i32
      %ne3A = arith.constant 0 : i32
      %ne3A_33 = arith.cmpi ne, %rem3A, %ne3A : i32
      %lt3A = arith.constant 0 : i32
      %lt3A_34 = arith.cmpi slt, %rem3A, %lt3A : i32
      %lt3A_35 = arith.constant 0 : i32
      %lt3A_36 = arith.cmpi slt, %select_n3A, %lt3A_35 : i32
      %ne3A_37 = arith.xori %lt3A_34, %lt3A_36 : i1
      %and3A = arith.andi %ne3A_37, %ne3A_33 : i1
      %add3A_38 = arith.addi %rem3A, %select_n3A : i32
      %select_n3A_39 = arith.select %and3A, %add3A_38, %rem3A : i32
      %sub3A = arith.constant 1 : i32
      %sub3A_40 = arith.subi %sub3A, %select_n3A_39 : i32
      %add3A_41 = arith.constant 1 : i32
      %add3A_42 = arith.addi %scan3A_30, %add3A_41 : i32
      %lt3A_43 = arith.constant 25 : i32
      %lt3A_44 = arith.cmpi slt, %add3A_42, %lt3A_43 : i32
      %convert_element_type3A = arith.extui %lt3A_44 : i1 to i32
      %cond3A = arith.constant 0 : i32
      %cond3A_45 = arith.cmpi ne, %convert_element_type3A, %cond3A : i32
      scf.if %cond3A_45 {
        %add3A_61 = arith.constant 1 : i32
        %add3A_62 = arith.addi %scan3A_30, %add3A_61 : i32
        %mul3A_63 = arith.constant 80 : i32
        %mul3A_64 = arith.muli %add3A_62, %mul3A_63 : i32
        %add3A_65 = arith.addi %mul3A_2, %mul3A_64 : i32
        %dma_start3A_66 = arith.constant 0 : i32
        %dma_start3A_67 = arith.constant 0 : i32
        %dma_start3A_68 = tpu.memref_slice %arg7[%sub3A_40, %dma_start3A_66, %dma_start3A_67] : memref<2x80x128xf32, #tpu.memory_space<vmem>> -> memref<1x80x128xf32, #tpu.memory_space<vmem>>
        %dma_start3A_69 = tpu.memref_squeeze %dma_start3A_68 : memref<1x80x128xf32, #tpu.memory_space<vmem>> -> memref<80x128xf32, #tpu.memory_space<vmem>>
        %dma_start3A_70 = arith.constant 0 : i32
        %dma_start3A_71 = tpu.memref_slice %arg2[%add3A_65, %dma_start3A_70] : memref<64000x128xf32, #tpu.memory_space<hbm>> -> memref<80x128xf32, #tpu.memory_space<hbm>>
        %dma_start3A_72 = tpu.memref_slice %arg9[%sub3A_40] : memref<2x!tpu.dma_semaphore, #tpu.memory_space<semaphore_mem>> -> memref<1x!tpu.dma_semaphore, #tpu.memory_space<semaphore_mem>>
        %dma_start3A_73 = tpu.memref_squeeze %dma_start3A_72 : memref<1x!tpu.dma_semaphore, #tpu.memory_space<semaphore_mem>> -> memref<!tpu.dma_semaphore, #tpu.memory_space<semaphore_mem>>
        %dma_start3A_74 = arith.constant 0 : i32
        %dma_start3A_75 = arith.constant 0 : i32
        %dma_start3A_76 = tpu.memref_slice %arg7[%sub3A_40, %dma_start3A_74, %dma_start3A_75] : memref<2x80x128xf32, #tpu.memory_space<vmem>> -> memref<1x80x128xf32, #tpu.memory_space<vmem>>
        %dma_start3A_77 = tpu.memref_squeeze %dma_start3A_76 : memref<1x80x128xf32, #tpu.memory_space<vmem>> -> memref<80x128xf32, #tpu.memory_space<vmem>>
        %dma_start3A_78 = arith.constant 0 : i32
        %dma_start3A_79 = tpu.memref_slice %arg2[%add3A_65, %dma_start3A_78] : memref<64000x128xf32, #tpu.memory_space<hbm>> -> memref<80x128xf32, #tpu.memory_space<hbm>>
        tpu.enqueue_dma source(%dma_start3A_79 : memref<80x128xf32, #tpu.memory_space<hbm>>) target(%dma_start3A_77 : memref<80x128xf32, #tpu.memory_space<vmem>>) target_semaphore(%dma_start3A_73 : memref<!tpu.dma_semaphore, #tpu.memory_space<semaphore_mem>>)
      } else {
      }
      %dma_wait3A = arith.constant 0 : i32
      %dma_wait3A_46 = arith.constant 0 : i32
      %dma_wait3A_47 = tpu.memref_slice %arg7[%select_n3A_39, %dma_wait3A, %dma_wait3A_46] : memref<2x80x128xf32, #tpu.memory_space<vmem>> -> memref<1x80x128xf32, #tpu.memory_space<vmem>>
      %dma_wait3A_48 = tpu.memref_squeeze %dma_wait3A_47 : memref<1x80x128xf32, #tpu.memory_space<vmem>> -> memref<80x128xf32, #tpu.memory_space<vmem>>
      %dma_wait3A_49 = arith.constant 0 : i32
      %dma_wait3A_50 = arith.constant 0 : i32
      %dma_wait3A_51 = tpu.memref_slice %arg2[%dma_wait3A_49, %dma_wait3A_50] : memref<64000x128xf32, #tpu.memory_space<hbm>> -> memref<80x128xf32, #tpu.memory_space<hbm>>
      %dma_wait3A_52 = tpu.memref_slice %arg9[%select_n3A_39] : memref<2x!tpu.dma_semaphore, #tpu.memory_space<semaphore_mem>> -> memref<1x!tpu.dma_semaphore, #tpu.memory_space<semaphore_mem>>
      %dma_wait3A_53 = tpu.memref_squeeze %dma_wait3A_52 : memref<1x!tpu.dma_semaphore, #tpu.memory_space<semaphore_mem>> -> memref<!tpu.dma_semaphore, #tpu.memory_space<semaphore_mem>>
      %dma_wait3A_54 = arith.constant 0 : i32
      %dma_wait3A_55 = arith.constant 0 : i32
      %dma_wait3A_56 = tpu.memref_slice %arg7[%select_n3A_39, %dma_wait3A_54, %dma_wait3A_55] : memref<2x80x128xf32, #tpu.memory_space<vmem>> -> memref<1x80x128xf32, #tpu.memory_space<vmem>>
      %dma_wait3A_57 = tpu.memref_squeeze %dma_wait3A_56 : memref<1x80x128xf32, #tpu.memory_space<vmem>> -> memref<80x128xf32, #tpu.memory_space<vmem>>
      %dma_wait3A_58 = arith.constant 0 : i32
      %dma_wait3A_59 = arith.constant 0 : i32
      %dma_wait3A_60 = tpu.memref_slice %arg2[%dma_wait3A_58, %dma_wait3A_59] : memref<64000x128xf32, #tpu.memory_space<hbm>> -> memref<80x128xf32, #tpu.memory_space<hbm>>
      tpu.wait_dma2 semaphore(%dma_wait3A_53 : memref<!tpu.dma_semaphore, #tpu.memory_space<semaphore_mem>>) src(%dma_wait3A_60 : memref<80x128xf32, #tpu.memory_space<hbm>>) dst(%dma_wait3A_57 : memref<80x128xf32, #tpu.memory_space<vmem>>)
      "tpu.region"() ({
        %run_scoped3A = tpu.sem_alloc : memref<!tpu.dma_semaphore, #tpu.memory_space<semaphore_mem>>
        %dma_start3A_61 = arith.constant 0 : i32
        %dma_start3A_62 = arith.constant 0 : i32
        %dma_start3A_63 = tpu.memref_slice %arg7[%select_n3A_39, %dma_start3A_61, %dma_start3A_62] : memref<2x80x128xf32, #tpu.memory_space<vmem>> -> memref<1x80x128xf32, #tpu.memory_space<vmem>>
        %dma_start3A_64 = tpu.memref_squeeze %dma_start3A_63 : memref<1x80x128xf32, #tpu.memory_space<vmem>> -> memref<80x128xf32, #tpu.memory_space<vmem>>
        %dma_start3A_65 = arith.constant 0 : i32
        %dma_start3A_66 = tpu.memref_slice %arg6[%scan3A_30, %dma_start3A_65] : memref<25x80xi32, #tpu.memory_space<vmem>> -> memref<1x80xi32, #tpu.memory_space<vmem>>
        %dma_start3A_67 = tpu.memref_squeeze %dma_start3A_66 : memref<1x80xi32, #tpu.memory_space<vmem>> -> memref<80xi32, #tpu.memory_space<vmem>>
        %dma_start3A_68 = arith.constant 0 : i32
        %dma_start3A_69 = arith.constant 0 : i32
        %dma_start3A_70 = tpu.memref_slice %arg8[%dma_start3A_68, %dma_start3A_69] : memref<10240x128xf32, #tpu.memory_space<vmem_shared>> -> memref<10240x128xf32, #tpu.memory_space<vmem_shared>>
        tpu.enqueue_indirect_dma source(%dma_start3A_64 : memref<80x128xf32, #tpu.memory_space<vmem>>) target(%dma_start3A_70 : memref<10240x128xf32, #tpu.memory_space<vmem_shared>>) offsets(%dma_start3A_67 : memref<80xi32, #tpu.memory_space<vmem>>) semaphore(%run_scoped3A : memref<!tpu.dma_semaphore, #tpu.memory_space<semaphore_mem>>) {add = true}
        %dma_wait3A_71 = arith.constant 0 : i32
        %dma_wait3A_72 = arith.constant 0 : i32
        %dma_wait3A_73 = tpu.memref_slice %arg7[%select_n3A_39, %dma_wait3A_71, %dma_wait3A_72] : memref<2x80x128xf32, #tpu.memory_space<vmem>> -> memref<1x80x128xf32, #tpu.memory_space<vmem>>
        %dma_wait3A_74 = tpu.memref_squeeze %dma_wait3A_73 : memref<1x80x128xf32, #tpu.memory_space<vmem>> -> memref<80x128xf32, #tpu.memory_space<vmem>>
        %dma_wait3A_75 = arith.constant 0 : i32
        %dma_wait3A_76 = tpu.memref_slice %arg6[%scan3A_30, %dma_wait3A_75] : memref<25x80xi32, #tpu.memory_space<vmem>> -> memref<1x80xi32, #tpu.memory_space<vmem>>
        %dma_wait3A_77 = tpu.memref_squeeze %dma_wait3A_76 : memref<1x80xi32, #tpu.memory_space<vmem>> -> memref<80xi32, #tpu.memory_space<vmem>>
        %dma_wait3A_78 = arith.constant 0 : i32
        %dma_wait3A_79 = arith.constant 0 : i32
        %dma_wait3A_80 = tpu.memref_slice %arg8[%dma_wait3A_78, %dma_wait3A_79] : memref<10240x128xf32, #tpu.memory_space<vmem_shared>> -> memref<10240x128xf32, #tpu.memory_space<vmem_shared>>
        tpu.wait_indirect_dma semaphore(%run_scoped3A : memref<!tpu.dma_semaphore, #tpu.memory_space<semaphore_mem>>) src(%dma_wait3A_74 : memref<80x128xf32, #tpu.memory_space<vmem>>) dst(%dma_wait3A_80 : memref<10240x128xf32, #tpu.memory_space<vmem_shared>>)
        tpu.yield
      }) : () -> ()
    }
    %scan3A_24 = arith.constant 25 : i32
    %barrier3A_25 = arith.constant 0 : index
    tpu.barrier barrier_id(%barrier3A_25)
    %mul3A_26 = arith.constant 640 : i32
    %mul3A_27 = arith.muli %arg1, %mul3A_26 : i32
    %mul3A_28 = arith.constant 640 : i32
    %mul3A_29 = arith.muli %arg1, %mul3A_28 : i32
    "tpu.region"() ({
      %run_scoped3A = tpu.sem_alloc : memref<!tpu.dma_semaphore, #tpu.memory_space<semaphore_mem>>
      %dma_start3A_30 = arith.constant 0 : i32
      %dma_start3A_31 = arith.constant 0 : i32
      %dma_start3A_32 = tpu.memref_slice %arg5[%arg0, %dma_start3A_30, %dma_start3A_31] : memref<2x10240x128xf32, #tpu.memory_space<hbm>> -> memref<1x10240x128xf32, #tpu.memory_space<hbm>>
      %dma_start3A_33 = tpu.memref_squeeze %dma_start3A_32 : memref<1x10240x128xf32, #tpu.memory_space<hbm>> -> memref<10240x128xf32, #tpu.memory_space<hbm>>
      %dma_start3A_34 = arith.constant 0 : i32
      %dma_start3A_35 = tpu.memref_slice %dma_start3A_33[%mul3A_29, %dma_start3A_34] : memref<10240x128xf32, #tpu.memory_space<hbm>> -> memref<640x128xf32, #tpu.memory_space<hbm>>
      %dma_start3A_36 = arith.constant 0 : i32
      %dma_start3A_37 = tpu.memref_slice %arg8[%mul3A_27, %dma_start3A_36] : memref<10240x128xf32, #tpu.memory_space<vmem_shared>> -> memref<640x128xf32, #tpu.memory_space<vmem_shared>>
      tpu.enqueue_dma source(%dma_start3A_37 : memref<640x128xf32, #tpu.memory_space<vmem_shared>>) target(%dma_start3A_35 : memref<640x128xf32, #tpu.memory_space<hbm>>) target_semaphore(%run_scoped3A : memref<!tpu.dma_semaphore, #tpu.memory_space<semaphore_mem>>)
      %dma_wait3A = arith.constant 0 : i32
      %dma_wait3A_38 = arith.constant 0 : i32
      %dma_wait3A_39 = tpu.memref_slice %arg5[%arg0, %dma_wait3A, %dma_wait3A_38] : memref<2x10240x128xf32, #tpu.memory_space<hbm>> -> memref<1x10240x128xf32, #tpu.memory_space<hbm>>
      %dma_wait3A_40 = tpu.memref_squeeze %dma_wait3A_39 : memref<1x10240x128xf32, #tpu.memory_space<hbm>> -> memref<10240x128xf32, #tpu.memory_space<hbm>>
      %dma_wait3A_41 = arith.constant 0 : i32
      %dma_wait3A_42 = tpu.memref_slice %dma_wait3A_40[%mul3A_29, %dma_wait3A_41] : memref<10240x128xf32, #tpu.memory_space<hbm>> -> memref<640x128xf32, #tpu.memory_space<hbm>>
      %dma_wait3A_43 = arith.constant 0 : i32
      %dma_wait3A_44 = tpu.memref_slice %arg8[%mul3A_27, %dma_wait3A_43] : memref<10240x128xf32, #tpu.memory_space<vmem_shared>> -> memref<640x128xf32, #tpu.memory_space<vmem_shared>>
      tpu.wait_dma2 semaphore(%run_scoped3A : memref<!tpu.dma_semaphore, #tpu.memory_space<semaphore_mem>>) src(%dma_wait3A_44 : memref<640x128xf32, #tpu.memory_space<vmem_shared>>) dst(%dma_wait3A_42 : memref<640x128xf32, #tpu.memory_space<hbm>>)
      tpu.yield
    }) : () -> ()
    return
  }
}

#map = affine_map<(d0, d1) -> (0, 0)>
#map1 = affine_map<(d0, d1) -> (0, 0, 0)>
module attributes {stable_mosaic.version = 14 : i64} {
  func.func @_scatter_k(%arg0: i32, %arg1: i32, %arg2: memref<64000x128xf32, #tpu.memory_space<hbm>>, %arg3: memref<32x25x80xi32, #tpu.memory_space<hbm>>, %arg4: memref<640x128xf32, #tpu.memory_space<hbm>>, %arg5: memref<2x10240x128xf32, #tpu.memory_space<hbm>>, %arg6: memref<25x80xi32, #tpu.memory_space<vmem>>, %arg7: memref<2x80x128xf32, #tpu.memory_space<vmem>>, %arg8: memref<10240x128xf32, #tpu.memory_space<vmem_shared>>, %arg9: memref<2x!tpu.dma_semaphore, #tpu.memory_space<semaphore_mem>>, %arg10: memref<2x!tpu.dma_semaphore, #tpu.memory_space<semaphore_mem>>) attributes {dimension_semantics = [#tpu.dimension_semantics<core_parallel>, #tpu.dimension_semantics<subcore_parallel>], iteration_bounds = array<i64: 2, 16>, scalar_prefetch = 0 : i64, scratch_operands = 5 : i64, tpu.core_type = #tpu.core_type<sc_vector_subcore>, window_params = [{transform_indices = #map}, {transform_indices = #map1}, {transform_indices = #map}, {transform_indices = #map1}]} {
    %mul3A = arith.constant 2 : i32
    %mul3A_0 = arith.muli %arg1, %mul3A : i32
    %add3A = arith.addi %mul3A_0, %arg0 : i32
    %mul3A_1 = arith.constant 2000 : i32
    %mul3A_2 = arith.muli %add3A, %mul3A_1 : i32
    %mul3A_3 = arith.constant 640 : i32
    %mul3A_4 = arith.muli %arg1, %mul3A_3 : i32
    "tpu.region"() ({
      %run_scoped3A = tpu.sem_alloc : memref<!tpu.dma_semaphore, #tpu.memory_space<semaphore_mem>>
      %dma_start3A_30 = arith.constant 0 : i32
      %dma_start3A_31 = tpu.memref_slice %arg8[%mul3A_4, %dma_start3A_30] : memref<10240x128xf32, #tpu.memory_space<vmem_shared>> -> memref<640x128xf32, #tpu.memory_space<vmem_shared>>
      tpu.enqueue_dma source(%arg4 : memref<640x128xf32, #tpu.memory_space<hbm>>) target(%dma_start3A_31 : memref<640x128xf32, #tpu.memory_space<vmem_shared>>) target_semaphore(%run_scoped3A : memref<!tpu.dma_semaphore, #tpu.memory_space<semaphore_mem>>)
      %dma_wait3A = arith.constant 0 : i32
      %dma_wait3A_32 = tpu.memref_slice %arg8[%mul3A_4, %dma_wait3A] : memref<10240x128xf32, #tpu.memory_space<vmem_shared>> -> memref<640x128xf32, #tpu.memory_space<vmem_shared>>
      tpu.wait_dma2 semaphore(%run_scoped3A : memref<!tpu.dma_semaphore, #tpu.memory_space<semaphore_mem>>) src(%arg4 : memref<640x128xf32, #tpu.memory_space<hbm>>) dst(%dma_wait3A_32 : memref<640x128xf32, #tpu.memory_space<vmem_shared>>)
      tpu.yield
    }) : () -> ()
    "tpu.region"() ({
      %run_scoped3A = tpu.sem_alloc : memref<!tpu.dma_semaphore, #tpu.memory_space<semaphore_mem>>
      %dma_start3A_30 = arith.constant 0 : i32
      %dma_start3A_31 = arith.constant 0 : i32
      %dma_start3A_32 = tpu.memref_slice %arg3[%add3A, %dma_start3A_30, %dma_start3A_31] : memref<32x25x80xi32, #tpu.memory_space<hbm>> -> memref<1x25x80xi32, #tpu.memory_space<hbm>>
      %dma_start3A_33 = tpu.memref_squeeze %dma_start3A_32 : memref<1x25x80xi32, #tpu.memory_space<hbm>> -> memref<25x80xi32, #tpu.memory_space<hbm>>
      %dma_start3A_34 = arith.constant 0 : i32
      %dma_start3A_35 = arith.constant 0 : i32
      %dma_start3A_36 = tpu.memref_slice %arg3[%add3A, %dma_start3A_34, %dma_start3A_35] : memref<32x25x80xi32, #tpu.memory_space<hbm>> -> memref<1x25x80xi32, #tpu.memory_space<hbm>>
      %dma_start3A_37 = tpu.memref_squeeze %dma_start3A_36 : memref<1x25x80xi32, #tpu.memory_space<hbm>> -> memref<25x80xi32, #tpu.memory_space<hbm>>
      tpu.enqueue_dma source(%dma_start3A_37 : memref<25x80xi32, #tpu.memory_space<hbm>>) target(%arg6 : memref<25x80xi32, #tpu.memory_space<vmem>>) target_semaphore(%run_scoped3A : memref<!tpu.dma_semaphore, #tpu.memory_space<semaphore_mem>>)
      %dma_wait3A = arith.constant 0 : i32
      %dma_wait3A_38 = arith.constant 0 : i32
      %dma_wait3A_39 = tpu.memref_slice %arg3[%add3A, %dma_wait3A, %dma_wait3A_38] : memref<32x25x80xi32, #tpu.memory_space<hbm>> -> memref<1x25x80xi32, #tpu.memory_space<hbm>>
      %dma_wait3A_40 = tpu.memref_squeeze %dma_wait3A_39 : memref<1x25x80xi32, #tpu.memory_space<hbm>> -> memref<25x80xi32, #tpu.memory_space<hbm>>
      %dma_wait3A_41 = arith.constant 0 : i32
      %dma_wait3A_42 = arith.constant 0 : i32
      %dma_wait3A_43 = tpu.memref_slice %arg3[%add3A, %dma_wait3A_41, %dma_wait3A_42] : memref<32x25x80xi32, #tpu.memory_space<hbm>> -> memref<1x25x80xi32, #tpu.memory_space<hbm>>
      %dma_wait3A_44 = tpu.memref_squeeze %dma_wait3A_43 : memref<1x25x80xi32, #tpu.memory_space<hbm>> -> memref<25x80xi32, #tpu.memory_space<hbm>>
      tpu.wait_dma2 semaphore(%run_scoped3A : memref<!tpu.dma_semaphore, #tpu.memory_space<semaphore_mem>>) src(%dma_wait3A_44 : memref<25x80xi32, #tpu.memory_space<hbm>>) dst(%arg6 : memref<25x80xi32, #tpu.memory_space<vmem>>)
      tpu.yield
    }) : () -> ()
    %barrier3A = arith.constant 0 : index
    tpu.barrier barrier_id(%barrier3A)
    %dma_start3A = arith.constant 0 : i32
    %dma_start3A_5 = arith.constant 0 : i32
    %dma_start3A_6 = arith.constant 0 : i32
    %dma_start3A_7 = arith.constant 0 : i32
    %dma_start3A_8 = tpu.memref_slice %arg7[%dma_start3A, %dma_start3A_6, %dma_start3A_7] : memref<2x80x128xf32, #tpu.memory_space<vmem>> -> memref<1x80x128xf32, #tpu.memory_space<vmem>>
    %dma_start3A_9 = tpu.memref_squeeze %dma_start3A_8 : memref<1x80x128xf32, #tpu.memory_space<vmem>> -> memref<80x128xf32, #tpu.memory_space<vmem>>
    %dma_start3A_10 = arith.constant 0 : i32
    %dma_start3A_11 = tpu.memref_slice %arg2[%mul3A_2, %dma_start3A_10] : memref<64000x128xf32, #tpu.memory_space<hbm>> -> memref<80x128xf32, #tpu.memory_space<hbm>>
    %dma_start3A_12 = tpu.memref_slice %arg9[%dma_start3A_5] : memref<2x!tpu.dma_semaphore, #tpu.memory_space<semaphore_mem>> -> memref<1x!tpu.dma_semaphore, #tpu.memory_space<semaphore_mem>>
    %dma_start3A_13 = tpu.memref_squeeze %dma_start3A_12 : memref<1x!tpu.dma_semaphore, #tpu.memory_space<semaphore_mem>> -> memref<!tpu.dma_semaphore, #tpu.memory_space<semaphore_mem>>
    %dma_start3A_14 = arith.constant 0 : i32
    %dma_start3A_15 = arith.constant 0 : i32
    %dma_start3A_16 = tpu.memref_slice %arg7[%dma_start3A, %dma_start3A_14, %dma_start3A_15] : memref<2x80x128xf32, #tpu.memory_space<vmem>> -> memref<1x80x128xf32, #tpu.memory_space<vmem>>
    %dma_start3A_17 = tpu.memref_squeeze %dma_start3A_16 : memref<1x80x128xf32, #tpu.memory_space<vmem>> -> memref<80x128xf32, #tpu.memory_space<vmem>>
    %dma_start3A_18 = arith.constant 0 : i32
    %dma_start3A_19 = tpu.memref_slice %arg2[%mul3A_2, %dma_start3A_18] : memref<64000x128xf32, #tpu.memory_space<hbm>> -> memref<80x128xf32, #tpu.memory_space<hbm>>
    tpu.enqueue_dma source(%dma_start3A_19 : memref<80x128xf32, #tpu.memory_space<hbm>>) target(%dma_start3A_17 : memref<80x128xf32, #tpu.memory_space<vmem>>) target_semaphore(%dma_start3A_13 : memref<!tpu.dma_semaphore, #tpu.memory_space<semaphore_mem>>)
    %scan3A = arith.constant 0 : i32
    %scan3A_20 = arith.constant 0 : i32
    %scan3A_21 = arith.constant 25 : i32
    %scan3A_22 = arith.addi %scan3A_20, %scan3A_21 : i32
    %scan3A_23 = arith.constant 1 : i32
    scf.for %scan3A_30 = %scan3A_20 to %scan3A_22 step %scan3A_23  : i32 {
      %jit3A = arith.constant 2 : i32
      %eq3A = arith.constant 0 : i32
      %eq3A_31 = arith.cmpi eq, %jit3A, %eq3A : i32
      %jit3A_32 = arith.constant 1 : i32
      %select_n3A = arith.select %eq3A_31, %jit3A_32, %jit3A : i32
      %rem3A = arith.remsi %scan3A_30, %select_n3A : i32
      %ne3A = arith.constant 0 : i32
      %ne3A_33 = arith.cmpi ne, %rem3A, %ne3A : i32
      %lt3A = arith.constant 0 : i32
      %lt3A_34 = arith.cmpi slt, %rem3A, %lt3A : i32
      %lt3A_35 = arith.constant 0 : i32
      %lt3A_36 = arith.cmpi slt, %select_n3A, %lt3A_35 : i32
      %ne3A_37 = arith.xori %lt3A_34, %lt3A_36 : i1
      %and3A = arith.andi %ne3A_37, %ne3A_33 : i1
      %add3A_38 = arith.addi %rem3A, %select_n3A : i32
      %select_n3A_39 = arith.select %and3A, %add3A_38, %rem3A : i32
      %sub3A = arith.constant 1 : i32
      %sub3A_40 = arith.subi %sub3A, %select_n3A_39 : i32
      %add3A_41 = arith.constant 1 : i32
      %add3A_42 = arith.addi %scan3A_30, %add3A_41 : i32
      %lt3A_43 = arith.constant 25 : i32
      %lt3A_44 = arith.cmpi slt, %add3A_42, %lt3A_43 : i32
      %convert_element_type3A = arith.extui %lt3A_44 : i1 to i32
      %cond3A = arith.constant 0 : i32
      %cond3A_45 = arith.cmpi ne, %convert_element_type3A, %cond3A : i32
      scf.if %cond3A_45 {
        %add3A_61 = arith.constant 1 : i32
        %add3A_62 = arith.addi %scan3A_30, %add3A_61 : i32
        %mul3A_63 = arith.constant 80 : i32
        %mul3A_64 = arith.muli %add3A_62, %mul3A_63 : i32
        %add3A_65 = arith.addi %mul3A_2, %mul3A_64 : i32
        %dma_start3A_66 = arith.constant 0 : i32
        %dma_start3A_67 = arith.constant 0 : i32
        %dma_start3A_68 = tpu.memref_slice %arg7[%sub3A_40, %dma_start3A_66, %dma_start3A_67] : memref<2x80x128xf32, #tpu.memory_space<vmem>> -> memref<1x80x128xf32, #tpu.memory_space<vmem>>
        %dma_start3A_69 = tpu.memref_squeeze %dma_start3A_68 : memref<1x80x128xf32, #tpu.memory_space<vmem>> -> memref<80x128xf32, #tpu.memory_space<vmem>>
        %dma_start3A_70 = arith.constant 0 : i32
        %dma_start3A_71 = tpu.memref_slice %arg2[%add3A_65, %dma_start3A_70] : memref<64000x128xf32, #tpu.memory_space<hbm>> -> memref<80x128xf32, #tpu.memory_space<hbm>>
        %dma_start3A_72 = tpu.memref_slice %arg9[%sub3A_40] : memref<2x!tpu.dma_semaphore, #tpu.memory_space<semaphore_mem>> -> memref<1x!tpu.dma_semaphore, #tpu.memory_space<semaphore_mem>>
        %dma_start3A_73 = tpu.memref_squeeze %dma_start3A_72 : memref<1x!tpu.dma_semaphore, #tpu.memory_space<semaphore_mem>> -> memref<!tpu.dma_semaphore, #tpu.memory_space<semaphore_mem>>
        %dma_start3A_74 = arith.constant 0 : i32
        %dma_start3A_75 = arith.constant 0 : i32
        %dma_start3A_76 = tpu.memref_slice %arg7[%sub3A_40, %dma_start3A_74, %dma_start3A_75] : memref<2x80x128xf32, #tpu.memory_space<vmem>> -> memref<1x80x128xf32, #tpu.memory_space<vmem>>
        %dma_start3A_77 = tpu.memref_squeeze %dma_start3A_76 : memref<1x80x128xf32, #tpu.memory_space<vmem>> -> memref<80x128xf32, #tpu.memory_space<vmem>>
        %dma_start3A_78 = arith.constant 0 : i32
        %dma_start3A_79 = tpu.memref_slice %arg2[%add3A_65, %dma_start3A_78] : memref<64000x128xf32, #tpu.memory_space<hbm>> -> memref<80x128xf32, #tpu.memory_space<hbm>>
        tpu.enqueue_dma source(%dma_start3A_79 : memref<80x128xf32, #tpu.memory_space<hbm>>) target(%dma_start3A_77 : memref<80x128xf32, #tpu.memory_space<vmem>>) target_semaphore(%dma_start3A_73 : memref<!tpu.dma_semaphore, #tpu.memory_space<semaphore_mem>>)
      } else {
      }
      %dma_wait3A = arith.constant 0 : i32
      %dma_wait3A_46 = arith.constant 0 : i32
      %dma_wait3A_47 = tpu.memref_slice %arg7[%select_n3A_39, %dma_wait3A, %dma_wait3A_46] : memref<2x80x128xf32, #tpu.memory_space<vmem>> -> memref<1x80x128xf32, #tpu.memory_space<vmem>>
      %dma_wait3A_48 = tpu.memref_squeeze %dma_wait3A_47 : memref<1x80x128xf32, #tpu.memory_space<vmem>> -> memref<80x128xf32, #tpu.memory_space<vmem>>
      %dma_wait3A_49 = arith.constant 0 : i32
      %dma_wait3A_50 = arith.constant 0 : i32
      %dma_wait3A_51 = tpu.memref_slice %arg2[%dma_wait3A_49, %dma_wait3A_50] : memref<64000x128xf32, #tpu.memory_space<hbm>> -> memref<80x128xf32, #tpu.memory_space<hbm>>
      %dma_wait3A_52 = tpu.memref_slice %arg9[%select_n3A_39] : memref<2x!tpu.dma_semaphore, #tpu.memory_space<semaphore_mem>> -> memref<1x!tpu.dma_semaphore, #tpu.memory_space<semaphore_mem>>
      %dma_wait3A_53 = tpu.memref_squeeze %dma_wait3A_52 : memref<1x!tpu.dma_semaphore, #tpu.memory_space<semaphore_mem>> -> memref<!tpu.dma_semaphore, #tpu.memory_space<semaphore_mem>>
      %dma_wait3A_54 = arith.constant 0 : i32
      %dma_wait3A_55 = arith.constant 0 : i32
      %dma_wait3A_56 = tpu.memref_slice %arg7[%select_n3A_39, %dma_wait3A_54, %dma_wait3A_55] : memref<2x80x128xf32, #tpu.memory_space<vmem>> -> memref<1x80x128xf32, #tpu.memory_space<vmem>>
      %dma_wait3A_57 = tpu.memref_squeeze %dma_wait3A_56 : memref<1x80x128xf32, #tpu.memory_space<vmem>> -> memref<80x128xf32, #tpu.memory_space<vmem>>
      %dma_wait3A_58 = arith.constant 0 : i32
      %dma_wait3A_59 = arith.constant 0 : i32
      %dma_wait3A_60 = tpu.memref_slice %arg2[%dma_wait3A_58, %dma_wait3A_59] : memref<64000x128xf32, #tpu.memory_space<hbm>> -> memref<80x128xf32, #tpu.memory_space<hbm>>
      tpu.wait_dma2 semaphore(%dma_wait3A_53 : memref<!tpu.dma_semaphore, #tpu.memory_space<semaphore_mem>>) src(%dma_wait3A_60 : memref<80x128xf32, #tpu.memory_space<hbm>>) dst(%dma_wait3A_57 : memref<80x128xf32, #tpu.memory_space<vmem>>)
      "tpu.region"() ({
        %run_scoped3A = tpu.sem_alloc : memref<!tpu.dma_semaphore, #tpu.memory_space<semaphore_mem>>
        %dma_start3A_61 = arith.constant 0 : i32
        %dma_start3A_62 = arith.constant 0 : i32
        %dma_start3A_63 = tpu.memref_slice %arg7[%select_n3A_39, %dma_start3A_61, %dma_start3A_62] : memref<2x80x128xf32, #tpu.memory_space<vmem>> -> memref<1x80x128xf32, #tpu.memory_space<vmem>>
        %dma_start3A_64 = tpu.memref_squeeze %dma_start3A_63 : memref<1x80x128xf32, #tpu.memory_space<vmem>> -> memref<80x128xf32, #tpu.memory_space<vmem>>
        %dma_start3A_65 = arith.constant 0 : i32
        %dma_start3A_66 = tpu.memref_slice %arg6[%scan3A_30, %dma_start3A_65] : memref<25x80xi32, #tpu.memory_space<vmem>> -> memref<1x80xi32, #tpu.memory_space<vmem>>
        %dma_start3A_67 = tpu.memref_squeeze %dma_start3A_66 : memref<1x80xi32, #tpu.memory_space<vmem>> -> memref<80xi32, #tpu.memory_space<vmem>>
        %dma_start3A_68 = arith.constant 0 : i32
        %dma_start3A_69 = arith.constant 0 : i32
        %dma_start3A_70 = tpu.memref_slice %arg8[%dma_start3A_68, %dma_start3A_69] : memref<10240x128xf32, #tpu.memory_space<vmem_shared>> -> memref<10240x128xf32, #tpu.memory_space<vmem_shared>>
        tpu.enqueue_indirect_dma source(%dma_start3A_64 : memref<80x128xf32, #tpu.memory_space<vmem>>) target(%dma_start3A_70 : memref<10240x128xf32, #tpu.memory_space<vmem_shared>>) offsets(%dma_start3A_67 : memref<80xi32, #tpu.memory_space<vmem>>) semaphore(%run_scoped3A : memref<!tpu.dma_semaphore, #tpu.memory_space<semaphore_mem>>) {add = true}
        %dma_wait3A_71 = arith.constant 0 : i32
        %dma_wait3A_72 = arith.constant 0 : i32
        %dma_wait3A_73 = tpu.memref_slice %arg7[%select_n3A_39, %dma_wait3A_71, %dma_wait3A_72] : memref<2x80x128xf32, #tpu.memory_space<vmem>> -> memref<1x80x128xf32, #tpu.memory_space<vmem>>
        %dma_wait3A_74 = tpu.memref_squeeze %dma_wait3A_73 : memref<1x80x128xf32, #tpu.memory_space<vmem>> -> memref<80x128xf32, #tpu.memory_space<vmem>>
        %dma_wait3A_75 = arith.constant 0 : i32
        %dma_wait3A_76 = tpu.memref_slice %arg6[%scan3A_30, %dma_wait3A_75] : memref<25x80xi32, #tpu.memory_space<vmem>> -> memref<1x80xi32, #tpu.memory_space<vmem>>
        %dma_wait3A_77 = tpu.memref_squeeze %dma_wait3A_76 : memref<1x80xi32, #tpu.memory_space<vmem>> -> memref<80xi32, #tpu.memory_space<vmem>>
        %dma_wait3A_78 = arith.constant 0 : i32
        %dma_wait3A_79 = arith.constant 0 : i32
        %dma_wait3A_80 = tpu.memref_slice %arg8[%dma_wait3A_78, %dma_wait3A_79] : memref<10240x128xf32, #tpu.memory_space<vmem_shared>> -> memref<10240x128xf32, #tpu.memory_space<vmem_shared>>
        tpu.wait_indirect_dma semaphore(%run_scoped3A : memref<!tpu.dma_semaphore, #tpu.memory_space<semaphore_mem>>) src(%dma_wait3A_74 : memref<80x128xf32, #tpu.memory_space<vmem>>) dst(%dma_wait3A_80 : memref<10240x128xf32, #tpu.memory_space<vmem_shared>>)
        tpu.yield
      }) : () -> ()
    }
    %scan3A_24 = arith.constant 25 : i32
    %barrier3A_25 = arith.constant 0 : index
    tpu.barrier barrier_id(%barrier3A_25)
    %mul3A_26 = arith.constant 640 : i32
    %mul3A_27 = arith.muli %arg1, %mul3A_26 : i32
    %mul3A_28 = arith.constant 640 : i32
    %mul3A_29 = arith.muli %arg1, %mul3A_28 : i32
    "tpu.region"() ({
      %run_scoped3A = tpu.sem_alloc : memref<!tpu.dma_semaphore, #tpu.memory_space<semaphore_mem>>
      %dma_start3A_30 = arith.constant 0 : i32
      %dma_start3A_31 = arith.constant 0 : i32
      %dma_start3A_32 = tpu.memref_slice %arg5[%arg0, %dma_start3A_30, %dma_start3A_31] : memref<2x10240x128xf32, #tpu.memory_space<hbm>> -> memref<1x10240x128xf32, #tpu.memory_space<hbm>>
      %dma_start3A_33 = tpu.memref_squeeze %dma_start3A_32 : memref<1x10240x128xf32, #tpu.memory_space<hbm>> -> memref<10240x128xf32, #tpu.memory_space<hbm>>
      %dma_start3A_34 = arith.constant 0 : i32
      %dma_start3A_35 = tpu.memref_slice %dma_start3A_33[%mul3A_29, %dma_start3A_34] : memref<10240x128xf32, #tpu.memory_space<hbm>> -> memref<640x128xf32, #tpu.memory_space<hbm>>
      %dma_start3A_36 = arith.constant 0 : i32
      %dma_start3A_37 = tpu.memref_slice %arg8[%mul3A_27, %dma_start3A_36] : memref<10240x128xf32, #tpu.memory_space<vmem_shared>> -> memref<640x128xf32, #tpu.memory_space<vmem_shared>>
      tpu.enqueue_dma source(%dma_start3A_37 : memref<640x128xf32, #tpu.memory_space<vmem_shared>>) target(%dma_start3A_35 : memref<640x128xf32, #tpu.memory_space<hbm>>) target_semaphore(%run_scoped3A : memref<!tpu.dma_semaphore, #tpu.memory_space<semaphore_mem>>)
      %dma_wait3A = arith.constant 0 : i32
      %dma_wait3A_38 = arith.constant 0 : i32
      %dma_wait3A_39 = tpu.memref_slice %arg5[%arg0, %dma_wait3A, %dma_wait3A_38] : memref<2x10240x128xf32, #tpu.memory_space<hbm>> -> memref<1x10240x128xf32, #tpu.memory_space<hbm>>
      %dma_wait3A_40 = tpu.memref_squeeze %dma_wait3A_39 : memref<1x10240x128xf32, #tpu.memory_space<hbm>> -> memref<10240x128xf32, #tpu.memory_space<hbm>>
      %dma_wait3A_41 = arith.constant 0 : i32
      %dma_wait3A_42 = tpu.memref_slice %dma_wait3A_40[%mul3A_29, %dma_wait3A_41] : memref<10240x128xf32, #tpu.memory_space<hbm>> -> memref<640x128xf32, #tpu.memory_space<hbm>>
      %dma_wait3A_43 = arith.constant 0 : i32
      %dma_wait3A_44 = tpu.memref_slice %arg8[%mul3A_27, %dma_wait3A_43] : memref<10240x128xf32, #tpu.memory_space<vmem_shared>> -> memref<640x128xf32, #tpu.memory_space<vmem_shared>>
      tpu.wait_dma2 semaphore(%run_scoped3A : memref<!tpu.dma_semaphore, #tpu.memory_space<semaphore_mem>>) src(%dma_wait3A_44 : memref<640x128xf32, #tpu.memory_space<vmem_shared>>) dst(%dma_wait3A_42 : memref<640x128xf32, #tpu.memory_space<hbm>>)
      tpu.yield
    }) : () -> ()
    return
  }
}

#map = affine_map<(d0, d1) -> (0, 0)>
#map1 = affine_map<(d0, d1) -> (0, 0, 0)>
module attributes {stable_mosaic.version = 14 : i64} {
  func.func @_scatter_k(%arg0: i32, %arg1: i32, %arg2: memref<64000x128xf32, #tpu.memory_space<hbm>>, %arg3: memref<32x25x80xi32, #tpu.memory_space<hbm>>, %arg4: memref<640x128xf32, #tpu.memory_space<hbm>>, %arg5: memref<2x10240x128xf32, #tpu.memory_space<hbm>>, %arg6: memref<25x80xi32, #tpu.memory_space<vmem>>, %arg7: memref<2x80x128xf32, #tpu.memory_space<vmem>>, %arg8: memref<10240x128xf32, #tpu.memory_space<vmem_shared>>, %arg9: memref<2x!tpu.dma_semaphore, #tpu.memory_space<semaphore_mem>>, %arg10: memref<2x!tpu.dma_semaphore, #tpu.memory_space<semaphore_mem>>) attributes {dimension_semantics = [#tpu.dimension_semantics<core_parallel>, #tpu.dimension_semantics<subcore_parallel>], iteration_bounds = array<i64: 2, 16>, scalar_prefetch = 0 : i64, scratch_operands = 5 : i64, tpu.core_type = #tpu.core_type<sc_vector_subcore>, window_params = [{transform_indices = #map}, {transform_indices = #map1}, {transform_indices = #map}, {transform_indices = #map1}]} {
    %mul3A = arith.constant 2 : i32
    %mul3A_0 = arith.muli %arg1, %mul3A : i32
    %add3A = arith.addi %mul3A_0, %arg0 : i32
    %mul3A_1 = arith.constant 2000 : i32
    %mul3A_2 = arith.muli %add3A, %mul3A_1 : i32
    %mul3A_3 = arith.constant 640 : i32
    %mul3A_4 = arith.muli %arg1, %mul3A_3 : i32
    "tpu.region"() ({
      %run_scoped3A = tpu.sem_alloc : memref<!tpu.dma_semaphore, #tpu.memory_space<semaphore_mem>>
      %dma_start3A_30 = arith.constant 0 : i32
      %dma_start3A_31 = tpu.memref_slice %arg8[%mul3A_4, %dma_start3A_30] : memref<10240x128xf32, #tpu.memory_space<vmem_shared>> -> memref<640x128xf32, #tpu.memory_space<vmem_shared>>
      tpu.enqueue_dma source(%arg4 : memref<640x128xf32, #tpu.memory_space<hbm>>) target(%dma_start3A_31 : memref<640x128xf32, #tpu.memory_space<vmem_shared>>) target_semaphore(%run_scoped3A : memref<!tpu.dma_semaphore, #tpu.memory_space<semaphore_mem>>)
      %dma_wait3A = arith.constant 0 : i32
      %dma_wait3A_32 = tpu.memref_slice %arg8[%mul3A_4, %dma_wait3A] : memref<10240x128xf32, #tpu.memory_space<vmem_shared>> -> memref<640x128xf32, #tpu.memory_space<vmem_shared>>
      tpu.wait_dma2 semaphore(%run_scoped3A : memref<!tpu.dma_semaphore, #tpu.memory_space<semaphore_mem>>) src(%arg4 : memref<640x128xf32, #tpu.memory_space<hbm>>) dst(%dma_wait3A_32 : memref<640x128xf32, #tpu.memory_space<vmem_shared>>)
      tpu.yield
    }) : () -> ()
    "tpu.region"() ({
      %run_scoped3A = tpu.sem_alloc : memref<!tpu.dma_semaphore, #tpu.memory_space<semaphore_mem>>
      %dma_start3A_30 = arith.constant 0 : i32
      %dma_start3A_31 = arith.constant 0 : i32
      %dma_start3A_32 = tpu.memref_slice %arg3[%add3A, %dma_start3A_30, %dma_start3A_31] : memref<32x25x80xi32, #tpu.memory_space<hbm>> -> memref<1x25x80xi32, #tpu.memory_space<hbm>>
      %dma_start3A_33 = tpu.memref_squeeze %dma_start3A_32 : memref<1x25x80xi32, #tpu.memory_space<hbm>> -> memref<25x80xi32, #tpu.memory_space<hbm>>
      %dma_start3A_34 = arith.constant 0 : i32
      %dma_start3A_35 = arith.constant 0 : i32
      %dma_start3A_36 = tpu.memref_slice %arg3[%add3A, %dma_start3A_34, %dma_start3A_35] : memref<32x25x80xi32, #tpu.memory_space<hbm>> -> memref<1x25x80xi32, #tpu.memory_space<hbm>>
      %dma_start3A_37 = tpu.memref_squeeze %dma_start3A_36 : memref<1x25x80xi32, #tpu.memory_space<hbm>> -> memref<25x80xi32, #tpu.memory_space<hbm>>
      tpu.enqueue_dma source(%dma_start3A_37 : memref<25x80xi32, #tpu.memory_space<hbm>>) target(%arg6 : memref<25x80xi32, #tpu.memory_space<vmem>>) target_semaphore(%run_scoped3A : memref<!tpu.dma_semaphore, #tpu.memory_space<semaphore_mem>>)
      %dma_wait3A = arith.constant 0 : i32
      %dma_wait3A_38 = arith.constant 0 : i32
      %dma_wait3A_39 = tpu.memref_slice %arg3[%add3A, %dma_wait3A, %dma_wait3A_38] : memref<32x25x80xi32, #tpu.memory_space<hbm>> -> memref<1x25x80xi32, #tpu.memory_space<hbm>>
      %dma_wait3A_40 = tpu.memref_squeeze %dma_wait3A_39 : memref<1x25x80xi32, #tpu.memory_space<hbm>> -> memref<25x80xi32, #tpu.memory_space<hbm>>
      %dma_wait3A_41 = arith.constant 0 : i32
      %dma_wait3A_42 = arith.constant 0 : i32
      %dma_wait3A_43 = tpu.memref_slice %arg3[%add3A, %dma_wait3A_41, %dma_wait3A_42] : memref<32x25x80xi32, #tpu.memory_space<hbm>> -> memref<1x25x80xi32, #tpu.memory_space<hbm>>
      %dma_wait3A_44 = tpu.memref_squeeze %dma_wait3A_43 : memref<1x25x80xi32, #tpu.memory_space<hbm>> -> memref<25x80xi32, #tpu.memory_space<hbm>>
      tpu.wait_dma2 semaphore(%run_scoped3A : memref<!tpu.dma_semaphore, #tpu.memory_space<semaphore_mem>>) src(%dma_wait3A_44 : memref<25x80xi32, #tpu.memory_space<hbm>>) dst(%arg6 : memref<25x80xi32, #tpu.memory_space<vmem>>)
      tpu.yield
    }) : () -> ()
    %barrier3A = arith.constant 0 : index
    tpu.barrier barrier_id(%barrier3A)
    %dma_start3A = arith.constant 0 : i32
    %dma_start3A_5 = arith.constant 0 : i32
    %dma_start3A_6 = arith.constant 0 : i32
    %dma_start3A_7 = arith.constant 0 : i32
    %dma_start3A_8 = tpu.memref_slice %arg7[%dma_start3A, %dma_start3A_6, %dma_start3A_7] : memref<2x80x128xf32, #tpu.memory_space<vmem>> -> memref<1x80x128xf32, #tpu.memory_space<vmem>>
    %dma_start3A_9 = tpu.memref_squeeze %dma_start3A_8 : memref<1x80x128xf32, #tpu.memory_space<vmem>> -> memref<80x128xf32, #tpu.memory_space<vmem>>
    %dma_start3A_10 = arith.constant 0 : i32
    %dma_start3A_11 = tpu.memref_slice %arg2[%mul3A_2, %dma_start3A_10] : memref<64000x128xf32, #tpu.memory_space<hbm>> -> memref<80x128xf32, #tpu.memory_space<hbm>>
    %dma_start3A_12 = tpu.memref_slice %arg9[%dma_start3A_5] : memref<2x!tpu.dma_semaphore, #tpu.memory_space<semaphore_mem>> -> memref<1x!tpu.dma_semaphore, #tpu.memory_space<semaphore_mem>>
    %dma_start3A_13 = tpu.memref_squeeze %dma_start3A_12 : memref<1x!tpu.dma_semaphore, #tpu.memory_space<semaphore_mem>> -> memref<!tpu.dma_semaphore, #tpu.memory_space<semaphore_mem>>
    %dma_start3A_14 = arith.constant 0 : i32
    %dma_start3A_15 = arith.constant 0 : i32
    %dma_start3A_16 = tpu.memref_slice %arg7[%dma_start3A, %dma_start3A_14, %dma_start3A_15] : memref<2x80x128xf32, #tpu.memory_space<vmem>> -> memref<1x80x128xf32, #tpu.memory_space<vmem>>
    %dma_start3A_17 = tpu.memref_squeeze %dma_start3A_16 : memref<1x80x128xf32, #tpu.memory_space<vmem>> -> memref<80x128xf32, #tpu.memory_space<vmem>>
    %dma_start3A_18 = arith.constant 0 : i32
    %dma_start3A_19 = tpu.memref_slice %arg2[%mul3A_2, %dma_start3A_18] : memref<64000x128xf32, #tpu.memory_space<hbm>> -> memref<80x128xf32, #tpu.memory_space<hbm>>
    tpu.enqueue_dma source(%dma_start3A_19 : memref<80x128xf32, #tpu.memory_space<hbm>>) target(%dma_start3A_17 : memref<80x128xf32, #tpu.memory_space<vmem>>) target_semaphore(%dma_start3A_13 : memref<!tpu.dma_semaphore, #tpu.memory_space<semaphore_mem>>)
    %scan3A = arith.constant 0 : i32
    %scan3A_20 = arith.constant 0 : i32
    %scan3A_21 = arith.constant 25 : i32
    %scan3A_22 = arith.addi %scan3A_20, %scan3A_21 : i32
    %scan3A_23 = arith.constant 1 : i32
    scf.for %scan3A_30 = %scan3A_20 to %scan3A_22 step %scan3A_23  : i32 {
      %jit3A = arith.constant 2 : i32
      %eq3A = arith.constant 0 : i32
      %eq3A_31 = arith.cmpi eq, %jit3A, %eq3A : i32
      %jit3A_32 = arith.constant 1 : i32
      %select_n3A = arith.select %eq3A_31, %jit3A_32, %jit3A : i32
      %rem3A = arith.remsi %scan3A_30, %select_n3A : i32
      %ne3A = arith.constant 0 : i32
      %ne3A_33 = arith.cmpi ne, %rem3A, %ne3A : i32
      %lt3A = arith.constant 0 : i32
      %lt3A_34 = arith.cmpi slt, %rem3A, %lt3A : i32
      %lt3A_35 = arith.constant 0 : i32
      %lt3A_36 = arith.cmpi slt, %select_n3A, %lt3A_35 : i32
      %ne3A_37 = arith.xori %lt3A_34, %lt3A_36 : i1
      %and3A = arith.andi %ne3A_37, %ne3A_33 : i1
      %add3A_38 = arith.addi %rem3A, %select_n3A : i32
      %select_n3A_39 = arith.select %and3A, %add3A_38, %rem3A : i32
      %sub3A = arith.constant 1 : i32
      %sub3A_40 = arith.subi %sub3A, %select_n3A_39 : i32
      %add3A_41 = arith.constant 1 : i32
      %add3A_42 = arith.addi %scan3A_30, %add3A_41 : i32
      %lt3A_43 = arith.constant 25 : i32
      %lt3A_44 = arith.cmpi slt, %add3A_42, %lt3A_43 : i32
      %convert_element_type3A = arith.extui %lt3A_44 : i1 to i32
      %cond3A = arith.constant 0 : i32
      %cond3A_45 = arith.cmpi ne, %convert_element_type3A, %cond3A : i32
      scf.if %cond3A_45 {
        %add3A_61 = arith.constant 1 : i32
        %add3A_62 = arith.addi %scan3A_30, %add3A_61 : i32
        %mul3A_63 = arith.constant 80 : i32
        %mul3A_64 = arith.muli %add3A_62, %mul3A_63 : i32
        %add3A_65 = arith.addi %mul3A_2, %mul3A_64 : i32
        %dma_start3A_66 = arith.constant 0 : i32
        %dma_start3A_67 = arith.constant 0 : i32
        %dma_start3A_68 = tpu.memref_slice %arg7[%sub3A_40, %dma_start3A_66, %dma_start3A_67] : memref<2x80x128xf32, #tpu.memory_space<vmem>> -> memref<1x80x128xf32, #tpu.memory_space<vmem>>
        %dma_start3A_69 = tpu.memref_squeeze %dma_start3A_68 : memref<1x80x128xf32, #tpu.memory_space<vmem>> -> memref<80x128xf32, #tpu.memory_space<vmem>>
        %dma_start3A_70 = arith.constant 0 : i32
        %dma_start3A_71 = tpu.memref_slice %arg2[%add3A_65, %dma_start3A_70] : memref<64000x128xf32, #tpu.memory_space<hbm>> -> memref<80x128xf32, #tpu.memory_space<hbm>>
        %dma_start3A_72 = tpu.memref_slice %arg9[%sub3A_40] : memref<2x!tpu.dma_semaphore, #tpu.memory_space<semaphore_mem>> -> memref<1x!tpu.dma_semaphore, #tpu.memory_space<semaphore_mem>>
        %dma_start3A_73 = tpu.memref_squeeze %dma_start3A_72 : memref<1x!tpu.dma_semaphore, #tpu.memory_space<semaphore_mem>> -> memref<!tpu.dma_semaphore, #tpu.memory_space<semaphore_mem>>
        %dma_start3A_74 = arith.constant 0 : i32
        %dma_start3A_75 = arith.constant 0 : i32
        %dma_start3A_76 = tpu.memref_slice %arg7[%sub3A_40, %dma_start3A_74, %dma_start3A_75] : memref<2x80x128xf32, #tpu.memory_space<vmem>> -> memref<1x80x128xf32, #tpu.memory_space<vmem>>
        %dma_start3A_77 = tpu.memref_squeeze %dma_start3A_76 : memref<1x80x128xf32, #tpu.memory_space<vmem>> -> memref<80x128xf32, #tpu.memory_space<vmem>>
        %dma_start3A_78 = arith.constant 0 : i32
        %dma_start3A_79 = tpu.memref_slice %arg2[%add3A_65, %dma_start3A_78] : memref<64000x128xf32, #tpu.memory_space<hbm>> -> memref<80x128xf32, #tpu.memory_space<hbm>>
        tpu.enqueue_dma source(%dma_start3A_79 : memref<80x128xf32, #tpu.memory_space<hbm>>) target(%dma_start3A_77 : memref<80x128xf32, #tpu.memory_space<vmem>>) target_semaphore(%dma_start3A_73 : memref<!tpu.dma_semaphore, #tpu.memory_space<semaphore_mem>>)
      } else {
      }
      %dma_wait3A = arith.constant 0 : i32
      %dma_wait3A_46 = arith.constant 0 : i32
      %dma_wait3A_47 = tpu.memref_slice %arg7[%select_n3A_39, %dma_wait3A, %dma_wait3A_46] : memref<2x80x128xf32, #tpu.memory_space<vmem>> -> memref<1x80x128xf32, #tpu.memory_space<vmem>>
      %dma_wait3A_48 = tpu.memref_squeeze %dma_wait3A_47 : memref<1x80x128xf32, #tpu.memory_space<vmem>> -> memref<80x128xf32, #tpu.memory_space<vmem>>
      %dma_wait3A_49 = arith.constant 0 : i32
      %dma_wait3A_50 = arith.constant 0 : i32
      %dma_wait3A_51 = tpu.memref_slice %arg2[%dma_wait3A_49, %dma_wait3A_50] : memref<64000x128xf32, #tpu.memory_space<hbm>> -> memref<80x128xf32, #tpu.memory_space<hbm>>
      %dma_wait3A_52 = tpu.memref_slice %arg9[%select_n3A_39] : memref<2x!tpu.dma_semaphore, #tpu.memory_space<semaphore_mem>> -> memref<1x!tpu.dma_semaphore, #tpu.memory_space<semaphore_mem>>
      %dma_wait3A_53 = tpu.memref_squeeze %dma_wait3A_52 : memref<1x!tpu.dma_semaphore, #tpu.memory_space<semaphore_mem>> -> memref<!tpu.dma_semaphore, #tpu.memory_space<semaphore_mem>>
      %dma_wait3A_54 = arith.constant 0 : i32
      %dma_wait3A_55 = arith.constant 0 : i32
      %dma_wait3A_56 = tpu.memref_slice %arg7[%select_n3A_39, %dma_wait3A_54, %dma_wait3A_55] : memref<2x80x128xf32, #tpu.memory_space<vmem>> -> memref<1x80x128xf32, #tpu.memory_space<vmem>>
      %dma_wait3A_57 = tpu.memref_squeeze %dma_wait3A_56 : memref<1x80x128xf32, #tpu.memory_space<vmem>> -> memref<80x128xf32, #tpu.memory_space<vmem>>
      %dma_wait3A_58 = arith.constant 0 : i32
      %dma_wait3A_59 = arith.constant 0 : i32
      %dma_wait3A_60 = tpu.memref_slice %arg2[%dma_wait3A_58, %dma_wait3A_59] : memref<64000x128xf32, #tpu.memory_space<hbm>> -> memref<80x128xf32, #tpu.memory_space<hbm>>
      tpu.wait_dma2 semaphore(%dma_wait3A_53 : memref<!tpu.dma_semaphore, #tpu.memory_space<semaphore_mem>>) src(%dma_wait3A_60 : memref<80x128xf32, #tpu.memory_space<hbm>>) dst(%dma_wait3A_57 : memref<80x128xf32, #tpu.memory_space<vmem>>)
      "tpu.region"() ({
        %run_scoped3A = tpu.sem_alloc : memref<!tpu.dma_semaphore, #tpu.memory_space<semaphore_mem>>
        %dma_start3A_61 = arith.constant 0 : i32
        %dma_start3A_62 = arith.constant 0 : i32
        %dma_start3A_63 = tpu.memref_slice %arg7[%select_n3A_39, %dma_start3A_61, %dma_start3A_62] : memref<2x80x128xf32, #tpu.memory_space<vmem>> -> memref<1x80x128xf32, #tpu.memory_space<vmem>>
        %dma_start3A_64 = tpu.memref_squeeze %dma_start3A_63 : memref<1x80x128xf32, #tpu.memory_space<vmem>> -> memref<80x128xf32, #tpu.memory_space<vmem>>
        %dma_start3A_65 = arith.constant 0 : i32
        %dma_start3A_66 = tpu.memref_slice %arg6[%scan3A_30, %dma_start3A_65] : memref<25x80xi32, #tpu.memory_space<vmem>> -> memref<1x80xi32, #tpu.memory_space<vmem>>
        %dma_start3A_67 = tpu.memref_squeeze %dma_start3A_66 : memref<1x80xi32, #tpu.memory_space<vmem>> -> memref<80xi32, #tpu.memory_space<vmem>>
        %dma_start3A_68 = arith.constant 0 : i32
        %dma_start3A_69 = arith.constant 0 : i32
        %dma_start3A_70 = tpu.memref_slice %arg8[%dma_start3A_68, %dma_start3A_69] : memref<10240x128xf32, #tpu.memory_space<vmem_shared>> -> memref<10240x128xf32, #tpu.memory_space<vmem_shared>>
        tpu.enqueue_indirect_dma source(%dma_start3A_64 : memref<80x128xf32, #tpu.memory_space<vmem>>) target(%dma_start3A_70 : memref<10240x128xf32, #tpu.memory_space<vmem_shared>>) offsets(%dma_start3A_67 : memref<80xi32, #tpu.memory_space<vmem>>) semaphore(%run_scoped3A : memref<!tpu.dma_semaphore, #tpu.memory_space<semaphore_mem>>) {add = true}
        %dma_wait3A_71 = arith.constant 0 : i32
        %dma_wait3A_72 = arith.constant 0 : i32
        %dma_wait3A_73 = tpu.memref_slice %arg7[%select_n3A_39, %dma_wait3A_71, %dma_wait3A_72] : memref<2x80x128xf32, #tpu.memory_space<vmem>> -> memref<1x80x128xf32, #tpu.memory_space<vmem>>
        %dma_wait3A_74 = tpu.memref_squeeze %dma_wait3A_73 : memref<1x80x128xf32, #tpu.memory_space<vmem>> -> memref<80x128xf32, #tpu.memory_space<vmem>>
        %dma_wait3A_75 = arith.constant 0 : i32
        %dma_wait3A_76 = tpu.memref_slice %arg6[%scan3A_30, %dma_wait3A_75] : memref<25x80xi32, #tpu.memory_space<vmem>> -> memref<1x80xi32, #tpu.memory_space<vmem>>
        %dma_wait3A_77 = tpu.memref_squeeze %dma_wait3A_76 : memref<1x80xi32, #tpu.memory_space<vmem>> -> memref<80xi32, #tpu.memory_space<vmem>>
        %dma_wait3A_78 = arith.constant 0 : i32
        %dma_wait3A_79 = arith.constant 0 : i32
        %dma_wait3A_80 = tpu.memref_slice %arg8[%dma_wait3A_78, %dma_wait3A_79] : memref<10240x128xf32, #tpu.memory_space<vmem_shared>> -> memref<10240x128xf32, #tpu.memory_space<vmem_shared>>
        tpu.wait_indirect_dma semaphore(%run_scoped3A : memref<!tpu.dma_semaphore, #tpu.memory_space<semaphore_mem>>) src(%dma_wait3A_74 : memref<80x128xf32, #tpu.memory_space<vmem>>) dst(%dma_wait3A_80 : memref<10240x128xf32, #tpu.memory_space<vmem_shared>>)
        tpu.yield
      }) : () -> ()
    }
    %scan3A_24 = arith.constant 25 : i32
    %barrier3A_25 = arith.constant 0 : index
    tpu.barrier barrier_id(%barrier3A_25)
    %mul3A_26 = arith.constant 640 : i32
    %mul3A_27 = arith.muli %arg1, %mul3A_26 : i32
    %mul3A_28 = arith.constant 640 : i32
    %mul3A_29 = arith.muli %arg1, %mul3A_28 : i32
    "tpu.region"() ({
      %run_scoped3A = tpu.sem_alloc : memref<!tpu.dma_semaphore, #tpu.memory_space<semaphore_mem>>
      %dma_start3A_30 = arith.constant 0 : i32
      %dma_start3A_31 = arith.constant 0 : i32
      %dma_start3A_32 = tpu.memref_slice %arg5[%arg0, %dma_start3A_30, %dma_start3A_31] : memref<2x10240x128xf32, #tpu.memory_space<hbm>> -> memref<1x10240x128xf32, #tpu.memory_space<hbm>>
      %dma_start3A_33 = tpu.memref_squeeze %dma_start3A_32 : memref<1x10240x128xf32, #tpu.memory_space<hbm>> -> memref<10240x128xf32, #tpu.memory_space<hbm>>
      %dma_start3A_34 = arith.constant 0 : i32
      %dma_start3A_35 = tpu.memref_slice %dma_start3A_33[%mul3A_29, %dma_start3A_34] : memref<10240x128xf32, #tpu.memory_space<hbm>> -> memref<640x128xf32, #tpu.memory_space<hbm>>
      %dma_start3A_36 = arith.constant 0 : i32
      %dma_start3A_37 = tpu.memref_slice %arg8[%mul3A_27, %dma_start3A_36] : memref<10240x128xf32, #tpu.memory_space<vmem_shared>> -> memref<640x128xf32, #tpu.memory_space<vmem_shared>>
      tpu.enqueue_dma source(%dma_start3A_37 : memref<640x128xf32, #tpu.memory_space<vmem_shared>>) target(%dma_start3A_35 : memref<640x128xf32, #tpu.memory_space<hbm>>) target_semaphore(%run_scoped3A : memref<!tpu.dma_semaphore, #tpu.memory_space<semaphore_mem>>)
      %dma_wait3A = arith.constant 0 : i32
      %dma_wait3A_38 = arith.constant 0 : i32
      %dma_wait3A_39 = tpu.memref_slice %arg5[%arg0, %dma_wait3A, %dma_wait3A_38] : memref<2x10240x128xf32, #tpu.memory_space<hbm>> -> memref<1x10240x128xf32, #tpu.memory_space<hbm>>
      %dma_wait3A_40 = tpu.memref_squeeze %dma_wait3A_39 : memref<1x10240x128xf32, #tpu.memory_space<hbm>> -> memref<10240x128xf32, #tpu.memory_space<hbm>>
      %dma_wait3A_41 = arith.constant 0 : i32
      %dma_wait3A_42 = tpu.memref_slice %dma_wait3A_40[%mul3A_29, %dma_wait3A_41] : memref<10240x128xf32, #tpu.memory_space<hbm>> -> memref<640x128xf32, #tpu.memory_space<hbm>>
      %dma_wait3A_43 = arith.constant 0 : i32
      %dma_wait3A_44 = tpu.memref_slice %arg8[%mul3A_27, %dma_wait3A_43] : memref<10240x128xf32, #tpu.memory_space<vmem_shared>> -> memref<640x128xf32, #tpu.memory_space<vmem_shared>>
      tpu.wait_dma2 semaphore(%run_scoped3A : memref<!tpu.dma_semaphore, #tpu.memory_space<semaphore_mem>>) src(%dma_wait3A_44 : memref<640x128xf32, #tpu.memory_space<vmem_shared>>) dst(%dma_wait3A_42 : memref<640x128xf32, #tpu.memory_space<hbm>>)
      tpu.yield
    }) : () -> ()
    return
  }
}

#map = affine_map<(d0, d1) -> (0, 0)>
#map1 = affine_map<(d0, d1) -> (0, 0, 0)>
module attributes {stable_mosaic.version = 14 : i64} {
  func.func @_scatter_k(%arg0: i32, %arg1: i32, %arg2: memref<64000x128xf32, #tpu.memory_space<hbm>>, %arg3: memref<32x25x80xi32, #tpu.memory_space<hbm>>, %arg4: memref<640x128xf32, #tpu.memory_space<hbm>>, %arg5: memref<2x10240x128xf32, #tpu.memory_space<hbm>>, %arg6: memref<25x80xi32, #tpu.memory_space<vmem>>, %arg7: memref<2x80x128xf32, #tpu.memory_space<vmem>>, %arg8: memref<10240x128xf32, #tpu.memory_space<vmem_shared>>, %arg9: memref<2x!tpu.dma_semaphore, #tpu.memory_space<semaphore_mem>>, %arg10: memref<2x!tpu.dma_semaphore, #tpu.memory_space<semaphore_mem>>) attributes {dimension_semantics = [#tpu.dimension_semantics<core_parallel>, #tpu.dimension_semantics<subcore_parallel>], iteration_bounds = array<i64: 2, 16>, scalar_prefetch = 0 : i64, scratch_operands = 5 : i64, tpu.core_type = #tpu.core_type<sc_vector_subcore>, window_params = [{transform_indices = #map}, {transform_indices = #map1}, {transform_indices = #map}, {transform_indices = #map1}]} {
    %mul3A = arith.constant 2 : i32
    %mul3A_0 = arith.muli %arg1, %mul3A : i32
    %add3A = arith.addi %mul3A_0, %arg0 : i32
    %mul3A_1 = arith.constant 2000 : i32
    %mul3A_2 = arith.muli %add3A, %mul3A_1 : i32
    %mul3A_3 = arith.constant 640 : i32
    %mul3A_4 = arith.muli %arg1, %mul3A_3 : i32
    "tpu.region"() ({
      %run_scoped3A = tpu.sem_alloc : memref<!tpu.dma_semaphore, #tpu.memory_space<semaphore_mem>>
      %dma_start3A_30 = arith.constant 0 : i32
      %dma_start3A_31 = tpu.memref_slice %arg8[%mul3A_4, %dma_start3A_30] : memref<10240x128xf32, #tpu.memory_space<vmem_shared>> -> memref<640x128xf32, #tpu.memory_space<vmem_shared>>
      tpu.enqueue_dma source(%arg4 : memref<640x128xf32, #tpu.memory_space<hbm>>) target(%dma_start3A_31 : memref<640x128xf32, #tpu.memory_space<vmem_shared>>) target_semaphore(%run_scoped3A : memref<!tpu.dma_semaphore, #tpu.memory_space<semaphore_mem>>)
      %dma_wait3A = arith.constant 0 : i32
      %dma_wait3A_32 = tpu.memref_slice %arg8[%mul3A_4, %dma_wait3A] : memref<10240x128xf32, #tpu.memory_space<vmem_shared>> -> memref<640x128xf32, #tpu.memory_space<vmem_shared>>
      tpu.wait_dma2 semaphore(%run_scoped3A : memref<!tpu.dma_semaphore, #tpu.memory_space<semaphore_mem>>) src(%arg4 : memref<640x128xf32, #tpu.memory_space<hbm>>) dst(%dma_wait3A_32 : memref<640x128xf32, #tpu.memory_space<vmem_shared>>)
      tpu.yield
    }) : () -> ()
    "tpu.region"() ({
      %run_scoped3A = tpu.sem_alloc : memref<!tpu.dma_semaphore, #tpu.memory_space<semaphore_mem>>
      %dma_start3A_30 = arith.constant 0 : i32
      %dma_start3A_31 = arith.constant 0 : i32
      %dma_start3A_32 = tpu.memref_slice %arg3[%add3A, %dma_start3A_30, %dma_start3A_31] : memref<32x25x80xi32, #tpu.memory_space<hbm>> -> memref<1x25x80xi32, #tpu.memory_space<hbm>>
      %dma_start3A_33 = tpu.memref_squeeze %dma_start3A_32 : memref<1x25x80xi32, #tpu.memory_space<hbm>> -> memref<25x80xi32, #tpu.memory_space<hbm>>
      %dma_start3A_34 = arith.constant 0 : i32
      %dma_start3A_35 = arith.constant 0 : i32
      %dma_start3A_36 = tpu.memref_slice %arg3[%add3A, %dma_start3A_34, %dma_start3A_35] : memref<32x25x80xi32, #tpu.memory_space<hbm>> -> memref<1x25x80xi32, #tpu.memory_space<hbm>>
      %dma_start3A_37 = tpu.memref_squeeze %dma_start3A_36 : memref<1x25x80xi32, #tpu.memory_space<hbm>> -> memref<25x80xi32, #tpu.memory_space<hbm>>
      tpu.enqueue_dma source(%dma_start3A_37 : memref<25x80xi32, #tpu.memory_space<hbm>>) target(%arg6 : memref<25x80xi32, #tpu.memory_space<vmem>>) target_semaphore(%run_scoped3A : memref<!tpu.dma_semaphore, #tpu.memory_space<semaphore_mem>>)
      %dma_wait3A = arith.constant 0 : i32
      %dma_wait3A_38 = arith.constant 0 : i32
      %dma_wait3A_39 = tpu.memref_slice %arg3[%add3A, %dma_wait3A, %dma_wait3A_38] : memref<32x25x80xi32, #tpu.memory_space<hbm>> -> memref<1x25x80xi32, #tpu.memory_space<hbm>>
      %dma_wait3A_40 = tpu.memref_squeeze %dma_wait3A_39 : memref<1x25x80xi32, #tpu.memory_space<hbm>> -> memref<25x80xi32, #tpu.memory_space<hbm>>
      %dma_wait3A_41 = arith.constant 0 : i32
      %dma_wait3A_42 = arith.constant 0 : i32
      %dma_wait3A_43 = tpu.memref_slice %arg3[%add3A, %dma_wait3A_41, %dma_wait3A_42] : memref<32x25x80xi32, #tpu.memory_space<hbm>> -> memref<1x25x80xi32, #tpu.memory_space<hbm>>
      %dma_wait3A_44 = tpu.memref_squeeze %dma_wait3A_43 : memref<1x25x80xi32, #tpu.memory_space<hbm>> -> memref<25x80xi32, #tpu.memory_space<hbm>>
      tpu.wait_dma2 semaphore(%run_scoped3A : memref<!tpu.dma_semaphore, #tpu.memory_space<semaphore_mem>>) src(%dma_wait3A_44 : memref<25x80xi32, #tpu.memory_space<hbm>>) dst(%arg6 : memref<25x80xi32, #tpu.memory_space<vmem>>)
      tpu.yield
    }) : () -> ()
    %barrier3A = arith.constant 0 : index
    tpu.barrier barrier_id(%barrier3A)
    %dma_start3A = arith.constant 0 : i32
    %dma_start3A_5 = arith.constant 0 : i32
    %dma_start3A_6 = arith.constant 0 : i32
    %dma_start3A_7 = arith.constant 0 : i32
    %dma_start3A_8 = tpu.memref_slice %arg7[%dma_start3A, %dma_start3A_6, %dma_start3A_7] : memref<2x80x128xf32, #tpu.memory_space<vmem>> -> memref<1x80x128xf32, #tpu.memory_space<vmem>>
    %dma_start3A_9 = tpu.memref_squeeze %dma_start3A_8 : memref<1x80x128xf32, #tpu.memory_space<vmem>> -> memref<80x128xf32, #tpu.memory_space<vmem>>
    %dma_start3A_10 = arith.constant 0 : i32
    %dma_start3A_11 = tpu.memref_slice %arg2[%mul3A_2, %dma_start3A_10] : memref<64000x128xf32, #tpu.memory_space<hbm>> -> memref<80x128xf32, #tpu.memory_space<hbm>>
    %dma_start3A_12 = tpu.memref_slice %arg9[%dma_start3A_5] : memref<2x!tpu.dma_semaphore, #tpu.memory_space<semaphore_mem>> -> memref<1x!tpu.dma_semaphore, #tpu.memory_space<semaphore_mem>>
    %dma_start3A_13 = tpu.memref_squeeze %dma_start3A_12 : memref<1x!tpu.dma_semaphore, #tpu.memory_space<semaphore_mem>> -> memref<!tpu.dma_semaphore, #tpu.memory_space<semaphore_mem>>
    %dma_start3A_14 = arith.constant 0 : i32
    %dma_start3A_15 = arith.constant 0 : i32
    %dma_start3A_16 = tpu.memref_slice %arg7[%dma_start3A, %dma_start3A_14, %dma_start3A_15] : memref<2x80x128xf32, #tpu.memory_space<vmem>> -> memref<1x80x128xf32, #tpu.memory_space<vmem>>
    %dma_start3A_17 = tpu.memref_squeeze %dma_start3A_16 : memref<1x80x128xf32, #tpu.memory_space<vmem>> -> memref<80x128xf32, #tpu.memory_space<vmem>>
    %dma_start3A_18 = arith.constant 0 : i32
    %dma_start3A_19 = tpu.memref_slice %arg2[%mul3A_2, %dma_start3A_18] : memref<64000x128xf32, #tpu.memory_space<hbm>> -> memref<80x128xf32, #tpu.memory_space<hbm>>
    tpu.enqueue_dma source(%dma_start3A_19 : memref<80x128xf32, #tpu.memory_space<hbm>>) target(%dma_start3A_17 : memref<80x128xf32, #tpu.memory_space<vmem>>) target_semaphore(%dma_start3A_13 : memref<!tpu.dma_semaphore, #tpu.memory_space<semaphore_mem>>)
    %scan3A = arith.constant 0 : i32
    %scan3A_20 = arith.constant 0 : i32
    %scan3A_21 = arith.constant 25 : i32
    %scan3A_22 = arith.addi %scan3A_20, %scan3A_21 : i32
    %scan3A_23 = arith.constant 1 : i32
    scf.for %scan3A_30 = %scan3A_20 to %scan3A_22 step %scan3A_23  : i32 {
      %jit3A = arith.constant 2 : i32
      %eq3A = arith.constant 0 : i32
      %eq3A_31 = arith.cmpi eq, %jit3A, %eq3A : i32
      %jit3A_32 = arith.constant 1 : i32
      %select_n3A = arith.select %eq3A_31, %jit3A_32, %jit3A : i32
      %rem3A = arith.remsi %scan3A_30, %select_n3A : i32
      %ne3A = arith.constant 0 : i32
      %ne3A_33 = arith.cmpi ne, %rem3A, %ne3A : i32
      %lt3A = arith.constant 0 : i32
      %lt3A_34 = arith.cmpi slt, %rem3A, %lt3A : i32
      %lt3A_35 = arith.constant 0 : i32
      %lt3A_36 = arith.cmpi slt, %select_n3A, %lt3A_35 : i32
      %ne3A_37 = arith.xori %lt3A_34, %lt3A_36 : i1
      %and3A = arith.andi %ne3A_37, %ne3A_33 : i1
      %add3A_38 = arith.addi %rem3A, %select_n3A : i32
      %select_n3A_39 = arith.select %and3A, %add3A_38, %rem3A : i32
      %sub3A = arith.constant 1 : i32
      %sub3A_40 = arith.subi %sub3A, %select_n3A_39 : i32
      %add3A_41 = arith.constant 1 : i32
      %add3A_42 = arith.addi %scan3A_30, %add3A_41 : i32
      %lt3A_43 = arith.constant 25 : i32
      %lt3A_44 = arith.cmpi slt, %add3A_42, %lt3A_43 : i32
      %convert_element_type3A = arith.extui %lt3A_44 : i1 to i32
      %cond3A = arith.constant 0 : i32
      %cond3A_45 = arith.cmpi ne, %convert_element_type3A, %cond3A : i32
      scf.if %cond3A_45 {
        %add3A_61 = arith.constant 1 : i32
        %add3A_62 = arith.addi %scan3A_30, %add3A_61 : i32
        %mul3A_63 = arith.constant 80 : i32
        %mul3A_64 = arith.muli %add3A_62, %mul3A_63 : i32
        %add3A_65 = arith.addi %mul3A_2, %mul3A_64 : i32
        %dma_start3A_66 = arith.constant 0 : i32
        %dma_start3A_67 = arith.constant 0 : i32
        %dma_start3A_68 = tpu.memref_slice %arg7[%sub3A_40, %dma_start3A_66, %dma_start3A_67] : memref<2x80x128xf32, #tpu.memory_space<vmem>> -> memref<1x80x128xf32, #tpu.memory_space<vmem>>
        %dma_start3A_69 = tpu.memref_squeeze %dma_start3A_68 : memref<1x80x128xf32, #tpu.memory_space<vmem>> -> memref<80x128xf32, #tpu.memory_space<vmem>>
        %dma_start3A_70 = arith.constant 0 : i32
        %dma_start3A_71 = tpu.memref_slice %arg2[%add3A_65, %dma_start3A_70] : memref<64000x128xf32, #tpu.memory_space<hbm>> -> memref<80x128xf32, #tpu.memory_space<hbm>>
        %dma_start3A_72 = tpu.memref_slice %arg9[%sub3A_40] : memref<2x!tpu.dma_semaphore, #tpu.memory_space<semaphore_mem>> -> memref<1x!tpu.dma_semaphore, #tpu.memory_space<semaphore_mem>>
        %dma_start3A_73 = tpu.memref_squeeze %dma_start3A_72 : memref<1x!tpu.dma_semaphore, #tpu.memory_space<semaphore_mem>> -> memref<!tpu.dma_semaphore, #tpu.memory_space<semaphore_mem>>
        %dma_start3A_74 = arith.constant 0 : i32
        %dma_start3A_75 = arith.constant 0 : i32
        %dma_start3A_76 = tpu.memref_slice %arg7[%sub3A_40, %dma_start3A_74, %dma_start3A_75] : memref<2x80x128xf32, #tpu.memory_space<vmem>> -> memref<1x80x128xf32, #tpu.memory_space<vmem>>
        %dma_start3A_77 = tpu.memref_squeeze %dma_start3A_76 : memref<1x80x128xf32, #tpu.memory_space<vmem>> -> memref<80x128xf32, #tpu.memory_space<vmem>>
        %dma_start3A_78 = arith.constant 0 : i32
        %dma_start3A_79 = tpu.memref_slice %arg2[%add3A_65, %dma_start3A_78] : memref<64000x128xf32, #tpu.memory_space<hbm>> -> memref<80x128xf32, #tpu.memory_space<hbm>>
        tpu.enqueue_dma source(%dma_start3A_79 : memref<80x128xf32, #tpu.memory_space<hbm>>) target(%dma_start3A_77 : memref<80x128xf32, #tpu.memory_space<vmem>>) target_semaphore(%dma_start3A_73 : memref<!tpu.dma_semaphore, #tpu.memory_space<semaphore_mem>>)
      } else {
      }
      %dma_wait3A = arith.constant 0 : i32
      %dma_wait3A_46 = arith.constant 0 : i32
      %dma_wait3A_47 = tpu.memref_slice %arg7[%select_n3A_39, %dma_wait3A, %dma_wait3A_46] : memref<2x80x128xf32, #tpu.memory_space<vmem>> -> memref<1x80x128xf32, #tpu.memory_space<vmem>>
      %dma_wait3A_48 = tpu.memref_squeeze %dma_wait3A_47 : memref<1x80x128xf32, #tpu.memory_space<vmem>> -> memref<80x128xf32, #tpu.memory_space<vmem>>
      %dma_wait3A_49 = arith.constant 0 : i32
      %dma_wait3A_50 = arith.constant 0 : i32
      %dma_wait3A_51 = tpu.memref_slice %arg2[%dma_wait3A_49, %dma_wait3A_50] : memref<64000x128xf32, #tpu.memory_space<hbm>> -> memref<80x128xf32, #tpu.memory_space<hbm>>
      %dma_wait3A_52 = tpu.memref_slice %arg9[%select_n3A_39] : memref<2x!tpu.dma_semaphore, #tpu.memory_space<semaphore_mem>> -> memref<1x!tpu.dma_semaphore, #tpu.memory_space<semaphore_mem>>
      %dma_wait3A_53 = tpu.memref_squeeze %dma_wait3A_52 : memref<1x!tpu.dma_semaphore, #tpu.memory_space<semaphore_mem>> -> memref<!tpu.dma_semaphore, #tpu.memory_space<semaphore_mem>>
      %dma_wait3A_54 = arith.constant 0 : i32
      %dma_wait3A_55 = arith.constant 0 : i32
      %dma_wait3A_56 = tpu.memref_slice %arg7[%select_n3A_39, %dma_wait3A_54, %dma_wait3A_55] : memref<2x80x128xf32, #tpu.memory_space<vmem>> -> memref<1x80x128xf32, #tpu.memory_space<vmem>>
      %dma_wait3A_57 = tpu.memref_squeeze %dma_wait3A_56 : memref<1x80x128xf32, #tpu.memory_space<vmem>> -> memref<80x128xf32, #tpu.memory_space<vmem>>
      %dma_wait3A_58 = arith.constant 0 : i32
      %dma_wait3A_59 = arith.constant 0 : i32
      %dma_wait3A_60 = tpu.memref_slice %arg2[%dma_wait3A_58, %dma_wait3A_59] : memref<64000x128xf32, #tpu.memory_space<hbm>> -> memref<80x128xf32, #tpu.memory_space<hbm>>
      tpu.wait_dma2 semaphore(%dma_wait3A_53 : memref<!tpu.dma_semaphore, #tpu.memory_space<semaphore_mem>>) src(%dma_wait3A_60 : memref<80x128xf32, #tpu.memory_space<hbm>>) dst(%dma_wait3A_57 : memref<80x128xf32, #tpu.memory_space<vmem>>)
      "tpu.region"() ({
        %run_scoped3A = tpu.sem_alloc : memref<!tpu.dma_semaphore, #tpu.memory_space<semaphore_mem>>
        %dma_start3A_61 = arith.constant 0 : i32
        %dma_start3A_62 = arith.constant 0 : i32
        %dma_start3A_63 = tpu.memref_slice %arg7[%select_n3A_39, %dma_start3A_61, %dma_start3A_62] : memref<2x80x128xf32, #tpu.memory_space<vmem>> -> memref<1x80x128xf32, #tpu.memory_space<vmem>>
        %dma_start3A_64 = tpu.memref_squeeze %dma_start3A_63 : memref<1x80x128xf32, #tpu.memory_space<vmem>> -> memref<80x128xf32, #tpu.memory_space<vmem>>
        %dma_start3A_65 = arith.constant 0 : i32
        %dma_start3A_66 = tpu.memref_slice %arg6[%scan3A_30, %dma_start3A_65] : memref<25x80xi32, #tpu.memory_space<vmem>> -> memref<1x80xi32, #tpu.memory_space<vmem>>
        %dma_start3A_67 = tpu.memref_squeeze %dma_start3A_66 : memref<1x80xi32, #tpu.memory_space<vmem>> -> memref<80xi32, #tpu.memory_space<vmem>>
        %dma_start3A_68 = arith.constant 0 : i32
        %dma_start3A_69 = arith.constant 0 : i32
        %dma_start3A_70 = tpu.memref_slice %arg8[%dma_start3A_68, %dma_start3A_69] : memref<10240x128xf32, #tpu.memory_space<vmem_shared>> -> memref<10240x128xf32, #tpu.memory_space<vmem_shared>>
        tpu.enqueue_indirect_dma source(%dma_start3A_64 : memref<80x128xf32, #tpu.memory_space<vmem>>) target(%dma_start3A_70 : memref<10240x128xf32, #tpu.memory_space<vmem_shared>>) offsets(%dma_start3A_67 : memref<80xi32, #tpu.memory_space<vmem>>) semaphore(%run_scoped3A : memref<!tpu.dma_semaphore, #tpu.memory_space<semaphore_mem>>) {add = true}
        %dma_wait3A_71 = arith.constant 0 : i32
        %dma_wait3A_72 = arith.constant 0 : i32
        %dma_wait3A_73 = tpu.memref_slice %arg7[%select_n3A_39, %dma_wait3A_71, %dma_wait3A_72] : memref<2x80x128xf32, #tpu.memory_space<vmem>> -> memref<1x80x128xf32, #tpu.memory_space<vmem>>
        %dma_wait3A_74 = tpu.memref_squeeze %dma_wait3A_73 : memref<1x80x128xf32, #tpu.memory_space<vmem>> -> memref<80x128xf32, #tpu.memory_space<vmem>>
        %dma_wait3A_75 = arith.constant 0 : i32
        %dma_wait3A_76 = tpu.memref_slice %arg6[%scan3A_30, %dma_wait3A_75] : memref<25x80xi32, #tpu.memory_space<vmem>> -> memref<1x80xi32, #tpu.memory_space<vmem>>
        %dma_wait3A_77 = tpu.memref_squeeze %dma_wait3A_76 : memref<1x80xi32, #tpu.memory_space<vmem>> -> memref<80xi32, #tpu.memory_space<vmem>>
        %dma_wait3A_78 = arith.constant 0 : i32
        %dma_wait3A_79 = arith.constant 0 : i32
        %dma_wait3A_80 = tpu.memref_slice %arg8[%dma_wait3A_78, %dma_wait3A_79] : memref<10240x128xf32, #tpu.memory_space<vmem_shared>> -> memref<10240x128xf32, #tpu.memory_space<vmem_shared>>
        tpu.wait_indirect_dma semaphore(%run_scoped3A : memref<!tpu.dma_semaphore, #tpu.memory_space<semaphore_mem>>) src(%dma_wait3A_74 : memref<80x128xf32, #tpu.memory_space<vmem>>) dst(%dma_wait3A_80 : memref<10240x128xf32, #tpu.memory_space<vmem_shared>>)
        tpu.yield
      }) : () -> ()
    }
    %scan3A_24 = arith.constant 25 : i32
    %barrier3A_25 = arith.constant 0 : index
    tpu.barrier barrier_id(%barrier3A_25)
    %mul3A_26 = arith.constant 640 : i32
    %mul3A_27 = arith.muli %arg1, %mul3A_26 : i32
    %mul3A_28 = arith.constant 640 : i32
    %mul3A_29 = arith.muli %arg1, %mul3A_28 : i32
    "tpu.region"() ({
      %run_scoped3A = tpu.sem_alloc : memref<!tpu.dma_semaphore, #tpu.memory_space<semaphore_mem>>
      %dma_start3A_30 = arith.constant 0 : i32
      %dma_start3A_31 = arith.constant 0 : i32
      %dma_start3A_32 = tpu.memref_slice %arg5[%arg0, %dma_start3A_30, %dma_start3A_31] : memref<2x10240x128xf32, #tpu.memory_space<hbm>> -> memref<1x10240x128xf32, #tpu.memory_space<hbm>>
      %dma_start3A_33 = tpu.memref_squeeze %dma_start3A_32 : memref<1x10240x128xf32, #tpu.memory_space<hbm>> -> memref<10240x128xf32, #tpu.memory_space<hbm>>
      %dma_start3A_34 = arith.constant 0 : i32
      %dma_start3A_35 = tpu.memref_slice %dma_start3A_33[%mul3A_29, %dma_start3A_34] : memref<10240x128xf32, #tpu.memory_space<hbm>> -> memref<640x128xf32, #tpu.memory_space<hbm>>
      %dma_start3A_36 = arith.constant 0 : i32
      %dma_start3A_37 = tpu.memref_slice %arg8[%mul3A_27, %dma_start3A_36] : memref<10240x128xf32, #tpu.memory_space<vmem_shared>> -> memref<640x128xf32, #tpu.memory_space<vmem_shared>>
      tpu.enqueue_dma source(%dma_start3A_37 : memref<640x128xf32, #tpu.memory_space<vmem_shared>>) target(%dma_start3A_35 : memref<640x128xf32, #tpu.memory_space<hbm>>) target_semaphore(%run_scoped3A : memref<!tpu.dma_semaphore, #tpu.memory_space<semaphore_mem>>)
      %dma_wait3A = arith.constant 0 : i32
      %dma_wait3A_38 = arith.constant 0 : i32
      %dma_wait3A_39 = tpu.memref_slice %arg5[%arg0, %dma_wait3A, %dma_wait3A_38] : memref<2x10240x128xf32, #tpu.memory_space<hbm>> -> memref<1x10240x128xf32, #tpu.memory_space<hbm>>
      %dma_wait3A_40 = tpu.memref_squeeze %dma_wait3A_39 : memref<1x10240x128xf32, #tpu.memory_space<hbm>> -> memref<10240x128xf32, #tpu.memory_space<hbm>>
      %dma_wait3A_41 = arith.constant 0 : i32
      %dma_wait3A_42 = tpu.memref_slice %dma_wait3A_40[%mul3A_29, %dma_wait3A_41] : memref<10240x128xf32, #tpu.memory_space<hbm>> -> memref<640x128xf32, #tpu.memory_space<hbm>>
      %dma_wait3A_43 = arith.constant 0 : i32
      %dma_wait3A_44 = tpu.memref_slice %arg8[%mul3A_27, %dma_wait3A_43] : memref<10240x128xf32, #tpu.memory_space<vmem_shared>> -> memref<640x128xf32, #tpu.memory_space<vmem_shared>>
      tpu.wait_dma2 semaphore(%run_scoped3A : memref<!tpu.dma_semaphore, #tpu.memory_space<semaphore_mem>>) src(%dma_wait3A_44 : memref<640x128xf32, #tpu.memory_space<vmem_shared>>) dst(%dma_wait3A_42 : memref<640x128xf32, #tpu.memory_space<hbm>>)
      tpu.yield
    }) : () -> ()
    return
  }
}

module attributes {stable_mosaic.version = 14 : i64} {
  func.func @_msg_body(%arg0: i32, %arg1: memref<3200x128xf32, #tpu.memory_space<vmem>>, %arg2: memref<3x3200xf32, #tpu.memory_space<vmem>>, %arg3: memref<128x1024xbf16, #tpu.memory_space<vmem>>, %arg4: memref<8x1024xf32, #tpu.memory_space<vmem>>, %arg5: memref<3200x128xf32, #tpu.memory_space<vmem>>) attributes {dimension_semantics = [#tpu.dimension_semantics<parallel>], iteration_bounds = array<i64: 20>, scalar_prefetch = 0 : i64, scratch_operands = 0 : i64, tpu.core_type = #tpu.core_type<tc>, window_params = [{transform_indices = @transform_0, window_bounds = array<i64: 3200, 128>}, {transform_indices = @transform_1, window_bounds = array<i64: 3, 3200>}, {pipeline_mode = #tpu.pipeline_mode<synchronous>, transform_indices = @transform_2, window_bounds = array<i64: 128, 1024>}, {pipeline_mode = #tpu.pipeline_mode<synchronous>, transform_indices = @transform_3, window_bounds = array<i64: 8, 1024>}, {transform_indices = @transform_4, window_bounds = array<i64: 3200, 128>}]} {
    %get3A = arith.constant 0 : index
    %get3A_0 = arith.constant 0 : index
    %get3A_1 = vector.load %arg2[%get3A, %get3A_0] : memref<3x3200xf32, #tpu.memory_space<vmem>>, vector<3x3200xf32>
    %slice3A = vector.extract_strided_slice %get3A_1 {offsets = [0, 0], sizes = [1, 3200], strides = [1, 1]} : vector<3x3200xf32> to vector<1x3200xf32>
    %slice3A_2 = vector.extract_strided_slice %get3A_1 {offsets = [0, 0], sizes = [1, 3200], strides = [1, 1]} : vector<3x3200xf32> to vector<1x3200xf32>
    %mul3A = arith.mulf %slice3A, %slice3A_2 : vector<1x3200xf32>
    %slice3A_3 = vector.extract_strided_slice %get3A_1 {offsets = [1, 0], sizes = [1, 3200], strides = [1, 1]} : vector<3x3200xf32> to vector<1x3200xf32>
    %slice3A_4 = vector.extract_strided_slice %get3A_1 {offsets = [1, 0], sizes = [1, 3200], strides = [1, 1]} : vector<3x3200xf32> to vector<1x3200xf32>
    %mul3A_5 = arith.mulf %slice3A_3, %slice3A_4 : vector<1x3200xf32>
    %add3A = arith.addf %mul3A, %mul3A_5 : vector<1x3200xf32>
    %slice3A_6 = vector.extract_strided_slice %get3A_1 {offsets = [2, 0], sizes = [1, 3200], strides = [1, 1]} : vector<3x3200xf32> to vector<1x3200xf32>
    %slice3A_7 = vector.extract_strided_slice %get3A_1 {offsets = [2, 0], sizes = [1, 3200], strides = [1, 1]} : vector<3x3200xf32> to vector<1x3200xf32>
    %mul3A_8 = arith.mulf %slice3A_6, %slice3A_7 : vector<1x3200xf32>
    %add3A_9 = arith.addf %add3A, %mul3A_8 : vector<1x3200xf32>
    %add3A_10 = arith.constant 9.99999996E-13 : f32
    %add3A_11 = vector.broadcast %add3A_10 : f32 to vector<1x3200xf32>
    %add3A_12 = arith.addf %add3A_9, %add3A_11 : vector<1x3200xf32>
    %sqrt3A = math.sqrt %add3A_12 : vector<1x3200xf32>
    %iota3A = tpu.iota {dimensions = array<i32: 0>} : vector<8x1xi32>
    %convert_element_type3A = arith.sitofp %iota3A : vector<8x1xi32> to vector<8x1xf32>
    %mul3A_13 = arith.constant 0.714285731 : f32
    %mul3A_14 = vector.broadcast %mul3A_13 : f32 to vector<8x1xf32>
    %mul3A_15 = arith.mulf %mul3A_14, %convert_element_type3A : vector<8x1xf32>
    %add3A_16 = arith.constant 0.000000e+00 : f32
    %add3A_17 = vector.broadcast %add3A_16 : f32 to vector<8x1xf32>
    %add3A_18 = arith.addf %add3A_17, %mul3A_15 : vector<8x1xf32>
    %sub3A = vector.broadcast %sqrt3A : vector<1x3200xf32> to vector<8x3200xf32>
    %sub3A_19 = vector.broadcast %add3A_18 : vector<8x1xf32> to vector<8x3200xf32>
    %sub3A_20 = arith.subf %sub3A, %sub3A_19 : vector<8x3200xf32>
    %div3A = arith.constant 0.714285731 : f32
    %div3A_21 = vector.broadcast %div3A : f32 to vector<8x3200xf32>
    %div3A_22 = arith.divf %sub3A_20, %div3A_21 : vector<8x3200xf32>
    %mul3A_23 = arith.constant -5.000000e-01 : f32
    %mul3A_24 = vector.broadcast %mul3A_23 : f32 to vector<8x3200xf32>
    %mul3A_25 = arith.mulf %mul3A_24, %div3A_22 : vector<8x3200xf32>
    %mul3A_26 = arith.mulf %mul3A_25, %div3A_22 : vector<8x3200xf32>
    %exp3A = math.exp %mul3A_26 : vector<8x3200xf32>
    %transpose3A = tpu.transpose %exp3A, [1, 0] : vector<8x3200xf32> -> vector<3200x8xf32>
    %mul3A_27 = arith.constant 0.398942292 : f32
    %mul3A_28 = vector.broadcast %mul3A_27 : f32 to vector<3200x8xf32>
    %mul3A_29 = arith.mulf %mul3A_28, %transpose3A : vector<3200x8xf32>
    %get3A_30 = arith.constant 0 : index
    %get3A_31 = arith.constant 0 : index
    %get3A_32 = vector.load %arg4[%get3A_30, %get3A_31] : memref<8x1024xf32, #tpu.memory_space<vmem>>, vector<8x1024xf32>
    %dot_general3A = arith.constant dense<0.000000e+00> : vector<3200x1024xf32>
    %dot_general3A_33 = tpu.matmul %mul3A_29, %get3A_32, %dot_general3A {dimension_numbers = #tpu.dot_dimension_numbers<[1], [0], [0], [1], [0, 0, 1, 1], [], []>, transpose_lhs_hint = false} : vector<3200x8xf32>, vector<8x1024xf32>, vector<3200x1024xf32> -> vector<3200x1024xf32>
    %get3A_34 = arith.constant 0 : index
    %get3A_35 = arith.constant 0 : index
    %get3A_36 = vector.load %arg1[%get3A_34, %get3A_35] : memref<3200x128xf32, #tpu.memory_space<vmem>>, vector<3200x128xf32>
    %convert_element_type3A_37 = arith.truncf %get3A_36 : vector<3200x128xf32> to vector<3200x128xbf16>
    %get3A_38 = arith.constant 0 : index
    %get3A_39 = arith.constant 0 : index
    %get3A_40 = vector.load %arg3[%get3A_38, %get3A_39] : memref<128x1024xbf16, #tpu.memory_space<vmem>>, vector<128x1024xbf16>
    %dot_general3A_41 = arith.constant dense<0.000000e+00> : vector<3200x1024xf32>
    %dot_general3A_42 = tpu.matmul %convert_element_type3A_37, %get3A_40, %dot_general3A_41 {dimension_numbers = #tpu.dot_dimension_numbers<[1], [0], [0], [1], [0, 0, 1, 1], [], []>, transpose_lhs_hint = false} : vector<3200x128xbf16>, vector<128x1024xbf16>, vector<3200x1024xf32> -> vector<3200x1024xf32>
    %mul3A_43 = arith.mulf %dot_general3A_42, %dot_general3A_33 : vector<3200x1024xf32>
    %slice3A_44 = vector.extract_strided_slice %mul3A_43 {offsets = [0, 0], sizes = [3200, 128], strides = [1, 1]} : vector<3200x1024xf32> to vector<3200x128xf32>
    %slice3A_45 = vector.extract_strided_slice %mul3A_43 {offsets = [0, 128], sizes = [3200, 128], strides = [1, 1]} : vector<3200x1024xf32> to vector<3200x128xf32>
    %add3A_46 = arith.addf %slice3A_44, %slice3A_45 : vector<3200x128xf32>
    %slice3A_47 = vector.extract_strided_slice %mul3A_43 {offsets = [0, 256], sizes = [3200, 128], strides = [1, 1]} : vector<3200x1024xf32> to vector<3200x128xf32>
    %add3A_48 = arith.addf %add3A_46, %slice3A_47 : vector<3200x128xf32>
    %slice3A_49 = vector.extract_strided_slice %mul3A_43 {offsets = [0, 384], sizes = [3200, 128], strides = [1, 1]} : vector<3200x1024xf32> to vector<3200x128xf32>
    %add3A_50 = arith.addf %add3A_48, %slice3A_49 : vector<3200x128xf32>
    %slice3A_51 = vector.extract_strided_slice %mul3A_43 {offsets = [0, 512], sizes = [3200, 128], strides = [1, 1]} : vector<3200x1024xf32> to vector<3200x128xf32>
    %add3A_52 = arith.addf %add3A_50, %slice3A_51 : vector<3200x128xf32>
    %slice3A_53 = vector.extract_strided_slice %mul3A_43 {offsets = [0, 640], sizes = [3200, 128], strides = [1, 1]} : vector<3200x1024xf32> to vector<3200x128xf32>
    %add3A_54 = arith.addf %add3A_52, %slice3A_53 : vector<3200x128xf32>
    %slice3A_55 = vector.extract_strided_slice %mul3A_43 {offsets = [0, 768], sizes = [3200, 128], strides = [1, 1]} : vector<3200x1024xf32> to vector<3200x128xf32>
    %add3A_56 = arith.addf %add3A_54, %slice3A_55 : vector<3200x128xf32>
    %slice3A_57 = vector.extract_strided_slice %mul3A_43 {offsets = [0, 896], sizes = [3200, 128], strides = [1, 1]} : vector<3200x1024xf32> to vector<3200x128xf32>
    %add3A_58 = arith.addf %add3A_56, %slice3A_57 : vector<3200x128xf32>
    %swap3A = arith.constant 0 : index
    %swap3A_59 = arith.constant 0 : index
    %swap3A_60 = vector.load %arg5[%swap3A, %swap3A_59] : memref<3200x128xf32, #tpu.memory_space<vmem>>, vector<3200x128xf32>
    tpu.vector_store %arg5[%swap3A, %swap3A_59], %add3A_58 {strides = array<i32>} : memref<3200x128xf32, #tpu.memory_space<vmem>>, vector<3200x128xf32>,
    return
  }
  func.func @transform_0(%arg0: i32) -> (i32, i32) {
    %c0_i32 = arith.constant 0 : i32
    %c0_i32_0 = arith.constant 0 : i32
    return %arg0, %c0_i32 : i32, i32
  }
  func.func @transform_1(%arg0: i32) -> (i32, i32) {
    %add3A = arith.constant 20 : i32
    %add3A_0 = arith.addi %arg0, %add3A : i32
    %c0_i32 = arith.constant 0 : i32
    %c0_i32_1 = arith.constant 0 : i32
    return %c0_i32, %add3A_0 : i32, i32
  }
  func.func @transform_2(%arg0: i32) -> (i32, i32) {
    %c0_i32 = arith.constant 0 : i32
    %c0_i32_0 = arith.constant 0 : i32
    %c0_i32_1 = arith.constant 0 : i32
    return %c0_i32, %c0_i32_0 : i32, i32
  }
  func.func @transform_3(%arg0: i32) -> (i32, i32) {
    %c0_i32 = arith.constant 0 : i32
    %c0_i32_0 = arith.constant 0 : i32
    %c0_i32_1 = arith.constant 0 : i32
    return %c0_i32, %c0_i32_0 : i32, i32
  }
  func.func @transform_4(%arg0: i32) -> (i32, i32) {
    %c0_i32 = arith.constant 0 : i32
    %c0_i32_0 = arith.constant 0 : i32
    return %arg0, %c0_i32 : i32, i32
  }
}

module attributes {stable_mosaic.version = 14 : i64} {
  func.func @_msg_body(%arg0: i32, %arg1: memref<3200x128xf32, #tpu.memory_space<vmem>>, %arg2: memref<3x3200xf32, #tpu.memory_space<vmem>>, %arg3: memref<128x1024xbf16, #tpu.memory_space<vmem>>, %arg4: memref<8x1024xf32, #tpu.memory_space<vmem>>, %arg5: memref<3200x128xf32, #tpu.memory_space<vmem>>) attributes {dimension_semantics = [#tpu.dimension_semantics<parallel>], iteration_bounds = array<i64: 20>, scalar_prefetch = 0 : i64, scratch_operands = 0 : i64, tpu.core_type = #tpu.core_type<tc>, window_params = [{transform_indices = @transform_0, window_bounds = array<i64: 3200, 128>}, {transform_indices = @transform_1, window_bounds = array<i64: 3, 3200>}, {pipeline_mode = #tpu.pipeline_mode<synchronous>, transform_indices = @transform_2, window_bounds = array<i64: 128, 1024>}, {pipeline_mode = #tpu.pipeline_mode<synchronous>, transform_indices = @transform_3, window_bounds = array<i64: 8, 1024>}, {transform_indices = @transform_4, window_bounds = array<i64: 3200, 128>}]} {
    %get3A = arith.constant 0 : index
    %get3A_0 = arith.constant 0 : index
    %get3A_1 = vector.load %arg2[%get3A, %get3A_0] : memref<3x3200xf32, #tpu.memory_space<vmem>>, vector<3x3200xf32>
    %slice3A = vector.extract_strided_slice %get3A_1 {offsets = [0, 0], sizes = [1, 3200], strides = [1, 1]} : vector<3x3200xf32> to vector<1x3200xf32>
    %slice3A_2 = vector.extract_strided_slice %get3A_1 {offsets = [0, 0], sizes = [1, 3200], strides = [1, 1]} : vector<3x3200xf32> to vector<1x3200xf32>
    %mul3A = arith.mulf %slice3A, %slice3A_2 : vector<1x3200xf32>
    %slice3A_3 = vector.extract_strided_slice %get3A_1 {offsets = [1, 0], sizes = [1, 3200], strides = [1, 1]} : vector<3x3200xf32> to vector<1x3200xf32>
    %slice3A_4 = vector.extract_strided_slice %get3A_1 {offsets = [1, 0], sizes = [1, 3200], strides = [1, 1]} : vector<3x3200xf32> to vector<1x3200xf32>
    %mul3A_5 = arith.mulf %slice3A_3, %slice3A_4 : vector<1x3200xf32>
    %add3A = arith.addf %mul3A, %mul3A_5 : vector<1x3200xf32>
    %slice3A_6 = vector.extract_strided_slice %get3A_1 {offsets = [2, 0], sizes = [1, 3200], strides = [1, 1]} : vector<3x3200xf32> to vector<1x3200xf32>
    %slice3A_7 = vector.extract_strided_slice %get3A_1 {offsets = [2, 0], sizes = [1, 3200], strides = [1, 1]} : vector<3x3200xf32> to vector<1x3200xf32>
    %mul3A_8 = arith.mulf %slice3A_6, %slice3A_7 : vector<1x3200xf32>
    %add3A_9 = arith.addf %add3A, %mul3A_8 : vector<1x3200xf32>
    %add3A_10 = arith.constant 9.99999996E-13 : f32
    %add3A_11 = vector.broadcast %add3A_10 : f32 to vector<1x3200xf32>
    %add3A_12 = arith.addf %add3A_9, %add3A_11 : vector<1x3200xf32>
    %sqrt3A = math.sqrt %add3A_12 : vector<1x3200xf32>
    %iota3A = tpu.iota {dimensions = array<i32: 0>} : vector<8x1xi32>
    %convert_element_type3A = arith.sitofp %iota3A : vector<8x1xi32> to vector<8x1xf32>
    %mul3A_13 = arith.constant 0.714285731 : f32
    %mul3A_14 = vector.broadcast %mul3A_13 : f32 to vector<8x1xf32>
    %mul3A_15 = arith.mulf %mul3A_14, %convert_element_type3A : vector<8x1xf32>
    %add3A_16 = arith.constant 0.000000e+00 : f32
    %add3A_17 = vector.broadcast %add3A_16 : f32 to vector<8x1xf32>
    %add3A_18 = arith.addf %add3A_17, %mul3A_15 : vector<8x1xf32>
    %sub3A = vector.broadcast %sqrt3A : vector<1x3200xf32> to vector<8x3200xf32>
    %sub3A_19 = vector.broadcast %add3A_18 : vector<8x1xf32> to vector<8x3200xf32>
    %sub3A_20 = arith.subf %sub3A, %sub3A_19 : vector<8x3200xf32>
    %div3A = arith.constant 0.714285731 : f32
    %div3A_21 = vector.broadcast %div3A : f32 to vector<8x3200xf32>
    %div3A_22 = arith.divf %sub3A_20, %div3A_21 : vector<8x3200xf32>
    %mul3A_23 = arith.constant -5.000000e-01 : f32
    %mul3A_24 = vector.broadcast %mul3A_23 : f32 to vector<8x3200xf32>
    %mul3A_25 = arith.mulf %mul3A_24, %div3A_22 : vector<8x3200xf32>
    %mul3A_26 = arith.mulf %mul3A_25, %div3A_22 : vector<8x3200xf32>
    %exp3A = math.exp %mul3A_26 : vector<8x3200xf32>
    %transpose3A = tpu.transpose %exp3A, [1, 0] : vector<8x3200xf32> -> vector<3200x8xf32>
    %mul3A_27 = arith.constant 0.398942292 : f32
    %mul3A_28 = vector.broadcast %mul3A_27 : f32 to vector<3200x8xf32>
    %mul3A_29 = arith.mulf %mul3A_28, %transpose3A : vector<3200x8xf32>
    %get3A_30 = arith.constant 0 : index
    %get3A_31 = arith.constant 0 : index
    %get3A_32 = vector.load %arg4[%get3A_30, %get3A_31] : memref<8x1024xf32, #tpu.memory_space<vmem>>, vector<8x1024xf32>
    %dot_general3A = arith.constant dense<0.000000e+00> : vector<3200x1024xf32>
    %dot_general3A_33 = tpu.matmul %mul3A_29, %get3A_32, %dot_general3A {dimension_numbers = #tpu.dot_dimension_numbers<[1], [0], [0], [1], [0, 0, 1, 1], [], []>, transpose_lhs_hint = false} : vector<3200x8xf32>, vector<8x1024xf32>, vector<3200x1024xf32> -> vector<3200x1024xf32>
    %get3A_34 = arith.constant 0 : index
    %get3A_35 = arith.constant 0 : index
    %get3A_36 = vector.load %arg1[%get3A_34, %get3A_35] : memref<3200x128xf32, #tpu.memory_space<vmem>>, vector<3200x128xf32>
    %convert_element_type3A_37 = arith.truncf %get3A_36 : vector<3200x128xf32> to vector<3200x128xbf16>
    %get3A_38 = arith.constant 0 : index
    %get3A_39 = arith.constant 0 : index
    %get3A_40 = vector.load %arg3[%get3A_38, %get3A_39] : memref<128x1024xbf16, #tpu.memory_space<vmem>>, vector<128x1024xbf16>
    %dot_general3A_41 = arith.constant dense<0.000000e+00> : vector<3200x1024xf32>
    %dot_general3A_42 = tpu.matmul %convert_element_type3A_37, %get3A_40, %dot_general3A_41 {dimension_numbers = #tpu.dot_dimension_numbers<[1], [0], [0], [1], [0, 0, 1, 1], [], []>, transpose_lhs_hint = false} : vector<3200x128xbf16>, vector<128x1024xbf16>, vector<3200x1024xf32> -> vector<3200x1024xf32>
    %mul3A_43 = arith.mulf %dot_general3A_42, %dot_general3A_33 : vector<3200x1024xf32>
    %slice3A_44 = vector.extract_strided_slice %mul3A_43 {offsets = [0, 0], sizes = [3200, 128], strides = [1, 1]} : vector<3200x1024xf32> to vector<3200x128xf32>
    %slice3A_45 = vector.extract_strided_slice %mul3A_43 {offsets = [0, 128], sizes = [3200, 128], strides = [1, 1]} : vector<3200x1024xf32> to vector<3200x128xf32>
    %add3A_46 = arith.addf %slice3A_44, %slice3A_45 : vector<3200x128xf32>
    %slice3A_47 = vector.extract_strided_slice %mul3A_43 {offsets = [0, 256], sizes = [3200, 128], strides = [1, 1]} : vector<3200x1024xf32> to vector<3200x128xf32>
    %add3A_48 = arith.addf %add3A_46, %slice3A_47 : vector<3200x128xf32>
    %slice3A_49 = vector.extract_strided_slice %mul3A_43 {offsets = [0, 384], sizes = [3200, 128], strides = [1, 1]} : vector<3200x1024xf32> to vector<3200x128xf32>
    %add3A_50 = arith.addf %add3A_48, %slice3A_49 : vector<3200x128xf32>
    %slice3A_51 = vector.extract_strided_slice %mul3A_43 {offsets = [0, 512], sizes = [3200, 128], strides = [1, 1]} : vector<3200x1024xf32> to vector<3200x128xf32>
    %add3A_52 = arith.addf %add3A_50, %slice3A_51 : vector<3200x128xf32>
    %slice3A_53 = vector.extract_strided_slice %mul3A_43 {offsets = [0, 640], sizes = [3200, 128], strides = [1, 1]} : vector<3200x1024xf32> to vector<3200x128xf32>
    %add3A_54 = arith.addf %add3A_52, %slice3A_53 : vector<3200x128xf32>
    %slice3A_55 = vector.extract_strided_slice %mul3A_43 {offsets = [0, 768], sizes = [3200, 128], strides = [1, 1]} : vector<3200x1024xf32> to vector<3200x128xf32>
    %add3A_56 = arith.addf %add3A_54, %slice3A_55 : vector<3200x128xf32>
    %slice3A_57 = vector.extract_strided_slice %mul3A_43 {offsets = [0, 896], sizes = [3200, 128], strides = [1, 1]} : vector<3200x1024xf32> to vector<3200x128xf32>
    %add3A_58 = arith.addf %add3A_56, %slice3A_57 : vector<3200x128xf32>
    %swap3A = arith.constant 0 : index
    %swap3A_59 = arith.constant 0 : index
    %swap3A_60 = vector.load %arg5[%swap3A, %swap3A_59] : memref<3200x128xf32, #tpu.memory_space<vmem>>, vector<3200x128xf32>
    tpu.vector_store %arg5[%swap3A, %swap3A_59], %add3A_58 {strides = array<i32>} : memref<3200x128xf32, #tpu.memory_space<vmem>>, vector<3200x128xf32>,
    return
  }
  func.func @transform_0(%arg0: i32) -> (i32, i32) {
    %c0_i32 = arith.constant 0 : i32
    %c0_i32_0 = arith.constant 0 : i32
    return %arg0, %c0_i32 : i32, i32
  }
  func.func @transform_1(%arg0: i32) -> (i32, i32) {
    %add3A = arith.constant 40 : i32
    %add3A_0 = arith.addi %arg0, %add3A : i32
    %c0_i32 = arith.constant 0 : i32
    %c0_i32_1 = arith.constant 0 : i32
    return %c0_i32, %add3A_0 : i32, i32
  }
  func.func @transform_2(%arg0: i32) -> (i32, i32) {
    %c0_i32 = arith.constant 0 : i32
    %c0_i32_0 = arith.constant 0 : i32
    %c0_i32_1 = arith.constant 0 : i32
    return %c0_i32, %c0_i32_0 : i32, i32
  }
  func.func @transform_3(%arg0: i32) -> (i32, i32) {
    %c0_i32 = arith.constant 0 : i32
    %c0_i32_0 = arith.constant 0 : i32
    %c0_i32_1 = arith.constant 0 : i32
    return %c0_i32, %c0_i32_0 : i32, i32
  }
  func.func @transform_4(%arg0: i32) -> (i32, i32) {
    %c0_i32 = arith.constant 0 : i32
    %c0_i32_0 = arith.constant 0 : i32
    return %arg0, %c0_i32 : i32, i32
  }
}

module attributes {stable_mosaic.version = 14 : i64} {
  func.func @_msg_body(%arg0: i32, %arg1: memref<3200x128xf32, #tpu.memory_space<vmem>>, %arg2: memref<3x3200xf32, #tpu.memory_space<vmem>>, %arg3: memref<128x1024xbf16, #tpu.memory_space<vmem>>, %arg4: memref<8x1024xf32, #tpu.memory_space<vmem>>, %arg5: memref<3200x128xf32, #tpu.memory_space<vmem>>) attributes {dimension_semantics = [#tpu.dimension_semantics<parallel>], iteration_bounds = array<i64: 20>, scalar_prefetch = 0 : i64, scratch_operands = 0 : i64, tpu.core_type = #tpu.core_type<tc>, window_params = [{transform_indices = @transform_0, window_bounds = array<i64: 3200, 128>}, {transform_indices = @transform_1, window_bounds = array<i64: 3, 3200>}, {pipeline_mode = #tpu.pipeline_mode<synchronous>, transform_indices = @transform_2, window_bounds = array<i64: 128, 1024>}, {pipeline_mode = #tpu.pipeline_mode<synchronous>, transform_indices = @transform_3, window_bounds = array<i64: 8, 1024>}, {transform_indices = @transform_4, window_bounds = array<i64: 3200, 128>}]} {
    %get3A = arith.constant 0 : index
    %get3A_0 = arith.constant 0 : index
    %get3A_1 = vector.load %arg2[%get3A, %get3A_0] : memref<3x3200xf32, #tpu.memory_space<vmem>>, vector<3x3200xf32>
    %slice3A = vector.extract_strided_slice %get3A_1 {offsets = [0, 0], sizes = [1, 3200], strides = [1, 1]} : vector<3x3200xf32> to vector<1x3200xf32>
    %slice3A_2 = vector.extract_strided_slice %get3A_1 {offsets = [0, 0], sizes = [1, 3200], strides = [1, 1]} : vector<3x3200xf32> to vector<1x3200xf32>
    %mul3A = arith.mulf %slice3A, %slice3A_2 : vector<1x3200xf32>
    %slice3A_3 = vector.extract_strided_slice %get3A_1 {offsets = [1, 0], sizes = [1, 3200], strides = [1, 1]} : vector<3x3200xf32> to vector<1x3200xf32>
    %slice3A_4 = vector.extract_strided_slice %get3A_1 {offsets = [1, 0], sizes = [1, 3200], strides = [1, 1]} : vector<3x3200xf32> to vector<1x3200xf32>
    %mul3A_5 = arith.mulf %slice3A_3, %slice3A_4 : vector<1x3200xf32>
    %add3A = arith.addf %mul3A, %mul3A_5 : vector<1x3200xf32>
    %slice3A_6 = vector.extract_strided_slice %get3A_1 {offsets = [2, 0], sizes = [1, 3200], strides = [1, 1]} : vector<3x3200xf32> to vector<1x3200xf32>
    %slice3A_7 = vector.extract_strided_slice %get3A_1 {offsets = [2, 0], sizes = [1, 3200], strides = [1, 1]} : vector<3x3200xf32> to vector<1x3200xf32>
    %mul3A_8 = arith.mulf %slice3A_6, %slice3A_7 : vector<1x3200xf32>
    %add3A_9 = arith.addf %add3A, %mul3A_8 : vector<1x3200xf32>
    %add3A_10 = arith.constant 9.99999996E-13 : f32
    %add3A_11 = vector.broadcast %add3A_10 : f32 to vector<1x3200xf32>
    %add3A_12 = arith.addf %add3A_9, %add3A_11 : vector<1x3200xf32>
    %sqrt3A = math.sqrt %add3A_12 : vector<1x3200xf32>
    %iota3A = tpu.iota {dimensions = array<i32: 0>} : vector<8x1xi32>
    %convert_element_type3A = arith.sitofp %iota3A : vector<8x1xi32> to vector<8x1xf32>
    %mul3A_13 = arith.constant 0.714285731 : f32
    %mul3A_14 = vector.broadcast %mul3A_13 : f32 to vector<8x1xf32>
    %mul3A_15 = arith.mulf %mul3A_14, %convert_element_type3A : vector<8x1xf32>
    %add3A_16 = arith.constant 0.000000e+00 : f32
    %add3A_17 = vector.broadcast %add3A_16 : f32 to vector<8x1xf32>
    %add3A_18 = arith.addf %add3A_17, %mul3A_15 : vector<8x1xf32>
    %sub3A = vector.broadcast %sqrt3A : vector<1x3200xf32> to vector<8x3200xf32>
    %sub3A_19 = vector.broadcast %add3A_18 : vector<8x1xf32> to vector<8x3200xf32>
    %sub3A_20 = arith.subf %sub3A, %sub3A_19 : vector<8x3200xf32>
    %div3A = arith.constant 0.714285731 : f32
    %div3A_21 = vector.broadcast %div3A : f32 to vector<8x3200xf32>
    %div3A_22 = arith.divf %sub3A_20, %div3A_21 : vector<8x3200xf32>
    %mul3A_23 = arith.constant -5.000000e-01 : f32
    %mul3A_24 = vector.broadcast %mul3A_23 : f32 to vector<8x3200xf32>
    %mul3A_25 = arith.mulf %mul3A_24, %div3A_22 : vector<8x3200xf32>
    %mul3A_26 = arith.mulf %mul3A_25, %div3A_22 : vector<8x3200xf32>
    %exp3A = math.exp %mul3A_26 : vector<8x3200xf32>
    %transpose3A = tpu.transpose %exp3A, [1, 0] : vector<8x3200xf32> -> vector<3200x8xf32>
    %mul3A_27 = arith.constant 0.398942292 : f32
    %mul3A_28 = vector.broadcast %mul3A_27 : f32 to vector<3200x8xf32>
    %mul3A_29 = arith.mulf %mul3A_28, %transpose3A : vector<3200x8xf32>
    %get3A_30 = arith.constant 0 : index
    %get3A_31 = arith.constant 0 : index
    %get3A_32 = vector.load %arg4[%get3A_30, %get3A_31] : memref<8x1024xf32, #tpu.memory_space<vmem>>, vector<8x1024xf32>
    %dot_general3A = arith.constant dense<0.000000e+00> : vector<3200x1024xf32>
    %dot_general3A_33 = tpu.matmul %mul3A_29, %get3A_32, %dot_general3A {dimension_numbers = #tpu.dot_dimension_numbers<[1], [0], [0], [1], [0, 0, 1, 1], [], []>, transpose_lhs_hint = false} : vector<3200x8xf32>, vector<8x1024xf32>, vector<3200x1024xf32> -> vector<3200x1024xf32>
    %get3A_34 = arith.constant 0 : index
    %get3A_35 = arith.constant 0 : index
    %get3A_36 = vector.load %arg1[%get3A_34, %get3A_35] : memref<3200x128xf32, #tpu.memory_space<vmem>>, vector<3200x128xf32>
    %convert_element_type3A_37 = arith.truncf %get3A_36 : vector<3200x128xf32> to vector<3200x128xbf16>
    %get3A_38 = arith.constant 0 : index
    %get3A_39 = arith.constant 0 : index
    %get3A_40 = vector.load %arg3[%get3A_38, %get3A_39] : memref<128x1024xbf16, #tpu.memory_space<vmem>>, vector<128x1024xbf16>
    %dot_general3A_41 = arith.constant dense<0.000000e+00> : vector<3200x1024xf32>
    %dot_general3A_42 = tpu.matmul %convert_element_type3A_37, %get3A_40, %dot_general3A_41 {dimension_numbers = #tpu.dot_dimension_numbers<[1], [0], [0], [1], [0, 0, 1, 1], [], []>, transpose_lhs_hint = false} : vector<3200x128xbf16>, vector<128x1024xbf16>, vector<3200x1024xf32> -> vector<3200x1024xf32>
    %mul3A_43 = arith.mulf %dot_general3A_42, %dot_general3A_33 : vector<3200x1024xf32>
    %slice3A_44 = vector.extract_strided_slice %mul3A_43 {offsets = [0, 0], sizes = [3200, 128], strides = [1, 1]} : vector<3200x1024xf32> to vector<3200x128xf32>
    %slice3A_45 = vector.extract_strided_slice %mul3A_43 {offsets = [0, 128], sizes = [3200, 128], strides = [1, 1]} : vector<3200x1024xf32> to vector<3200x128xf32>
    %add3A_46 = arith.addf %slice3A_44, %slice3A_45 : vector<3200x128xf32>
    %slice3A_47 = vector.extract_strided_slice %mul3A_43 {offsets = [0, 256], sizes = [3200, 128], strides = [1, 1]} : vector<3200x1024xf32> to vector<3200x128xf32>
    %add3A_48 = arith.addf %add3A_46, %slice3A_47 : vector<3200x128xf32>
    %slice3A_49 = vector.extract_strided_slice %mul3A_43 {offsets = [0, 384], sizes = [3200, 128], strides = [1, 1]} : vector<3200x1024xf32> to vector<3200x128xf32>
    %add3A_50 = arith.addf %add3A_48, %slice3A_49 : vector<3200x128xf32>
    %slice3A_51 = vector.extract_strided_slice %mul3A_43 {offsets = [0, 512], sizes = [3200, 128], strides = [1, 1]} : vector<3200x1024xf32> to vector<3200x128xf32>
    %add3A_52 = arith.addf %add3A_50, %slice3A_51 : vector<3200x128xf32>
    %slice3A_53 = vector.extract_strided_slice %mul3A_43 {offsets = [0, 640], sizes = [3200, 128], strides = [1, 1]} : vector<3200x1024xf32> to vector<3200x128xf32>
    %add3A_54 = arith.addf %add3A_52, %slice3A_53 : vector<3200x128xf32>
    %slice3A_55 = vector.extract_strided_slice %mul3A_43 {offsets = [0, 768], sizes = [3200, 128], strides = [1, 1]} : vector<3200x1024xf32> to vector<3200x128xf32>
    %add3A_56 = arith.addf %add3A_54, %slice3A_55 : vector<3200x128xf32>
    %slice3A_57 = vector.extract_strided_slice %mul3A_43 {offsets = [0, 896], sizes = [3200, 128], strides = [1, 1]} : vector<3200x1024xf32> to vector<3200x128xf32>
    %add3A_58 = arith.addf %add3A_56, %slice3A_57 : vector<3200x128xf32>
    %swap3A = arith.constant 0 : index
    %swap3A_59 = arith.constant 0 : index
    %swap3A_60 = vector.load %arg5[%swap3A, %swap3A_59] : memref<3200x128xf32, #tpu.memory_space<vmem>>, vector<3200x128xf32>
    tpu.vector_store %arg5[%swap3A, %swap3A_59], %add3A_58 {strides = array<i32>} : memref<3200x128xf32, #tpu.memory_space<vmem>>, vector<3200x128xf32>,
    return
  }
  func.func @transform_0(%arg0: i32) -> (i32, i32) {
    %c0_i32 = arith.constant 0 : i32
    %c0_i32_0 = arith.constant 0 : i32
    return %arg0, %c0_i32 : i32, i32
  }
  func.func @transform_1(%arg0: i32) -> (i32, i32) {
    %add3A = arith.constant 60 : i32
    %add3A_0 = arith.addi %arg0, %add3A : i32
    %c0_i32 = arith.constant 0 : i32
    %c0_i32_1 = arith.constant 0 : i32
    return %c0_i32, %add3A_0 : i32, i32
  }
  func.func @transform_2(%arg0: i32) -> (i32, i32) {
    %c0_i32 = arith.constant 0 : i32
    %c0_i32_0 = arith.constant 0 : i32
    %c0_i32_1 = arith.constant 0 : i32
    return %c0_i32, %c0_i32_0 : i32, i32
  }
  func.func @transform_3(%arg0: i32) -> (i32, i32) {
    %c0_i32 = arith.constant 0 : i32
    %c0_i32_0 = arith.constant 0 : i32
    %c0_i32_1 = arith.constant 0 : i32
    return %c0_i32, %c0_i32_0 : i32, i32
  }
  func.func @transform_4(%arg0: i32) -> (i32, i32) {
    %c0_i32 = arith.constant 0 : i32
    %c0_i32_0 = arith.constant 0 : i32
    return %arg0, %c0_i32 : i32, i32
  }
}

module attributes {stable_mosaic.version = 14 : i64} {
  func.func @_msg_body(%arg0: i32, %arg1: memref<3200x128xf32, #tpu.memory_space<vmem>>, %arg2: memref<3x3200xf32, #tpu.memory_space<vmem>>, %arg3: memref<128x1024xbf16, #tpu.memory_space<vmem>>, %arg4: memref<8x1024xf32, #tpu.memory_space<vmem>>, %arg5: memref<3200x128xf32, #tpu.memory_space<vmem>>) attributes {dimension_semantics = [#tpu.dimension_semantics<parallel>], iteration_bounds = array<i64: 20>, scalar_prefetch = 0 : i64, scratch_operands = 0 : i64, tpu.core_type = #tpu.core_type<tc>, window_params = [{transform_indices = @transform_0, window_bounds = array<i64: 3200, 128>}, {transform_indices = @transform_1, window_bounds = array<i64: 3, 3200>}, {pipeline_mode = #tpu.pipeline_mode<synchronous>, transform_indices = @transform_2, window_bounds = array<i64: 128, 1024>}, {pipeline_mode = #tpu.pipeline_mode<synchronous>, transform_indices = @transform_3, window_bounds = array<i64: 8, 1024>}, {transform_indices = @transform_4, window_bounds = array<i64: 3200, 128>}]} {
    %get3A = arith.constant 0 : index
    %get3A_0 = arith.constant 0 : index
    %get3A_1 = vector.load %arg2[%get3A, %get3A_0] : memref<3x3200xf32, #tpu.memory_space<vmem>>, vector<3x3200xf32>
    %slice3A = vector.extract_strided_slice %get3A_1 {offsets = [0, 0], sizes = [1, 3200], strides = [1, 1]} : vector<3x3200xf32> to vector<1x3200xf32>
    %slice3A_2 = vector.extract_strided_slice %get3A_1 {offsets = [0, 0], sizes = [1, 3200], strides = [1, 1]} : vector<3x3200xf32> to vector<1x3200xf32>
    %mul3A = arith.mulf %slice3A, %slice3A_2 : vector<1x3200xf32>
    %slice3A_3 = vector.extract_strided_slice %get3A_1 {offsets = [1, 0], sizes = [1, 3200], strides = [1, 1]} : vector<3x3200xf32> to vector<1x3200xf32>
    %slice3A_4 = vector.extract_strided_slice %get3A_1 {offsets = [1, 0], sizes = [1, 3200], strides = [1, 1]} : vector<3x3200xf32> to vector<1x3200xf32>
    %mul3A_5 = arith.mulf %slice3A_3, %slice3A_4 : vector<1x3200xf32>
    %add3A = arith.addf %mul3A, %mul3A_5 : vector<1x3200xf32>
    %slice3A_6 = vector.extract_strided_slice %get3A_1 {offsets = [2, 0], sizes = [1, 3200], strides = [1, 1]} : vector<3x3200xf32> to vector<1x3200xf32>
    %slice3A_7 = vector.extract_strided_slice %get3A_1 {offsets = [2, 0], sizes = [1, 3200], strides = [1, 1]} : vector<3x3200xf32> to vector<1x3200xf32>
    %mul3A_8 = arith.mulf %slice3A_6, %slice3A_7 : vector<1x3200xf32>
    %add3A_9 = arith.addf %add3A, %mul3A_8 : vector<1x3200xf32>
    %add3A_10 = arith.constant 9.99999996E-13 : f32
    %add3A_11 = vector.broadcast %add3A_10 : f32 to vector<1x3200xf32>
    %add3A_12 = arith.addf %add3A_9, %add3A_11 : vector<1x3200xf32>
    %sqrt3A = math.sqrt %add3A_12 : vector<1x3200xf32>
    %iota3A = tpu.iota {dimensions = array<i32: 0>} : vector<8x1xi32>
    %convert_element_type3A = arith.sitofp %iota3A : vector<8x1xi32> to vector<8x1xf32>
    %mul3A_13 = arith.constant 0.714285731 : f32
    %mul3A_14 = vector.broadcast %mul3A_13 : f32 to vector<8x1xf32>
    %mul3A_15 = arith.mulf %mul3A_14, %convert_element_type3A : vector<8x1xf32>
    %add3A_16 = arith.constant 0.000000e+00 : f32
    %add3A_17 = vector.broadcast %add3A_16 : f32 to vector<8x1xf32>
    %add3A_18 = arith.addf %add3A_17, %mul3A_15 : vector<8x1xf32>
    %sub3A = vector.broadcast %sqrt3A : vector<1x3200xf32> to vector<8x3200xf32>
    %sub3A_19 = vector.broadcast %add3A_18 : vector<8x1xf32> to vector<8x3200xf32>
    %sub3A_20 = arith.subf %sub3A, %sub3A_19 : vector<8x3200xf32>
    %div3A = arith.constant 0.714285731 : f32
    %div3A_21 = vector.broadcast %div3A : f32 to vector<8x3200xf32>
    %div3A_22 = arith.divf %sub3A_20, %div3A_21 : vector<8x3200xf32>
    %mul3A_23 = arith.constant -5.000000e-01 : f32
    %mul3A_24 = vector.broadcast %mul3A_23 : f32 to vector<8x3200xf32>
    %mul3A_25 = arith.mulf %mul3A_24, %div3A_22 : vector<8x3200xf32>
    %mul3A_26 = arith.mulf %mul3A_25, %div3A_22 : vector<8x3200xf32>
    %exp3A = math.exp %mul3A_26 : vector<8x3200xf32>
    %transpose3A = tpu.transpose %exp3A, [1, 0] : vector<8x3200xf32> -> vector<3200x8xf32>
    %mul3A_27 = arith.constant 0.398942292 : f32
    %mul3A_28 = vector.broadcast %mul3A_27 : f32 to vector<3200x8xf32>
    %mul3A_29 = arith.mulf %mul3A_28, %transpose3A : vector<3200x8xf32>
    %get3A_30 = arith.constant 0 : index
    %get3A_31 = arith.constant 0 : index
    %get3A_32 = vector.load %arg4[%get3A_30, %get3A_31] : memref<8x1024xf32, #tpu.memory_space<vmem>>, vector<8x1024xf32>
    %dot_general3A = arith.constant dense<0.000000e+00> : vector<3200x1024xf32>
    %dot_general3A_33 = tpu.matmul %mul3A_29, %get3A_32, %dot_general3A {dimension_numbers = #tpu.dot_dimension_numbers<[1], [0], [0], [1], [0, 0, 1, 1], [], []>, transpose_lhs_hint = false} : vector<3200x8xf32>, vector<8x1024xf32>, vector<3200x1024xf32> -> vector<3200x1024xf32>
    %get3A_34 = arith.constant 0 : index
    %get3A_35 = arith.constant 0 : index
    %get3A_36 = vector.load %arg1[%get3A_34, %get3A_35] : memref<3200x128xf32, #tpu.memory_space<vmem>>, vector<3200x128xf32>
    %convert_element_type3A_37 = arith.truncf %get3A_36 : vector<3200x128xf32> to vector<3200x128xbf16>
    %get3A_38 = arith.constant 0 : index
    %get3A_39 = arith.constant 0 : index
    %get3A_40 = vector.load %arg3[%get3A_38, %get3A_39] : memref<128x1024xbf16, #tpu.memory_space<vmem>>, vector<128x1024xbf16>
    %dot_general3A_41 = arith.constant dense<0.000000e+00> : vector<3200x1024xf32>
    %dot_general3A_42 = tpu.matmul %convert_element_type3A_37, %get3A_40, %dot_general3A_41 {dimension_numbers = #tpu.dot_dimension_numbers<[1], [0], [0], [1], [0, 0, 1, 1], [], []>, transpose_lhs_hint = false} : vector<3200x128xbf16>, vector<128x1024xbf16>, vector<3200x1024xf32> -> vector<3200x1024xf32>
    %mul3A_43 = arith.mulf %dot_general3A_42, %dot_general3A_33 : vector<3200x1024xf32>
    %slice3A_44 = vector.extract_strided_slice %mul3A_43 {offsets = [0, 0], sizes = [3200, 128], strides = [1, 1]} : vector<3200x1024xf32> to vector<3200x128xf32>
    %slice3A_45 = vector.extract_strided_slice %mul3A_43 {offsets = [0, 128], sizes = [3200, 128], strides = [1, 1]} : vector<3200x1024xf32> to vector<3200x128xf32>
    %add3A_46 = arith.addf %slice3A_44, %slice3A_45 : vector<3200x128xf32>
    %slice3A_47 = vector.extract_strided_slice %mul3A_43 {offsets = [0, 256], sizes = [3200, 128], strides = [1, 1]} : vector<3200x1024xf32> to vector<3200x128xf32>
    %add3A_48 = arith.addf %add3A_46, %slice3A_47 : vector<3200x128xf32>
    %slice3A_49 = vector.extract_strided_slice %mul3A_43 {offsets = [0, 384], sizes = [3200, 128], strides = [1, 1]} : vector<3200x1024xf32> to vector<3200x128xf32>
    %add3A_50 = arith.addf %add3A_48, %slice3A_49 : vector<3200x128xf32>
    %slice3A_51 = vector.extract_strided_slice %mul3A_43 {offsets = [0, 512], sizes = [3200, 128], strides = [1, 1]} : vector<3200x1024xf32> to vector<3200x128xf32>
    %add3A_52 = arith.addf %add3A_50, %slice3A_51 : vector<3200x128xf32>
    %slice3A_53 = vector.extract_strided_slice %mul3A_43 {offsets = [0, 640], sizes = [3200, 128], strides = [1, 1]} : vector<3200x1024xf32> to vector<3200x128xf32>
    %add3A_54 = arith.addf %add3A_52, %slice3A_53 : vector<3200x128xf32>
    %slice3A_55 = vector.extract_strided_slice %mul3A_43 {offsets = [0, 768], sizes = [3200, 128], strides = [1, 1]} : vector<3200x1024xf32> to vector<3200x128xf32>
    %add3A_56 = arith.addf %add3A_54, %slice3A_55 : vector<3200x128xf32>
    %slice3A_57 = vector.extract_strided_slice %mul3A_43 {offsets = [0, 896], sizes = [3200, 128], strides = [1, 1]} : vector<3200x1024xf32> to vector<3200x128xf32>
    %add3A_58 = arith.addf %add3A_56, %slice3A_57 : vector<3200x128xf32>
    %swap3A = arith.constant 0 : index
    %swap3A_59 = arith.constant 0 : index
    %swap3A_60 = vector.load %arg5[%swap3A, %swap3A_59] : memref<3200x128xf32, #tpu.memory_space<vmem>>, vector<3200x128xf32>
    tpu.vector_store %arg5[%swap3A, %swap3A_59], %add3A_58 {strides = array<i32>} : memref<3200x128xf32, #tpu.memory_space<vmem>>, vector<3200x128xf32>,
    return
  }
  func.func @transform_0(%arg0: i32) -> (i32, i32) {
    %c0_i32 = arith.constant 0 : i32
    %c0_i32_0 = arith.constant 0 : i32
    return %arg0, %c0_i32 : i32, i32
  }
  func.func @transform_1(%arg0: i32) -> (i32, i32) {
    %add3A = arith.constant 80 : i32
    %add3A_0 = arith.addi %arg0, %add3A : i32
    %c0_i32 = arith.constant 0 : i32
    %c0_i32_1 = arith.constant 0 : i32
    return %c0_i32, %add3A_0 : i32, i32
  }
  func.func @transform_2(%arg0: i32) -> (i32, i32) {
    %c0_i32 = arith.constant 0 : i32
    %c0_i32_0 = arith.constant 0 : i32
    %c0_i32_1 = arith.constant 0 : i32
    return %c0_i32, %c0_i32_0 : i32, i32
  }
  func.func @transform_3(%arg0: i32) -> (i32, i32) {
    %c0_i32 = arith.constant 0 : i32
    %c0_i32_0 = arith.constant 0 : i32
    %c0_i32_1 = arith.constant 0 : i32
    return %c0_i32, %c0_i32_0 : i32, i32
  }
  func.func @transform_4(%arg0: i32) -> (i32, i32) {
    %c0_i32 = arith.constant 0 : i32
    %c0_i32_0 = arith.constant 0 : i32
    return %arg0, %c0_i32 : i32, i32
  }
}

module attributes {stable_mosaic.version = 14 : i64} {
  func.func @_msg_body(%arg0: i32, %arg1: memref<3200x128xf32, #tpu.memory_space<vmem>>, %arg2: memref<3x3200xf32, #tpu.memory_space<vmem>>, %arg3: memref<128x1024xbf16, #tpu.memory_space<vmem>>, %arg4: memref<8x1024xf32, #tpu.memory_space<vmem>>, %arg5: memref<3200x128xf32, #tpu.memory_space<vmem>>) attributes {dimension_semantics = [#tpu.dimension_semantics<parallel>], iteration_bounds = array<i64: 20>, scalar_prefetch = 0 : i64, scratch_operands = 0 : i64, tpu.core_type = #tpu.core_type<tc>, window_params = [{transform_indices = @transform_0, window_bounds = array<i64: 3200, 128>}, {transform_indices = @transform_1, window_bounds = array<i64: 3, 3200>}, {pipeline_mode = #tpu.pipeline_mode<synchronous>, transform_indices = @transform_2, window_bounds = array<i64: 128, 1024>}, {pipeline_mode = #tpu.pipeline_mode<synchronous>, transform_indices = @transform_3, window_bounds = array<i64: 8, 1024>}, {transform_indices = @transform_4, window_bounds = array<i64: 3200, 128>}]} {
    %get3A = arith.constant 0 : index
    %get3A_0 = arith.constant 0 : index
    %get3A_1 = vector.load %arg2[%get3A, %get3A_0] : memref<3x3200xf32, #tpu.memory_space<vmem>>, vector<3x3200xf32>
    %slice3A = vector.extract_strided_slice %get3A_1 {offsets = [0, 0], sizes = [1, 3200], strides = [1, 1]} : vector<3x3200xf32> to vector<1x3200xf32>
    %slice3A_2 = vector.extract_strided_slice %get3A_1 {offsets = [0, 0], sizes = [1, 3200], strides = [1, 1]} : vector<3x3200xf32> to vector<1x3200xf32>
    %mul3A = arith.mulf %slice3A, %slice3A_2 : vector<1x3200xf32>
    %slice3A_3 = vector.extract_strided_slice %get3A_1 {offsets = [1, 0], sizes = [1, 3200], strides = [1, 1]} : vector<3x3200xf32> to vector<1x3200xf32>
    %slice3A_4 = vector.extract_strided_slice %get3A_1 {offsets = [1, 0], sizes = [1, 3200], strides = [1, 1]} : vector<3x3200xf32> to vector<1x3200xf32>
    %mul3A_5 = arith.mulf %slice3A_3, %slice3A_4 : vector<1x3200xf32>
    %add3A = arith.addf %mul3A, %mul3A_5 : vector<1x3200xf32>
    %slice3A_6 = vector.extract_strided_slice %get3A_1 {offsets = [2, 0], sizes = [1, 3200], strides = [1, 1]} : vector<3x3200xf32> to vector<1x3200xf32>
    %slice3A_7 = vector.extract_strided_slice %get3A_1 {offsets = [2, 0], sizes = [1, 3200], strides = [1, 1]} : vector<3x3200xf32> to vector<1x3200xf32>
    %mul3A_8 = arith.mulf %slice3A_6, %slice3A_7 : vector<1x3200xf32>
    %add3A_9 = arith.addf %add3A, %mul3A_8 : vector<1x3200xf32>
    %add3A_10 = arith.constant 9.99999996E-13 : f32
    %add3A_11 = vector.broadcast %add3A_10 : f32 to vector<1x3200xf32>
    %add3A_12 = arith.addf %add3A_9, %add3A_11 : vector<1x3200xf32>
    %sqrt3A = math.sqrt %add3A_12 : vector<1x3200xf32>
    %iota3A = tpu.iota {dimensions = array<i32: 0>} : vector<8x1xi32>
    %convert_element_type3A = arith.sitofp %iota3A : vector<8x1xi32> to vector<8x1xf32>
    %mul3A_13 = arith.constant 0.714285731 : f32
    %mul3A_14 = vector.broadcast %mul3A_13 : f32 to vector<8x1xf32>
    %mul3A_15 = arith.mulf %mul3A_14, %convert_element_type3A : vector<8x1xf32>
    %add3A_16 = arith.constant 0.000000e+00 : f32
    %add3A_17 = vector.broadcast %add3A_16 : f32 to vector<8x1xf32>
    %add3A_18 = arith.addf %add3A_17, %mul3A_15 : vector<8x1xf32>
    %sub3A = vector.broadcast %sqrt3A : vector<1x3200xf32> to vector<8x3200xf32>
    %sub3A_19 = vector.broadcast %add3A_18 : vector<8x1xf32> to vector<8x3200xf32>
    %sub3A_20 = arith.subf %sub3A, %sub3A_19 : vector<8x3200xf32>
    %div3A = arith.constant 0.714285731 : f32
    %div3A_21 = vector.broadcast %div3A : f32 to vector<8x3200xf32>
    %div3A_22 = arith.divf %sub3A_20, %div3A_21 : vector<8x3200xf32>
    %mul3A_23 = arith.constant -5.000000e-01 : f32
    %mul3A_24 = vector.broadcast %mul3A_23 : f32 to vector<8x3200xf32>
    %mul3A_25 = arith.mulf %mul3A_24, %div3A_22 : vector<8x3200xf32>
    %mul3A_26 = arith.mulf %mul3A_25, %div3A_22 : vector<8x3200xf32>
    %exp3A = math.exp %mul3A_26 : vector<8x3200xf32>
    %transpose3A = tpu.transpose %exp3A, [1, 0] : vector<8x3200xf32> -> vector<3200x8xf32>
    %mul3A_27 = arith.constant 0.398942292 : f32
    %mul3A_28 = vector.broadcast %mul3A_27 : f32 to vector<3200x8xf32>
    %mul3A_29 = arith.mulf %mul3A_28, %transpose3A : vector<3200x8xf32>
    %get3A_30 = arith.constant 0 : index
    %get3A_31 = arith.constant 0 : index
    %get3A_32 = vector.load %arg4[%get3A_30, %get3A_31] : memref<8x1024xf32, #tpu.memory_space<vmem>>, vector<8x1024xf32>
    %dot_general3A = arith.constant dense<0.000000e+00> : vector<3200x1024xf32>
    %dot_general3A_33 = tpu.matmul %mul3A_29, %get3A_32, %dot_general3A {dimension_numbers = #tpu.dot_dimension_numbers<[1], [0], [0], [1], [0, 0, 1, 1], [], []>, transpose_lhs_hint = false} : vector<3200x8xf32>, vector<8x1024xf32>, vector<3200x1024xf32> -> vector<3200x1024xf32>
    %get3A_34 = arith.constant 0 : index
    %get3A_35 = arith.constant 0 : index
    %get3A_36 = vector.load %arg1[%get3A_34, %get3A_35] : memref<3200x128xf32, #tpu.memory_space<vmem>>, vector<3200x128xf32>
    %convert_element_type3A_37 = arith.truncf %get3A_36 : vector<3200x128xf32> to vector<3200x128xbf16>
    %get3A_38 = arith.constant 0 : index
    %get3A_39 = arith.constant 0 : index
    %get3A_40 = vector.load %arg3[%get3A_38, %get3A_39] : memref<128x1024xbf16, #tpu.memory_space<vmem>>, vector<128x1024xbf16>
    %dot_general3A_41 = arith.constant dense<0.000000e+00> : vector<3200x1024xf32>
    %dot_general3A_42 = tpu.matmul %convert_element_type3A_37, %get3A_40, %dot_general3A_41 {dimension_numbers = #tpu.dot_dimension_numbers<[1], [0], [0], [1], [0, 0, 1, 1], [], []>, transpose_lhs_hint = false} : vector<3200x128xbf16>, vector<128x1024xbf16>, vector<3200x1024xf32> -> vector<3200x1024xf32>
    %mul3A_43 = arith.mulf %dot_general3A_42, %dot_general3A_33 : vector<3200x1024xf32>
    %slice3A_44 = vector.extract_strided_slice %mul3A_43 {offsets = [0, 0], sizes = [3200, 128], strides = [1, 1]} : vector<3200x1024xf32> to vector<3200x128xf32>
    %slice3A_45 = vector.extract_strided_slice %mul3A_43 {offsets = [0, 128], sizes = [3200, 128], strides = [1, 1]} : vector<3200x1024xf32> to vector<3200x128xf32>
    %add3A_46 = arith.addf %slice3A_44, %slice3A_45 : vector<3200x128xf32>
    %slice3A_47 = vector.extract_strided_slice %mul3A_43 {offsets = [0, 256], sizes = [3200, 128], strides = [1, 1]} : vector<3200x1024xf32> to vector<3200x128xf32>
    %add3A_48 = arith.addf %add3A_46, %slice3A_47 : vector<3200x128xf32>
    %slice3A_49 = vector.extract_strided_slice %mul3A_43 {offsets = [0, 384], sizes = [3200, 128], strides = [1, 1]} : vector<3200x1024xf32> to vector<3200x128xf32>
    %add3A_50 = arith.addf %add3A_48, %slice3A_49 : vector<3200x128xf32>
    %slice3A_51 = vector.extract_strided_slice %mul3A_43 {offsets = [0, 512], sizes = [3200, 128], strides = [1, 1]} : vector<3200x1024xf32> to vector<3200x128xf32>
    %add3A_52 = arith.addf %add3A_50, %slice3A_51 : vector<3200x128xf32>
    %slice3A_53 = vector.extract_strided_slice %mul3A_43 {offsets = [0, 640], sizes = [3200, 128], strides = [1, 1]} : vector<3200x1024xf32> to vector<3200x128xf32>
    %add3A_54 = arith.addf %add3A_52, %slice3A_53 : vector<3200x128xf32>
    %slice3A_55 = vector.extract_strided_slice %mul3A_43 {offsets = [0, 768], sizes = [3200, 128], strides = [1, 1]} : vector<3200x1024xf32> to vector<3200x128xf32>
    %add3A_56 = arith.addf %add3A_54, %slice3A_55 : vector<3200x128xf32>
    %slice3A_57 = vector.extract_strided_slice %mul3A_43 {offsets = [0, 896], sizes = [3200, 128], strides = [1, 1]} : vector<3200x1024xf32> to vector<3200x128xf32>
    %add3A_58 = arith.addf %add3A_56, %slice3A_57 : vector<3200x128xf32>
    %swap3A = arith.constant 0 : index
    %swap3A_59 = arith.constant 0 : index
    %swap3A_60 = vector.load %arg5[%swap3A, %swap3A_59] : memref<3200x128xf32, #tpu.memory_space<vmem>>, vector<3200x128xf32>
    tpu.vector_store %arg5[%swap3A, %swap3A_59], %add3A_58 {strides = array<i32>} : memref<3200x128xf32, #tpu.memory_space<vmem>>, vector<3200x128xf32>,
    return
  }
  func.func @transform_0(%arg0: i32) -> (i32, i32) {
    %c0_i32 = arith.constant 0 : i32
    %c0_i32_0 = arith.constant 0 : i32
    return %arg0, %c0_i32 : i32, i32
  }
  func.func @transform_1(%arg0: i32) -> (i32, i32) {
    %add3A = arith.constant 0 : i32
    %add3A_0 = arith.addi %arg0, %add3A : i32
    %c0_i32 = arith.constant 0 : i32
    %c0_i32_1 = arith.constant 0 : i32
    return %c0_i32, %add3A_0 : i32, i32
  }
  func.func @transform_2(%arg0: i32) -> (i32, i32) {
    %c0_i32 = arith.constant 0 : i32
    %c0_i32_0 = arith.constant 0 : i32
    %c0_i32_1 = arith.constant 0 : i32
    return %c0_i32, %c0_i32_0 : i32, i32
  }
  func.func @transform_3(%arg0: i32) -> (i32, i32) {
    %c0_i32 = arith.constant 0 : i32
    %c0_i32_0 = arith.constant 0 : i32
    %c0_i32_1 = arith.constant 0 : i32
    return %c0_i32, %c0_i32_0 : i32, i32
  }
  func.func @transform_4(%arg0: i32) -> (i32, i32) {
    %c0_i32 = arith.constant 0 : i32
    %c0_i32_0 = arith.constant 0 : i32
    return %arg0, %c0_i32 : i32, i32
  }
}

module attributes {stable_mosaic.version = 14 : i64} {
  func.func @_add_body(%arg0: i32, %arg1: memref<2x1000x128xf32, #tpu.memory_space<vmem>>, %arg2: memref<2x1000x128xf32, #tpu.memory_space<vmem>>, %arg3: memref<2x1000x128xf32, #tpu.memory_space<vmem>>, %arg4: memref<2x1000x128xf32, #tpu.memory_space<vmem>>, %arg5: memref<2x1000x128xf32, #tpu.memory_space<vmem>>, %arg6: memref<1000x128xf32, #tpu.memory_space<vmem>>) attributes {dimension_semantics = [#tpu.dimension_semantics<arbitrary>], iteration_bounds = array<i64: 10>, scalar_prefetch = 0 : i64, scratch_operands = 0 : i64, tpu.core_type = #tpu.core_type<tc>, window_params = [{transform_indices = @transform_0, window_bounds = array<i64: 2, 1000, 128>}, {transform_indices = @transform_1, window_bounds = array<i64: 2, 1000, 128>}, {transform_indices = @transform_2, window_bounds = array<i64: 2, 1000, 128>}, {transform_indices = @transform_3, window_bounds = array<i64: 2, 1000, 128>}, {transform_indices = @transform_4, window_bounds = array<i64: 2, 1000, 128>}, {transform_indices = @transform_5, window_bounds = array<i64: 1000, 128>}]} {
    %get3A = arith.constant 0 : index
    %get3A_0 = arith.constant 0 : index
    %get3A_1 = arith.constant 0 : index
    %get3A_2 = vector.load %arg1[%get3A, %get3A_0, %get3A_1] : memref<2x1000x128xf32, #tpu.memory_space<vmem>>, vector<1x1000x128xf32>
    %get3A_3 = vector.shape_cast %get3A_2 : vector<1x1000x128xf32> to vector<1000x128xf32>
    %get3A_4 = arith.constant 1 : index
    %get3A_5 = arith.constant 0 : index
    %get3A_6 = arith.constant 0 : index
    %get3A_7 = vector.load %arg1[%get3A_4, %get3A_5, %get3A_6] : memref<2x1000x128xf32, #tpu.memory_space<vmem>>, vector<1x1000x128xf32>
    %get3A_8 = vector.shape_cast %get3A_7 : vector<1x1000x128xf32> to vector<1000x128xf32>
    %add3A = arith.addf %get3A_3, %get3A_8 : vector<1000x128xf32>
    %get3A_9 = arith.constant 0 : index
    %get3A_10 = arith.constant 0 : index
    %get3A_11 = arith.constant 0 : index
    %get3A_12 = vector.load %arg2[%get3A_9, %get3A_10, %get3A_11] : memref<2x1000x128xf32, #tpu.memory_space<vmem>>, vector<1x1000x128xf32>
    %get3A_13 = vector.shape_cast %get3A_12 : vector<1x1000x128xf32> to vector<1000x128xf32>
    %get3A_14 = arith.constant 1 : index
    %get3A_15 = arith.constant 0 : index
    %get3A_16 = arith.constant 0 : index
    %get3A_17 = vector.load %arg2[%get3A_14, %get3A_15, %get3A_16] : memref<2x1000x128xf32, #tpu.memory_space<vmem>>, vector<1x1000x128xf32>
    %get3A_18 = vector.shape_cast %get3A_17 : vector<1x1000x128xf32> to vector<1000x128xf32>
    %add3A_19 = arith.addf %get3A_13, %get3A_18 : vector<1000x128xf32>
    %add3A_20 = arith.addf %add3A, %add3A_19 : vector<1000x128xf32>
    %get3A_21 = arith.constant 0 : index
    %get3A_22 = arith.constant 0 : index
    %get3A_23 = arith.constant 0 : index
    %get3A_24 = vector.load %arg3[%get3A_21, %get3A_22, %get3A_23] : memref<2x1000x128xf32, #tpu.memory_space<vmem>>, vector<1x1000x128xf32>
    %get3A_25 = vector.shape_cast %get3A_24 : vector<1x1000x128xf32> to vector<1000x128xf32>
    %get3A_26 = arith.constant 1 : index
    %get3A_27 = arith.constant 0 : index
    %get3A_28 = arith.constant 0 : index
    %get3A_29 = vector.load %arg3[%get3A_26, %get3A_27, %get3A_28] : memref<2x1000x128xf32, #tpu.memory_space<vmem>>, vector<1x1000x128xf32>
    %get3A_30 = vector.shape_cast %get3A_29 : vector<1x1000x128xf32> to vector<1000x128xf32>
    %add3A_31 = arith.addf %get3A_25, %get3A_30 : vector<1000x128xf32>
    %add3A_32 = arith.addf %add3A_20, %add3A_31 : vector<1000x128xf32>
    %get3A_33 = arith.constant 0 : index
    %get3A_34 = arith.constant 0 : index
    %get3A_35 = arith.constant 0 : index
    %get3A_36 = vector.load %arg4[%get3A_33, %get3A_34, %get3A_35] : memref<2x1000x128xf32, #tpu.memory_space<vmem>>, vector<1x1000x128xf32>
    %get3A_37 = vector.shape_cast %get3A_36 : vector<1x1000x128xf32> to vector<1000x128xf32>
    %get3A_38 = arith.constant 1 : index
    %get3A_39 = arith.constant 0 : index
    %get3A_40 = arith.constant 0 : index
    %get3A_41 = vector.load %arg4[%get3A_38, %get3A_39, %get3A_40] : memref<2x1000x128xf32, #tpu.memory_space<vmem>>, vector<1x1000x128xf32>
    %get3A_42 = vector.shape_cast %get3A_41 : vector<1x1000x128xf32> to vector<1000x128xf32>
    %add3A_43 = arith.addf %get3A_37, %get3A_42 : vector<1000x128xf32>
    %add3A_44 = arith.addf %add3A_32, %add3A_43 : vector<1000x128xf32>
    %get3A_45 = arith.constant 0 : index
    %get3A_46 = arith.constant 0 : index
    %get3A_47 = arith.constant 0 : index
    %get3A_48 = vector.load %arg5[%get3A_45, %get3A_46, %get3A_47] : memref<2x1000x128xf32, #tpu.memory_space<vmem>>, vector<1x1000x128xf32>
    %get3A_49 = vector.shape_cast %get3A_48 : vector<1x1000x128xf32> to vector<1000x128xf32>
    %get3A_50 = arith.constant 1 : index
    %get3A_51 = arith.constant 0 : index
    %get3A_52 = arith.constant 0 : index
    %get3A_53 = vector.load %arg5[%get3A_50, %get3A_51, %get3A_52] : memref<2x1000x128xf32, #tpu.memory_space<vmem>>, vector<1x1000x128xf32>
    %get3A_54 = vector.shape_cast %get3A_53 : vector<1x1000x128xf32> to vector<1000x128xf32>
    %add3A_55 = arith.addf %get3A_49, %get3A_54 : vector<1000x128xf32>
    %add3A_56 = arith.addf %add3A_44, %add3A_55 : vector<1000x128xf32>
    %swap3A = arith.constant 0 : index
    %swap3A_57 = arith.constant 0 : index
    %swap3A_58 = vector.load %arg6[%swap3A, %swap3A_57] : memref<1000x128xf32, #tpu.memory_space<vmem>>, vector<1000x128xf32>
    tpu.vector_store %arg6[%swap3A, %swap3A_57], %add3A_56 {strides = array<i32>} : memref<1000x128xf32, #tpu.memory_space<vmem>>, vector<1000x128xf32>,
    return
  }
  func.func @transform_0(%arg0: i32) -> (i32, i32, i32) {
    %c0_i32 = arith.constant 0 : i32
    %c0_i32_0 = arith.constant 0 : i32
    %c0_i32_1 = arith.constant 0 : i32
    return %c0_i32, %arg0, %c0_i32_0 : i32, i32, i32
  }
  func.func @transform_1(%arg0: i32) -> (i32, i32, i32) {
    %c0_i32 = arith.constant 0 : i32
    %c0_i32_0 = arith.constant 0 : i32
    %c0_i32_1 = arith.constant 0 : i32
    return %c0_i32, %arg0, %c0_i32_0 : i32, i32, i32
  }
  func.func @transform_2(%arg0: i32) -> (i32, i32, i32) {
    %c0_i32 = arith.constant 0 : i32
    %c0_i32_0 = arith.constant 0 : i32
    %c0_i32_1 = arith.constant 0 : i32
    return %c0_i32, %arg0, %c0_i32_0 : i32, i32, i32
  }
  func.func @transform_3(%arg0: i32) -> (i32, i32, i32) {
    %c0_i32 = arith.constant 0 : i32
    %c0_i32_0 = arith.constant 0 : i32
    %c0_i32_1 = arith.constant 0 : i32
    return %c0_i32, %arg0, %c0_i32_0 : i32, i32, i32
  }
  func.func @transform_4(%arg0: i32) -> (i32, i32, i32) {
    %c0_i32 = arith.constant 0 : i32
    %c0_i32_0 = arith.constant 0 : i32
    %c0_i32_1 = arith.constant 0 : i32
    return %c0_i32, %arg0, %c0_i32_0 : i32, i32, i32
  }
  func.func @transform_5(%arg0: i32) -> (i32, i32) {
    %c0_i32 = arith.constant 0 : i32
    %c0_i32_0 = arith.constant 0 : i32
    return %arg0, %c0_i32 : i32, i32
  }
}

</mosaic_0001>

<sc_bundles>
// kernel: kernel.18.cloned.1.call-start
scs
__scs_entry_jumppad:
0x0: {  	(pc) =	sbr.rel $0x88, $3  }
0x1: {  	(tag) =	ssettag $0x0;
	lr =	simm.s32 $0x1  }
0x2: {  	[smem:$0x3F9D] =	sst lr;
	_ =	strace $0xD0000000  }
0x3: {  	_ = 	snop  }
0x4: {  	_ = 	snop  }
0x5: {  	_ = 	snop  }
0x6: {  	_ = 	snop  }
0x7: {  	_ = 	snop  }
__scs_overlays_trampoline_lowered:
0x8: {  	[smem:$0x3FAC] =	sst s0  }
0x9: {  	[smem:$0x3FAD] =	sst s1  }
0xa: {  	[smem:$0x3FAE] =	sst s2  }
0xb: {  	[smem:$0x3FAF] =	sst s3  }
0xc: {  	[smem:$0x3FB0] =	sst s4  }
0xd: {  	[smem:$0x3FB1] =	sst s5  }
0xe: {  	[smem:$0x3FB2] =	sst s6  }
0xf: {  	[smem:$0x3FB3] =	sst s7  }
0x10: {  	[smem:$0x3FB4] =	sst s8  }
0x11: {  	[smem:$0x3FB5] =	sst s9;
	s0 =	simm.s32 @!p0 $0x0  }
0x12: {  	s1 =	sld [smem:$0x3F9B];
	s0 =	simm.s32 @p0 $0x1  }
0x13: {  	[smem:$0x3FB6] =	sst s0;
	s0 =	simm.s32 @!p1 $0x0  }
0x14: {  	s2 =	sld [smem:$0x3F9A];
	s0 =	simm.s32 @p1 $0x1  }
0x15: {  	[smem:$0x3FB7] =	sst s0;
	s0 =	simm.s32 @!p2 $0x0  }
0x16: {  	s3 =	sld [smem:$0x3FDB];
	s0 =	simm.s32 @p2 $0x1  }
0x17: {  	s4 =	simm.s32 $0x1BF5;
	[smem:$0x3FB9] =	sst s0  }
0x18: {  	s0 =	sld [smem:$0x3F9C];
	_ =	swait.ge [sflag:s4], $0x0  }
0x19: {  	s7 =	sld [smem:$0x3F9D]  }
0x1a: {  	s8 =	sadd.s32 $0xFFFFE003, lr  }
0x1b: {  	s9 =	sadd.s32 $0xFFFFFEF7, lr;
	s5 =	simm.s32 $0xFFFFFFFF;
	p2 =	slt.u32 s8, $0xFFFFF086  }
0x1c: {  	p1 =	slt.u32 s9, $0xF7A;
	s5 =	simm.s32 @!p2 $0x0  }
0x1d: {  	s5 =	simm.s32 @p1 $0x1;
	p0 =	seq.s32 s7, s2  }
0x1e: {  	s7 =	smul.u32 @!p0 $0xF7A, s2;
	p2 =	seq.s32 @!p0 s5, $0x0  }
0x1f: {  	s9 =	smul.u32 $0xF7A, s1;
	s8 =	simm.s32 @!p0 $0x1BF5;
	p2 =	por !p2, p0  }
0x20: {  	[sflag:s8] =	ssyncset.s32 @!p0 $0xFFFFF086;
	s6 =	sadd.s32 @!p0 s3, s7;
	s7 =	simm.s32 @!p0 $0x108  }
0x21: {  	s3 =	sadd.s32 s3, s9;
	s6 =	sadd.s32 @!p0 $0x88, s6;
	s7 =	simm.s32 @p2 $0x1082  }
0x22: {  	[simem:s7], [sflag:s8] =	dma.local @!p0 [hbm:s6], $0xF7A  }
0x23: {  	s9 =	sor.u32 $0xD0000000, s2;
	s6 =	simm.s32 $0x108;
	_ =	swait.ge @!p0 [sflag:s8], $0x0  }
0x24: {  	s3 =	sadd.s32 $0x88, s3;
	s6 =	simm.s32 @!p1 $0x1082;
	[sflag:s4] =	ssyncset.s32 $0xFFFFF086  }
0x25: {  	[simem:s6], [sflag:s4] =	dma.local [hbm:s3], $0xF7A  }
0x26: {  	[smem:$0x3F9D] =	sst s1;
	(tag) =	ssettag s2;
	_ =	strace s9  }
0x27: {  	s1 =	sld [smem:$0x3FAD]  }
0x28: {  	s2 =	sld [smem:$0x3FAE]  }
0x29: {  	s4 =	sld [smem:$0x3FB0]  }
0x2a: {  	p0 =	seq.s32 s5, $0x0;
	s5 =	sld [smem:$0x3FB1]  }
0x2b: {  	s6 =	sld [smem:$0x3FB2]  }
0x2c: {  	s7 =	sld [smem:$0x3FB3]  }
0x2d: {  	s3 =	simm.s32 $0x108;
	s8 =	sld [smem:$0x3FB4]  }
0x2e: {  	s3 =	simm.s32 @!p0 $0x1082;
	s9 =	sld [smem:$0x3FB5]  }
0x2f: {  	lr =	sadd.s32 s0, s3;
	s0 =	sld [smem:$0x3FAC]  }
0x30: {  	s3 =	sld [smem:$0x3FAF]  }
0x31: {  	[smem:$0x3FB8] =	sst s10  }
0x32: {  	s10 =	sld [smem:$0x3FB6];
	_ =	sdelay $0x3  }
0x33: {  	p0 =	seq.s32 s10, $0x1;
	s10 =	sld [smem:$0x3FB8];
	_ =	sdelay $0x3  }
0x34: {  	[smem:$0x3FB8] =	sst s10  }
0x35: {  	s10 =	sld [smem:$0x3FB7];
	_ =	sdelay $0x3  }
0x36: {  	p1 =	seq.s32 s10, $0x1;
	s10 =	sld [smem:$0x3FB8];
	_ =	sdelay $0x3  }
0x37: {  	[smem:$0x3FB8] =	sst s10  }
0x38: {  	s10 =	sld [smem:$0x3FB9]  }
0x39: {  	_ = 	snop;
	(pc) =	sbr.ind lr, $3  }
0x3a: {  	_ = 	snop  }
0x3b: {  	_ = 	snop  }
0x3c: {  	p2 =	seq.s32 s10, $0x1;
	s10 =	sld [smem:$0x3FB8]  }
0x3d: {  	_ =	shalt  }
0x3e: {  	_ =	shalt  }
0x3f: {  	_ =	shalt  }
0x40: {  	_ =	shalt  }
0x41: {  	_ =	shalt  }
0x42: {  	_ =	shalt  }
0x43: {  	_ =	shalt  }
0x44: {  	_ =	shalt  }
0x45: {  	_ =	shalt  }
0x46: {  	_ =	shalt  }
0x47: {  	_ =	shalt  }
0x48: {  	_ =	shalt  }
0x49: {  	_ =	shalt  }
0x4a: {  	_ =	shalt  }
0x4b: {  	_ =	shalt  }
0x4c: {  	_ =	shalt  }
0x4d: {  	_ =	shalt  }
0x4e: {  	_ =	shalt  }
0x4f: {  	_ =	shalt  }
0x50: {  	_ =	shalt  }
0x51: {  	_ =	shalt  }
0x52: {  	_ =	shalt  }
0x53: {  	_ =	shalt  }
0x54: {  	_ =	shalt  }
0x55: {  	_ =	shalt  }
0x56: {  	_ =	shalt  }
0x57: {  	_ =	shalt  }
0x58: {  	_ =	shalt  }
0x59: {  	_ =	shalt  }
0x5a: {  	_ =	shalt  }
0x5b: {  	_ =	shalt  }
0x5c: {  	_ =	shalt  }
0x5d: {  	_ =	shalt  }
0x5e: {  	_ =	shalt  }
0x5f: {  	_ =	shalt  }
0x60: {  	_ =	shalt  }
0x61: {  	_ =	shalt  }
0x62: {  	_ =	shalt  }
0x63: {  	_ =	shalt  }
0x64: {  	_ =	shalt  }
0x65: {  	_ =	shalt  }
0x66: {  	_ =	shalt  }
0x67: {  	_ =	shalt  }
0x68: {  	_ =	shalt  }
0x69: {  	_ =	shalt  }
0x6a: {  	_ =	shalt  }
0x6b: {  	_ =	shalt  }
0x6c: {  	_ =	shalt  }
0x6d: {  	_ =	shalt  }
0x6e: {  	_ =	shalt  }
0x6f: {  	_ =	shalt  }
0x70: {  	_ =	shalt  }
0x71: {  	_ =	shalt  }
0x72: {  	_ =	shalt  }
0x73: {  	_ =	shalt  }
0x74: {  	_ =	shalt  }
0x75: {  	_ =	shalt  }
0x76: {  	_ =	shalt  }
0x77: {  	_ =	shalt  }
0x78: {  	_ =	shalt  }
0x79: {  	_ =	shalt  }
0x7a: {  	_ =	shalt  }
0x7b: {  	_ =	shalt  }
0x7c: {  	_ =	shalt  }
0x7d: {  	_ =	shalt  }
0x7e: {  	_ =	shalt  }
0x7f: {  	_ =	shalt  }
0x80: {  	_ =	shalt  }
0x81: {  	_ =	shalt  }
0x82: {  	_ =	shalt  }
0x83: {  	_ =	shalt  }
0x84: {  	_ =	shalt  }
0x85: {  	_ =	shalt  }
0x86: {  	_ =	shalt  }
0x87: {  	_ =	shalt  }
.Lfunc_end0:
.L_simem_size_0:
called_computation_lowered:
.L_overlay_start_0:
0x88: {  	s2 =	sld [smem:$0x3FD9]  }
0x89: {  	s3 =	sld [smem:$0x3FFE];
	_ =	sdelay $0x1  }
0x8a: {  	s1 =	srdreg.scid  }
0x8b: {  	s0 =	sand.u32 $0x1, s1  }
0x8c: {  	s17 =	sshll.u32 s0, $0xA;
	s2 =	sadd.s32 s3, s2  }
0x8d: {  	s2 =	sadd.s32 s2, s17  }
0x8e: {  	[smem:$0x3FC4] =	sst s2  }
0x8f: {  	_ = 	snop  }
0x90: {  	s18 =	sld [smem:$0x3FC9];
	(tm) =	ssettm $0x1  }
0x91: {  	s19 =	sld [smem:$0x3FFB];
	_ =	sdelay $0x3  }
0x92: {  	_ =	strace s19  }
0x93: {  	s2 =	sld [smem:$0x3FFC];
	_ =	sdelay $0x3  }
0x94: {  	_ =	strace s2  }
0x95: {  	s2 =	sld [smem:$0x3FFD];
	_ =	sdelay $0x3  }
0x96: {  	_ =	strace s2  }
0x97: {  	_ =	strace $0x8FFFFFFF  }
0x98: {  	s20 =	sld [smem:$0x3FDB];
	_ =	sdelay $0x1  }
0x99: {  	s4 =	simm.s32 $_scs_section_size  }
0x9a: {  	s5 =	simm.s32 $_size__tile_overlayer_lowered;
	s6 =	simm.s32 $_tile_overlayer_lowered  }
0x9b: {  	s7 =	simm.s32 $0x1BFF;
	s21 =	sshll.u32 s6, $0x1;
	s4 =	sadd.s32 s4, s20  }
0x9c: {  	s22 =	simm.s32 $0x0;
	s5 =	sshll.u32 s5, $0x1;
	s6 =	sadd.s32 s21, s4  }
0x9d: {  	[timem:s22], [sflag:s7] =	dma.local [hbm:s6], s5  }
0x9e: {  	_ =	swait.ge [sflag:s7], s5  }
0x9f: {  	s5 =	ssub.s32 $0x0, s5;
	[sflag:s7] =	ssyncset.done $0x0  }
0xa0: {  	[sflag:s7] =	ssyncadd.s32 s5;
	_ =	sdelay $0x1  }
0xa1: {  	s23 =	simm.s32 $0x1B8B  }
0xa2: {  	_ =	swait.ge [sflag:s23], $0x1  }
0xa3: {  	[sflag:s23] =	ssyncset.done $0x0  }
0xa4: {  	[sflag:s23] =	ssyncadd.s32 $0xFFFFFFFF  }
0xa5: {  	s5 =	sld [smem:$0x0]  }
0xa6: {  	s6 =	sand.u32 $0xFFFFFFFE, s1  }
0xa7: {  	p0 =	sne.s32 s1, s6  }
0xa8: {  	s6 =	sshll.u32 @p0 s6, $0xE  }
0xa9: {  	s6 =	sadd.s32 @p0 $0x11B8D, s6;
	s7 =	sshll.u32 @p0 s5, $0x11  }
0xaa: {  	s6 =	sor.u32 @p0 s7, s6  }
0xab: {  	[sflag:s6] =	ssyncadd.remote.s32 @p0 $0x1;
	_ =	sdelay $0x1  }
0xac: {  	s6 =	simm.s32 @p0 $0x1B8D  }
0xad: {  	_ =	swait.eq @p0 [sflag:s6], $0x1  }
0xae: {  	[sflag:s6] =	ssyncadd.s32 @p0 $0xFFFFFFFF  }
0xaf: {  	s7 =	sshll.u32 @!p0 s1, $0xE  }
0xb0: {  	s7 =	sor.u32 @!p0 $0x4000, s7;
	s6 =	simm.s32 @!p0 $0x1B8D  }
0xb1: {  	s5 =	sshll.u32 @!p0 s5, $0x11;
	s7 =	sadd.s32 @!p0 $0x11B8D, s7;
	_ =	swait.eq @!p0 [sflag:s6], $0x1  }
0xb2: {  	s5 =	sor.u32 @!p0 s5, s7;
	[sflag:s6] =	ssyncadd.s32 @!p0 $0xFFFFFFFF  }
0xb3: {  	s25 =	simm.s32 $0x1B8E;
	s24 =	sld [smem:$0x3FFE];
	[sflag:s5] =	ssyncadd.remote.s32 @!p0 $0x1  }
0xb4: {  	s26 =	simm.s32 $execute0_lowered;
	[smem:$0x3FD2] =	sst s25  }
0xb5: {  	s6 =	sshll.u32 s26, $0x1;
	_ =	strace $0x80000052;
	[dreg:$0x1] =	wrdreg $0xFFFFFFFF  }
0xb6: {  	s28 =	simm.s32 $_size_execute0_lowered;
	s4 =	sadd.s32 s4, s6;
	[dreg:$0x0] =	wrdreg $0x0  }
0xb7: {  	s6 =	sshll.u32 s28, $0x1;
	[dreg:$0x2] =	wrdreg s4  }
0xb8: {  	[dreg:$0x3] =	wrdreg s6  }
0xb9: {  	[dreg:$0x4] =	wrdreg $0xC0  }
0xba: {  	_ =	task [dreg:s22], $0x5FFFF  }
0xbb: {  	[dreg:$0x1] =	wrdreg $0xFFFFFFFF  }
0xbc: {  	[dreg:$0x0] =	wrdreg $0x60  }
0xbd: {  	[dreg:$0x2] =	wrdreg s18  }
0xbe: {  	[dreg:$0x3] =	wrdreg s24  }
0xbf: {  	[dreg:$0x4] =	wrdreg $0x9  }
0xc0: {  	_ =	task.clear_ibuf [dreg:s22], $0x5FFFF;
	_ =	strace $0x90000052  }
0xc1: {  	s29 =	simm.s32 $0x9;
	_ =	strace $0x80000054  }
0xc2: {  	_ =	swait.ge [sflag:s29], $0x1  }
0xc3: {  	[sflag:s29] =	ssyncadd.s32 $0xFFFFFFFF  }
0xc4: {  	_ =	strace $0x90000054  }
0xc5: {  	_ =	sfence  }
0xc6: {  	s30 =	sld [smem:$0x0];
	_ =	sdelay $0x2  }
0xc7: {  	s31 =	sshll.u32 s1, $0xD;
	s1 =	sshrl.u32 s1, $0x2  }
0xc8: {  	s4 =	sand.u32 $0x4000, s31;
	s1 =	sadd.s32 s1, s30  }
0xc9: {  	s0 =	sor.u32 s4, s0;
	s1 =	sshll.u32 s1, $0x11  }
0xca: {  	s0 =	sor.u32 s1, s0  }
0xcb: {  	s0 =	sadd.s32 $0x8F2B, s0  }
0xcc: {  	[sflag:s0] =	ssyncadd.remote.s32 $0x1  }
0xcd: {  	_ =	sfence.sel $0xFFFF  }
0xce: {  	[dreg:$0x0] =	wrdreg $0xFFFFFFFF;
	(pc) =	sbr.abs _section_cstart, $3  }
0xcf: {  	[dreg:$0x1] =	wrdreg $0xFFFFFFFF  }
0xd0: {  	_ =	task.clear_ibuf [dreg:s22], $0x2FFFF;
	_ =	strace $0x9FFFFFFF  }
0xd1: {  	(tm) =	ssettm $0x7FFFFFFF  }
tec
execute0_lowered:
.L_overlay_start_1:
0x0: {  	(tag) =	ssettag $0x1  }
0x1: {  	s1 =	rddreg [dreg:$0x0]  }
0x2: {  	s4 =	rddreg [dreg:$0x1]  }
0x3: {  	s0 =	rddreg [dreg:$0x2]  }
0x4: {  	s3 =	simm.s32 $0x0;
	s5 =	srdreg.scid;
	s2 =	stileid.u32  }
0x5: {  	s10 =	simm.s32 $0x3;
	s11 =	simm.s32 $0x4;
	s12 =	simm.s32 $0x0  }
0x6: {  	[smem:$0x7FF] =	sst s3;
	s5 =	sand.u32 $0x1, s5;
	s7 =	smul.u32 $0xFA00, s2  }
0x7: {  	s8 =	sshll.u32 s5, $0x9;
	s9 =	ssub.s32 $0x2, s5;
	s5 =	smul.u32 $0x7D00, s5  }
.Ltmp0:
0x8: {  	s6 =	sshll.u32 s2, $0xA;
	_ =	strace $0x80000053;
	(pc) =	sbr.rel .LBB2_1-.Ltmp0, $4  }
0x9: {  	s6 =	sor.u32 s8, s6;
	s7 =	sadd.s32 s7, s4;
	s30 =	sshrl.u32 s9, $0x1  }
0xa: {  	s8 =	simm.s32 $0x50;
	s4 =	sadd.s32 s6, s4;
	s31 =	ssub.s32 s9, s30  }
0xb: {  	s7 =	sadd.s32 s5, s7;
	s9 =	simm.s32 $0x1000;
	s4 =	sadd.s32 $0x3FCC00, s4  }
0xc: {  	s5 =	smax.u32 s31, $0x1;
	s6 =	sadd.s32 $0x400C00, s7;
	s7 =	simm.s32 $0x5  }
.LBB2_7:
0xd: {  	s12 =	sadd.s32 $0x1, s12  }
0xe: {  	_ =	swait.ge [sflag:s10], $0x2800;
	p0 =	sne.s32 s12, s5  }
.Ltmp1:
0xf: {  	[sflag:s10] =	ssyncset.done $0x0;
	(pc) =	sbr.rel @!p0 .LBB2_8-.Ltmp1, $4  }
0x10: {  	[sflag:s10] =	ssyncadd.s32 $0xFFFFD800  }
0x11: {  	_ =	swait.ge [sflag:s11], $0x2800  }
0x12: {  	[sflag:s11] =	ssyncset.done $0x0  }
0x13: {  	[sflag:s11] =	ssyncadd.s32 $0xFFFFD800  }
.LBB2_1:
0x14: {  	[tilespmem:s3], [sflag:$0x5] =	stream.linear.gather [hbm4b:s4+s3], $0xC80, $0x38;
	[tilespmem:$0x6000] =	vst v63  }
.Ltmp2:
0x15: {  	_ = 	snop;
	(pc) =	sbr.rel .LBB2_2-.Ltmp2, $4  }
0x16: {  	_ =	swait.ge [sflag:s7], $0xC80  }
0x17: {  	s13 =	simm.s32 $0x80;
	[sflag:s7] =	ssyncset.done $0x0  }
0x18: {  	s14 =	smov.u32 s6;
	s15 =	simm.s32 $0x0;
	[sflag:s7] =	ssyncadd.s32 $0xFFFFF380  }
0x19: {  	[tilespmem:s9], [sflag:$0x1] =	stream.indirect.gather [hbm4b:s1+s8], $0x80, s3, s8, $0xb8;
	[tilespmem:$0x6000] =	vst v63  }
.LBB2_5:
0x1a: {  	s18 =	smul.u32 $0xA000, s17;
	_ =	sdelay $0x1  }
0x1b: {  	s18 =	sshrl.u32 s18, $0x2  }
0x1c: {  	s31 =	sadd.s32 $0x1, s17;
	s18 =	sadd.s32 $0x1000, s18  }
0x1d: {  	[tilespmem:s18], [sflag:s31] =	stream.indirect.gather [hbm4b:s1+s8], $0x80, s13, s8, $0xb8;
	[tilespmem:$0x6000] =	vst v63  }
.LBB2_6:
0x1e: {  	s15 =	sadd.s32 $0x1, s15  }
0x1f: {  	s17 =	sadd.s32 $0x1, s16;
	s18 =	smul.u32 $0xA000, s16;
	p0 =	sne.s32 s15, $0x19  }
.Ltmp3:
0x20: {  	_ =	swait.ge [sflag:s17], $0x2800;
	(pc) =	sbr.rel @!p0 .LBB2_7-.Ltmp3, $4  }
0x21: {  	[sflag:s17] =	ssyncset.done $0x0;
	s18 =	sshrl.u32 s18, $0x2  }
0x22: {  	s30 =	sadd.s32 $0x3, s16;
	[sflag:s17] =	ssyncadd.s32 $0xFFFFD800;
	s31 =	sadd.s32 $0x1000, s18  }
0x23: {  	[hbm4b:s14+s3] =	stream.linear.scatter [tilespmem:s31], [sflag:s30], $0x2800, $0x38;
	[tilespmem:$0x6000] =	vst v63  }
0x24: {  	s13 =	sadd.s32 $0x80, s13;
	s14 =	sadd.s32 $0x500, s14  }
.LBB2_2:
0x25: {  	p0 =	seq.s32 s15, $0x0  }
.Ltmp4:
0x26: {  	_ = 	snop;
	(pc) =	sbr.rel @p0 .LBB2_5-.Ltmp4, $3  }
0x27: {  	_ =	sdelay $0x1  }
0x28: {  	s16 =	sand.u32 $0x1, s15  }
0x29: {  	s17 =	sxor.u32 $0x1, s16  }
0x2a: {  	p0 =	seq.s32 s15, $0x18  }
.Ltmp5:
0x2b: {  	_ = 	snop;
	(pc) =	sbr.rel @p0 .LBB2_6-.Ltmp5, $1  }
0x2c: {  	_ =	sdelay $0x3  }
.Ltmp6:
0x2d: {  	(pc) =	sbr.rel .LBB2_5-.Ltmp6, $4  }
0x2e: {  	s18 =	sadd.s32 $0x3, s17  }
0x2f: {  	_ =	swait.ge [sflag:s18], $0x2800  }
0x30: {  	[sflag:s18] =	ssyncset.done $0x0  }
0x31: {  	[sflag:s18] =	ssyncadd.s32 $0xFFFFD800  }
.LBB2_8:
0x32: {  	_ =	sfence.sel $0x180000  }
0x33: {  	[bflag:$0x0] =	sbarrier.arrive $0xFFFF  }
0x34: {  	p0 =	sne.s32 s2, $0x0;
	_ =	strace $0x90000053  }
0x35: {  	s0 =	sadd.s32 @!p0 $0x100000, s0;
	[bflag:$0x2] =	sbarrier.arrive $0xFFFF  }
0x36: {  	[sflag:s0] =	ssyncadd.tile.s32 @!p0 $0x1;
	_ =	shalt  }
.Lfunc_end2:
_tile_overlayer_lowered:
.L_overlay_start_2:
0x37: {  	(tag) =	ssettag $0x2  }
0x38: {  	s0 =	rddreg [dreg:$0x0];
	s2 =	stileid.u32  }
0x39: {  	s1 =	rddreg [dreg:$0x1];
	p0 =	sne.s32 s2, $0x0  }
0x3a: {  	s3 =	rddreg [dreg:$0x2];
	[bflag:$0x3] =	sbarrier.arrive $0xFFFF;
	s2 =	simm.s32 @!p0 $0x1C05  }
0x3b: {  	[timem:s3], [sflag:s2] =	dma.local @!p0 [hbm:s0], s1  }
0x3c: {  	s0 =	simm.s32 @!p0 $0x5  }
0x3d: {  	_ =	swait.ge @!p0 [sflag:s0], s1  }
0x3e: {  	s1 =	ssub.s32 @!p0 $0x0, s1;
	[sflag:s0] =	ssyncset.done @!p0 $0x0  }
0x3f: {  	[sflag:s0] =	ssyncadd.s32 @!p0 s1  }
0x40: {  	[bflag:$0x3] =	sbarrier.arrive $0xFFFF  }
0x41: {  	_ =	shalt  }

// kernel: kernel.21.cloned.1.call-start
scs
__scs_entry_jumppad:
0x0: {  	(pc) =	sbr.rel $0x88, $3  }
0x1: {  	(tag) =	ssettag $0x0;
	lr =	simm.s32 $0x1  }
0x2: {  	[smem:$0x3F9D] =	sst lr;
	_ =	strace $0xD0000000  }
0x3: {  	_ = 	snop  }
0x4: {  	_ = 	snop  }
0x5: {  	_ = 	snop  }
0x6: {  	_ = 	snop  }
0x7: {  	_ = 	snop  }
__scs_overlays_trampoline_lowered:
0x8: {  	[smem:$0x3FAC] =	sst s0  }
0x9: {  	[smem:$0x3FAD] =	sst s1  }
0xa: {  	[smem:$0x3FAE] =	sst s2  }
0xb: {  	[smem:$0x3FAF] =	sst s3  }
0xc: {  	[smem:$0x3FB0] =	sst s4  }
0xd: {  	[smem:$0x3FB1] =	sst s5  }
0xe: {  	[smem:$0x3FB2] =	sst s6  }
0xf: {  	[smem:$0x3FB3] =	sst s7  }
0x10: {  	[smem:$0x3FB4] =	sst s8  }
0x11: {  	[smem:$0x3FB5] =	sst s9;
	s0 =	simm.s32 @!p0 $0x0  }
0x12: {  	s1 =	sld [smem:$0x3F9B];
	s0 =	simm.s32 @p0 $0x1  }
0x13: {  	[smem:$0x3FB6] =	sst s0;
	s0 =	simm.s32 @!p1 $0x0  }
0x14: {  	s2 =	sld [smem:$0x3F9A];
	s0 =	simm.s32 @p1 $0x1  }
0x15: {  	[smem:$0x3FB7] =	sst s0;
	s0 =	simm.s32 @!p2 $0x0  }
0x16: {  	s3 =	sld [smem:$0x3FDB];
	s0 =	simm.s32 @p2 $0x1  }
0x17: {  	s4 =	simm.s32 $0x1BF5;
	[smem:$0x3FB9] =	sst s0  }
0x18: {  	s0 =	sld [smem:$0x3F9C];
	_ =	swait.ge [sflag:s4], $0x0  }
0x19: {  	s7 =	sld [smem:$0x3F9D]  }
0x1a: {  	s8 =	sadd.s32 $0xFFFFE003, lr  }
0x1b: {  	s9 =	sadd.s32 $0xFFFFFEF7, lr;
	s5 =	simm.s32 $0xFFFFFFFF;
	p2 =	slt.u32 s8, $0xFFFFF086  }
0x1c: {  	p1 =	slt.u32 s9, $0xF7A;
	s5 =	simm.s32 @!p2 $0x0  }
0x1d: {  	s5 =	simm.s32 @p1 $0x1;
	p0 =	seq.s32 s7, s2  }
0x1e: {  	s7 =	smul.u32 @!p0 $0xF7A, s2;
	p2 =	seq.s32 @!p0 s5, $0x0  }
0x1f: {  	s9 =	smul.u32 $0xF7A, s1;
	s8 =	simm.s32 @!p0 $0x1BF5;
	p2 =	por !p2, p0  }
0x20: {  	[sflag:s8] =	ssyncset.s32 @!p0 $0xFFFFF086;
	s6 =	sadd.s32 @!p0 s3, s7;
	s7 =	simm.s32 @!p0 $0x108  }
0x21: {  	s3 =	sadd.s32 s3, s9;
	s6 =	sadd.s32 @!p0 $0x88, s6;
	s7 =	simm.s32 @p2 $0x1082  }
0x22: {  	[simem:s7], [sflag:s8] =	dma.local @!p0 [hbm:s6], $0xF7A  }
0x23: {  	s9 =	sor.u32 $0xD0000000, s2;
	s6 =	simm.s32 $0x108;
	_ =	swait.ge @!p0 [sflag:s8], $0x0  }
0x24: {  	s3 =	sadd.s32 $0x88, s3;
	s6 =	simm.s32 @!p1 $0x1082;
	[sflag:s4] =	ssyncset.s32 $0xFFFFF086  }
0x25: {  	[simem:s6], [sflag:s4] =	dma.local [hbm:s3], $0xF7A  }
0x26: {  	[smem:$0x3F9D] =	sst s1;
	(tag) =	ssettag s2;
	_ =	strace s9  }
0x27: {  	s1 =	sld [smem:$0x3FAD]  }
0x28: {  	s2 =	sld [smem:$0x3FAE]  }
0x29: {  	s4 =	sld [smem:$0x3FB0]  }
0x2a: {  	p0 =	seq.s32 s5, $0x0;
	s5 =	sld [smem:$0x3FB1]  }
0x2b: {  	s6 =	sld [smem:$0x3FB2]  }
0x2c: {  	s7 =	sld [smem:$0x3FB3]  }
0x2d: {  	s3 =	simm.s32 $0x108;
	s8 =	sld [smem:$0x3FB4]  }
0x2e: {  	s3 =	simm.s32 @!p0 $0x1082;
	s9 =	sld [smem:$0x3FB5]  }
0x2f: {  	lr =	sadd.s32 s0, s3;
	s0 =	sld [smem:$0x3FAC]  }
0x30: {  	s3 =	sld [smem:$0x3FAF]  }
0x31: {  	[smem:$0x3FB8] =	sst s10  }
0x32: {  	s10 =	sld [smem:$0x3FB6];
	_ =	sdelay $0x3  }
0x33: {  	p0 =	seq.s32 s10, $0x1;
	s10 =	sld [smem:$0x3FB8];
	_ =	sdelay $0x3  }
0x34: {  	[smem:$0x3FB8] =	sst s10  }
0x35: {  	s10 =	sld [smem:$0x3FB7];
	_ =	sdelay $0x3  }
0x36: {  	p1 =	seq.s32 s10, $0x1;
	s10 =	sld [smem:$0x3FB8];
	_ =	sdelay $0x3  }
0x37: {  	[smem:$0x3FB8] =	sst s10  }
0x38: {  	s10 =	sld [smem:$0x3FB9]  }
0x39: {  	_ = 	snop;
	(pc) =	sbr.ind lr, $3  }
0x3a: {  	_ = 	snop  }
0x3b: {  	_ = 	snop  }
0x3c: {  	p2 =	seq.s32 s10, $0x1;
	s10 =	sld [smem:$0x3FB8]  }
0x3d: {  	_ =	shalt  }
0x3e: {  	_ =	shalt  }
0x3f: {  	_ =	shalt  }
0x40: {  	_ =	shalt  }
0x41: {  	_ =	shalt  }
0x42: {  	_ =	shalt  }
0x43: {  	_ =	shalt  }
0x44: {  	_ =	shalt  }
0x45: {  	_ =	shalt  }
0x46: {  	_ =	shalt  }
0x47: {  	_ =	shalt  }
0x48: {  	_ =	shalt  }
0x49: {  	_ =	shalt  }
0x4a: {  	_ =	shalt  }
0x4b: {  	_ =	shalt  }
0x4c: {  	_ =	shalt  }
0x4d: {  	_ =	shalt  }
0x4e: {  	_ =	shalt  }
0x4f: {  	_ =	shalt  }
0x50: {  	_ =	shalt  }
0x51: {  	_ =	shalt  }
0x52: {  	_ =	shalt  }
0x53: {  	_ =	shalt  }
0x54: {  	_ =	shalt  }
0x55: {  	_ =	shalt  }
0x56: {  	_ =	shalt  }
0x57: {  	_ =	shalt  }
0x58: {  	_ =	shalt  }
0x59: {  	_ =	shalt  }
0x5a: {  	_ =	shalt  }
0x5b: {  	_ =	shalt  }
0x5c: {  	_ =	shalt  }
0x5d: {  	_ =	shalt  }
0x5e: {  	_ =	shalt  }
0x5f: {  	_ =	shalt  }
0x60: {  	_ =	shalt  }
0x61: {  	_ =	shalt  }
0x62: {  	_ =	shalt  }
0x63: {  	_ =	shalt  }
0x64: {  	_ =	shalt  }
0x65: {  	_ =	shalt  }
0x66: {  	_ =	shalt  }
0x67: {  	_ =	shalt  }
0x68: {  	_ =	shalt  }
0x69: {  	_ =	shalt  }
0x6a: {  	_ =	shalt  }
0x6b: {  	_ =	shalt  }
0x6c: {  	_ =	shalt  }
0x6d: {  	_ =	shalt  }
0x6e: {  	_ =	shalt  }
0x6f: {  	_ =	shalt  }
0x70: {  	_ =	shalt  }
0x71: {  	_ =	shalt  }
0x72: {  	_ =	shalt  }
0x73: {  	_ =	shalt  }
0x74: {  	_ =	shalt  }
0x75: {  	_ =	shalt  }
0x76: {  	_ =	shalt  }
0x77: {  	_ =	shalt  }
0x78: {  	_ =	shalt  }
0x79: {  	_ =	shalt  }
0x7a: {  	_ =	shalt  }
0x7b: {  	_ =	shalt  }
0x7c: {  	_ =	shalt  }
0x7d: {  	_ =	shalt  }
0x7e: {  	_ =	shalt  }
0x7f: {  	_ =	shalt  }
0x80: {  	_ =	shalt  }
0x81: {  	_ =	shalt  }
0x82: {  	_ =	shalt  }
0x83: {  	_ =	shalt  }
0x84: {  	_ =	shalt  }
0x85: {  	_ =	shalt  }
0x86: {  	_ =	shalt  }
0x87: {  	_ =	shalt  }
.Lfunc_end0:
.L_simem_size_0:
called_computation.1_lowered:
.L_overlay_start_0:
0x88: {  	s2 =	sld [smem:$0x3FD9]  }
0x89: {  	s3 =	sld [smem:$0x3FFE];
	_ =	sdelay $0x1  }
0x8a: {  	s1 =	srdreg.scid  }
0x8b: {  	s0 =	sand.u32 $0x1, s1  }
0x8c: {  	s17 =	sshll.u32 s0, $0xA;
	s2 =	sadd.s32 s3, s2  }
0x8d: {  	s2 =	sadd.s32 s2, s17  }
0x8e: {  	[smem:$0x3FC4] =	sst s2  }
0x8f: {  	_ = 	snop  }
0x90: {  	s18 =	sld [smem:$0x3FD0];
	(tm) =	ssettm $0x1  }
0x91: {  	s19 =	sld [smem:$0x3FFB];
	_ =	sdelay $0x3  }
0x92: {  	_ =	strace s19  }
0x93: {  	s2 =	sld [smem:$0x3FFC];
	_ =	sdelay $0x3  }
0x94: {  	_ =	strace s2  }
0x95: {  	s2 =	sld [smem:$0x3FFD];
	_ =	sdelay $0x3  }
0x96: {  	_ =	strace s2  }
0x97: {  	_ =	strace $0x8FFFFFFF  }
0x98: {  	s20 =	sld [smem:$0x3FDB];
	_ =	sdelay $0x1  }
0x99: {  	s4 =	simm.s32 $_scs_section_size  }
0x9a: {  	s5 =	simm.s32 $_size__tile_overlayer_lowered;
	s6 =	simm.s32 $_tile_overlayer_lowered  }
0x9b: {  	s7 =	simm.s32 $0x1BFF;
	s21 =	sshll.u32 s6, $0x1;
	s4 =	sadd.s32 s4, s20  }
0x9c: {  	s22 =	simm.s32 $0x0;
	s5 =	sshll.u32 s5, $0x1;
	s6 =	sadd.s32 s21, s4  }
0x9d: {  	[timem:s22], [sflag:s7] =	dma.local [hbm:s6], s5  }
0x9e: {  	_ =	swait.ge [sflag:s7], s5  }
0x9f: {  	s5 =	ssub.s32 $0x0, s5;
	[sflag:s7] =	ssyncset.done $0x0  }
0xa0: {  	[sflag:s7] =	ssyncadd.s32 s5;
	_ =	sdelay $0x1  }
0xa1: {  	s23 =	simm.s32 $0x1B8B  }
0xa2: {  	_ =	swait.ge [sflag:s23], $0x1  }
0xa3: {  	[sflag:s23] =	ssyncset.done $0x0  }
0xa4: {  	[sflag:s23] =	ssyncadd.s32 $0xFFFFFFFF  }
0xa5: {  	s5 =	sld [smem:$0x0]  }
0xa6: {  	s6 =	sand.u32 $0xFFFFFFFE, s1  }
0xa7: {  	p0 =	sne.s32 s1, s6  }
0xa8: {  	s6 =	sshll.u32 @p0 s6, $0xE  }
0xa9: {  	s6 =	sadd.s32 @p0 $0x11B8D, s6;
	s7 =	sshll.u32 @p0 s5, $0x11  }
0xaa: {  	s6 =	sor.u32 @p0 s7, s6  }
0xab: {  	[sflag:s6] =	ssyncadd.remote.s32 @p0 $0x1;
	_ =	sdelay $0x1  }
0xac: {  	s6 =	simm.s32 @p0 $0x1B8D  }
0xad: {  	_ =	swait.eq @p0 [sflag:s6], $0x1  }
0xae: {  	[sflag:s6] =	ssyncadd.s32 @p0 $0xFFFFFFFF  }
0xaf: {  	s7 =	sshll.u32 @!p0 s1, $0xE  }
0xb0: {  	s7 =	sor.u32 @!p0 $0x4000, s7;
	s6 =	simm.s32 @!p0 $0x1B8D  }
0xb1: {  	s5 =	sshll.u32 @!p0 s5, $0x11;
	s7 =	sadd.s32 @!p0 $0x11B8D, s7;
	_ =	swait.eq @!p0 [sflag:s6], $0x1  }
0xb2: {  	s5 =	sor.u32 @!p0 s5, s7;
	[sflag:s6] =	ssyncadd.s32 @!p0 $0xFFFFFFFF  }
0xb3: {  	s25 =	simm.s32 $0x1B8E;
	s24 =	sld [smem:$0x3FFE];
	[sflag:s5] =	ssyncadd.remote.s32 @!p0 $0x1  }
0xb4: {  	s26 =	simm.s32 $execute0_lowered;
	[smem:$0x3FD2] =	sst s25  }
0xb5: {  	s6 =	sshll.u32 s26, $0x1;
	_ =	strace $0x80000061;
	[dreg:$0x1] =	wrdreg $0xFFFFFFFF  }
0xb6: {  	s28 =	simm.s32 $_size_execute0_lowered;
	s4 =	sadd.s32 s4, s6;
	[dreg:$0x0] =	wrdreg $0x0  }
0xb7: {  	s6 =	sshll.u32 s28, $0x1;
	[dreg:$0x2] =	wrdreg s4  }
0xb8: {  	[dreg:$0x3] =	wrdreg s6  }
0xb9: {  	[dreg:$0x4] =	wrdreg $0xC0  }
0xba: {  	_ =	task [dreg:s22], $0x5FFFF  }
0xbb: {  	[dreg:$0x1] =	wrdreg $0xFFFFFFFF  }
0xbc: {  	[dreg:$0x0] =	wrdreg $0x60  }
0xbd: {  	[dreg:$0x2] =	wrdreg s24  }
0xbe: {  	[dreg:$0x3] =	wrdreg s18  }
0xbf: {  	[dreg:$0x4] =	wrdreg $0x60000  }
0xc0: {  	[dreg:$0x5] =	wrdreg $0x9  }
0xc1: {  	_ =	task.clear_ibuf [dreg:s22], $0x6FFFF;
	_ =	strace $0x90000061  }
0xc2: {  	s29 =	simm.s32 $0x9;
	_ =	strace $0x80000063  }
0xc3: {  	_ =	swait.ge [sflag:s29], $0x1  }
0xc4: {  	[sflag:s29] =	ssyncadd.s32 $0xFFFFFFFF  }
0xc5: {  	_ =	strace $0x90000063  }
0xc6: {  	_ =	sfence  }
0xc7: {  	s30 =	sld [smem:$0x0];
	_ =	sdelay $0x2  }
0xc8: {  	s31 =	sshll.u32 s1, $0xD;
	s1 =	sshrl.u32 s1, $0x2  }
0xc9: {  	s4 =	sand.u32 $0x4000, s31;
	s1 =	sadd.s32 s1, s30  }
0xca: {  	s0 =	sor.u32 s4, s0;
	s1 =	sshll.u32 s1, $0x11  }
0xcb: {  	s0 =	sor.u32 s1, s0  }
0xcc: {  	s0 =	sadd.s32 $0x8F2B, s0  }
0xcd: {  	[sflag:s0] =	ssyncadd.remote.s32 $0x1  }
0xce: {  	_ =	sfence.sel $0xFFFF  }
0xcf: {  	[dreg:$0x0] =	wrdreg $0xFFFFFFFF;
	(pc) =	sbr.abs _section_cstart, $3  }
0xd0: {  	[dreg:$0x1] =	wrdreg $0xFFFFFFFF  }
0xd1: {  	_ =	task.clear_ibuf [dreg:s22], $0x2FFFF;
	_ =	strace $0x9FFFFFFF  }
0xd2: {  	(tm) =	ssettm $0x7FFFFFFF  }
0xd3: {  	_ =	shalt  }
tec
execute0_lowered:
.L_overlay_start_1:
0x0: {  	(tag) =	ssettag $0x1  }
0x1: {  	s5 =	rddreg [dreg:$0x0]  }
0x2: {  	s6 =	rddreg [dreg:$0x1]  }
0x3: {  	s1 =	rddreg [dreg:$0x2]  }
0x4: {  	s0 =	rddreg [dreg:$0x3];
	s2 =	simm.s32 $0x0;
	s3 =	srdreg.scid  }
0x5: {  	[smem:$0x7FF] =	sst s2;
	s7 =	sand.u32 $0x1, s3  }
0x6: {  	s15 =	simm.s32 $0xC00;
	s3 =	stileid.u32;
	s8 =	smul.u32 $0x28000, s7  }
0x7: {  	s9 =	sadd.s32 $0x6FEC00, s5;
	s4 =	sadd.s32 $0x2C00, s5;
	s10 =	smul.u32 $0x50000, s3  }
0x8: {  	_ =	strace $0x80000062;
	s29 =	ssub.s32 $0x2, s7;
	s14 =	smul.u32 $0xFA00, s3  }
0x9: {  	s11 =	sshll.u32 s3, $0x1;
	s30 =	sshll.u32 s3, $0x6;
	s31 =	smul.u32 $0x7D00, s7  }
0xa: {  	s17 =	smul.u32 $0x2800, s3;
	s12 =	sshrl.u32 s29, $0x1;
	s11 =	sor.u32 s7, s11  }
0xb: {  	s8 =	sadd.s32 s8, s5;
	s10 =	sshrl.u32 s10, $0x2;
	s12 =	ssub.s32 s29, s12  }
0xc: {  	s13 =	smul.u32 $0x7D00, s11;
	s11 =	sshll.u32 s11, $0x9;
	s5 =	sor.u32 $0x1C03, s30  }
0xd: {  	s10 =	sadd.s32 s10, s1;
	s6 =	sadd.s32 s6, s11;
	s16 =	sadd.s32 $0x346C00, s8  }
0xe: {  	s8 =	smax.u32 s12, $0x1;
	s11 =	simm.s32 $0x3;
	s12 =	simm.s32 $0x1000  }
0xf: {  	s7 =	sadd.s32 s9, s13;
	s9 =	sadd.s32 s14, s9;
	s10 =	sshrl.u32 s10, $0x3  }
0x10: {  	s13 =	simm.s32 $0x50;
	s14 =	simm.s32 $0x1;
	s9 =	sadd.s32 s31, s9  }
0x11: {  	s16 =	sadd.s32 s17, s16;
	s17 =	simm.s32 $0x0;
	s9 =	sadd.s32 $0x500, s9  }
.LBB2_1:
0x12: {  	[spmem:s10], [sflag:s5] =	dma.local [hbm:s4], $0x2800  }
0x13: {  	_ =	swait.ge [sflag:s11], $0x2800  }
0x14: {  	[sflag:s11] =	ssyncset.done $0x0  }
0x15: {  	s18 =	sand.u32 $0x1, s2;
	[sflag:s11] =	ssyncadd.s32 $0xFFFFD800  }
0x16: {  	[tilespmem:s2], [sflag:$0x3] =	stream.linear.gather [hbm4b:s6+s2], $0xC80, $0x38;
	[tilespmem:$0x1A000] =	vst v63  }
0x17: {  	s19 =	sxor.u32 $0x1, s18;
	s29 =	smul.u32 $0xA000, s18;
	_ =	swait.ge [sflag:s11], $0xC80  }
0x18: {  	s30 =	simm.s32 $0x1;
	s20 =	smul.u32 $0xA000, s19;
	[sflag:s11] =	ssyncset.done $0x0  }
0x19: {  	s23 =	simm.s32 $0x2;
	s18 =	sadd.s32 $0x1, s18;
	[sflag:s11] =	ssyncadd.s32 $0xFFFFF380  }
0x1a: {  	s21 =	sshrl.u32 s29, $0x2;
	s20 =	sshrl.u32 s20, $0x2;
	[bflag:$0x0] =	sbarrier.arrive $0xFFFF  }
0x1b: {  	[tilespmem:s12], [sflag:$0x1] =	stream.linear.gather [hbm4b:s7+s2], $0x2800, $0x38;
	[tilespmem:$0x1A000] =	vst v63  }
0x1c: {  	s19 =	sadd.s32 $0x1, s19;
	s31 =	sadd.s32 $0x1000, s21;
	s20 =	sadd.s32 $0x1000, s20  }
0x1d: {  	[tilespmem:s20], [sflag:s19] =	stream.linear.gather [hbm4b:s9+s2], $0x2800, $0x38;
	[tilespmem:$0x1A000] =	vst v63  }
0x1e: {  	s19 =	sand.u32 $0x1, s30;
	s20 =	sadd.s32 $0x500, s9;
	_ =	swait.ge [sflag:s18], $0x2800  }
0x1f: {  	s21 =	sxor.u32 $0x1, s19;
	s22 =	smul.u32 $0xA000, s19;
	[sflag:s18] =	ssyncset.done $0x0  }
0x20: {  	s24 =	smul.u32 $0xA000, s21;
	[sflag:s18] =	ssyncadd.s32 $0xFFFFD800;
	s18 =	simm.s32 $0x80  }
0x21: {  	[spmem:s1] =	stream.indirect.scatter.add.f32 [tilespmem:s31], [sflag:$0x3], $0x80, s2, s13, $0xb8;
	[tilespmem:$0x1A000] =	vst v63  }
.LBB2_2:
0x22: {  	s24 =	sshrl.u32 s24, $0x2;
	s22 =	sshrl.u32 s22, $0x2;
	_ =	swait.ge [sflag:s11], $0x2800  }
0x23: {  	s25 =	smov.u32 s23;
	s26 =	smov.u32 s18;
	s28 =	sadd.s32 $0x1, s23  }
0x24: {  	p0 =	sne.s32 s23, $0x17;
	s24 =	sadd.s32 $0x1000, s24;
	[sflag:s11] =	ssyncset.done $0x0  }
0x25: {  	s21 =	sadd.s32 $0x1, s21;
	s23 =	sadd.s32 $0x1, s19;
	[sflag:s11] =	ssyncadd.s32 $0xFFFFD800  }
0x26: {  	[tilespmem:s24], [sflag:s21] =	stream.linear.gather [hbm4b:s20+s2], $0x2800, $0x38;
	[tilespmem:$0x1A000] =	vst v63  }
.Ltmp0:
0x27: {  	s18 =	sadd.s32 $0x80, s18;
	s20 =	sadd.s32 $0x500, s20;
	(pc) =	sbr.rel @p0 .LBB2_2-.Ltmp0, $4  }
0x28: {  	s19 =	sand.u32 $0x1, s25;
	s25 =	sadd.s32 $0x1000, s22;
	_ =	swait.ge [sflag:s23], $0x2800  }
0x29: {  	s22 =	smul.u32 $0xA000, s19;
	s21 =	sxor.u32 $0x1, s19;
	[sflag:s23] =	ssyncset.done $0x0  }
0x2a: {  	s24 =	smul.u32 $0xA000, s21;
	[sflag:s23] =	ssyncadd.s32 $0xFFFFD800;
	s23 =	smov.u32 s28  }
0x2b: {  	[spmem:s1] =	stream.indirect.scatter.add.f32 [tilespmem:s25], [sflag:$0x3], $0x80, s26, s13, $0xb8;
	[tilespmem:$0x1A000] =	vst v63  }
0x2c: {  	_ =	swait.ge [sflag:s11], $0x2800  }
0x2d: {  	s23 =	sshrl.u32 s24, $0x2;
	s21 =	sadd.s32 $0x1, s21;
	[sflag:s11] =	ssyncset.done $0x0  }
0x2e: {  	s19 =	sadd.s32 $0x1, s19;
	s23 =	sadd.s32 $0x1000, s23;
	[sflag:s11] =	ssyncadd.s32 $0xFFFFD800  }
0x2f: {  	[tilespmem:s23], [sflag:s21] =	stream.linear.gather [hbm4b:s20+s2], $0x2800, $0x38;
	[tilespmem:$0x1A000] =	vst v63  }
0x30: {  	_ =	swait.ge [sflag:s19], $0x2800  }
0x31: {  	s31 =	sshrl.u32 s22, $0x2;
	[sflag:s19] =	ssyncset.done $0x0  }
0x32: {  	s20 =	sadd.s32 $0x1000, s31;
	[sflag:s19] =	ssyncadd.s32 $0xFFFFD800  }
0x33: {  	[spmem:s1] =	stream.indirect.scatter.add.f32 [tilespmem:s20], [sflag:$0x3], $0x80, s18, s13, $0xb8;
	[tilespmem:$0x1A000] =	vst v63  }
0x34: {  	_ =	swait.ge [sflag:s11], $0x2800  }
0x35: {  	[sflag:s11] =	ssyncset.done $0x0  }
0x36: {  	[sflag:s11] =	ssyncadd.s32 $0xFFFFD800  }
0x37: {  	_ =	swait.ge [sflag:s14], $0x2800  }
0x38: {  	[sflag:s14] =	ssyncset.done $0x0  }
0x39: {  	[sflag:s14] =	ssyncadd.s32 $0xFFFFD800  }
0x3a: {  	[spmem:s1] =	stream.indirect.scatter.add.f32 [tilespmem:s12], [sflag:$0x3], $0x80, s15, s13, $0xb8;
	[tilespmem:$0x1A000] =	vst v63  }
0x3b: {  	_ =	swait.ge [sflag:s11], $0x2800  }
0x3c: {  	s17 =	sadd.s32 $0x1, s17;
	[sflag:s11] =	ssyncset.done $0x0  }
0x3d: {  	p0 =	sne.s32 s17, s8;
	[sflag:s11] =	ssyncadd.s32 $0xFFFFD800  }
.Ltmp1:
0x3e: {  	[bflag:$0x0] =	sbarrier.arrive $0xFFFF;
	(pc) =	sbr.rel @p0 .LBB2_1-.Ltmp1, $4  }
0x3f: {  	[hbm:s16], [sflag:s5] =	dma.local [spmem:s10], $0x2800  }
0x40: {  	_ =	swait.ge [sflag:s11], $0x2800  }
0x41: {  	[sflag:s11] =	ssyncset.done $0x0  }
0x42: {  	[sflag:s11] =	ssyncadd.s32 $0xFFFFD800  }
0x43: {  	_ =	sfence.sel $0x180000  }
0x44: {  	[bflag:$0x0] =	sbarrier.arrive $0xFFFF  }
0x45: {  	p0 =	sne.s32 s3, $0x0;
	_ =	strace $0x90000062  }
0x46: {  	s0 =	sadd.s32 @!p0 $0x100000, s0;
	[bflag:$0x2] =	sbarrier.arrive $0xFFFF  }
0x47: {  	[sflag:s0] =	ssyncadd.tile.s32 @!p0 $0x1;
	_ =	shalt  }
.Lfunc_end2:
_tile_overlayer_lowered:
.L_overlay_start_2:
0x48: {  	(tag) =	ssettag $0x2  }
0x49: {  	s0 =	rddreg [dreg:$0x0];
	s2 =	stileid.u32  }
0x4a: {  	s1 =	rddreg [dreg:$0x1];
	p0 =	sne.s32 s2, $0x0  }
0x4b: {  	s3 =	rddreg [dreg:$0x2];
	[bflag:$0x3] =	sbarrier.arrive $0xFFFF;
	s2 =	simm.s32 @!p0 $0x1C03  }
0x4c: {  	[timem:s3], [sflag:s2] =	dma.local @!p0 [hbm:s0], s1  }
0x4d: {  	s0 =	simm.s32 @!p0 $0x3  }
0x4e: {  	_ =	swait.ge @!p0 [sflag:s0], s1  }
0x4f: {  	s1 =	ssub.s32 @!p0 $0x0, s1;
	[sflag:s0] =	ssyncset.done @!p0 $0x0  }
0x50: {  	[sflag:s0] =	ssyncadd.s32 @!p0 s1  }
0x51: {  	[bflag:$0x3] =	sbarrier.arrive $0xFFFF  }
0x52: {  	_ =	shalt  }

// kernel: kernel.24.cloned.1.call-start
scs
__scs_entry_jumppad:
0x0: {  	(pc) =	sbr.rel $0x88, $3  }
0x1: {  	(tag) =	ssettag $0x0;
	lr =	simm.s32 $0x1  }
0x2: {  	[smem:$0x3F9D] =	sst lr;
	_ =	strace $0xD0000000  }
0x3: {  	_ = 	snop  }
0x4: {  	_ = 	snop  }
0x5: {  	_ = 	snop  }
0x6: {  	_ = 	snop  }
0x7: {  	_ = 	snop  }
__scs_overlays_trampoline_lowered:
0x8: {  	[smem:$0x3FAC] =	sst s0  }
0x9: {  	[smem:$0x3FAD] =	sst s1  }
0xa: {  	[smem:$0x3FAE] =	sst s2  }
0xb: {  	[smem:$0x3FAF] =	sst s3  }
0xc: {  	[smem:$0x3FB0] =	sst s4  }
0xd: {  	[smem:$0x3FB1] =	sst s5  }
0xe: {  	[smem:$0x3FB2] =	sst s6  }
0xf: {  	[smem:$0x3FB3] =	sst s7  }
0x10: {  	[smem:$0x3FB4] =	sst s8  }
0x11: {  	[smem:$0x3FB5] =	sst s9;
	s0 =	simm.s32 @!p0 $0x0  }
0x12: {  	s1 =	sld [smem:$0x3F9B];
	s0 =	simm.s32 @p0 $0x1  }
0x13: {  	[smem:$0x3FB6] =	sst s0;
	s0 =	simm.s32 @!p1 $0x0  }
0x14: {  	s2 =	sld [smem:$0x3F9A];
	s0 =	simm.s32 @p1 $0x1  }
0x15: {  	[smem:$0x3FB7] =	sst s0;
	s0 =	simm.s32 @!p2 $0x0  }
0x16: {  	s3 =	sld [smem:$0x3FDB];
	s0 =	simm.s32 @p2 $0x1  }
0x17: {  	s4 =	simm.s32 $0x1BF5;
	[smem:$0x3FB9] =	sst s0  }
0x18: {  	s0 =	sld [smem:$0x3F9C];
	_ =	swait.ge [sflag:s4], $0x0  }
0x19: {  	s7 =	sld [smem:$0x3F9D]  }
0x1a: {  	s8 =	sadd.s32 $0xFFFFE003, lr  }
0x1b: {  	s9 =	sadd.s32 $0xFFFFFEF7, lr;
	s5 =	simm.s32 $0xFFFFFFFF;
	p2 =	slt.u32 s8, $0xFFFFF086  }
0x1c: {  	p1 =	slt.u32 s9, $0xF7A;
	s5 =	simm.s32 @!p2 $0x0  }
0x1d: {  	s5 =	simm.s32 @p1 $0x1;
	p0 =	seq.s32 s7, s2  }
0x1e: {  	s7 =	smul.u32 @!p0 $0xF7A, s2;
	p2 =	seq.s32 @!p0 s5, $0x0  }
0x1f: {  	s9 =	smul.u32 $0xF7A, s1;
	s8 =	simm.s32 @!p0 $0x1BF5;
	p2 =	por !p2, p0  }
0x20: {  	[sflag:s8] =	ssyncset.s32 @!p0 $0xFFFFF086;
	s6 =	sadd.s32 @!p0 s3, s7;
	s7 =	simm.s32 @!p0 $0x108  }
0x21: {  	s3 =	sadd.s32 s3, s9;
	s6 =	sadd.s32 @!p0 $0x88, s6;
	s7 =	simm.s32 @p2 $0x1082  }
0x22: {  	[simem:s7], [sflag:s8] =	dma.local @!p0 [hbm:s6], $0xF7A  }
0x23: {  	s9 =	sor.u32 $0xD0000000, s2;
	s6 =	simm.s32 $0x108;
	_ =	swait.ge @!p0 [sflag:s8], $0x0  }
0x24: {  	s3 =	sadd.s32 $0x88, s3;
	s6 =	simm.s32 @!p1 $0x1082;
	[sflag:s4] =	ssyncset.s32 $0xFFFFF086  }
0x25: {  	[simem:s6], [sflag:s4] =	dma.local [hbm:s3], $0xF7A  }
0x26: {  	[smem:$0x3F9D] =	sst s1;
	(tag) =	ssettag s2;
	_ =	strace s9  }
0x27: {  	s1 =	sld [smem:$0x3FAD]  }
0x28: {  	s2 =	sld [smem:$0x3FAE]  }
0x29: {  	s4 =	sld [smem:$0x3FB0]  }
0x2a: {  	p0 =	seq.s32 s5, $0x0;
	s5 =	sld [smem:$0x3FB1]  }
0x2b: {  	s6 =	sld [smem:$0x3FB2]  }
0x2c: {  	s7 =	sld [smem:$0x3FB3]  }
0x2d: {  	s3 =	simm.s32 $0x108;
	s8 =	sld [smem:$0x3FB4]  }
0x2e: {  	s3 =	simm.s32 @!p0 $0x1082;
	s9 =	sld [smem:$0x3FB5]  }
0x2f: {  	lr =	sadd.s32 s0, s3;
	s0 =	sld [smem:$0x3FAC]  }
0x30: {  	s3 =	sld [smem:$0x3FAF]  }
0x31: {  	[smem:$0x3FB8] =	sst s10  }
0x32: {  	s10 =	sld [smem:$0x3FB6];
	_ =	sdelay $0x3  }
0x33: {  	p0 =	seq.s32 s10, $0x1;
	s10 =	sld [smem:$0x3FB8];
	_ =	sdelay $0x3  }
0x34: {  	[smem:$0x3FB8] =	sst s10  }
0x35: {  	s10 =	sld [smem:$0x3FB7];
	_ =	sdelay $0x3  }
0x36: {  	p1 =	seq.s32 s10, $0x1;
	s10 =	sld [smem:$0x3FB8];
	_ =	sdelay $0x3  }
0x37: {  	[smem:$0x3FB8] =	sst s10  }
0x38: {  	s10 =	sld [smem:$0x3FB9]  }
0x39: {  	_ = 	snop;
	(pc) =	sbr.ind lr, $3  }
0x3a: {  	_ = 	snop  }
0x3b: {  	_ = 	snop  }
0x3c: {  	p2 =	seq.s32 s10, $0x1;
	s10 =	sld [smem:$0x3FB8]  }
0x3d: {  	_ =	shalt  }
0x3e: {  	_ =	shalt  }
0x3f: {  	_ =	shalt  }
0x40: {  	_ =	shalt  }
0x41: {  	_ =	shalt  }
0x42: {  	_ =	shalt  }
0x43: {  	_ =	shalt  }
0x44: {  	_ =	shalt  }
0x45: {  	_ =	shalt  }
0x46: {  	_ =	shalt  }
0x47: {  	_ =	shalt  }
0x48: {  	_ =	shalt  }
0x49: {  	_ =	shalt  }
0x4a: {  	_ =	shalt  }
0x4b: {  	_ =	shalt  }
0x4c: {  	_ =	shalt  }
0x4d: {  	_ =	shalt  }
0x4e: {  	_ =	shalt  }
0x4f: {  	_ =	shalt  }
0x50: {  	_ =	shalt  }
0x51: {  	_ =	shalt  }
0x52: {  	_ =	shalt  }
0x53: {  	_ =	shalt  }
0x54: {  	_ =	shalt  }
0x55: {  	_ =	shalt  }
0x56: {  	_ =	shalt  }
0x57: {  	_ =	shalt  }
0x58: {  	_ =	shalt  }
0x59: {  	_ =	shalt  }
0x5a: {  	_ =	shalt  }
0x5b: {  	_ =	shalt  }
0x5c: {  	_ =	shalt  }
0x5d: {  	_ =	shalt  }
0x5e: {  	_ =	shalt  }
0x5f: {  	_ =	shalt  }
0x60: {  	_ =	shalt  }
0x61: {  	_ =	shalt  }
0x62: {  	_ =	shalt  }
0x63: {  	_ =	shalt  }
0x64: {  	_ =	shalt  }
0x65: {  	_ =	shalt  }
0x66: {  	_ =	shalt  }
0x67: {  	_ =	shalt  }
0x68: {  	_ =	shalt  }
0x69: {  	_ =	shalt  }
0x6a: {  	_ =	shalt  }
0x6b: {  	_ =	shalt  }
0x6c: {  	_ =	shalt  }
0x6d: {  	_ =	shalt  }
0x6e: {  	_ =	shalt  }
0x6f: {  	_ =	shalt  }
0x70: {  	_ =	shalt  }
0x71: {  	_ =	shalt  }
0x72: {  	_ =	shalt  }
0x73: {  	_ =	shalt  }
0x74: {  	_ =	shalt  }
0x75: {  	_ =	shalt  }
0x76: {  	_ =	shalt  }
0x77: {  	_ =	shalt  }
0x78: {  	_ =	shalt  }
0x79: {  	_ =	shalt  }
0x7a: {  	_ =	shalt  }
0x7b: {  	_ =	shalt  }
0x7c: {  	_ =	shalt  }
0x7d: {  	_ =	shalt  }
0x7e: {  	_ =	shalt  }
0x7f: {  	_ =	shalt  }
0x80: {  	_ =	shalt  }
0x81: {  	_ =	shalt  }
0x82: {  	_ =	shalt  }
0x83: {  	_ =	shalt  }
0x84: {  	_ =	shalt  }
0x85: {  	_ =	shalt  }
0x86: {  	_ =	shalt  }
0x87: {  	_ =	shalt  }
.Lfunc_end0:
.L_simem_size_0:
called_computation.2_lowered:
.L_overlay_start_0:
0x88: {  	s2 =	sld [smem:$0x3FD9]  }
0x89: {  	s3 =	sld [smem:$0x3FFE];
	_ =	sdelay $0x1  }
0x8a: {  	s1 =	srdreg.scid  }
0x8b: {  	s0 =	sand.u32 $0x1, s1  }
0x8c: {  	s17 =	sshll.u32 s0, $0xA;
	s2 =	sadd.s32 s3, s2  }
0x8d: {  	s2 =	sadd.s32 s2, s17  }
0x8e: {  	[smem:$0x3FC4] =	sst s2  }
0x8f: {  	_ = 	snop  }
0x90: {  	s2 =	sld [smem:$0x3FC9];
	(tm) =	ssettm $0x1  }
0x91: {  	s18 =	sld [smem:$0x3FFB];
	_ =	sdelay $0x3  }
0x92: {  	_ =	strace s18  }
0x93: {  	s3 =	sld [smem:$0x3FFC];
	_ =	sdelay $0x3  }
0x94: {  	_ =	strace s3  }
0x95: {  	s3 =	sld [smem:$0x3FFD];
	_ =	sdelay $0x3  }
0x96: {  	_ =	strace s3  }
0x97: {  	_ =	strace $0x8FFFFFFF  }
0x98: {  	s19 =	sld [smem:$0x3FDB];
	_ =	sdelay $0x1  }
0x99: {  	s4 =	simm.s32 $_scs_section_size  }
0x9a: {  	s5 =	simm.s32 $_size__tile_overlayer_lowered;
	s6 =	simm.s32 $_tile_overlayer_lowered  }
0x9b: {  	s22 =	simm.s32 $0x1BFF;
	s21 =	sshll.u32 s6, $0x1;
	s3 =	sadd.s32 s4, s19  }
0x9c: {  	s7 =	simm.s32 $0x0;
	s20 =	sshll.u32 s5, $0x1;
	s5 =	sadd.s32 s21, s3  }
0x9d: {  	[timem:s7], [sflag:s22] =	dma.local [hbm:s5], s20  }
0x9e: {  	_ =	swait.ge [sflag:s22], s20  }
0x9f: {  	s4 =	ssub.s32 $0x0, s20;
	[sflag:s22] =	ssyncset.done $0x0  }
0xa0: {  	[sflag:s22] =	ssyncadd.s32 s4;
	_ =	sdelay $0x1  }
0xa1: {  	s23 =	simm.s32 $0x1B8B  }
0xa2: {  	_ =	swait.ge [sflag:s23], $0x1  }
0xa3: {  	[sflag:s23] =	ssyncset.done $0x0  }
0xa4: {  	s25 =	simm.s32 $0x1B8E;
	s24 =	sld [smem:$0x3FFE];
	[sflag:s23] =	ssyncadd.s32 $0xFFFFFFFF  }
0xa5: {  	s26 =	simm.s32 $execute0_lowered;
	[smem:$0x3FD2] =	sst s25  }
0xa6: {  	s5 =	sshll.u32 s26, $0x1;
	_ =	strace $0x80000046;
	[dreg:$0x1] =	wrdreg $0xFFFFFFFF  }
0xa7: {  	s28 =	simm.s32 $_size_execute0_lowered;
	s3 =	sadd.s32 s3, s5;
	[dreg:$0x0] =	wrdreg $0x0  }
0xa8: {  	s5 =	sshll.u32 s28, $0x1;
	[dreg:$0x2] =	wrdreg s3  }
0xa9: {  	[dreg:$0x3] =	wrdreg s5  }
0xaa: {  	[dreg:$0x4] =	wrdreg $0xC0  }
0xab: {  	_ =	task [dreg:s7], $0x5FFFF  }
0xac: {  	[dreg:$0x1] =	wrdreg $0xFFFFFFFF  }
0xad: {  	[dreg:$0x0] =	wrdreg $0x60  }
0xae: {  	[dreg:$0x2] =	wrdreg s2  }
0xaf: {  	[dreg:$0x3] =	wrdreg s24  }
0xb0: {  	[dreg:$0x4] =	wrdreg $0xA  }
0xb1: {  	_ =	task.clear_ibuf [dreg:s7], $0x5FFFF;
	_ =	strace $0x90000046  }
0xb2: {  	s29 =	simm.s32 $0xA;
	_ =	strace $0x80000048  }
0xb3: {  	_ =	swait.ge [sflag:s29], $0x1  }
0xb4: {  	[sflag:s29] =	ssyncadd.s32 $0xFFFFFFFF  }
0xb5: {  	_ =	strace $0x90000048  }
0xb6: {  	_ =	sfence  }
0xb7: {  	s30 =	sld [smem:$0x0];
	_ =	sdelay $0x2  }
0xb8: {  	s31 =	sshll.u32 s1, $0xD;
	s1 =	sshrl.u32 s1, $0x2  }
0xb9: {  	s3 =	sand.u32 $0x4000, s31;
	s1 =	sadd.s32 s1, s30  }
0xba: {  	s0 =	sor.u32 s3, s0;
	s1 =	sshll.u32 s1, $0x11  }
0xbb: {  	s0 =	sor.u32 s1, s0  }
0xbc: {  	s0 =	sadd.s32 $0x8F2B, s0  }
0xbd: {  	[sflag:s0] =	ssyncadd.remote.s32 $0x1  }
0xbe: {  	_ =	sfence.sel $0xFFFF  }
0xbf: {  	[dreg:$0x0] =	wrdreg $0xFFFFFFFF;
	(pc) =	sbr.abs _section_cstart, $3  }
0xc0: {  	[dreg:$0x1] =	wrdreg $0xFFFFFFFF  }
0xc1: {  	_ =	task.clear_ibuf [dreg:s7], $0x2FFFF;
	_ =	strace $0x9FFFFFFF  }
0xc2: {  	(tm) =	ssettm $0x7FFFFFFF  }
0xc3: {  	_ =	shalt  }
tec
execute0_lowered:
.L_overlay_start_1:
0x0: {  	(tag) =	ssettag $0x1  }
0x1: {  	s1 =	rddreg [dreg:$0x0]  }
0x2: {  	s4 =	rddreg [dreg:$0x1]  }
0x3: {  	s0 =	rddreg [dreg:$0x2]  }
0x4: {  	s3 =	simm.s32 $0x0;
	s5 =	srdreg.scid;
	s2 =	stileid.u32  }
0x5: {  	s10 =	simm.s32 $0x3;
	s11 =	simm.s32 $0x4;
	s12 =	simm.s32 $0x0  }
0x6: {  	[smem:$0x7FF] =	sst s3;
	s5 =	sand.u32 $0x1, s5;
	s7 =	smul.u32 $0xFA00, s2  }
0x7: {  	s8 =	sshll.u32 s5, $0x9;
	s9 =	ssub.s32 $0x2, s5;
	s5 =	smul.u32 $0x7D00, s5  }
.Ltmp0:
0x8: {  	s6 =	sshll.u32 s2, $0xA;
	_ =	strace $0x80000047;
	(pc) =	sbr.rel .LBB2_1-.Ltmp0, $4  }
0x9: {  	s6 =	sor.u32 s8, s6;
	s7 =	sadd.s32 s7, s4;
	s30 =	sshrl.u32 s9, $0x1  }
0xa: {  	s8 =	simm.s32 $0x50;
	s4 =	sadd.s32 s6, s4;
	s31 =	ssub.s32 s9, s30  }
0xb: {  	s7 =	sadd.s32 s5, s7;
	s9 =	simm.s32 $0x1000;
	s4 =	sadd.s32 $0x2C00, s4  }
0xc: {  	s5 =	smax.u32 s31, $0x1;
	s6 =	sadd.s32 $0x12C00, s7;
	s7 =	simm.s32 $0x5  }
.LBB2_7:
0xd: {  	s12 =	sadd.s32 $0x1, s12  }
0xe: {  	_ =	swait.ge [sflag:s10], $0x2800;
	p0 =	sne.s32 s12, s5  }
.Ltmp1:
0xf: {  	[sflag:s10] =	ssyncset.done $0x0;
	(pc) =	sbr.rel @!p0 .LBB2_8-.Ltmp1, $4  }
0x10: {  	[sflag:s10] =	ssyncadd.s32 $0xFFFFD800  }
0x11: {  	_ =	swait.ge [sflag:s11], $0x2800  }
0x12: {  	[sflag:s11] =	ssyncset.done $0x0  }
0x13: {  	[sflag:s11] =	ssyncadd.s32 $0xFFFFD800  }
.LBB2_1:
0x14: {  	[tilespmem:s3], [sflag:$0x5] =	stream.linear.gather [hbm4b:s4+s3], $0xC80, $0x38;
	[tilespmem:$0x6000] =	vst v63  }
.Ltmp2:
0x15: {  	_ = 	snop;
	(pc) =	sbr.rel .LBB2_2-.Ltmp2, $4  }
0x16: {  	_ =	swait.ge [sflag:s7], $0xC80  }
0x17: {  	s13 =	simm.s32 $0x80;
	[sflag:s7] =	ssyncset.done $0x0  }
0x18: {  	s14 =	smov.u32 s6;
	s15 =	simm.s32 $0x0;
	[sflag:s7] =	ssyncadd.s32 $0xFFFFF380  }
0x19: {  	[tilespmem:s9], [sflag:$0x1] =	stream.indirect.gather [hbm4b:s1+s8], $0x80, s3, s8, $0xb8;
	[tilespmem:$0x6000] =	vst v63  }
.LBB2_5:
0x1a: {  	s18 =	smul.u32 $0xA000, s17;
	_ =	sdelay $0x1  }
0x1b: {  	s18 =	sshrl.u32 s18, $0x2  }
0x1c: {  	s31 =	sadd.s32 $0x1, s17;
	s18 =	sadd.s32 $0x1000, s18  }
0x1d: {  	[tilespmem:s18], [sflag:s31] =	stream.indirect.gather [hbm4b:s1+s8], $0x80, s13, s8, $0xb8;
	[tilespmem:$0x6000] =	vst v63  }
.LBB2_6:
0x1e: {  	s15 =	sadd.s32 $0x1, s15  }
0x1f: {  	s17 =	sadd.s32 $0x1, s16;
	s18 =	smul.u32 $0xA000, s16;
	p0 =	sne.s32 s15, $0x19  }
.Ltmp3:
0x20: {  	_ =	swait.ge [sflag:s17], $0x2800;
	(pc) =	sbr.rel @!p0 .LBB2_7-.Ltmp3, $4  }
0x21: {  	[sflag:s17] =	ssyncset.done $0x0;
	s18 =	sshrl.u32 s18, $0x2  }
0x22: {  	s30 =	sadd.s32 $0x3, s16;
	[sflag:s17] =	ssyncadd.s32 $0xFFFFD800;
	s31 =	sadd.s32 $0x1000, s18  }
0x23: {  	[hbm4b:s14+s3] =	stream.linear.scatter [tilespmem:s31], [sflag:s30], $0x2800, $0x38;
	[tilespmem:$0x6000] =	vst v63  }
0x24: {  	s13 =	sadd.s32 $0x80, s13;
	s14 =	sadd.s32 $0x500, s14  }
.LBB2_2:
0x25: {  	p0 =	seq.s32 s15, $0x0  }
.Ltmp4:
0x26: {  	_ = 	snop;
	(pc) =	sbr.rel @p0 .LBB2_5-.Ltmp4, $3  }
0x27: {  	_ =	sdelay $0x1  }
0x28: {  	s16 =	sand.u32 $0x1, s15  }
0x29: {  	s17 =	sxor.u32 $0x1, s16  }
0x2a: {  	p0 =	seq.s32 s15, $0x18  }
.Ltmp5:
0x2b: {  	_ = 	snop;
	(pc) =	sbr.rel @p0 .LBB2_6-.Ltmp5, $1  }
0x2c: {  	_ =	sdelay $0x3  }
.Ltmp6:
0x2d: {  	(pc) =	sbr.rel .LBB2_5-.Ltmp6, $4  }
0x2e: {  	s18 =	sadd.s32 $0x3, s17  }
0x2f: {  	_ =	swait.ge [sflag:s18], $0x2800  }
0x30: {  	[sflag:s18] =	ssyncset.done $0x0  }
0x31: {  	[sflag:s18] =	ssyncadd.s32 $0xFFFFD800  }
.LBB2_8:
0x32: {  	_ =	sfence.sel $0x180000  }
0x33: {  	[bflag:$0x0] =	sbarrier.arrive $0xFFFF  }
0x34: {  	p0 =	sne.s32 s2, $0x0;
	_ =	strace $0x90000047  }
0x35: {  	s0 =	sadd.s32 @!p0 $0x100000, s0;
	[bflag:$0x2] =	sbarrier.arrive $0xFFFF  }
0x36: {  	[sflag:s0] =	ssyncadd.tile.s32 @!p0 $0x1;
	_ =	shalt  }
.Lfunc_end2:
_tile_overlayer_lowered:
.L_overlay_start_2:
0x37: {  	(tag) =	ssettag $0x2  }
0x38: {  	s0 =	rddreg [dreg:$0x0];
	s2 =	stileid.u32  }
0x39: {  	s1 =	rddreg [dreg:$0x1];
	p0 =	sne.s32 s2, $0x0  }
0x3a: {  	s3 =	rddreg [dreg:$0x2];
	[bflag:$0x3] =	sbarrier.arrive $0xFFFF;
	s2 =	simm.s32 @!p0 $0x1C05  }
0x3b: {  	[timem:s3], [sflag:s2] =	dma.local @!p0 [hbm:s0], s1  }
0x3c: {  	s0 =	simm.s32 @!p0 $0x5  }
0x3d: {  	_ =	swait.ge @!p0 [sflag:s0], s1  }
0x3e: {  	s1 =	ssub.s32 @!p0 $0x0, s1;
	[sflag:s0] =	ssyncset.done @!p0 $0x0  }
0x3f: {  	[sflag:s0] =	ssyncadd.s32 @!p0 s1  }
0x40: {  	[bflag:$0x3] =	sbarrier.arrive $0xFFFF  }
0x41: {  	_ =	shalt  }

// kernel: kernel.27.cloned.1.call-start
scs
__scs_entry_jumppad:
0x0: {  	(pc) =	sbr.rel $0x88, $3  }
0x1: {  	(tag) =	ssettag $0x0;
	lr =	simm.s32 $0x1  }
0x2: {  	[smem:$0x3F9D] =	sst lr;
	_ =	strace $0xD0000000  }
0x3: {  	_ = 	snop  }
0x4: {  	_ = 	snop  }
0x5: {  	_ = 	snop  }
0x6: {  	_ = 	snop  }
0x7: {  	_ = 	snop  }
__scs_overlays_trampoline_lowered:
0x8: {  	[smem:$0x3FAC] =	sst s0  }
0x9: {  	[smem:$0x3FAD] =	sst s1  }
0xa: {  	[smem:$0x3FAE] =	sst s2  }
0xb: {  	[smem:$0x3FAF] =	sst s3  }
0xc: {  	[smem:$0x3FB0] =	sst s4  }
0xd: {  	[smem:$0x3FB1] =	sst s5  }
0xe: {  	[smem:$0x3FB2] =	sst s6  }
0xf: {  	[smem:$0x3FB3] =	sst s7  }
0x10: {  	[smem:$0x3FB4] =	sst s8  }
0x11: {  	[smem:$0x3FB5] =	sst s9;
	s0 =	simm.s32 @!p0 $0x0  }
0x12: {  	s1 =	sld [smem:$0x3F9B];
	s0 =	simm.s32 @p0 $0x1  }
0x13: {  	[smem:$0x3FB6] =	sst s0;
	s0 =	simm.s32 @!p1 $0x0  }
0x14: {  	s2 =	sld [smem:$0x3F9A];
	s0 =	simm.s32 @p1 $0x1  }
0x15: {  	[smem:$0x3FB7] =	sst s0;
	s0 =	simm.s32 @!p2 $0x0  }
0x16: {  	s3 =	sld [smem:$0x3FDB];
	s0 =	simm.s32 @p2 $0x1  }
0x17: {  	s4 =	simm.s32 $0x1BF5;
	[smem:$0x3FB9] =	sst s0  }
0x18: {  	s0 =	sld [smem:$0x3F9C];
	_ =	swait.ge [sflag:s4], $0x0  }
0x19: {  	s7 =	sld [smem:$0x3F9D]  }
0x1a: {  	s8 =	sadd.s32 $0xFFFFE003, lr  }
0x1b: {  	s9 =	sadd.s32 $0xFFFFFEF7, lr;
	s5 =	simm.s32 $0xFFFFFFFF;
	p2 =	slt.u32 s8, $0xFFFFF086  }
0x1c: {  	p1 =	slt.u32 s9, $0xF7A;
	s5 =	simm.s32 @!p2 $0x0  }
0x1d: {  	s5 =	simm.s32 @p1 $0x1;
	p0 =	seq.s32 s7, s2  }
0x1e: {  	s7 =	smul.u32 @!p0 $0xF7A, s2;
	p2 =	seq.s32 @!p0 s5, $0x0  }
0x1f: {  	s9 =	smul.u32 $0xF7A, s1;
	s8 =	simm.s32 @!p0 $0x1BF5;
	p2 =	por !p2, p0  }
0x20: {  	[sflag:s8] =	ssyncset.s32 @!p0 $0xFFFFF086;
	s6 =	sadd.s32 @!p0 s3, s7;
	s7 =	simm.s32 @!p0 $0x108  }
0x21: {  	s3 =	sadd.s32 s3, s9;
	s6 =	sadd.s32 @!p0 $0x88, s6;
	s7 =	simm.s32 @p2 $0x1082  }
0x22: {  	[simem:s7], [sflag:s8] =	dma.local @!p0 [hbm:s6], $0xF7A  }
0x23: {  	s9 =	sor.u32 $0xD0000000, s2;
	s6 =	simm.s32 $0x108;
	_ =	swait.ge @!p0 [sflag:s8], $0x0  }
0x24: {  	s3 =	sadd.s32 $0x88, s3;
	s6 =	simm.s32 @!p1 $0x1082;
	[sflag:s4] =	ssyncset.s32 $0xFFFFF086  }
0x25: {  	[simem:s6], [sflag:s4] =	dma.local [hbm:s3], $0xF7A  }
0x26: {  	[smem:$0x3F9D] =	sst s1;
	(tag) =	ssettag s2;
	_ =	strace s9  }
0x27: {  	s1 =	sld [smem:$0x3FAD]  }
0x28: {  	s2 =	sld [smem:$0x3FAE]  }
0x29: {  	s4 =	sld [smem:$0x3FB0]  }
0x2a: {  	p0 =	seq.s32 s5, $0x0;
	s5 =	sld [smem:$0x3FB1]  }
0x2b: {  	s6 =	sld [smem:$0x3FB2]  }
0x2c: {  	s7 =	sld [smem:$0x3FB3]  }
0x2d: {  	s3 =	simm.s32 $0x108;
	s8 =	sld [smem:$0x3FB4]  }
0x2e: {  	s3 =	simm.s32 @!p0 $0x1082;
	s9 =	sld [smem:$0x3FB5]  }
0x2f: {  	lr =	sadd.s32 s0, s3;
	s0 =	sld [smem:$0x3FAC]  }
0x30: {  	s3 =	sld [smem:$0x3FAF]  }
0x31: {  	[smem:$0x3FB8] =	sst s10  }
0x32: {  	s10 =	sld [smem:$0x3FB6];
	_ =	sdelay $0x3  }
0x33: {  	p0 =	seq.s32 s10, $0x1;
	s10 =	sld [smem:$0x3FB8];
	_ =	sdelay $0x3  }
0x34: {  	[smem:$0x3FB8] =	sst s10  }
0x35: {  	s10 =	sld [smem:$0x3FB7];
	_ =	sdelay $0x3  }
0x36: {  	p1 =	seq.s32 s10, $0x1;
	s10 =	sld [smem:$0x3FB8];
	_ =	sdelay $0x3  }
0x37: {  	[smem:$0x3FB8] =	sst s10  }
0x38: {  	s10 =	sld [smem:$0x3FB9]  }
0x39: {  	_ = 	snop;
	(pc) =	sbr.ind lr, $3  }
0x3a: {  	_ = 	snop  }
0x3b: {  	_ = 	snop  }
0x3c: {  	p2 =	seq.s32 s10, $0x1;
	s10 =	sld [smem:$0x3FB8]  }
0x3d: {  	_ =	shalt  }
0x3e: {  	_ =	shalt  }
0x3f: {  	_ =	shalt  }
0x40: {  	_ =	shalt  }
0x41: {  	_ =	shalt  }
0x42: {  	_ =	shalt  }
0x43: {  	_ =	shalt  }
0x44: {  	_ =	shalt  }
0x45: {  	_ =	shalt  }
0x46: {  	_ =	shalt  }
0x47: {  	_ =	shalt  }
0x48: {  	_ =	shalt  }
0x49: {  	_ =	shalt  }
0x4a: {  	_ =	shalt  }
0x4b: {  	_ =	shalt  }
0x4c: {  	_ =	shalt  }
0x4d: {  	_ =	shalt  }
0x4e: {  	_ =	shalt  }
0x4f: {  	_ =	shalt  }
0x50: {  	_ =	shalt  }
0x51: {  	_ =	shalt  }
0x52: {  	_ =	shalt  }
0x53: {  	_ =	shalt  }
0x54: {  	_ =	shalt  }
0x55: {  	_ =	shalt  }
0x56: {  	_ =	shalt  }
0x57: {  	_ =	shalt  }
0x58: {  	_ =	shalt  }
0x59: {  	_ =	shalt  }
0x5a: {  	_ =	shalt  }
0x5b: {  	_ =	shalt  }
0x5c: {  	_ =	shalt  }
0x5d: {  	_ =	shalt  }
0x5e: {  	_ =	shalt  }
0x5f: {  	_ =	shalt  }
0x60: {  	_ =	shalt  }
0x61: {  	_ =	shalt  }
0x62: {  	_ =	shalt  }
0x63: {  	_ =	shalt  }
0x64: {  	_ =	shalt  }
0x65: {  	_ =	shalt  }
0x66: {  	_ =	shalt  }
0x67: {  	_ =	shalt  }
0x68: {  	_ =	shalt  }
0x69: {  	_ =	shalt  }
0x6a: {  	_ =	shalt  }
0x6b: {  	_ =	shalt  }
0x6c: {  	_ =	shalt  }
0x6d: {  	_ =	shalt  }
0x6e: {  	_ =	shalt  }
0x6f: {  	_ =	shalt  }
0x70: {  	_ =	shalt  }
0x71: {  	_ =	shalt  }
0x72: {  	_ =	shalt  }
0x73: {  	_ =	shalt  }
0x74: {  	_ =	shalt  }
0x75: {  	_ =	shalt  }
0x76: {  	_ =	shalt  }
0x77: {  	_ =	shalt  }
0x78: {  	_ =	shalt  }
0x79: {  	_ =	shalt  }
0x7a: {  	_ =	shalt  }
0x7b: {  	_ =	shalt  }
0x7c: {  	_ =	shalt  }
0x7d: {  	_ =	shalt  }
0x7e: {  	_ =	shalt  }
0x7f: {  	_ =	shalt  }
0x80: {  	_ =	shalt  }
0x81: {  	_ =	shalt  }
0x82: {  	_ =	shalt  }
0x83: {  	_ =	shalt  }
0x84: {  	_ =	shalt  }
0x85: {  	_ =	shalt  }
0x86: {  	_ =	shalt  }
0x87: {  	_ =	shalt  }
.Lfunc_end0:
.L_simem_size_0:
called_computation.3_lowered:
.L_overlay_start_0:
0x88: {  	s2 =	sld [smem:$0x3FD9]  }
0x89: {  	s3 =	sld [smem:$0x3FFE];
	_ =	sdelay $0x1  }
0x8a: {  	s1 =	srdreg.scid  }
0x8b: {  	s0 =	sand.u32 $0x1, s1  }
0x8c: {  	s17 =	sshll.u32 s0, $0xA;
	s2 =	sadd.s32 s3, s2  }
0x8d: {  	s2 =	sadd.s32 s2, s17  }
0x8e: {  	[smem:$0x3FC4] =	sst s2  }
0x8f: {  	_ = 	snop  }
0x90: {  	(tm) =	ssettm $0x1  }
0x91: {  	s18 =	sld [smem:$0x3FFB];
	_ =	sdelay $0x3  }
0x92: {  	_ =	strace s18  }
0x93: {  	s2 =	sld [smem:$0x3FFC];
	_ =	sdelay $0x3  }
0x94: {  	_ =	strace s2  }
0x95: {  	s2 =	sld [smem:$0x3FFD];
	_ =	sdelay $0x3  }
0x96: {  	_ =	strace s2  }
0x97: {  	_ =	strace $0x8FFFFFFF  }
0x98: {  	s19 =	sld [smem:$0x3FDB];
	_ =	sdelay $0x1  }
0x99: {  	s20 =	simm.s32 $_scs_section_size  }
0x9a: {  	s4 =	simm.s32 $_size__tile_overlayer_lowered;
	s5 =	simm.s32 $_tile_overlayer_lowered  }
0x9b: {  	s6 =	simm.s32 $0x1BFF;
	s21 =	sshll.u32 s5, $0x1;
	s3 =	sadd.s32 s20, s19  }
0x9c: {  	s22 =	simm.s32 $0x0;
	s4 =	sshll.u32 s4, $0x1;
	s5 =	sadd.s32 s21, s3  }
0x9d: {  	[timem:s22], [sflag:s6] =	dma.local [hbm:s5], s4  }
0x9e: {  	_ =	swait.ge [sflag:s6], s4  }
0x9f: {  	s4 =	ssub.s32 $0x0, s4;
	[sflag:s6] =	ssyncset.done $0x0  }
0xa0: {  	[sflag:s6] =	ssyncadd.s32 s4;
	_ =	sdelay $0x1  }
0xa1: {  	s23 =	simm.s32 $0x1B8B  }
0xa2: {  	_ =	swait.ge [sflag:s23], $0x1  }
0xa3: {  	[sflag:s23] =	ssyncset.done $0x0  }
0xa4: {  	[sflag:s23] =	ssyncadd.s32 $0xFFFFFFFF  }
0xa5: {  	s4 =	sld [smem:$0x0]  }
0xa6: {  	s5 =	sand.u32 $0xFFFFFFFE, s1  }
0xa7: {  	p0 =	sne.s32 s1, s5  }
0xa8: {  	s5 =	sshll.u32 @p0 s5, $0xE  }
0xa9: {  	s5 =	sadd.s32 @p0 $0x11B8D, s5;
	s6 =	sshll.u32 @p0 s4, $0x11  }
0xaa: {  	s5 =	sor.u32 @p0 s6, s5  }
0xab: {  	[sflag:s5] =	ssyncadd.remote.s32 @p0 $0x1;
	_ =	sdelay $0x1  }
0xac: {  	s5 =	simm.s32 @p0 $0x1B8D  }
0xad: {  	_ =	swait.eq @p0 [sflag:s5], $0x1  }
0xae: {  	[sflag:s5] =	ssyncadd.s32 @p0 $0xFFFFFFFF  }
0xaf: {  	s6 =	sshll.u32 @!p0 s1, $0xE  }
0xb0: {  	s6 =	sor.u32 @!p0 $0x4000, s6;
	s5 =	simm.s32 @!p0 $0x1B8D  }
0xb1: {  	s4 =	sshll.u32 @!p0 s4, $0x11;
	s6 =	sadd.s32 @!p0 $0x11B8D, s6;
	_ =	swait.eq @!p0 [sflag:s5], $0x1  }
0xb2: {  	s4 =	sor.u32 @!p0 s4, s6;
	[sflag:s5] =	ssyncadd.s32 @!p0 $0xFFFFFFFF  }
0xb3: {  	s25 =	simm.s32 $0x1B8E;
	s24 =	sld [smem:$0x3FFE];
	[sflag:s4] =	ssyncadd.remote.s32 @!p0 $0x1  }
0xb4: {  	s26 =	simm.s32 $execute0_lowered;
	[smem:$0x3FD2] =	sst s25  }
0xb5: {  	s5 =	sshll.u32 s26, $0x1;
	_ =	strace $0x80000055;
	[dreg:$0x1] =	wrdreg $0xFFFFFFFF  }
0xb6: {  	s28 =	simm.s32 $_size_execute0_lowered;
	s3 =	sadd.s32 s3, s5;
	[dreg:$0x0] =	wrdreg $0x0  }
0xb7: {  	s5 =	sshll.u32 s28, $0x1;
	[dreg:$0x2] =	wrdreg s3  }
0xb8: {  	[dreg:$0x3] =	wrdreg s5  }
0xb9: {  	[dreg:$0x4] =	wrdreg $0xC0  }
0xba: {  	_ =	task [dreg:s22], $0x5FFFF  }
0xbb: {  	[dreg:$0x1] =	wrdreg $0xFFFFFFFF  }
0xbc: {  	[dreg:$0x0] =	wrdreg $0x60  }
0xbd: {  	[dreg:$0x2] =	wrdreg s24  }
0xbe: {  	[dreg:$0x3] =	wrdreg $0x60000  }
0xbf: {  	[dreg:$0x4] =	wrdreg $0xA  }
0xc0: {  	_ =	task.clear_ibuf [dreg:s22], $0x5FFFF;
	_ =	strace $0x90000055  }
0xc1: {  	s29 =	simm.s32 $0xA;
	_ =	strace $0x80000057  }
0xc2: {  	_ =	swait.ge [sflag:s29], $0x1  }
0xc3: {  	[sflag:s29] =	ssyncadd.s32 $0xFFFFFFFF  }
0xc4: {  	_ =	strace $0x90000057  }
0xc5: {  	_ =	sfence  }
0xc6: {  	s30 =	sld [smem:$0x0];
	_ =	sdelay $0x2  }
0xc7: {  	s31 =	sshll.u32 s1, $0xD;
	s1 =	sshrl.u32 s1, $0x2  }
0xc8: {  	s4 =	sand.u32 $0x4000, s31;
	s1 =	sadd.s32 s1, s30  }
0xc9: {  	s0 =	sor.u32 s4, s0;
	s1 =	sshll.u32 s1, $0x11  }
0xca: {  	s0 =	sor.u32 s1, s0  }
0xcb: {  	s0 =	sadd.s32 $0x8F2B, s0  }
0xcc: {  	[sflag:s0] =	ssyncadd.remote.s32 $0x1  }
0xcd: {  	_ =	sfence.sel $0xFFFF  }
0xce: {  	[dreg:$0x0] =	wrdreg $0xFFFFFFFF;
	(pc) =	sbr.abs _section_cstart, $3  }
0xcf: {  	[dreg:$0x1] =	wrdreg $0xFFFFFFFF  }
0xd0: {  	_ =	task.clear_ibuf [dreg:s22], $0x2FFFF;
	_ =	strace $0x9FFFFFFF  }
0xd1: {  	(tm) =	ssettm $0x7FFFFFFF  }
tec
execute0_lowered:
.L_overlay_start_1:
0x0: {  	(tag) =	ssettag $0x1  }
0x1: {  	s5 =	rddreg [dreg:$0x0]  }
0x2: {  	s2 =	rddreg [dreg:$0x1]  }
0x3: {  	s0 =	rddreg [dreg:$0x2];
	s3 =	simm.s32 $0x0;
	s1 =	stileid.u32  }
0x4: {  	s4 =	srdreg.scid;
	s15 =	simm.s32 $0xC00;
	s12 =	smul.u32 $0x50000, s1  }
0x5: {  	[smem:$0x7FF] =	sst s3;
	s7 =	sand.u32 $0x1, s4;
	s14 =	smul.u32 $0xFA00, s1  }
0x6: {  	s24 =	sshll.u32 s1, $0x1;
	s8 =	sadd.s32 $0x50AC00, s5;
	s17 =	smul.u32 $0x2800, s1  }
0x7: {  	s29 =	sshll.u32 s1, $0x6;
	_ =	strace $0x80000056;
	s9 =	smul.u32 $0x28000, s7  }
0x8: {  	s6 =	sor.u32 s7, s24;
	s11 =	ssub.s32 $0x2, s7;
	s30 =	smul.u32 $0x7D00, s7  }
0x9: {  	s4 =	sshll.u32 s6, $0x9;
	s25 =	sshrl.u32 s11, $0x1;
	s26 =	sshrl.u32 s12, $0x2  }
0xa: {  	s28 =	smul.u32 $0x7D00, s6;
	s31 =	sadd.s32 s14, s8;
	s12 =	simm.s32 $0x1000  }
0xb: {  	s14 =	simm.s32 $0x1;
	s10 =	sadd.s32 s4, s5;
	s4 =	sadd.s32 $0x2C00, s5  }
0xc: {  	s9 =	sadd.s32 s9, s5;
	s11 =	ssub.s32 s11, s25;
	s13 =	sadd.s32 s26, s2  }
0xd: {  	s5 =	sor.u32 $0x1C03, s29;
	s6 =	sadd.s32 $0x4FAC00, s10;
	s7 =	sadd.s32 s8, s28  }
0xe: {  	s16 =	sadd.s32 $0x12C00, s9;
	s8 =	smax.u32 s11, $0x1;
	s9 =	sadd.s32 s30, s31  }
0xf: {  	s10 =	sshrl.u32 s13, $0x3;
	s11 =	simm.s32 $0x3;
	s13 =	simm.s32 $0x50  }
0x10: {  	s9 =	sadd.s32 $0x500, s9;
	s16 =	sadd.s32 s17, s16;
	s17 =	simm.s32 $0x0  }
.LBB2_1:
0x11: {  	[spmem:s10], [sflag:s5] =	dma.local [hbm:s4], $0x2800  }
0x12: {  	_ =	swait.ge [sflag:s11], $0x2800  }
0x13: {  	[sflag:s11] =	ssyncset.done $0x0  }
0x14: {  	s18 =	sand.u32 $0x1, s3;
	[sflag:s11] =	ssyncadd.s32 $0xFFFFD800  }
0x15: {  	[tilespmem:s3], [sflag:$0x3] =	stream.linear.gather [hbm4b:s6+s3], $0xC80, $0x38;
	[tilespmem:$0x1A000] =	vst v63  }
0x16: {  	s19 =	sxor.u32 $0x1, s18;
	s29 =	smul.u32 $0xA000, s18;
	_ =	swait.ge [sflag:s11], $0xC80  }
0x17: {  	s30 =	simm.s32 $0x1;
	s20 =	smul.u32 $0xA000, s19;
	[sflag:s11] =	ssyncset.done $0x0  }
0x18: {  	s23 =	simm.s32 $0x2;
	s18 =	sadd.s32 $0x1, s18;
	[sflag:s11] =	ssyncadd.s32 $0xFFFFF380  }
0x19: {  	s21 =	sshrl.u32 s29, $0x2;
	s20 =	sshrl.u32 s20, $0x2;
	[bflag:$0x0] =	sbarrier.arrive $0xFFFF  }
0x1a: {  	[tilespmem:s12], [sflag:$0x1] =	stream.linear.gather [hbm4b:s7+s3], $0x2800, $0x38;
	[tilespmem:$0x1A000] =	vst v63  }
0x1b: {  	s19 =	sadd.s32 $0x1, s19;
	s31 =	sadd.s32 $0x1000, s21;
	s20 =	sadd.s32 $0x1000, s20  }
0x1c: {  	[tilespmem:s20], [sflag:s19] =	stream.linear.gather [hbm4b:s9+s3], $0x2800, $0x38;
	[tilespmem:$0x1A000] =	vst v63  }
0x1d: {  	s19 =	sand.u32 $0x1, s30;
	s20 =	sadd.s32 $0x500, s9;
	_ =	swait.ge [sflag:s18], $0x2800  }
0x1e: {  	s21 =	sxor.u32 $0x1, s19;
	s22 =	smul.u32 $0xA000, s19;
	[sflag:s18] =	ssyncset.done $0x0  }
0x1f: {  	s24 =	smul.u32 $0xA000, s21;
	[sflag:s18] =	ssyncadd.s32 $0xFFFFD800;
	s18 =	simm.s32 $0x80  }
0x20: {  	[spmem:s2] =	stream.indirect.scatter.add.f32 [tilespmem:s31], [sflag:$0x3], $0x80, s3, s13, $0xb8;
	[tilespmem:$0x1A000] =	vst v63  }
.LBB2_2:
0x21: {  	s24 =	sshrl.u32 s24, $0x2;
	s22 =	sshrl.u32 s22, $0x2;
	_ =	swait.ge [sflag:s11], $0x2800  }
0x22: {  	s25 =	smov.u32 s23;
	s26 =	smov.u32 s18;
	s28 =	sadd.s32 $0x1, s23  }
0x23: {  	p0 =	sne.s32 s23, $0x17;
	s24 =	sadd.s32 $0x1000, s24;
	[sflag:s11] =	ssyncset.done $0x0  }
0x24: {  	s21 =	sadd.s32 $0x1, s21;
	s23 =	sadd.s32 $0x1, s19;
	[sflag:s11] =	ssyncadd.s32 $0xFFFFD800  }
0x25: {  	[tilespmem:s24], [sflag:s21] =	stream.linear.gather [hbm4b:s20+s3], $0x2800, $0x38;
	[tilespmem:$0x1A000] =	vst v63  }
.Ltmp0:
0x26: {  	s18 =	sadd.s32 $0x80, s18;
	s20 =	sadd.s32 $0x500, s20;
	(pc) =	sbr.rel @p0 .LBB2_2-.Ltmp0, $4  }
0x27: {  	s19 =	sand.u32 $0x1, s25;
	s25 =	sadd.s32 $0x1000, s22;
	_ =	swait.ge [sflag:s23], $0x2800  }
0x28: {  	s22 =	smul.u32 $0xA000, s19;
	s21 =	sxor.u32 $0x1, s19;
	[sflag:s23] =	ssyncset.done $0x0  }
0x29: {  	s24 =	smul.u32 $0xA000, s21;
	[sflag:s23] =	ssyncadd.s32 $0xFFFFD800;
	s23 =	smov.u32 s28  }
0x2a: {  	[spmem:s2] =	stream.indirect.scatter.add.f32 [tilespmem:s25], [sflag:$0x3], $0x80, s26, s13, $0xb8;
	[tilespmem:$0x1A000] =	vst v63  }
0x2b: {  	_ =	swait.ge [sflag:s11], $0x2800  }
0x2c: {  	s23 =	sshrl.u32 s24, $0x2;
	s21 =	sadd.s32 $0x1, s21;
	[sflag:s11] =	ssyncset.done $0x0  }
0x2d: {  	s19 =	sadd.s32 $0x1, s19;
	s23 =	sadd.s32 $0x1000, s23;
	[sflag:s11] =	ssyncadd.s32 $0xFFFFD800  }
0x2e: {  	[tilespmem:s23], [sflag:s21] =	stream.linear.gather [hbm4b:s20+s3], $0x2800, $0x38;
	[tilespmem:$0x1A000] =	vst v63  }
0x2f: {  	_ =	swait.ge [sflag:s19], $0x2800  }
0x30: {  	s31 =	sshrl.u32 s22, $0x2;
	[sflag:s19] =	ssyncset.done $0x0  }
0x31: {  	s20 =	sadd.s32 $0x1000, s31;
	[sflag:s19] =	ssyncadd.s32 $0xFFFFD800  }
0x32: {  	[spmem:s2] =	stream.indirect.scatter.add.f32 [tilespmem:s20], [sflag:$0x3], $0x80, s18, s13, $0xb8;
	[tilespmem:$0x1A000] =	vst v63  }
0x33: {  	_ =	swait.ge [sflag:s11], $0x2800  }
0x34: {  	[sflag:s11] =	ssyncset.done $0x0  }
0x35: {  	[sflag:s11] =	ssyncadd.s32 $0xFFFFD800  }
0x36: {  	_ =	swait.ge [sflag:s14], $0x2800  }
0x37: {  	[sflag:s14] =	ssyncset.done $0x0  }
0x38: {  	[sflag:s14] =	ssyncadd.s32 $0xFFFFD800  }
0x39: {  	[spmem:s2] =	stream.indirect.scatter.add.f32 [tilespmem:s12], [sflag:$0x3], $0x80, s15, s13, $0xb8;
	[tilespmem:$0x1A000] =	vst v63  }
0x3a: {  	_ =	swait.ge [sflag:s11], $0x2800  }
0x3b: {  	s17 =	sadd.s32 $0x1, s17;
	[sflag:s11] =	ssyncset.done $0x0  }
0x3c: {  	p0 =	sne.s32 s17, s8;
	[sflag:s11] =	ssyncadd.s32 $0xFFFFD800  }
.Ltmp1:
0x3d: {  	[bflag:$0x0] =	sbarrier.arrive $0xFFFF;
	(pc) =	sbr.rel @p0 .LBB2_1-.Ltmp1, $4  }
0x3e: {  	[hbm:s16], [sflag:s5] =	dma.local [spmem:s10], $0x2800  }
0x3f: {  	_ =	swait.ge [sflag:s11], $0x2800  }
0x40: {  	[sflag:s11] =	ssyncset.done $0x0  }
0x41: {  	[sflag:s11] =	ssyncadd.s32 $0xFFFFD800  }
0x42: {  	_ =	sfence.sel $0x180000  }
0x43: {  	[bflag:$0x0] =	sbarrier.arrive $0xFFFF  }
0x44: {  	p0 =	sne.s32 s1, $0x0;
	_ =	strace $0x90000056  }
0x45: {  	s0 =	sadd.s32 @!p0 $0x100000, s0;
	[bflag:$0x2] =	sbarrier.arrive $0xFFFF  }
0x46: {  	[sflag:s0] =	ssyncadd.tile.s32 @!p0 $0x1;
	_ =	shalt  }
.Lfunc_end2:
_tile_overlayer_lowered:
.L_overlay_start_2:
0x47: {  	(tag) =	ssettag $0x2  }
0x48: {  	s0 =	rddreg [dreg:$0x0];
	s2 =	stileid.u32  }
0x49: {  	s1 =	rddreg [dreg:$0x1];
	p0 =	sne.s32 s2, $0x0  }
0x4a: {  	s3 =	rddreg [dreg:$0x2];
	[bflag:$0x3] =	sbarrier.arrive $0xFFFF;
	s2 =	simm.s32 @!p0 $0x1C03  }
0x4b: {  	[timem:s3], [sflag:s2] =	dma.local @!p0 [hbm:s0], s1  }
0x4c: {  	s0 =	simm.s32 @!p0 $0x3  }
0x4d: {  	_ =	swait.ge @!p0 [sflag:s0], s1  }
0x4e: {  	s1 =	ssub.s32 @!p0 $0x0, s1;
	[sflag:s0] =	ssyncset.done @!p0 $0x0  }
0x4f: {  	[sflag:s0] =	ssyncadd.s32 @!p0 s1  }
0x50: {  	[bflag:$0x3] =	sbarrier.arrive $0xFFFF  }
0x51: {  	_ =	shalt  }

// kernel: kernel.30.cloned.1.call-start
scs
__scs_entry_jumppad:
0x0: {  	(pc) =	sbr.rel $0x88, $3  }
0x1: {  	(tag) =	ssettag $0x0;
	lr =	simm.s32 $0x1  }
0x2: {  	[smem:$0x3F9D] =	sst lr;
	_ =	strace $0xD0000000  }
0x3: {  	_ = 	snop  }
0x4: {  	_ = 	snop  }
0x5: {  	_ = 	snop  }
0x6: {  	_ = 	snop  }
0x7: {  	_ = 	snop  }
__scs_overlays_trampoline_lowered:
0x8: {  	[smem:$0x3FAC] =	sst s0  }
0x9: {  	[smem:$0x3FAD] =	sst s1  }
0xa: {  	[smem:$0x3FAE] =	sst s2  }
0xb: {  	[smem:$0x3FAF] =	sst s3  }
0xc: {  	[smem:$0x3FB0] =	sst s4  }
0xd: {  	[smem:$0x3FB1] =	sst s5  }
0xe: {  	[smem:$0x3FB2] =	sst s6  }
0xf: {  	[smem:$0x3FB3] =	sst s7  }
0x10: {  	[smem:$0x3FB4] =	sst s8  }
0x11: {  	[smem:$0x3FB5] =	sst s9;
	s0 =	simm.s32 @!p0 $0x0  }
0x12: {  	s1 =	sld [smem:$0x3F9B];
	s0 =	simm.s32 @p0 $0x1  }
0x13: {  	[smem:$0x3FB6] =	sst s0;
	s0 =	simm.s32 @!p1 $0x0  }
0x14: {  	s2 =	sld [smem:$0x3F9A];
	s0 =	simm.s32 @p1 $0x1  }
0x15: {  	[smem:$0x3FB7] =	sst s0;
	s0 =	simm.s32 @!p2 $0x0  }
0x16: {  	s3 =	sld [smem:$0x3FDB];
	s0 =	simm.s32 @p2 $0x1  }
0x17: {  	s4 =	simm.s32 $0x1BF5;
	[smem:$0x3FB9] =	sst s0  }
0x18: {  	s0 =	sld [smem:$0x3F9C];
	_ =	swait.ge [sflag:s4], $0x0  }
0x19: {  	s7 =	sld [smem:$0x3F9D]  }
0x1a: {  	s8 =	sadd.s32 $0xFFFFE003, lr  }
0x1b: {  	s9 =	sadd.s32 $0xFFFFFEF7, lr;
	s5 =	simm.s32 $0xFFFFFFFF;
	p2 =	slt.u32 s8, $0xFFFFF086  }
0x1c: {  	p1 =	slt.u32 s9, $0xF7A;
	s5 =	simm.s32 @!p2 $0x0  }
0x1d: {  	s5 =	simm.s32 @p1 $0x1;
	p0 =	seq.s32 s7, s2  }
0x1e: {  	s7 =	smul.u32 @!p0 $0xF7A, s2;
	p2 =	seq.s32 @!p0 s5, $0x0  }
0x1f: {  	s9 =	smul.u32 $0xF7A, s1;
	s8 =	simm.s32 @!p0 $0x1BF5;
	p2 =	por !p2, p0  }
0x20: {  	[sflag:s8] =	ssyncset.s32 @!p0 $0xFFFFF086;
	s6 =	sadd.s32 @!p0 s3, s7;
	s7 =	simm.s32 @!p0 $0x108  }
0x21: {  	s3 =	sadd.s32 s3, s9;
	s6 =	sadd.s32 @!p0 $0x88, s6;
	s7 =	simm.s32 @p2 $0x1082  }
0x22: {  	[simem:s7], [sflag:s8] =	dma.local @!p0 [hbm:s6], $0xF7A  }
0x23: {  	s9 =	sor.u32 $0xD0000000, s2;
	s6 =	simm.s32 $0x108;
	_ =	swait.ge @!p0 [sflag:s8], $0x0  }
0x24: {  	s3 =	sadd.s32 $0x88, s3;
	s6 =	simm.s32 @!p1 $0x1082;
	[sflag:s4] =	ssyncset.s32 $0xFFFFF086  }
0x25: {  	[simem:s6], [sflag:s4] =	dma.local [hbm:s3], $0xF7A  }
0x26: {  	[smem:$0x3F9D] =	sst s1;
	(tag) =	ssettag s2;
	_ =	strace s9  }
0x27: {  	s1 =	sld [smem:$0x3FAD]  }
0x28: {  	s2 =	sld [smem:$0x3FAE]  }
0x29: {  	s4 =	sld [smem:$0x3FB0]  }
0x2a: {  	p0 =	seq.s32 s5, $0x0;
	s5 =	sld [smem:$0x3FB1]  }
0x2b: {  	s6 =	sld [smem:$0x3FB2]  }
0x2c: {  	s7 =	sld [smem:$0x3FB3]  }
0x2d: {  	s3 =	simm.s32 $0x108;
	s8 =	sld [smem:$0x3FB4]  }
0x2e: {  	s3 =	simm.s32 @!p0 $0x1082;
	s9 =	sld [smem:$0x3FB5]  }
0x2f: {  	lr =	sadd.s32 s0, s3;
	s0 =	sld [smem:$0x3FAC]  }
0x30: {  	s3 =	sld [smem:$0x3FAF]  }
0x31: {  	[smem:$0x3FB8] =	sst s10  }
0x32: {  	s10 =	sld [smem:$0x3FB6];
	_ =	sdelay $0x3  }
0x33: {  	p0 =	seq.s32 s10, $0x1;
	s10 =	sld [smem:$0x3FB8];
	_ =	sdelay $0x3  }
0x34: {  	[smem:$0x3FB8] =	sst s10  }
0x35: {  	s10 =	sld [smem:$0x3FB7];
	_ =	sdelay $0x3  }
0x36: {  	p1 =	seq.s32 s10, $0x1;
	s10 =	sld [smem:$0x3FB8];
	_ =	sdelay $0x3  }
0x37: {  	[smem:$0x3FB8] =	sst s10  }
0x38: {  	s10 =	sld [smem:$0x3FB9]  }
0x39: {  	_ = 	snop;
	(pc) =	sbr.ind lr, $3  }
0x3a: {  	_ = 	snop  }
0x3b: {  	_ = 	snop  }
0x3c: {  	p2 =	seq.s32 s10, $0x1;
	s10 =	sld [smem:$0x3FB8]  }
0x3d: {  	_ =	shalt  }
0x3e: {  	_ =	shalt  }
0x3f: {  	_ =	shalt  }
0x40: {  	_ =	shalt  }
0x41: {  	_ =	shalt  }
0x42: {  	_ =	shalt  }
0x43: {  	_ =	shalt  }
0x44: {  	_ =	shalt  }
0x45: {  	_ =	shalt  }
0x46: {  	_ =	shalt  }
0x47: {  	_ =	shalt  }
0x48: {  	_ =	shalt  }
0x49: {  	_ =	shalt  }
0x4a: {  	_ =	shalt  }
0x4b: {  	_ =	shalt  }
0x4c: {  	_ =	shalt  }
0x4d: {  	_ =	shalt  }
0x4e: {  	_ =	shalt  }
0x4f: {  	_ =	shalt  }
0x50: {  	_ =	shalt  }
0x51: {  	_ =	shalt  }
0x52: {  	_ =	shalt  }
0x53: {  	_ =	shalt  }
0x54: {  	_ =	shalt  }
0x55: {  	_ =	shalt  }
0x56: {  	_ =	shalt  }
0x57: {  	_ =	shalt  }
0x58: {  	_ =	shalt  }
0x59: {  	_ =	shalt  }
0x5a: {  	_ =	shalt  }
0x5b: {  	_ =	shalt  }
0x5c: {  	_ =	shalt  }
0x5d: {  	_ =	shalt  }
0x5e: {  	_ =	shalt  }
0x5f: {  	_ =	shalt  }
0x60: {  	_ =	shalt  }
0x61: {  	_ =	shalt  }
0x62: {  	_ =	shalt  }
0x63: {  	_ =	shalt  }
0x64: {  	_ =	shalt  }
0x65: {  	_ =	shalt  }
0x66: {  	_ =	shalt  }
0x67: {  	_ =	shalt  }
0x68: {  	_ =	shalt  }
0x69: {  	_ =	shalt  }
0x6a: {  	_ =	shalt  }
0x6b: {  	_ =	shalt  }
0x6c: {  	_ =	shalt  }
0x6d: {  	_ =	shalt  }
0x6e: {  	_ =	shalt  }
0x6f: {  	_ =	shalt  }
0x70: {  	_ =	shalt  }
0x71: {  	_ =	shalt  }
0x72: {  	_ =	shalt  }
0x73: {  	_ =	shalt  }
0x74: {  	_ =	shalt  }
0x75: {  	_ =	shalt  }
0x76: {  	_ =	shalt  }
0x77: {  	_ =	shalt  }
0x78: {  	_ =	shalt  }
0x79: {  	_ =	shalt  }
0x7a: {  	_ =	shalt  }
0x7b: {  	_ =	shalt  }
0x7c: {  	_ =	shalt  }
0x7d: {  	_ =	shalt  }
0x7e: {  	_ =	shalt  }
0x7f: {  	_ =	shalt  }
0x80: {  	_ =	shalt  }
0x81: {  	_ =	shalt  }
0x82: {  	_ =	shalt  }
0x83: {  	_ =	shalt  }
0x84: {  	_ =	shalt  }
0x85: {  	_ =	shalt  }
0x86: {  	_ =	shalt  }
0x87: {  	_ =	shalt  }
.Lfunc_end0:
.L_simem_size_0:
called_computation.4_lowered:
.L_overlay_start_0:
0x88: {  	s2 =	sld [smem:$0x3FD9]  }
0x89: {  	s3 =	sld [smem:$0x3FFE];
	_ =	sdelay $0x1  }
0x8a: {  	s1 =	srdreg.scid  }
0x8b: {  	s0 =	sand.u32 $0x1, s1  }
0x8c: {  	s17 =	sshll.u32 s0, $0xA;
	s2 =	sadd.s32 s3, s2  }
0x8d: {  	s2 =	sadd.s32 s2, s17  }
0x8e: {  	[smem:$0x3FC4] =	sst s2  }
0x8f: {  	_ = 	snop  }
0x90: {  	s18 =	sld [smem:$0x3FC9];
	(tm) =	ssettm $0x1  }
0x91: {  	s19 =	sld [smem:$0x3FFB];
	_ =	sdelay $0x3  }
0x92: {  	_ =	strace s19  }
0x93: {  	s2 =	sld [smem:$0x3FFC];
	_ =	sdelay $0x3  }
0x94: {  	_ =	strace s2  }
0x95: {  	s2 =	sld [smem:$0x3FFD];
	_ =	sdelay $0x3  }
0x96: {  	_ =	strace s2  }
0x97: {  	_ =	strace $0x8FFFFFFF  }
0x98: {  	s20 =	sld [smem:$0x3FDB];
	_ =	sdelay $0x1  }
0x99: {  	s4 =	simm.s32 $_scs_section_size  }
0x9a: {  	s5 =	simm.s32 $_size__tile_overlayer_lowered;
	s6 =	simm.s32 $_tile_overlayer_lowered  }
0x9b: {  	s7 =	simm.s32 $0x1BFF;
	s21 =	sshll.u32 s6, $0x1;
	s4 =	sadd.s32 s4, s20  }
0x9c: {  	s22 =	simm.s32 $0x0;
	s5 =	sshll.u32 s5, $0x1;
	s6 =	sadd.s32 s21, s4  }
0x9d: {  	[timem:s22], [sflag:s7] =	dma.local [hbm:s6], s5  }
0x9e: {  	_ =	swait.ge [sflag:s7], s5  }
0x9f: {  	s5 =	ssub.s32 $0x0, s5;
	[sflag:s7] =	ssyncset.done $0x0  }
0xa0: {  	[sflag:s7] =	ssyncadd.s32 s5;
	_ =	sdelay $0x1  }
0xa1: {  	s23 =	simm.s32 $0x1B8B  }
0xa2: {  	_ =	swait.ge [sflag:s23], $0x1  }
0xa3: {  	[sflag:s23] =	ssyncset.done $0x0  }
0xa4: {  	[sflag:s23] =	ssyncadd.s32 $0xFFFFFFFF  }
0xa5: {  	s5 =	sld [smem:$0x0]  }
0xa6: {  	s6 =	sand.u32 $0xFFFFFFFE, s1  }
0xa7: {  	p0 =	sne.s32 s1, s6  }
0xa8: {  	s6 =	sshll.u32 @p0 s6, $0xE  }
0xa9: {  	s6 =	sadd.s32 @p0 $0x11B8D, s6;
	s7 =	sshll.u32 @p0 s5, $0x11  }
0xaa: {  	s6 =	sor.u32 @p0 s7, s6  }
0xab: {  	[sflag:s6] =	ssyncadd.remote.s32 @p0 $0x1;
	_ =	sdelay $0x1  }
0xac: {  	s6 =	simm.s32 @p0 $0x1B8D  }
0xad: {  	_ =	swait.eq @p0 [sflag:s6], $0x1  }
0xae: {  	[sflag:s6] =	ssyncadd.s32 @p0 $0xFFFFFFFF  }
0xaf: {  	s7 =	sshll.u32 @!p0 s1, $0xE  }
0xb0: {  	s7 =	sor.u32 @!p0 $0x4000, s7;
	s6 =	simm.s32 @!p0 $0x1B8D  }
0xb1: {  	s5 =	sshll.u32 @!p0 s5, $0x11;
	s7 =	sadd.s32 @!p0 $0x11B8D, s7;
	_ =	swait.eq @!p0 [sflag:s6], $0x1  }
0xb2: {  	s5 =	sor.u32 @!p0 s5, s7;
	[sflag:s6] =	ssyncadd.s32 @!p0 $0xFFFFFFFF  }
0xb3: {  	s25 =	simm.s32 $0x1B8E;
	s24 =	sld [smem:$0x3FFE];
	[sflag:s5] =	ssyncadd.remote.s32 @!p0 $0x1  }
0xb4: {  	s26 =	simm.s32 $execute0_lowered;
	[smem:$0x3FD2] =	sst s25  }
0xb5: {  	s6 =	sshll.u32 s26, $0x1;
	_ =	strace $0x80000049;
	[dreg:$0x1] =	wrdreg $0xFFFFFFFF  }
0xb6: {  	s28 =	simm.s32 $_size_execute0_lowered;
	s4 =	sadd.s32 s4, s6;
	[dreg:$0x0] =	wrdreg $0x0  }
0xb7: {  	s6 =	sshll.u32 s28, $0x1;
	[dreg:$0x2] =	wrdreg s4  }
0xb8: {  	[dreg:$0x3] =	wrdreg s6  }
0xb9: {  	[dreg:$0x4] =	wrdreg $0xC0  }
0xba: {  	_ =	task [dreg:s22], $0x5FFFF  }
0xbb: {  	[dreg:$0x1] =	wrdreg $0xFFFFFFFF  }
0xbc: {  	[dreg:$0x0] =	wrdreg $0x60  }
0xbd: {  	[dreg:$0x2] =	wrdreg s18  }
0xbe: {  	[dreg:$0x3] =	wrdreg s24  }
0xbf: {  	[dreg:$0x4] =	wrdreg $0xB  }
0xc0: {  	_ =	task.clear_ibuf [dreg:s22], $0x5FFFF;
	_ =	strace $0x90000049  }
0xc1: {  	s29 =	simm.s32 $0xB;
	_ =	strace $0x8000004B  }
0xc2: {  	_ =	swait.ge [sflag:s29], $0x1  }
0xc3: {  	[sflag:s29] =	ssyncadd.s32 $0xFFFFFFFF  }
0xc4: {  	_ =	strace $0x9000004B  }
0xc5: {  	_ =	sfence  }
0xc6: {  	s30 =	sld [smem:$0x0];
	_ =	sdelay $0x2  }
0xc7: {  	s31 =	sshll.u32 s1, $0xD;
	s1 =	sshrl.u32 s1, $0x2  }
0xc8: {  	s4 =	sand.u32 $0x4000, s31;
	s1 =	sadd.s32 s1, s30  }
0xc9: {  	s0 =	sor.u32 s4, s0;
	s1 =	sshll.u32 s1, $0x11  }
0xca: {  	s0 =	sor.u32 s1, s0  }
0xcb: {  	s0 =	sadd.s32 $0x8F2B, s0  }
0xcc: {  	[sflag:s0] =	ssyncadd.remote.s32 $0x1  }
0xcd: {  	_ =	sfence.sel $0xFFFF  }
0xce: {  	[dreg:$0x0] =	wrdreg $0xFFFFFFFF;
	(pc) =	sbr.abs _section_cstart, $3  }
0xcf: {  	[dreg:$0x1] =	wrdreg $0xFFFFFFFF  }
0xd0: {  	_ =	task.clear_ibuf [dreg:s22], $0x2FFFF;
	_ =	strace $0x9FFFFFFF  }
0xd1: {  	(tm) =	ssettm $0x7FFFFFFF  }
tec
execute0_lowered:
.L_overlay_start_1:
0x0: {  	(tag) =	ssettag $0x1  }
0x1: {  	s1 =	rddreg [dreg:$0x0]  }
0x2: {  	s4 =	rddreg [dreg:$0x1]  }
0x3: {  	s0 =	rddreg [dreg:$0x2]  }
0x4: {  	s3 =	simm.s32 $0x0;
	s5 =	srdreg.scid;
	s2 =	stileid.u32  }
0x5: {  	s10 =	simm.s32 $0x3;
	s11 =	simm.s32 $0x4;
	s12 =	simm.s32 $0x0  }
0x6: {  	[smem:$0x7FF] =	sst s3;
	s5 =	sand.u32 $0x1, s5;
	s7 =	smul.u32 $0xFA00, s2  }
0x7: {  	s8 =	sshll.u32 s5, $0x9;
	s9 =	ssub.s32 $0x2, s5;
	s5 =	smul.u32 $0x7D00, s5  }
.Ltmp0:
0x8: {  	s6 =	sshll.u32 s2, $0xA;
	_ =	strace $0x8000004A;
	(pc) =	sbr.rel .LBB2_1-.Ltmp0, $4  }
0x9: {  	s6 =	sor.u32 s8, s6;
	s7 =	sadd.s32 s7, s4;
	s30 =	sshrl.u32 s9, $0x1  }
0xa: {  	s8 =	simm.s32 $0x50;
	s4 =	sadd.s32 s6, s4;
	s31 =	ssub.s32 s9, s30  }
0xb: {  	s7 =	sadd.s32 s5, s7;
	s9 =	simm.s32 $0x1000;
	s4 =	sadd.s32 $0x6C00, s4  }
0xc: {  	s5 =	smax.u32 s31, $0x1;
	s6 =	sadd.s32 $0x10CC00, s7;
	s7 =	simm.s32 $0x5  }
.LBB2_7:
0xd: {  	s12 =	sadd.s32 $0x1, s12  }
0xe: {  	_ =	swait.ge [sflag:s10], $0x2800;
	p0 =	sne.s32 s12, s5  }
.Ltmp1:
0xf: {  	[sflag:s10] =	ssyncset.done $0x0;
	(pc) =	sbr.rel @!p0 .LBB2_8-.Ltmp1, $4  }
0x10: {  	[sflag:s10] =	ssyncadd.s32 $0xFFFFD800  }
0x11: {  	_ =	swait.ge [sflag:s11], $0x2800  }
0x12: {  	[sflag:s11] =	ssyncset.done $0x0  }
0x13: {  	[sflag:s11] =	ssyncadd.s32 $0xFFFFD800  }
.LBB2_1:
0x14: {  	[tilespmem:s3], [sflag:$0x5] =	stream.linear.gather [hbm4b:s4+s3], $0xC80, $0x38;
	[tilespmem:$0x6000] =	vst v63  }
.Ltmp2:
0x15: {  	_ = 	snop;
	(pc) =	sbr.rel .LBB2_2-.Ltmp2, $4  }
0x16: {  	_ =	swait.ge [sflag:s7], $0xC80  }
0x17: {  	s13 =	simm.s32 $0x80;
	[sflag:s7] =	ssyncset.done $0x0  }
0x18: {  	s14 =	smov.u32 s6;
	s15 =	simm.s32 $0x0;
	[sflag:s7] =	ssyncadd.s32 $0xFFFFF380  }
0x19: {  	[tilespmem:s9], [sflag:$0x1] =	stream.indirect.gather [hbm4b:s1+s8], $0x80, s3, s8, $0xb8;
	[tilespmem:$0x6000] =	vst v63  }
.LBB2_5:
0x1a: {  	s18 =	smul.u32 $0xA000, s17;
	_ =	sdelay $0x1  }
0x1b: {  	s18 =	sshrl.u32 s18, $0x2  }
0x1c: {  	s31 =	sadd.s32 $0x1, s17;
	s18 =	sadd.s32 $0x1000, s18  }
0x1d: {  	[tilespmem:s18], [sflag:s31] =	stream.indirect.gather [hbm4b:s1+s8], $0x80, s13, s8, $0xb8;
	[tilespmem:$0x6000] =	vst v63  }
.LBB2_6:
0x1e: {  	s15 =	sadd.s32 $0x1, s15  }
0x1f: {  	s17 =	sadd.s32 $0x1, s16;
	s18 =	smul.u32 $0xA000, s16;
	p0 =	sne.s32 s15, $0x19  }
.Ltmp3:
0x20: {  	_ =	swait.ge [sflag:s17], $0x2800;
	(pc) =	sbr.rel @!p0 .LBB2_7-.Ltmp3, $4  }
0x21: {  	[sflag:s17] =	ssyncset.done $0x0;
	s18 =	sshrl.u32 s18, $0x2  }
0x22: {  	s30 =	sadd.s32 $0x3, s16;
	[sflag:s17] =	ssyncadd.s32 $0xFFFFD800;
	s31 =	sadd.s32 $0x1000, s18  }
0x23: {  	[hbm4b:s14+s3] =	stream.linear.scatter [tilespmem:s31], [sflag:s30], $0x2800, $0x38;
	[tilespmem:$0x6000] =	vst v63  }
0x24: {  	s13 =	sadd.s32 $0x80, s13;
	s14 =	sadd.s32 $0x500, s14  }
.LBB2_2:
0x25: {  	p0 =	seq.s32 s15, $0x0  }
.Ltmp4:
0x26: {  	_ = 	snop;
	(pc) =	sbr.rel @p0 .LBB2_5-.Ltmp4, $3  }
0x27: {  	_ =	sdelay $0x1  }
0x28: {  	s16 =	sand.u32 $0x1, s15  }
0x29: {  	s17 =	sxor.u32 $0x1, s16  }
0x2a: {  	p0 =	seq.s32 s15, $0x18  }
.Ltmp5:
0x2b: {  	_ = 	snop;
	(pc) =	sbr.rel @p0 .LBB2_6-.Ltmp5, $1  }
0x2c: {  	_ =	sdelay $0x3  }
.Ltmp6:
0x2d: {  	(pc) =	sbr.rel .LBB2_5-.Ltmp6, $4  }
0x2e: {  	s18 =	sadd.s32 $0x3, s17  }
0x2f: {  	_ =	swait.ge [sflag:s18], $0x2800  }
0x30: {  	[sflag:s18] =	ssyncset.done $0x0  }
0x31: {  	[sflag:s18] =	ssyncadd.s32 $0xFFFFD800  }
.LBB2_8:
0x32: {  	_ =	sfence.sel $0x180000  }
0x33: {  	[bflag:$0x0] =	sbarrier.arrive $0xFFFF  }
0x34: {  	p0 =	sne.s32 s2, $0x0;
	_ =	strace $0x9000004A  }
0x35: {  	s0 =	sadd.s32 @!p0 $0x100000, s0;
	[bflag:$0x2] =	sbarrier.arrive $0xFFFF  }
0x36: {  	[sflag:s0] =	ssyncadd.tile.s32 @!p0 $0x1;
	_ =	shalt  }
.Lfunc_end2:
_tile_overlayer_lowered:
.L_overlay_start_2:
0x37: {  	(tag) =	ssettag $0x2  }
0x38: {  	s0 =	rddreg [dreg:$0x0];
	s2 =	stileid.u32  }
0x39: {  	s1 =	rddreg [dreg:$0x1];
	p0 =	sne.s32 s2, $0x0  }
0x3a: {  	s3 =	rddreg [dreg:$0x2];
	[bflag:$0x3] =	sbarrier.arrive $0xFFFF;
	s2 =	simm.s32 @!p0 $0x1C05  }
0x3b: {  	[timem:s3], [sflag:s2] =	dma.local @!p0 [hbm:s0], s1  }
0x3c: {  	s0 =	simm.s32 @!p0 $0x5  }
0x3d: {  	_ =	swait.ge @!p0 [sflag:s0], s1  }
0x3e: {  	s1 =	ssub.s32 @!p0 $0x0, s1;
	[sflag:s0] =	ssyncset.done @!p0 $0x0  }
0x3f: {  	[sflag:s0] =	ssyncadd.s32 @!p0 s1  }
0x40: {  	[bflag:$0x3] =	sbarrier.arrive $0xFFFF  }
0x41: {  	_ =	shalt  }

// kernel: kernel.33.cloned.1.call-start
scs
__scs_entry_jumppad:
0x0: {  	(pc) =	sbr.rel $0x88, $3  }
0x1: {  	(tag) =	ssettag $0x0;
	lr =	simm.s32 $0x1  }
0x2: {  	[smem:$0x3F9D] =	sst lr;
	_ =	strace $0xD0000000  }
0x3: {  	_ = 	snop  }
0x4: {  	_ = 	snop  }
0x5: {  	_ = 	snop  }
0x6: {  	_ = 	snop  }
0x7: {  	_ = 	snop  }
__scs_overlays_trampoline_lowered:
0x8: {  	[smem:$0x3FAC] =	sst s0  }
0x9: {  	[smem:$0x3FAD] =	sst s1  }
0xa: {  	[smem:$0x3FAE] =	sst s2  }
0xb: {  	[smem:$0x3FAF] =	sst s3  }
0xc: {  	[smem:$0x3FB0] =	sst s4  }
0xd: {  	[smem:$0x3FB1] =	sst s5  }
0xe: {  	[smem:$0x3FB2] =	sst s6  }
0xf: {  	[smem:$0x3FB3] =	sst s7  }
0x10: {  	[smem:$0x3FB4] =	sst s8  }
0x11: {  	[smem:$0x3FB5] =	sst s9;
	s0 =	simm.s32 @!p0 $0x0  }
0x12: {  	s1 =	sld [smem:$0x3F9B];
	s0 =	simm.s32 @p0 $0x1  }
0x13: {  	[smem:$0x3FB6] =	sst s0;
	s0 =	simm.s32 @!p1 $0x0  }
0x14: {  	s2 =	sld [smem:$0x3F9A];
	s0 =	simm.s32 @p1 $0x1  }
0x15: {  	[smem:$0x3FB7] =	sst s0;
	s0 =	simm.s32 @!p2 $0x0  }
0x16: {  	s3 =	sld [smem:$0x3FDB];
	s0 =	simm.s32 @p2 $0x1  }
0x17: {  	s4 =	simm.s32 $0x1BF5;
	[smem:$0x3FB9] =	sst s0  }
0x18: {  	s0 =	sld [smem:$0x3F9C];
	_ =	swait.ge [sflag:s4], $0x0  }
0x19: {  	s7 =	sld [smem:$0x3F9D]  }
0x1a: {  	s8 =	sadd.s32 $0xFFFFE003, lr  }
0x1b: {  	s9 =	sadd.s32 $0xFFFFFEF7, lr;
	s5 =	simm.s32 $0xFFFFFFFF;
	p2 =	slt.u32 s8, $0xFFFFF086  }
0x1c: {  	p1 =	slt.u32 s9, $0xF7A;
	s5 =	simm.s32 @!p2 $0x0  }
0x1d: {  	s5 =	simm.s32 @p1 $0x1;
	p0 =	seq.s32 s7, s2  }
0x1e: {  	s7 =	smul.u32 @!p0 $0xF7A, s2;
	p2 =	seq.s32 @!p0 s5, $0x0  }
0x1f: {  	s9 =	smul.u32 $0xF7A, s1;
	s8 =	simm.s32 @!p0 $0x1BF5;
	p2 =	por !p2, p0  }
0x20: {  	[sflag:s8] =	ssyncset.s32 @!p0 $0xFFFFF086;
	s6 =	sadd.s32 @!p0 s3, s7;
	s7 =	simm.s32 @!p0 $0x108  }
0x21: {  	s3 =	sadd.s32 s3, s9;
	s6 =	sadd.s32 @!p0 $0x88, s6;
	s7 =	simm.s32 @p2 $0x1082  }
0x22: {  	[simem:s7], [sflag:s8] =	dma.local @!p0 [hbm:s6], $0xF7A  }
0x23: {  	s9 =	sor.u32 $0xD0000000, s2;
	s6 =	simm.s32 $0x108;
	_ =	swait.ge @!p0 [sflag:s8], $0x0  }
0x24: {  	s3 =	sadd.s32 $0x88, s3;
	s6 =	simm.s32 @!p1 $0x1082;
	[sflag:s4] =	ssyncset.s32 $0xFFFFF086  }
0x25: {  	[simem:s6], [sflag:s4] =	dma.local [hbm:s3], $0xF7A  }
0x26: {  	[smem:$0x3F9D] =	sst s1;
	(tag) =	ssettag s2;
	_ =	strace s9  }
0x27: {  	s1 =	sld [smem:$0x3FAD]  }
0x28: {  	s2 =	sld [smem:$0x3FAE]  }
0x29: {  	s4 =	sld [smem:$0x3FB0]  }
0x2a: {  	p0 =	seq.s32 s5, $0x0;
	s5 =	sld [smem:$0x3FB1]  }
0x2b: {  	s6 =	sld [smem:$0x3FB2]  }
0x2c: {  	s7 =	sld [smem:$0x3FB3]  }
0x2d: {  	s3 =	simm.s32 $0x108;
	s8 =	sld [smem:$0x3FB4]  }
0x2e: {  	s3 =	simm.s32 @!p0 $0x1082;
	s9 =	sld [smem:$0x3FB5]  }
0x2f: {  	lr =	sadd.s32 s0, s3;
	s0 =	sld [smem:$0x3FAC]  }
0x30: {  	s3 =	sld [smem:$0x3FAF]  }
0x31: {  	[smem:$0x3FB8] =	sst s10  }
0x32: {  	s10 =	sld [smem:$0x3FB6];
	_ =	sdelay $0x3  }
0x33: {  	p0 =	seq.s32 s10, $0x1;
	s10 =	sld [smem:$0x3FB8];
	_ =	sdelay $0x3  }
0x34: {  	[smem:$0x3FB8] =	sst s10  }
0x35: {  	s10 =	sld [smem:$0x3FB7];
	_ =	sdelay $0x3  }
0x36: {  	p1 =	seq.s32 s10, $0x1;
	s10 =	sld [smem:$0x3FB8];
	_ =	sdelay $0x3  }
0x37: {  	[smem:$0x3FB8] =	sst s10  }
0x38: {  	s10 =	sld [smem:$0x3FB9]  }
0x39: {  	_ = 	snop;
	(pc) =	sbr.ind lr, $3  }
0x3a: {  	_ = 	snop  }
0x3b: {  	_ = 	snop  }
0x3c: {  	p2 =	seq.s32 s10, $0x1;
	s10 =	sld [smem:$0x3FB8]  }
0x3d: {  	_ =	shalt  }
0x3e: {  	_ =	shalt  }
0x3f: {  	_ =	shalt  }
0x40: {  	_ =	shalt  }
0x41: {  	_ =	shalt  }
0x42: {  	_ =	shalt  }
0x43: {  	_ =	shalt  }
0x44: {  	_ =	shalt  }
0x45: {  	_ =	shalt  }
0x46: {  	_ =	shalt  }
0x47: {  	_ =	shalt  }
0x48: {  	_ =	shalt  }
0x49: {  	_ =	shalt  }
0x4a: {  	_ =	shalt  }
0x4b: {  	_ =	shalt  }
0x4c: {  	_ =	shalt  }
0x4d: {  	_ =	shalt  }
0x4e: {  	_ =	shalt  }
0x4f: {  	_ =	shalt  }
0x50: {  	_ =	shalt  }
0x51: {  	_ =	shalt  }
0x52: {  	_ =	shalt  }
0x53: {  	_ =	shalt  }
0x54: {  	_ =	shalt  }
0x55: {  	_ =	shalt  }
0x56: {  	_ =	shalt  }
0x57: {  	_ =	shalt  }
0x58: {  	_ =	shalt  }
0x59: {  	_ =	shalt  }
0x5a: {  	_ =	shalt  }
0x5b: {  	_ =	shalt  }
0x5c: {  	_ =	shalt  }
0x5d: {  	_ =	shalt  }
0x5e: {  	_ =	shalt  }
0x5f: {  	_ =	shalt  }
0x60: {  	_ =	shalt  }
0x61: {  	_ =	shalt  }
0x62: {  	_ =	shalt  }
0x63: {  	_ =	shalt  }
0x64: {  	_ =	shalt  }
0x65: {  	_ =	shalt  }
0x66: {  	_ =	shalt  }
0x67: {  	_ =	shalt  }
0x68: {  	_ =	shalt  }
0x69: {  	_ =	shalt  }
0x6a: {  	_ =	shalt  }
0x6b: {  	_ =	shalt  }
0x6c: {  	_ =	shalt  }
0x6d: {  	_ =	shalt  }
0x6e: {  	_ =	shalt  }
0x6f: {  	_ =	shalt  }
0x70: {  	_ =	shalt  }
0x71: {  	_ =	shalt  }
0x72: {  	_ =	shalt  }
0x73: {  	_ =	shalt  }
0x74: {  	_ =	shalt  }
0x75: {  	_ =	shalt  }
0x76: {  	_ =	shalt  }
0x77: {  	_ =	shalt  }
0x78: {  	_ =	shalt  }
0x79: {  	_ =	shalt  }
0x7a: {  	_ =	shalt  }
0x7b: {  	_ =	shalt  }
0x7c: {  	_ =	shalt  }
0x7d: {  	_ =	shalt  }
0x7e: {  	_ =	shalt  }
0x7f: {  	_ =	shalt  }
0x80: {  	_ =	shalt  }
0x81: {  	_ =	shalt  }
0x82: {  	_ =	shalt  }
0x83: {  	_ =	shalt  }
0x84: {  	_ =	shalt  }
0x85: {  	_ =	shalt  }
0x86: {  	_ =	shalt  }
0x87: {  	_ =	shalt  }
.Lfunc_end0:
.L_simem_size_0:
called_computation.5_lowered:
.L_overlay_start_0:
0x88: {  	s2 =	sld [smem:$0x3FD9]  }
0x89: {  	s3 =	sld [smem:$0x3FFE];
	_ =	sdelay $0x1  }
0x8a: {  	s1 =	srdreg.scid  }
0x8b: {  	s0 =	sand.u32 $0x1, s1  }
0x8c: {  	s17 =	sshll.u32 s0, $0xA;
	s2 =	sadd.s32 s3, s2  }
0x8d: {  	s2 =	sadd.s32 s2, s17  }
0x8e: {  	[smem:$0x3FC4] =	sst s2  }
0x8f: {  	_ = 	snop  }
0x90: {  	(tm) =	ssettm $0x1  }
0x91: {  	s18 =	sld [smem:$0x3FFB];
	_ =	sdelay $0x3  }
0x92: {  	_ =	strace s18  }
0x93: {  	s2 =	sld [smem:$0x3FFC];
	_ =	sdelay $0x3  }
0x94: {  	_ =	strace s2  }
0x95: {  	s2 =	sld [smem:$0x3FFD];
	_ =	sdelay $0x3  }
0x96: {  	_ =	strace s2  }
0x97: {  	_ =	strace $0x8FFFFFFF  }
0x98: {  	s19 =	sld [smem:$0x3FDB];
	_ =	sdelay $0x1  }
0x99: {  	s20 =	simm.s32 $_scs_section_size  }
0x9a: {  	s4 =	simm.s32 $_size__tile_overlayer_lowered;
	s5 =	simm.s32 $_tile_overlayer_lowered  }
0x9b: {  	s6 =	simm.s32 $0x1BFF;
	s21 =	sshll.u32 s5, $0x1;
	s3 =	sadd.s32 s20, s19  }
0x9c: {  	s22 =	simm.s32 $0x0;
	s4 =	sshll.u32 s4, $0x1;
	s5 =	sadd.s32 s21, s3  }
0x9d: {  	[timem:s22], [sflag:s6] =	dma.local [hbm:s5], s4  }
0x9e: {  	_ =	swait.ge [sflag:s6], s4  }
0x9f: {  	s4 =	ssub.s32 $0x0, s4;
	[sflag:s6] =	ssyncset.done $0x0  }
0xa0: {  	[sflag:s6] =	ssyncadd.s32 s4;
	_ =	sdelay $0x1  }
0xa1: {  	s23 =	simm.s32 $0x1B8B  }
0xa2: {  	_ =	swait.ge [sflag:s23], $0x1  }
0xa3: {  	[sflag:s23] =	ssyncset.done $0x0  }
0xa4: {  	[sflag:s23] =	ssyncadd.s32 $0xFFFFFFFF  }
0xa5: {  	s4 =	sld [smem:$0x0]  }
0xa6: {  	s5 =	sand.u32 $0xFFFFFFFE, s1  }
0xa7: {  	p0 =	sne.s32 s1, s5  }
0xa8: {  	s5 =	sshll.u32 @p0 s5, $0xE  }
0xa9: {  	s5 =	sadd.s32 @p0 $0x11B8D, s5;
	s6 =	sshll.u32 @p0 s4, $0x11  }
0xaa: {  	s5 =	sor.u32 @p0 s6, s5  }
0xab: {  	[sflag:s5] =	ssyncadd.remote.s32 @p0 $0x1;
	_ =	sdelay $0x1  }
0xac: {  	s5 =	simm.s32 @p0 $0x1B8D  }
0xad: {  	_ =	swait.eq @p0 [sflag:s5], $0x1  }
0xae: {  	[sflag:s5] =	ssyncadd.s32 @p0 $0xFFFFFFFF  }
0xaf: {  	s6 =	sshll.u32 @!p0 s1, $0xE  }
0xb0: {  	s6 =	sor.u32 @!p0 $0x4000, s6;
	s5 =	simm.s32 @!p0 $0x1B8D  }
0xb1: {  	s4 =	sshll.u32 @!p0 s4, $0x11;
	s6 =	sadd.s32 @!p0 $0x11B8D, s6;
	_ =	swait.eq @!p0 [sflag:s5], $0x1  }
0xb2: {  	s4 =	sor.u32 @!p0 s4, s6;
	[sflag:s5] =	ssyncadd.s32 @!p0 $0xFFFFFFFF  }
0xb3: {  	s25 =	simm.s32 $0x1B8E;
	s24 =	sld [smem:$0x3FFE];
	[sflag:s4] =	ssyncadd.remote.s32 @!p0 $0x1  }
0xb4: {  	s26 =	simm.s32 $execute0_lowered;
	[smem:$0x3FD2] =	sst s25  }
0xb5: {  	s5 =	sshll.u32 s26, $0x1;
	_ =	strace $0x80000058;
	[dreg:$0x1] =	wrdreg $0xFFFFFFFF  }
0xb6: {  	s28 =	simm.s32 $_size_execute0_lowered;
	s3 =	sadd.s32 s3, s5;
	[dreg:$0x0] =	wrdreg $0x0  }
0xb7: {  	s5 =	sshll.u32 s28, $0x1;
	[dreg:$0x2] =	wrdreg s3  }
0xb8: {  	[dreg:$0x3] =	wrdreg s5  }
0xb9: {  	[dreg:$0x4] =	wrdreg $0xC0  }
0xba: {  	_ =	task [dreg:s22], $0x5FFFF  }
0xbb: {  	[dreg:$0x1] =	wrdreg $0xFFFFFFFF  }
0xbc: {  	[dreg:$0x0] =	wrdreg $0x60  }
0xbd: {  	[dreg:$0x2] =	wrdreg s24  }
0xbe: {  	[dreg:$0x3] =	wrdreg $0x60000  }
0xbf: {  	[dreg:$0x4] =	wrdreg $0xB  }
0xc0: {  	_ =	task.clear_ibuf [dreg:s22], $0x5FFFF;
	_ =	strace $0x90000058  }
0xc1: {  	s29 =	simm.s32 $0xB;
	_ =	strace $0x8000005A  }
0xc2: {  	_ =	swait.ge [sflag:s29], $0x1  }
0xc3: {  	[sflag:s29] =	ssyncadd.s32 $0xFFFFFFFF  }
0xc4: {  	_ =	strace $0x9000005A  }
0xc5: {  	_ =	sfence  }
0xc6: {  	s30 =	sld [smem:$0x0];
	_ =	sdelay $0x2  }
0xc7: {  	s31 =	sshll.u32 s1, $0xD;
	s1 =	sshrl.u32 s1, $0x2  }
0xc8: {  	s4 =	sand.u32 $0x4000, s31;
	s1 =	sadd.s32 s1, s30  }
0xc9: {  	s0 =	sor.u32 s4, s0;
	s1 =	sshll.u32 s1, $0x11  }
0xca: {  	s0 =	sor.u32 s1, s0  }
0xcb: {  	s0 =	sadd.s32 $0x8F2B, s0  }
0xcc: {  	[sflag:s0] =	ssyncadd.remote.s32 $0x1  }
0xcd: {  	_ =	sfence.sel $0xFFFF  }
0xce: {  	[dreg:$0x0] =	wrdreg $0xFFFFFFFF;
	(pc) =	sbr.abs _section_cstart, $3  }
0xcf: {  	[dreg:$0x1] =	wrdreg $0xFFFFFFFF  }
0xd0: {  	_ =	task.clear_ibuf [dreg:s22], $0x2FFFF;
	_ =	strace $0x9FFFFFFF  }
0xd1: {  	(tm) =	ssettm $0x7FFFFFFF  }
tec
execute0_lowered:
.L_overlay_start_1:
0x0: {  	(tag) =	ssettag $0x1  }
0x1: {  	s5 =	rddreg [dreg:$0x0]  }
0x2: {  	s2 =	rddreg [dreg:$0x1]  }
0x3: {  	s0 =	rddreg [dreg:$0x2];
	s3 =	simm.s32 $0x0;
	s1 =	stileid.u32  }
0x4: {  	s4 =	srdreg.scid;
	s15 =	simm.s32 $0xC00;
	s12 =	smul.u32 $0x50000, s1  }
0x5: {  	[smem:$0x7FF] =	sst s3;
	s7 =	sand.u32 $0x1, s4;
	s14 =	smul.u32 $0xFA00, s1  }
0x6: {  	s24 =	sshll.u32 s1, $0x1;
	s8 =	sadd.s32 $0x604C00, s5;
	s17 =	smul.u32 $0x2800, s1  }
0x7: {  	s29 =	sshll.u32 s1, $0x6;
	_ =	strace $0x80000059;
	s9 =	smul.u32 $0x28000, s7  }
0x8: {  	s6 =	sor.u32 s7, s24;
	s11 =	ssub.s32 $0x2, s7;
	s30 =	smul.u32 $0x7D00, s7  }
0x9: {  	s4 =	sshll.u32 s6, $0x9;
	s25 =	sshrl.u32 s11, $0x1;
	s26 =	sshrl.u32 s12, $0x2  }
0xa: {  	s28 =	smul.u32 $0x7D00, s6;
	s31 =	sadd.s32 s14, s8;
	s12 =	simm.s32 $0x1000  }
0xb: {  	s14 =	simm.s32 $0x1;
	s10 =	sadd.s32 s4, s5;
	s4 =	sadd.s32 $0x2C00, s5  }
0xc: {  	s9 =	sadd.s32 s9, s5;
	s11 =	ssub.s32 s11, s25;
	s13 =	sadd.s32 s26, s2  }
0xd: {  	s5 =	sor.u32 $0x1C03, s29;
	s6 =	sadd.s32 $0x4FEC00, s10;
	s7 =	sadd.s32 s8, s28  }
0xe: {  	s16 =	sadd.s32 $0x62C00, s9;
	s8 =	smax.u32 s11, $0x1;
	s9 =	sadd.s32 s30, s31  }
0xf: {  	s10 =	sshrl.u32 s13, $0x3;
	s11 =	simm.s32 $0x3;
	s13 =	simm.s32 $0x50  }
0x10: {  	s9 =	sadd.s32 $0x500, s9;
	s16 =	sadd.s32 s17, s16;
	s17 =	simm.s32 $0x0  }
.LBB2_1:
0x11: {  	[spmem:s10], [sflag:s5] =	dma.local [hbm:s4], $0x2800  }
0x12: {  	_ =	swait.ge [sflag:s11], $0x2800  }
0x13: {  	[sflag:s11] =	ssyncset.done $0x0  }
0x14: {  	s18 =	sand.u32 $0x1, s3;
	[sflag:s11] =	ssyncadd.s32 $0xFFFFD800  }
0x15: {  	[tilespmem:s3], [sflag:$0x3] =	stream.linear.gather [hbm4b:s6+s3], $0xC80, $0x38;
	[tilespmem:$0x1A000] =	vst v63  }
0x16: {  	s19 =	sxor.u32 $0x1, s18;
	s29 =	smul.u32 $0xA000, s18;
	_ =	swait.ge [sflag:s11], $0xC80  }
0x17: {  	s30 =	simm.s32 $0x1;
	s20 =	smul.u32 $0xA000, s19;
	[sflag:s11] =	ssyncset.done $0x0  }
0x18: {  	s23 =	simm.s32 $0x2;
	s18 =	sadd.s32 $0x1, s18;
	[sflag:s11] =	ssyncadd.s32 $0xFFFFF380  }
0x19: {  	s21 =	sshrl.u32 s29, $0x2;
	s20 =	sshrl.u32 s20, $0x2;
	[bflag:$0x0] =	sbarrier.arrive $0xFFFF  }
0x1a: {  	[tilespmem:s12], [sflag:$0x1] =	stream.linear.gather [hbm4b:s7+s3], $0x2800, $0x38;
	[tilespmem:$0x1A000] =	vst v63  }
0x1b: {  	s19 =	sadd.s32 $0x1, s19;
	s31 =	sadd.s32 $0x1000, s21;
	s20 =	sadd.s32 $0x1000, s20  }
0x1c: {  	[tilespmem:s20], [sflag:s19] =	stream.linear.gather [hbm4b:s9+s3], $0x2800, $0x38;
	[tilespmem:$0x1A000] =	vst v63  }
0x1d: {  	s19 =	sand.u32 $0x1, s30;
	s20 =	sadd.s32 $0x500, s9;
	_ =	swait.ge [sflag:s18], $0x2800  }
0x1e: {  	s21 =	sxor.u32 $0x1, s19;
	s22 =	smul.u32 $0xA000, s19;
	[sflag:s18] =	ssyncset.done $0x0  }
0x1f: {  	s24 =	smul.u32 $0xA000, s21;
	[sflag:s18] =	ssyncadd.s32 $0xFFFFD800;
	s18 =	simm.s32 $0x80  }
0x20: {  	[spmem:s2] =	stream.indirect.scatter.add.f32 [tilespmem:s31], [sflag:$0x3], $0x80, s3, s13, $0xb8;
	[tilespmem:$0x1A000] =	vst v63  }
.LBB2_2:
0x21: {  	s24 =	sshrl.u32 s24, $0x2;
	s22 =	sshrl.u32 s22, $0x2;
	_ =	swait.ge [sflag:s11], $0x2800  }
0x22: {  	s25 =	smov.u32 s23;
	s26 =	smov.u32 s18;
	s28 =	sadd.s32 $0x1, s23  }
0x23: {  	p0 =	sne.s32 s23, $0x17;
	s24 =	sadd.s32 $0x1000, s24;
	[sflag:s11] =	ssyncset.done $0x0  }
0x24: {  	s21 =	sadd.s32 $0x1, s21;
	s23 =	sadd.s32 $0x1, s19;
	[sflag:s11] =	ssyncadd.s32 $0xFFFFD800  }
0x25: {  	[tilespmem:s24], [sflag:s21] =	stream.linear.gather [hbm4b:s20+s3], $0x2800, $0x38;
	[tilespmem:$0x1A000] =	vst v63  }
.Ltmp0:
0x26: {  	s18 =	sadd.s32 $0x80, s18;
	s20 =	sadd.s32 $0x500, s20;
	(pc) =	sbr.rel @p0 .LBB2_2-.Ltmp0, $4  }
0x27: {  	s19 =	sand.u32 $0x1, s25;
	s25 =	sadd.s32 $0x1000, s22;
	_ =	swait.ge [sflag:s23], $0x2800  }
0x28: {  	s22 =	smul.u32 $0xA000, s19;
	s21 =	sxor.u32 $0x1, s19;
	[sflag:s23] =	ssyncset.done $0x0  }
0x29: {  	s24 =	smul.u32 $0xA000, s21;
	[sflag:s23] =	ssyncadd.s32 $0xFFFFD800;
	s23 =	smov.u32 s28  }
0x2a: {  	[spmem:s2] =	stream.indirect.scatter.add.f32 [tilespmem:s25], [sflag:$0x3], $0x80, s26, s13, $0xb8;
	[tilespmem:$0x1A000] =	vst v63  }
0x2b: {  	_ =	swait.ge [sflag:s11], $0x2800  }
0x2c: {  	s23 =	sshrl.u32 s24, $0x2;
	s21 =	sadd.s32 $0x1, s21;
	[sflag:s11] =	ssyncset.done $0x0  }
0x2d: {  	s19 =	sadd.s32 $0x1, s19;
	s23 =	sadd.s32 $0x1000, s23;
	[sflag:s11] =	ssyncadd.s32 $0xFFFFD800  }
0x2e: {  	[tilespmem:s23], [sflag:s21] =	stream.linear.gather [hbm4b:s20+s3], $0x2800, $0x38;
	[tilespmem:$0x1A000] =	vst v63  }
0x2f: {  	_ =	swait.ge [sflag:s19], $0x2800  }
0x30: {  	s31 =	sshrl.u32 s22, $0x2;
	[sflag:s19] =	ssyncset.done $0x0  }
0x31: {  	s20 =	sadd.s32 $0x1000, s31;
	[sflag:s19] =	ssyncadd.s32 $0xFFFFD800  }
0x32: {  	[spmem:s2] =	stream.indirect.scatter.add.f32 [tilespmem:s20], [sflag:$0x3], $0x80, s18, s13, $0xb8;
	[tilespmem:$0x1A000] =	vst v63  }
0x33: {  	_ =	swait.ge [sflag:s11], $0x2800  }
0x34: {  	[sflag:s11] =	ssyncset.done $0x0  }
0x35: {  	[sflag:s11] =	ssyncadd.s32 $0xFFFFD800  }
0x36: {  	_ =	swait.ge [sflag:s14], $0x2800  }
0x37: {  	[sflag:s14] =	ssyncset.done $0x0  }
0x38: {  	[sflag:s14] =	ssyncadd.s32 $0xFFFFD800  }
0x39: {  	[spmem:s2] =	stream.indirect.scatter.add.f32 [tilespmem:s12], [sflag:$0x3], $0x80, s15, s13, $0xb8;
	[tilespmem:$0x1A000] =	vst v63  }
0x3a: {  	_ =	swait.ge [sflag:s11], $0x2800  }
0x3b: {  	s17 =	sadd.s32 $0x1, s17;
	[sflag:s11] =	ssyncset.done $0x0  }
0x3c: {  	p0 =	sne.s32 s17, s8;
	[sflag:s11] =	ssyncadd.s32 $0xFFFFD800  }
.Ltmp1:
0x3d: {  	[bflag:$0x0] =	sbarrier.arrive $0xFFFF;
	(pc) =	sbr.rel @p0 .LBB2_1-.Ltmp1, $4  }
0x3e: {  	[hbm:s16], [sflag:s5] =	dma.local [spmem:s10], $0x2800  }
0x3f: {  	_ =	swait.ge [sflag:s11], $0x2800  }
0x40: {  	[sflag:s11] =	ssyncset.done $0x0  }
0x41: {  	[sflag:s11] =	ssyncadd.s32 $0xFFFFD800  }
0x42: {  	_ =	sfence.sel $0x180000  }
0x43: {  	[bflag:$0x0] =	sbarrier.arrive $0xFFFF  }
0x44: {  	p0 =	sne.s32 s1, $0x0;
	_ =	strace $0x90000059  }
0x45: {  	s0 =	sadd.s32 @!p0 $0x100000, s0;
	[bflag:$0x2] =	sbarrier.arrive $0xFFFF  }
0x46: {  	[sflag:s0] =	ssyncadd.tile.s32 @!p0 $0x1;
	_ =	shalt  }
.Lfunc_end2:
_tile_overlayer_lowered:
.L_overlay_start_2:
0x47: {  	(tag) =	ssettag $0x2  }
0x48: {  	s0 =	rddreg [dreg:$0x0];
	s2 =	stileid.u32  }
0x49: {  	s1 =	rddreg [dreg:$0x1];
	p0 =	sne.s32 s2, $0x0  }
0x4a: {  	s3 =	rddreg [dreg:$0x2];
	[bflag:$0x3] =	sbarrier.arrive $0xFFFF;
	s2 =	simm.s32 @!p0 $0x1C03  }
0x4b: {  	[timem:s3], [sflag:s2] =	dma.local @!p0 [hbm:s0], s1  }
0x4c: {  	s0 =	simm.s32 @!p0 $0x3  }
0x4d: {  	_ =	swait.ge @!p0 [sflag:s0], s1  }
0x4e: {  	s1 =	ssub.s32 @!p0 $0x0, s1;
	[sflag:s0] =	ssyncset.done @!p0 $0x0  }
0x4f: {  	[sflag:s0] =	ssyncadd.s32 @!p0 s1  }
0x50: {  	[bflag:$0x3] =	sbarrier.arrive $0xFFFF  }
0x51: {  	_ =	shalt  }

// kernel: kernel.36.cloned.1.call-start
scs
__scs_entry_jumppad:
0x0: {  	(pc) =	sbr.rel $0x88, $3  }
0x1: {  	(tag) =	ssettag $0x0;
	lr =	simm.s32 $0x1  }
0x2: {  	[smem:$0x3F9D] =	sst lr;
	_ =	strace $0xD0000000  }
0x3: {  	_ = 	snop  }
0x4: {  	_ = 	snop  }
0x5: {  	_ = 	snop  }
0x6: {  	_ = 	snop  }
0x7: {  	_ = 	snop  }
__scs_overlays_trampoline_lowered:
0x8: {  	[smem:$0x3FAC] =	sst s0  }
0x9: {  	[smem:$0x3FAD] =	sst s1  }
0xa: {  	[smem:$0x3FAE] =	sst s2  }
0xb: {  	[smem:$0x3FAF] =	sst s3  }
0xc: {  	[smem:$0x3FB0] =	sst s4  }
0xd: {  	[smem:$0x3FB1] =	sst s5  }
0xe: {  	[smem:$0x3FB2] =	sst s6  }
0xf: {  	[smem:$0x3FB3] =	sst s7  }
0x10: {  	[smem:$0x3FB4] =	sst s8  }
0x11: {  	[smem:$0x3FB5] =	sst s9;
	s0 =	simm.s32 @!p0 $0x0  }
0x12: {  	s1 =	sld [smem:$0x3F9B];
	s0 =	simm.s32 @p0 $0x1  }
0x13: {  	[smem:$0x3FB6] =	sst s0;
	s0 =	simm.s32 @!p1 $0x0  }
0x14: {  	s2 =	sld [smem:$0x3F9A];
	s0 =	simm.s32 @p1 $0x1  }
0x15: {  	[smem:$0x3FB7] =	sst s0;
	s0 =	simm.s32 @!p2 $0x0  }
0x16: {  	s3 =	sld [smem:$0x3FDB];
	s0 =	simm.s32 @p2 $0x1  }
0x17: {  	s4 =	simm.s32 $0x1BF5;
	[smem:$0x3FB9] =	sst s0  }
0x18: {  	s0 =	sld [smem:$0x3F9C];
	_ =	swait.ge [sflag:s4], $0x0  }
0x19: {  	s7 =	sld [smem:$0x3F9D]  }
0x1a: {  	s8 =	sadd.s32 $0xFFFFE003, lr  }
0x1b: {  	s9 =	sadd.s32 $0xFFFFFEF7, lr;
	s5 =	simm.s32 $0xFFFFFFFF;
	p2 =	slt.u32 s8, $0xFFFFF086  }
0x1c: {  	p1 =	slt.u32 s9, $0xF7A;
	s5 =	simm.s32 @!p2 $0x0  }
0x1d: {  	s5 =	simm.s32 @p1 $0x1;
	p0 =	seq.s32 s7, s2  }
0x1e: {  	s7 =	smul.u32 @!p0 $0xF7A, s2;
	p2 =	seq.s32 @!p0 s5, $0x0  }
0x1f: {  	s9 =	smul.u32 $0xF7A, s1;
	s8 =	simm.s32 @!p0 $0x1BF5;
	p2 =	por !p2, p0  }
0x20: {  	[sflag:s8] =	ssyncset.s32 @!p0 $0xFFFFF086;
	s6 =	sadd.s32 @!p0 s3, s7;
	s7 =	simm.s32 @!p0 $0x108  }
0x21: {  	s3 =	sadd.s32 s3, s9;
	s6 =	sadd.s32 @!p0 $0x88, s6;
	s7 =	simm.s32 @p2 $0x1082  }
0x22: {  	[simem:s7], [sflag:s8] =	dma.local @!p0 [hbm:s6], $0xF7A  }
0x23: {  	s9 =	sor.u32 $0xD0000000, s2;
	s6 =	simm.s32 $0x108;
	_ =	swait.ge @!p0 [sflag:s8], $0x0  }
0x24: {  	s3 =	sadd.s32 $0x88, s3;
	s6 =	simm.s32 @!p1 $0x1082;
	[sflag:s4] =	ssyncset.s32 $0xFFFFF086  }
0x25: {  	[simem:s6], [sflag:s4] =	dma.local [hbm:s3], $0xF7A  }
0x26: {  	[smem:$0x3F9D] =	sst s1;
	(tag) =	ssettag s2;
	_ =	strace s9  }
0x27: {  	s1 =	sld [smem:$0x3FAD]  }
0x28: {  	s2 =	sld [smem:$0x3FAE]  }
0x29: {  	s4 =	sld [smem:$0x3FB0]  }
0x2a: {  	p0 =	seq.s32 s5, $0x0;
	s5 =	sld [smem:$0x3FB1]  }
0x2b: {  	s6 =	sld [smem:$0x3FB2]  }
0x2c: {  	s7 =	sld [smem:$0x3FB3]  }
0x2d: {  	s3 =	simm.s32 $0x108;
	s8 =	sld [smem:$0x3FB4]  }
0x2e: {  	s3 =	simm.s32 @!p0 $0x1082;
	s9 =	sld [smem:$0x3FB5]  }
0x2f: {  	lr =	sadd.s32 s0, s3;
	s0 =	sld [smem:$0x3FAC]  }
0x30: {  	s3 =	sld [smem:$0x3FAF]  }
0x31: {  	[smem:$0x3FB8] =	sst s10  }
0x32: {  	s10 =	sld [smem:$0x3FB6];
	_ =	sdelay $0x3  }
0x33: {  	p0 =	seq.s32 s10, $0x1;
	s10 =	sld [smem:$0x3FB8];
	_ =	sdelay $0x3  }
0x34: {  	[smem:$0x3FB8] =	sst s10  }
0x35: {  	s10 =	sld [smem:$0x3FB7];
	_ =	sdelay $0x3  }
0x36: {  	p1 =	seq.s32 s10, $0x1;
	s10 =	sld [smem:$0x3FB8];
	_ =	sdelay $0x3  }
0x37: {  	[smem:$0x3FB8] =	sst s10  }
0x38: {  	s10 =	sld [smem:$0x3FB9]  }
0x39: {  	_ = 	snop;
	(pc) =	sbr.ind lr, $3  }
0x3a: {  	_ = 	snop  }
0x3b: {  	_ = 	snop  }
0x3c: {  	p2 =	seq.s32 s10, $0x1;
	s10 =	sld [smem:$0x3FB8]  }
0x3d: {  	_ =	shalt  }
0x3e: {  	_ =	shalt  }
0x3f: {  	_ =	shalt  }
0x40: {  	_ =	shalt  }
0x41: {  	_ =	shalt  }
0x42: {  	_ =	shalt  }
0x43: {  	_ =	shalt  }
0x44: {  	_ =	shalt  }
0x45: {  	_ =	shalt  }
0x46: {  	_ =	shalt  }
0x47: {  	_ =	shalt  }
0x48: {  	_ =	shalt  }
0x49: {  	_ =	shalt  }
0x4a: {  	_ =	shalt  }
0x4b: {  	_ =	shalt  }
0x4c: {  	_ =	shalt  }
0x4d: {  	_ =	shalt  }
0x4e: {  	_ =	shalt  }
0x4f: {  	_ =	shalt  }
0x50: {  	_ =	shalt  }
0x51: {  	_ =	shalt  }
0x52: {  	_ =	shalt  }
0x53: {  	_ =	shalt  }
0x54: {  	_ =	shalt  }
0x55: {  	_ =	shalt  }
0x56: {  	_ =	shalt  }
0x57: {  	_ =	shalt  }
0x58: {  	_ =	shalt  }
0x59: {  	_ =	shalt  }
0x5a: {  	_ =	shalt  }
0x5b: {  	_ =	shalt  }
0x5c: {  	_ =	shalt  }
0x5d: {  	_ =	shalt  }
0x5e: {  	_ =	shalt  }
0x5f: {  	_ =	shalt  }
0x60: {  	_ =	shalt  }
0x61: {  	_ =	shalt  }
0x62: {  	_ =	shalt  }
0x63: {  	_ =	shalt  }
0x64: {  	_ =	shalt  }
0x65: {  	_ =	shalt  }
0x66: {  	_ =	shalt  }
0x67: {  	_ =	shalt  }
0x68: {  	_ =	shalt  }
0x69: {  	_ =	shalt  }
0x6a: {  	_ =	shalt  }
0x6b: {  	_ =	shalt  }
0x6c: {  	_ =	shalt  }
0x6d: {  	_ =	shalt  }
0x6e: {  	_ =	shalt  }
0x6f: {  	_ =	shalt  }
0x70: {  	_ =	shalt  }
0x71: {  	_ =	shalt  }
0x72: {  	_ =	shalt  }
0x73: {  	_ =	shalt  }
0x74: {  	_ =	shalt  }
0x75: {  	_ =	shalt  }
0x76: {  	_ =	shalt  }
0x77: {  	_ =	shalt  }
0x78: {  	_ =	shalt  }
0x79: {  	_ =	shalt  }
0x7a: {  	_ =	shalt  }
0x7b: {  	_ =	shalt  }
0x7c: {  	_ =	shalt  }
0x7d: {  	_ =	shalt  }
0x7e: {  	_ =	shalt  }
0x7f: {  	_ =	shalt  }
0x80: {  	_ =	shalt  }
0x81: {  	_ =	shalt  }
0x82: {  	_ =	shalt  }
0x83: {  	_ =	shalt  }
0x84: {  	_ =	shalt  }
0x85: {  	_ =	shalt  }
0x86: {  	_ =	shalt  }
0x87: {  	_ =	shalt  }
.Lfunc_end0:
.L_simem_size_0:
called_computation.6_lowered:
.L_overlay_start_0:
0x88: {  	s2 =	sld [smem:$0x3FD9]  }
0x89: {  	s3 =	sld [smem:$0x3FFE];
	_ =	sdelay $0x1  }
0x8a: {  	s1 =	srdreg.scid  }
0x8b: {  	s0 =	sand.u32 $0x1, s1  }
0x8c: {  	s17 =	sshll.u32 s0, $0xA;
	s2 =	sadd.s32 s3, s2  }
0x8d: {  	s2 =	sadd.s32 s2, s17  }
0x8e: {  	[smem:$0x3FC4] =	sst s2  }
0x8f: {  	_ = 	snop  }
0x90: {  	s18 =	sld [smem:$0x3FC9];
	(tm) =	ssettm $0x1  }
0x91: {  	s19 =	sld [smem:$0x3FFB];
	_ =	sdelay $0x3  }
0x92: {  	_ =	strace s19  }
0x93: {  	s2 =	sld [smem:$0x3FFC];
	_ =	sdelay $0x3  }
0x94: {  	_ =	strace s2  }
0x95: {  	s2 =	sld [smem:$0x3FFD];
	_ =	sdelay $0x3  }
0x96: {  	_ =	strace s2  }
0x97: {  	_ =	strace $0x8FFFFFFF  }
0x98: {  	s20 =	sld [smem:$0x3FDB];
	_ =	sdelay $0x1  }
0x99: {  	s4 =	simm.s32 $_scs_section_size  }
0x9a: {  	s5 =	simm.s32 $_size__tile_overlayer_lowered;
	s6 =	simm.s32 $_tile_overlayer_lowered  }
0x9b: {  	s7 =	simm.s32 $0x1BFF;
	s21 =	sshll.u32 s6, $0x1;
	s4 =	sadd.s32 s4, s20  }
0x9c: {  	s22 =	simm.s32 $0x0;
	s5 =	sshll.u32 s5, $0x1;
	s6 =	sadd.s32 s21, s4  }
0x9d: {  	[timem:s22], [sflag:s7] =	dma.local [hbm:s6], s5  }
0x9e: {  	_ =	swait.ge [sflag:s7], s5  }
0x9f: {  	s5 =	ssub.s32 $0x0, s5;
	[sflag:s7] =	ssyncset.done $0x0  }
0xa0: {  	[sflag:s7] =	ssyncadd.s32 s5;
	_ =	sdelay $0x1  }
0xa1: {  	s23 =	simm.s32 $0x1B8B  }
0xa2: {  	_ =	swait.ge [sflag:s23], $0x1  }
0xa3: {  	[sflag:s23] =	ssyncset.done $0x0  }
0xa4: {  	[sflag:s23] =	ssyncadd.s32 $0xFFFFFFFF  }
0xa5: {  	s5 =	sld [smem:$0x0]  }
0xa6: {  	s6 =	sand.u32 $0xFFFFFFFE, s1  }
0xa7: {  	p0 =	sne.s32 s1, s6  }
0xa8: {  	s6 =	sshll.u32 @p0 s6, $0xE  }
0xa9: {  	s6 =	sadd.s32 @p0 $0x11B8D, s6;
	s7 =	sshll.u32 @p0 s5, $0x11  }
0xaa: {  	s6 =	sor.u32 @p0 s7, s6  }
0xab: {  	[sflag:s6] =	ssyncadd.remote.s32 @p0 $0x1;
	_ =	sdelay $0x1  }
0xac: {  	s6 =	simm.s32 @p0 $0x1B8D  }
0xad: {  	_ =	swait.eq @p0 [sflag:s6], $0x1  }
0xae: {  	[sflag:s6] =	ssyncadd.s32 @p0 $0xFFFFFFFF  }
0xaf: {  	s7 =	sshll.u32 @!p0 s1, $0xE  }
0xb0: {  	s7 =	sor.u32 @!p0 $0x4000, s7;
	s6 =	simm.s32 @!p0 $0x1B8D  }
0xb1: {  	s5 =	sshll.u32 @!p0 s5, $0x11;
	s7 =	sadd.s32 @!p0 $0x11B8D, s7;
	_ =	swait.eq @!p0 [sflag:s6], $0x1  }
0xb2: {  	s5 =	sor.u32 @!p0 s5, s7;
	[sflag:s6] =	ssyncadd.s32 @!p0 $0xFFFFFFFF  }
0xb3: {  	s25 =	simm.s32 $0x1B8E;
	s24 =	sld [smem:$0x3FFE];
	[sflag:s5] =	ssyncadd.remote.s32 @!p0 $0x1  }
0xb4: {  	s26 =	simm.s32 $execute0_lowered;
	[smem:$0x3FD2] =	sst s25  }
0xb5: {  	s6 =	sshll.u32 s26, $0x1;
	_ =	strace $0x8000004C;
	[dreg:$0x1] =	wrdreg $0xFFFFFFFF  }
0xb6: {  	s28 =	simm.s32 $_size_execute0_lowered;
	s4 =	sadd.s32 s4, s6;
	[dreg:$0x0] =	wrdreg $0x0  }
0xb7: {  	s6 =	sshll.u32 s28, $0x1;
	[dreg:$0x2] =	wrdreg s4  }
0xb8: {  	[dreg:$0x3] =	wrdreg s6  }
0xb9: {  	[dreg:$0x4] =	wrdreg $0xC0  }
0xba: {  	_ =	task [dreg:s22], $0x5FFFF  }
0xbb: {  	[dreg:$0x1] =	wrdreg $0xFFFFFFFF  }
0xbc: {  	[dreg:$0x0] =	wrdreg $0x60  }
0xbd: {  	[dreg:$0x2] =	wrdreg s18  }
0xbe: {  	[dreg:$0x3] =	wrdreg s24  }
0xbf: {  	[dreg:$0x4] =	wrdreg $0xD  }
0xc0: {  	_ =	task.clear_ibuf [dreg:s22], $0x5FFFF;
	_ =	strace $0x9000004C  }
0xc1: {  	s29 =	simm.s32 $0xD;
	_ =	strace $0x8000004E  }
0xc2: {  	_ =	swait.ge [sflag:s29], $0x1  }
0xc3: {  	[sflag:s29] =	ssyncadd.s32 $0xFFFFFFFF  }
0xc4: {  	_ =	strace $0x9000004E  }
0xc5: {  	_ =	sfence  }
0xc6: {  	s30 =	sld [smem:$0x0];
	_ =	sdelay $0x2  }
0xc7: {  	s31 =	sshll.u32 s1, $0xD;
	s1 =	sshrl.u32 s1, $0x2  }
0xc8: {  	s4 =	sand.u32 $0x4000, s31;
	s1 =	sadd.s32 s1, s30  }
0xc9: {  	s0 =	sor.u32 s4, s0;
	s1 =	sshll.u32 s1, $0x11  }
0xca: {  	s0 =	sor.u32 s1, s0  }
0xcb: {  	s0 =	sadd.s32 $0x8F2B, s0  }
0xcc: {  	[sflag:s0] =	ssyncadd.remote.s32 $0x1  }
0xcd: {  	_ =	sfence.sel $0xFFFF  }
0xce: {  	[dreg:$0x0] =	wrdreg $0xFFFFFFFF;
	(pc) =	sbr.abs _section_cstart, $3  }
0xcf: {  	[dreg:$0x1] =	wrdreg $0xFFFFFFFF  }
0xd0: {  	_ =	task.clear_ibuf [dreg:s22], $0x2FFFF;
	_ =	strace $0x9FFFFFFF  }
0xd1: {  	(tm) =	ssettm $0x7FFFFFFF  }
tec
execute0_lowered:
.L_overlay_start_1:
0x0: {  	(tag) =	ssettag $0x1  }
0x1: {  	s1 =	rddreg [dreg:$0x0]  }
0x2: {  	s4 =	rddreg [dreg:$0x1]  }
0x3: {  	s0 =	rddreg [dreg:$0x2]  }
0x4: {  	s3 =	simm.s32 $0x0;
	s5 =	srdreg.scid;
	s2 =	stileid.u32  }
0x5: {  	s10 =	simm.s32 $0x3;
	s11 =	simm.s32 $0x4;
	s12 =	simm.s32 $0x0  }
0x6: {  	[smem:$0x7FF] =	sst s3;
	s5 =	sand.u32 $0x1, s5;
	s7 =	smul.u32 $0xFA00, s2  }
0x7: {  	s8 =	sshll.u32 s5, $0x9;
	s9 =	ssub.s32 $0x2, s5;
	s5 =	smul.u32 $0x7D00, s5  }
.Ltmp0:
0x8: {  	s6 =	sshll.u32 s2, $0xA;
	_ =	strace $0x8000004D;
	(pc) =	sbr.rel .LBB2_1-.Ltmp0, $4  }
0x9: {  	s6 =	sor.u32 s8, s6;
	s7 =	sadd.s32 s7, s4;
	s30 =	sshrl.u32 s9, $0x1  }
0xa: {  	s8 =	simm.s32 $0x50;
	s4 =	sadd.s32 s6, s4;
	s31 =	ssub.s32 s9, s30  }
0xb: {  	s7 =	sadd.s32 s5, s7;
	s9 =	simm.s32 $0x1000;
	s4 =	sadd.s32 $0xAC00, s4  }
0xc: {  	s5 =	smax.u32 s31, $0x1;
	s6 =	sadd.s32 $0x206C00, s7;
	s7 =	simm.s32 $0x5  }
.LBB2_7:
0xd: {  	s12 =	sadd.s32 $0x1, s12  }
0xe: {  	_ =	swait.ge [sflag:s10], $0x2800;
	p0 =	sne.s32 s12, s5  }
.Ltmp1:
0xf: {  	[sflag:s10] =	ssyncset.done $0x0;
	(pc) =	sbr.rel @!p0 .LBB2_8-.Ltmp1, $4  }
0x10: {  	[sflag:s10] =	ssyncadd.s32 $0xFFFFD800  }
0x11: {  	_ =	swait.ge [sflag:s11], $0x2800  }
0x12: {  	[sflag:s11] =	ssyncset.done $0x0  }
0x13: {  	[sflag:s11] =	ssyncadd.s32 $0xFFFFD800  }
.LBB2_1:
0x14: {  	[tilespmem:s3], [sflag:$0x5] =	stream.linear.gather [hbm4b:s4+s3], $0xC80, $0x38;
	[tilespmem:$0x6000] =	vst v63  }
.Ltmp2:
0x15: {  	_ = 	snop;
	(pc) =	sbr.rel .LBB2_2-.Ltmp2, $4  }
0x16: {  	_ =	swait.ge [sflag:s7], $0xC80  }
0x17: {  	s13 =	simm.s32 $0x80;
	[sflag:s7] =	ssyncset.done $0x0  }
0x18: {  	s14 =	smov.u32 s6;
	s15 =	simm.s32 $0x0;
	[sflag:s7] =	ssyncadd.s32 $0xFFFFF380  }
0x19: {  	[tilespmem:s9], [sflag:$0x1] =	stream.indirect.gather [hbm4b:s1+s8], $0x80, s3, s8, $0xb8;
	[tilespmem:$0x6000] =	vst v63  }
.LBB2_5:
0x1a: {  	s18 =	smul.u32 $0xA000, s17;
	_ =	sdelay $0x1  }
0x1b: {  	s18 =	sshrl.u32 s18, $0x2  }
0x1c: {  	s31 =	sadd.s32 $0x1, s17;
	s18 =	sadd.s32 $0x1000, s18  }
0x1d: {  	[tilespmem:s18], [sflag:s31] =	stream.indirect.gather [hbm4b:s1+s8], $0x80, s13, s8, $0xb8;
	[tilespmem:$0x6000] =	vst v63  }
.LBB2_6:
0x1e: {  	s15 =	sadd.s32 $0x1, s15  }
0x1f: {  	s17 =	sadd.s32 $0x1, s16;
	s18 =	smul.u32 $0xA000, s16;
	p0 =	sne.s32 s15, $0x19  }
.Ltmp3:
0x20: {  	_ =	swait.ge [sflag:s17], $0x2800;
	(pc) =	sbr.rel @!p0 .LBB2_7-.Ltmp3, $4  }
0x21: {  	[sflag:s17] =	ssyncset.done $0x0;
	s18 =	sshrl.u32 s18, $0x2  }
0x22: {  	s30 =	sadd.s32 $0x3, s16;
	[sflag:s17] =	ssyncadd.s32 $0xFFFFD800;
	s31 =	sadd.s32 $0x1000, s18  }
0x23: {  	[hbm4b:s14+s3] =	stream.linear.scatter [tilespmem:s31], [sflag:s30], $0x2800, $0x38;
	[tilespmem:$0x6000] =	vst v63  }
0x24: {  	s13 =	sadd.s32 $0x80, s13;
	s14 =	sadd.s32 $0x500, s14  }
.LBB2_2:
0x25: {  	p0 =	seq.s32 s15, $0x0  }
.Ltmp4:
0x26: {  	_ = 	snop;
	(pc) =	sbr.rel @p0 .LBB2_5-.Ltmp4, $3  }
0x27: {  	_ =	sdelay $0x1  }
0x28: {  	s16 =	sand.u32 $0x1, s15  }
0x29: {  	s17 =	sxor.u32 $0x1, s16  }
0x2a: {  	p0 =	seq.s32 s15, $0x18  }
.Ltmp5:
0x2b: {  	_ = 	snop;
	(pc) =	sbr.rel @p0 .LBB2_6-.Ltmp5, $1  }
0x2c: {  	_ =	sdelay $0x3  }
.Ltmp6:
0x2d: {  	(pc) =	sbr.rel .LBB2_5-.Ltmp6, $4  }
0x2e: {  	s18 =	sadd.s32 $0x3, s17  }
0x2f: {  	_ =	swait.ge [sflag:s18], $0x2800  }
0x30: {  	[sflag:s18] =	ssyncset.done $0x0  }
0x31: {  	[sflag:s18] =	ssyncadd.s32 $0xFFFFD800  }
.LBB2_8:
0x32: {  	_ =	sfence.sel $0x180000  }
0x33: {  	[bflag:$0x0] =	sbarrier.arrive $0xFFFF  }
0x34: {  	p0 =	sne.s32 s2, $0x0;
	_ =	strace $0x9000004D  }
0x35: {  	s0 =	sadd.s32 @!p0 $0x100000, s0;
	[bflag:$0x2] =	sbarrier.arrive $0xFFFF  }
0x36: {  	[sflag:s0] =	ssyncadd.tile.s32 @!p0 $0x1;
	_ =	shalt  }
.Lfunc_end2:
_tile_overlayer_lowered:
.L_overlay_start_2:
0x37: {  	(tag) =	ssettag $0x2  }
0x38: {  	s0 =	rddreg [dreg:$0x0];
	s2 =	stileid.u32  }
0x39: {  	s1 =	rddreg [dreg:$0x1];
	p0 =	sne.s32 s2, $0x0  }
0x3a: {  	s3 =	rddreg [dreg:$0x2];
	[bflag:$0x3] =	sbarrier.arrive $0xFFFF;
	s2 =	simm.s32 @!p0 $0x1C05  }
0x3b: {  	[timem:s3], [sflag:s2] =	dma.local @!p0 [hbm:s0], s1  }
0x3c: {  	s0 =	simm.s32 @!p0 $0x5  }
0x3d: {  	_ =	swait.ge @!p0 [sflag:s0], s1  }
0x3e: {  	s1 =	ssub.s32 @!p0 $0x0, s1;
	[sflag:s0] =	ssyncset.done @!p0 $0x0  }
0x3f: {  	[sflag:s0] =	ssyncadd.s32 @!p0 s1  }
0x40: {  	[bflag:$0x3] =	sbarrier.arrive $0xFFFF  }
0x41: {  	_ =	shalt  }

// kernel: kernel.39.cloned.1.call-start
scs
__scs_entry_jumppad:
0x0: {  	(pc) =	sbr.rel $0x88, $3  }
0x1: {  	(tag) =	ssettag $0x0;
	lr =	simm.s32 $0x1  }
0x2: {  	[smem:$0x3F9D] =	sst lr;
	_ =	strace $0xD0000000  }
0x3: {  	_ = 	snop  }
0x4: {  	_ = 	snop  }
0x5: {  	_ = 	snop  }
0x6: {  	_ = 	snop  }
0x7: {  	_ = 	snop  }
__scs_overlays_trampoline_lowered:
0x8: {  	[smem:$0x3FAC] =	sst s0  }
0x9: {  	[smem:$0x3FAD] =	sst s1  }
0xa: {  	[smem:$0x3FAE] =	sst s2  }
0xb: {  	[smem:$0x3FAF] =	sst s3  }
0xc: {  	[smem:$0x3FB0] =	sst s4  }
0xd: {  	[smem:$0x3FB1] =	sst s5  }
0xe: {  	[smem:$0x3FB2] =	sst s6  }
0xf: {  	[smem:$0x3FB3] =	sst s7  }
0x10: {  	[smem:$0x3FB4] =	sst s8  }
0x11: {  	[smem:$0x3FB5] =	sst s9;
	s0 =	simm.s32 @!p0 $0x0  }
0x12: {  	s1 =	sld [smem:$0x3F9B];
	s0 =	simm.s32 @p0 $0x1  }
0x13: {  	[smem:$0x3FB6] =	sst s0;
	s0 =	simm.s32 @!p1 $0x0  }
0x14: {  	s2 =	sld [smem:$0x3F9A];
	s0 =	simm.s32 @p1 $0x1  }
0x15: {  	[smem:$0x3FB7] =	sst s0;
	s0 =	simm.s32 @!p2 $0x0  }
0x16: {  	s3 =	sld [smem:$0x3FDB];
	s0 =	simm.s32 @p2 $0x1  }
0x17: {  	s4 =	simm.s32 $0x1BF5;
	[smem:$0x3FB9] =	sst s0  }
0x18: {  	s0 =	sld [smem:$0x3F9C];
	_ =	swait.ge [sflag:s4], $0x0  }
0x19: {  	s7 =	sld [smem:$0x3F9D]  }
0x1a: {  	s8 =	sadd.s32 $0xFFFFE003, lr  }
0x1b: {  	s9 =	sadd.s32 $0xFFFFFEF7, lr;
	s5 =	simm.s32 $0xFFFFFFFF;
	p2 =	slt.u32 s8, $0xFFFFF086  }
0x1c: {  	p1 =	slt.u32 s9, $0xF7A;
	s5 =	simm.s32 @!p2 $0x0  }
0x1d: {  	s5 =	simm.s32 @p1 $0x1;
	p0 =	seq.s32 s7, s2  }
0x1e: {  	s7 =	smul.u32 @!p0 $0xF7A, s2;
	p2 =	seq.s32 @!p0 s5, $0x0  }
0x1f: {  	s9 =	smul.u32 $0xF7A, s1;
	s8 =	simm.s32 @!p0 $0x1BF5;
	p2 =	por !p2, p0  }
0x20: {  	[sflag:s8] =	ssyncset.s32 @!p0 $0xFFFFF086;
	s6 =	sadd.s32 @!p0 s3, s7;
	s7 =	simm.s32 @!p0 $0x108  }
0x21: {  	s3 =	sadd.s32 s3, s9;
	s6 =	sadd.s32 @!p0 $0x88, s6;
	s7 =	simm.s32 @p2 $0x1082  }
0x22: {  	[simem:s7], [sflag:s8] =	dma.local @!p0 [hbm:s6], $0xF7A  }
0x23: {  	s9 =	sor.u32 $0xD0000000, s2;
	s6 =	simm.s32 $0x108;
	_ =	swait.ge @!p0 [sflag:s8], $0x0  }
0x24: {  	s3 =	sadd.s32 $0x88, s3;
	s6 =	simm.s32 @!p1 $0x1082;
	[sflag:s4] =	ssyncset.s32 $0xFFFFF086  }
0x25: {  	[simem:s6], [sflag:s4] =	dma.local [hbm:s3], $0xF7A  }
0x26: {  	[smem:$0x3F9D] =	sst s1;
	(tag) =	ssettag s2;
	_ =	strace s9  }
0x27: {  	s1 =	sld [smem:$0x3FAD]  }
0x28: {  	s2 =	sld [smem:$0x3FAE]  }
0x29: {  	s4 =	sld [smem:$0x3FB0]  }
0x2a: {  	p0 =	seq.s32 s5, $0x0;
	s5 =	sld [smem:$0x3FB1]  }
0x2b: {  	s6 =	sld [smem:$0x3FB2]  }
0x2c: {  	s7 =	sld [smem:$0x3FB3]  }
0x2d: {  	s3 =	simm.s32 $0x108;
	s8 =	sld [smem:$0x3FB4]  }
0x2e: {  	s3 =	simm.s32 @!p0 $0x1082;
	s9 =	sld [smem:$0x3FB5]  }
0x2f: {  	lr =	sadd.s32 s0, s3;
	s0 =	sld [smem:$0x3FAC]  }
0x30: {  	s3 =	sld [smem:$0x3FAF]  }
0x31: {  	[smem:$0x3FB8] =	sst s10  }
0x32: {  	s10 =	sld [smem:$0x3FB6];
	_ =	sdelay $0x3  }
0x33: {  	p0 =	seq.s32 s10, $0x1;
	s10 =	sld [smem:$0x3FB8];
	_ =	sdelay $0x3  }
0x34: {  	[smem:$0x3FB8] =	sst s10  }
0x35: {  	s10 =	sld [smem:$0x3FB7];
	_ =	sdelay $0x3  }
0x36: {  	p1 =	seq.s32 s10, $0x1;
	s10 =	sld [smem:$0x3FB8];
	_ =	sdelay $0x3  }
0x37: {  	[smem:$0x3FB8] =	sst s10  }
0x38: {  	s10 =	sld [smem:$0x3FB9]  }
0x39: {  	_ = 	snop;
	(pc) =	sbr.ind lr, $3  }
0x3a: {  	_ = 	snop  }
0x3b: {  	_ = 	snop  }
0x3c: {  	p2 =	seq.s32 s10, $0x1;
	s10 =	sld [smem:$0x3FB8]  }
0x3d: {  	_ =	shalt  }
0x3e: {  	_ =	shalt  }
0x3f: {  	_ =	shalt  }
0x40: {  	_ =	shalt  }
0x41: {  	_ =	shalt  }
0x42: {  	_ =	shalt  }
0x43: {  	_ =	shalt  }
0x44: {  	_ =	shalt  }
0x45: {  	_ =	shalt  }
0x46: {  	_ =	shalt  }
0x47: {  	_ =	shalt  }
0x48: {  	_ =	shalt  }
0x49: {  	_ =	shalt  }
0x4a: {  	_ =	shalt  }
0x4b: {  	_ =	shalt  }
0x4c: {  	_ =	shalt  }
0x4d: {  	_ =	shalt  }
0x4e: {  	_ =	shalt  }
0x4f: {  	_ =	shalt  }
0x50: {  	_ =	shalt  }
0x51: {  	_ =	shalt  }
0x52: {  	_ =	shalt  }
0x53: {  	_ =	shalt  }
0x54: {  	_ =	shalt  }
0x55: {  	_ =	shalt  }
0x56: {  	_ =	shalt  }
0x57: {  	_ =	shalt  }
0x58: {  	_ =	shalt  }
0x59: {  	_ =	shalt  }
0x5a: {  	_ =	shalt  }
0x5b: {  	_ =	shalt  }
0x5c: {  	_ =	shalt  }
0x5d: {  	_ =	shalt  }
0x5e: {  	_ =	shalt  }
0x5f: {  	_ =	shalt  }
0x60: {  	_ =	shalt  }
0x61: {  	_ =	shalt  }
0x62: {  	_ =	shalt  }
0x63: {  	_ =	shalt  }
0x64: {  	_ =	shalt  }
0x65: {  	_ =	shalt  }
0x66: {  	_ =	shalt  }
0x67: {  	_ =	shalt  }
0x68: {  	_ =	shalt  }
0x69: {  	_ =	shalt  }
0x6a: {  	_ =	shalt  }
0x6b: {  	_ =	shalt  }
0x6c: {  	_ =	shalt  }
0x6d: {  	_ =	shalt  }
0x6e: {  	_ =	shalt  }
0x6f: {  	_ =	shalt  }
0x70: {  	_ =	shalt  }
0x71: {  	_ =	shalt  }
0x72: {  	_ =	shalt  }
0x73: {  	_ =	shalt  }
0x74: {  	_ =	shalt  }
0x75: {  	_ =	shalt  }
0x76: {  	_ =	shalt  }
0x77: {  	_ =	shalt  }
0x78: {  	_ =	shalt  }
0x79: {  	_ =	shalt  }
0x7a: {  	_ =	shalt  }
0x7b: {  	_ =	shalt  }
0x7c: {  	_ =	shalt  }
0x7d: {  	_ =	shalt  }
0x7e: {  	_ =	shalt  }
0x7f: {  	_ =	shalt  }
0x80: {  	_ =	shalt  }
0x81: {  	_ =	shalt  }
0x82: {  	_ =	shalt  }
0x83: {  	_ =	shalt  }
0x84: {  	_ =	shalt  }
0x85: {  	_ =	shalt  }
0x86: {  	_ =	shalt  }
0x87: {  	_ =	shalt  }
.Lfunc_end0:
.L_simem_size_0:
called_computation.7_lowered:
.L_overlay_start_0:
0x88: {  	s2 =	sld [smem:$0x3FD9]  }
0x89: {  	s3 =	sld [smem:$0x3FFE];
	_ =	sdelay $0x1  }
0x8a: {  	s1 =	srdreg.scid  }
0x8b: {  	s0 =	sand.u32 $0x1, s1  }
0x8c: {  	s17 =	sshll.u32 s0, $0xA;
	s2 =	sadd.s32 s3, s2  }
0x8d: {  	s2 =	sadd.s32 s2, s17  }
0x8e: {  	[smem:$0x3FC4] =	sst s2  }
0x8f: {  	_ = 	snop  }
0x90: {  	(tm) =	ssettm $0x1  }
0x91: {  	s18 =	sld [smem:$0x3FFB];
	_ =	sdelay $0x3  }
0x92: {  	_ =	strace s18  }
0x93: {  	s2 =	sld [smem:$0x3FFC];
	_ =	sdelay $0x3  }
0x94: {  	_ =	strace s2  }
0x95: {  	s2 =	sld [smem:$0x3FFD];
	_ =	sdelay $0x3  }
0x96: {  	_ =	strace s2  }
0x97: {  	_ =	strace $0x8FFFFFFF  }
0x98: {  	s19 =	sld [smem:$0x3FDB];
	_ =	sdelay $0x1  }
0x99: {  	s20 =	simm.s32 $_scs_section_size  }
0x9a: {  	s4 =	simm.s32 $_size__tile_overlayer_lowered;
	s5 =	simm.s32 $_tile_overlayer_lowered  }
0x9b: {  	s6 =	simm.s32 $0x1BFF;
	s21 =	sshll.u32 s5, $0x1;
	s3 =	sadd.s32 s20, s19  }
0x9c: {  	s22 =	simm.s32 $0x0;
	s4 =	sshll.u32 s4, $0x1;
	s5 =	sadd.s32 s21, s3  }
0x9d: {  	[timem:s22], [sflag:s6] =	dma.local [hbm:s5], s4  }
0x9e: {  	_ =	swait.ge [sflag:s6], s4  }
0x9f: {  	s4 =	ssub.s32 $0x0, s4;
	[sflag:s6] =	ssyncset.done $0x0  }
0xa0: {  	[sflag:s6] =	ssyncadd.s32 s4;
	_ =	sdelay $0x1  }
0xa1: {  	s23 =	simm.s32 $0x1B8B  }
0xa2: {  	_ =	swait.ge [sflag:s23], $0x1  }
0xa3: {  	[sflag:s23] =	ssyncset.done $0x0  }
0xa4: {  	[sflag:s23] =	ssyncadd.s32 $0xFFFFFFFF  }
0xa5: {  	s4 =	sld [smem:$0x0]  }
0xa6: {  	s5 =	sand.u32 $0xFFFFFFFE, s1  }
0xa7: {  	p0 =	sne.s32 s1, s5  }
0xa8: {  	s5 =	sshll.u32 @p0 s5, $0xE  }
0xa9: {  	s5 =	sadd.s32 @p0 $0x11B8D, s5;
	s6 =	sshll.u32 @p0 s4, $0x11  }
0xaa: {  	s5 =	sor.u32 @p0 s6, s5  }
0xab: {  	[sflag:s5] =	ssyncadd.remote.s32 @p0 $0x1;
	_ =	sdelay $0x1  }
0xac: {  	s5 =	simm.s32 @p0 $0x1B8D  }
0xad: {  	_ =	swait.eq @p0 [sflag:s5], $0x1  }
0xae: {  	[sflag:s5] =	ssyncadd.s32 @p0 $0xFFFFFFFF  }
0xaf: {  	s6 =	sshll.u32 @!p0 s1, $0xE  }
0xb0: {  	s6 =	sor.u32 @!p0 $0x4000, s6;
	s5 =	simm.s32 @!p0 $0x1B8D  }
0xb1: {  	s4 =	sshll.u32 @!p0 s4, $0x11;
	s6 =	sadd.s32 @!p0 $0x11B8D, s6;
	_ =	swait.eq @!p0 [sflag:s5], $0x1  }
0xb2: {  	s4 =	sor.u32 @!p0 s4, s6;
	[sflag:s5] =	ssyncadd.s32 @!p0 $0xFFFFFFFF  }
0xb3: {  	s25 =	simm.s32 $0x1B8E;
	s24 =	sld [smem:$0x3FFE];
	[sflag:s4] =	ssyncadd.remote.s32 @!p0 $0x1  }
0xb4: {  	s26 =	simm.s32 $execute0_lowered;
	[smem:$0x3FD2] =	sst s25  }
0xb5: {  	s5 =	sshll.u32 s26, $0x1;
	_ =	strace $0x8000005B;
	[dreg:$0x1] =	wrdreg $0xFFFFFFFF  }
0xb6: {  	s28 =	simm.s32 $_size_execute0_lowered;
	s3 =	sadd.s32 s3, s5;
	[dreg:$0x0] =	wrdreg $0x0  }
0xb7: {  	s5 =	sshll.u32 s28, $0x1;
	[dreg:$0x2] =	wrdreg s3  }
0xb8: {  	[dreg:$0x3] =	wrdreg s5  }
0xb9: {  	[dreg:$0x4] =	wrdreg $0xC0  }
0xba: {  	_ =	task [dreg:s22], $0x5FFFF  }
0xbb: {  	[dreg:$0x1] =	wrdreg $0xFFFFFFFF  }
0xbc: {  	[dreg:$0x0] =	wrdreg $0x60  }
0xbd: {  	[dreg:$0x2] =	wrdreg s24  }
0xbe: {  	[dreg:$0x3] =	wrdreg $0x60000  }
0xbf: {  	[dreg:$0x4] =	wrdreg $0xD  }
0xc0: {  	_ =	task.clear_ibuf [dreg:s22], $0x5FFFF;
	_ =	strace $0x9000005B  }
0xc1: {  	s29 =	simm.s32 $0xD;
	_ =	strace $0x8000005D  }
0xc2: {  	_ =	swait.ge [sflag:s29], $0x1  }
0xc3: {  	[sflag:s29] =	ssyncadd.s32 $0xFFFFFFFF  }
0xc4: {  	_ =	strace $0x9000005D  }
0xc5: {  	_ =	sfence  }
0xc6: {  	s30 =	sld [smem:$0x0];
	_ =	sdelay $0x2  }
0xc7: {  	s31 =	sshll.u32 s1, $0xD;
	s1 =	sshrl.u32 s1, $0x2  }
0xc8: {  	s4 =	sand.u32 $0x4000, s31;
	s1 =	sadd.s32 s1, s30  }
0xc9: {  	s0 =	sor.u32 s4, s0;
	s1 =	sshll.u32 s1, $0x11  }
0xca: {  	s0 =	sor.u32 s1, s0  }
0xcb: {  	s0 =	sadd.s32 $0x8F2B, s0  }
0xcc: {  	[sflag:s0] =	ssyncadd.remote.s32 $0x1  }
0xcd: {  	_ =	sfence.sel $0xFFFF  }
0xce: {  	[dreg:$0x0] =	wrdreg $0xFFFFFFFF;
	(pc) =	sbr.abs _section_cstart, $3  }
0xcf: {  	[dreg:$0x1] =	wrdreg $0xFFFFFFFF  }
0xd0: {  	_ =	task.clear_ibuf [dreg:s22], $0x2FFFF;
	_ =	strace $0x9FFFFFFF  }
0xd1: {  	(tm) =	ssettm $0x7FFFFFFF  }
tec
execute0_lowered:
.L_overlay_start_1:
0x0: {  	(tag) =	ssettag $0x1  }
0x1: {  	s5 =	rddreg [dreg:$0x0]  }
0x2: {  	s2 =	rddreg [dreg:$0x1]  }
0x3: {  	s0 =	rddreg [dreg:$0x2];
	s3 =	simm.s32 $0x0;
	s1 =	stileid.u32  }
0x4: {  	s4 =	srdreg.scid;
	s15 =	simm.s32 $0xC00;
	s12 =	smul.u32 $0x50000, s1  }
0x5: {  	[smem:$0x7FF] =	sst s3;
	s7 =	sand.u32 $0x1, s4;
	s14 =	smul.u32 $0xFA00, s1  }
0x6: {  	s24 =	sshll.u32 s1, $0x1;
	s8 =	sadd.s32 $0xB2C00, s5;
	s17 =	smul.u32 $0x2800, s1  }
0x7: {  	s29 =	sshll.u32 s1, $0x6;
	_ =	strace $0x8000005C;
	s9 =	smul.u32 $0x28000, s7  }
0x8: {  	s6 =	sor.u32 s7, s24;
	s11 =	ssub.s32 $0x2, s7;
	s30 =	smul.u32 $0x7D00, s7  }
0x9: {  	s4 =	sshll.u32 s6, $0x9;
	s25 =	sshrl.u32 s11, $0x1;
	s26 =	sshrl.u32 s12, $0x2  }
0xa: {  	s28 =	smul.u32 $0x7D00, s6;
	s31 =	sadd.s32 s14, s8;
	s12 =	simm.s32 $0x1000  }
0xb: {  	s14 =	simm.s32 $0x1;
	s10 =	sadd.s32 s4, s5;
	s4 =	sadd.s32 $0x2C00, s5  }
0xc: {  	s9 =	sadd.s32 s9, s5;
	s11 =	ssub.s32 s11, s25;
	s13 =	sadd.s32 s26, s2  }
0xd: {  	s5 =	sor.u32 $0x1C03, s29;
	s6 =	sadd.s32 $0x502C00, s10;
	s7 =	sadd.s32 s8, s28  }
0xe: {  	s16 =	sadd.s32 $0x1ACC00, s9;
	s8 =	smax.u32 s11, $0x1;
	s9 =	sadd.s32 s30, s31  }
0xf: {  	s10 =	sshrl.u32 s13, $0x3;
	s11 =	simm.s32 $0x3;
	s13 =	simm.s32 $0x50  }
0x10: {  	s9 =	sadd.s32 $0x500, s9;
	s16 =	sadd.s32 s17, s16;
	s17 =	simm.s32 $0x0  }
.LBB2_1:
0x11: {  	[spmem:s10], [sflag:s5] =	dma.local [hbm:s4], $0x2800  }
0x12: {  	_ =	swait.ge [sflag:s11], $0x2800  }
0x13: {  	[sflag:s11] =	ssyncset.done $0x0  }
0x14: {  	s18 =	sand.u32 $0x1, s3;
	[sflag:s11] =	ssyncadd.s32 $0xFFFFD800  }
0x15: {  	[tilespmem:s3], [sflag:$0x3] =	stream.linear.gather [hbm4b:s6+s3], $0xC80, $0x38;
	[tilespmem:$0x1A000] =	vst v63  }
0x16: {  	s19 =	sxor.u32 $0x1, s18;
	s29 =	smul.u32 $0xA000, s18;
	_ =	swait.ge [sflag:s11], $0xC80  }
0x17: {  	s30 =	simm.s32 $0x1;
	s20 =	smul.u32 $0xA000, s19;
	[sflag:s11] =	ssyncset.done $0x0  }
0x18: {  	s23 =	simm.s32 $0x2;
	s18 =	sadd.s32 $0x1, s18;
	[sflag:s11] =	ssyncadd.s32 $0xFFFFF380  }
0x19: {  	s21 =	sshrl.u32 s29, $0x2;
	s20 =	sshrl.u32 s20, $0x2;
	[bflag:$0x0] =	sbarrier.arrive $0xFFFF  }
0x1a: {  	[tilespmem:s12], [sflag:$0x1] =	stream.linear.gather [hbm4b:s7+s3], $0x2800, $0x38;
	[tilespmem:$0x1A000] =	vst v63  }
0x1b: {  	s19 =	sadd.s32 $0x1, s19;
	s31 =	sadd.s32 $0x1000, s21;
	s20 =	sadd.s32 $0x1000, s20  }
0x1c: {  	[tilespmem:s20], [sflag:s19] =	stream.linear.gather [hbm4b:s9+s3], $0x2800, $0x38;
	[tilespmem:$0x1A000] =	vst v63  }
0x1d: {  	s19 =	sand.u32 $0x1, s30;
	s20 =	sadd.s32 $0x500, s9;
	_ =	swait.ge [sflag:s18], $0x2800  }
0x1e: {  	s21 =	sxor.u32 $0x1, s19;
	s22 =	smul.u32 $0xA000, s19;
	[sflag:s18] =	ssyncset.done $0x0  }
0x1f: {  	s24 =	smul.u32 $0xA000, s21;
	[sflag:s18] =	ssyncadd.s32 $0xFFFFD800;
	s18 =	simm.s32 $0x80  }
0x20: {  	[spmem:s2] =	stream.indirect.scatter.add.f32 [tilespmem:s31], [sflag:$0x3], $0x80, s3, s13, $0xb8;
	[tilespmem:$0x1A000] =	vst v63  }
.LBB2_2:
0x21: {  	s24 =	sshrl.u32 s24, $0x2;
	s22 =	sshrl.u32 s22, $0x2;
	_ =	swait.ge [sflag:s11], $0x2800  }
0x22: {  	s25 =	smov.u32 s23;
	s26 =	smov.u32 s18;
	s28 =	sadd.s32 $0x1, s23  }
0x23: {  	p0 =	sne.s32 s23, $0x17;
	s24 =	sadd.s32 $0x1000, s24;
	[sflag:s11] =	ssyncset.done $0x0  }
0x24: {  	s21 =	sadd.s32 $0x1, s21;
	s23 =	sadd.s32 $0x1, s19;
	[sflag:s11] =	ssyncadd.s32 $0xFFFFD800  }
0x25: {  	[tilespmem:s24], [sflag:s21] =	stream.linear.gather [hbm4b:s20+s3], $0x2800, $0x38;
	[tilespmem:$0x1A000] =	vst v63  }
.Ltmp0:
0x26: {  	s18 =	sadd.s32 $0x80, s18;
	s20 =	sadd.s32 $0x500, s20;
	(pc) =	sbr.rel @p0 .LBB2_2-.Ltmp0, $4  }
0x27: {  	s19 =	sand.u32 $0x1, s25;
	s25 =	sadd.s32 $0x1000, s22;
	_ =	swait.ge [sflag:s23], $0x2800  }
0x28: {  	s22 =	smul.u32 $0xA000, s19;
	s21 =	sxor.u32 $0x1, s19;
	[sflag:s23] =	ssyncset.done $0x0  }
0x29: {  	s24 =	smul.u32 $0xA000, s21;
	[sflag:s23] =	ssyncadd.s32 $0xFFFFD800;
	s23 =	smov.u32 s28  }
0x2a: {  	[spmem:s2] =	stream.indirect.scatter.add.f32 [tilespmem:s25], [sflag:$0x3], $0x80, s26, s13, $0xb8;
	[tilespmem:$0x1A000] =	vst v63  }
0x2b: {  	_ =	swait.ge [sflag:s11], $0x2800  }
0x2c: {  	s23 =	sshrl.u32 s24, $0x2;
	s21 =	sadd.s32 $0x1, s21;
	[sflag:s11] =	ssyncset.done $0x0  }
0x2d: {  	s19 =	sadd.s32 $0x1, s19;
	s23 =	sadd.s32 $0x1000, s23;
	[sflag:s11] =	ssyncadd.s32 $0xFFFFD800  }
0x2e: {  	[tilespmem:s23], [sflag:s21] =	stream.linear.gather [hbm4b:s20+s3], $0x2800, $0x38;
	[tilespmem:$0x1A000] =	vst v63  }
0x2f: {  	_ =	swait.ge [sflag:s19], $0x2800  }
0x30: {  	s31 =	sshrl.u32 s22, $0x2;
	[sflag:s19] =	ssyncset.done $0x0  }
0x31: {  	s20 =	sadd.s32 $0x1000, s31;
	[sflag:s19] =	ssyncadd.s32 $0xFFFFD800  }
0x32: {  	[spmem:s2] =	stream.indirect.scatter.add.f32 [tilespmem:s20], [sflag:$0x3], $0x80, s18, s13, $0xb8;
	[tilespmem:$0x1A000] =	vst v63  }
0x33: {  	_ =	swait.ge [sflag:s11], $0x2800  }
0x34: {  	[sflag:s11] =	ssyncset.done $0x0  }
0x35: {  	[sflag:s11] =	ssyncadd.s32 $0xFFFFD800  }
0x36: {  	_ =	swait.ge [sflag:s14], $0x2800  }
0x37: {  	[sflag:s14] =	ssyncset.done $0x0  }
0x38: {  	[sflag:s14] =	ssyncadd.s32 $0xFFFFD800  }
0x39: {  	[spmem:s2] =	stream.indirect.scatter.add.f32 [tilespmem:s12], [sflag:$0x3], $0x80, s15, s13, $0xb8;
	[tilespmem:$0x1A000] =	vst v63  }
0x3a: {  	_ =	swait.ge [sflag:s11], $0x2800  }
0x3b: {  	s17 =	sadd.s32 $0x1, s17;
	[sflag:s11] =	ssyncset.done $0x0  }
0x3c: {  	p0 =	sne.s32 s17, s8;
	[sflag:s11] =	ssyncadd.s32 $0xFFFFD800  }
.Ltmp1:
0x3d: {  	[bflag:$0x0] =	sbarrier.arrive $0xFFFF;
	(pc) =	sbr.rel @p0 .LBB2_1-.Ltmp1, $4  }
0x3e: {  	[hbm:s16], [sflag:s5] =	dma.local [spmem:s10], $0x2800  }
0x3f: {  	_ =	swait.ge [sflag:s11], $0x2800  }
0x40: {  	[sflag:s11] =	ssyncset.done $0x0  }
0x41: {  	[sflag:s11] =	ssyncadd.s32 $0xFFFFD800  }
0x42: {  	_ =	sfence.sel $0x180000  }
0x43: {  	[bflag:$0x0] =	sbarrier.arrive $0xFFFF  }
0x44: {  	p0 =	sne.s32 s1, $0x0;
	_ =	strace $0x9000005C  }
0x45: {  	s0 =	sadd.s32 @!p0 $0x100000, s0;
	[bflag:$0x2] =	sbarrier.arrive $0xFFFF  }
0x46: {  	[sflag:s0] =	ssyncadd.tile.s32 @!p0 $0x1;
	_ =	shalt  }
.Lfunc_end2:
_tile_overlayer_lowered:
.L_overlay_start_2:
0x47: {  	(tag) =	ssettag $0x2  }
0x48: {  	s0 =	rddreg [dreg:$0x0];
	s2 =	stileid.u32  }
0x49: {  	s1 =	rddreg [dreg:$0x1];
	p0 =	sne.s32 s2, $0x0  }
0x4a: {  	s3 =	rddreg [dreg:$0x2];
	[bflag:$0x3] =	sbarrier.arrive $0xFFFF;
	s2 =	simm.s32 @!p0 $0x1C03  }
0x4b: {  	[timem:s3], [sflag:s2] =	dma.local @!p0 [hbm:s0], s1  }
0x4c: {  	s0 =	simm.s32 @!p0 $0x3  }
0x4d: {  	_ =	swait.ge @!p0 [sflag:s0], s1  }
0x4e: {  	s1 =	ssub.s32 @!p0 $0x0, s1;
	[sflag:s0] =	ssyncset.done @!p0 $0x0  }
0x4f: {  	[sflag:s0] =	ssyncadd.s32 @!p0 s1  }
0x50: {  	[bflag:$0x3] =	sbarrier.arrive $0xFFFF  }
0x51: {  	_ =	shalt  }

// kernel: kernel.42.cloned.1.call-start
scs
__scs_entry_jumppad:
0x0: {  	(pc) =	sbr.rel $0x88, $3  }
0x1: {  	(tag) =	ssettag $0x0;
	lr =	simm.s32 $0x1  }
0x2: {  	[smem:$0x3F9D] =	sst lr;
	_ =	strace $0xD0000000  }
0x3: {  	_ = 	snop  }
0x4: {  	_ = 	snop  }
0x5: {  	_ = 	snop  }
0x6: {  	_ = 	snop  }
0x7: {  	_ = 	snop  }
__scs_overlays_trampoline_lowered:
0x8: {  	[smem:$0x3FAC] =	sst s0  }
0x9: {  	[smem:$0x3FAD] =	sst s1  }
0xa: {  	[smem:$0x3FAE] =	sst s2  }
0xb: {  	[smem:$0x3FAF] =	sst s3  }
0xc: {  	[smem:$0x3FB0] =	sst s4  }
0xd: {  	[smem:$0x3FB1] =	sst s5  }
0xe: {  	[smem:$0x3FB2] =	sst s6  }
0xf: {  	[smem:$0x3FB3] =	sst s7  }
0x10: {  	[smem:$0x3FB4] =	sst s8  }
0x11: {  	[smem:$0x3FB5] =	sst s9;
	s0 =	simm.s32 @!p0 $0x0  }
0x12: {  	s1 =	sld [smem:$0x3F9B];
	s0 =	simm.s32 @p0 $0x1  }
0x13: {  	[smem:$0x3FB6] =	sst s0;
	s0 =	simm.s32 @!p1 $0x0  }
0x14: {  	s2 =	sld [smem:$0x3F9A];
	s0 =	simm.s32 @p1 $0x1  }
0x15: {  	[smem:$0x3FB7] =	sst s0;
	s0 =	simm.s32 @!p2 $0x0  }
0x16: {  	s3 =	sld [smem:$0x3FDB];
	s0 =	simm.s32 @p2 $0x1  }
0x17: {  	s4 =	simm.s32 $0x1BF5;
	[smem:$0x3FB9] =	sst s0  }
0x18: {  	s0 =	sld [smem:$0x3F9C];
	_ =	swait.ge [sflag:s4], $0x0  }
0x19: {  	s7 =	sld [smem:$0x3F9D]  }
0x1a: {  	s8 =	sadd.s32 $0xFFFFE003, lr  }
0x1b: {  	s9 =	sadd.s32 $0xFFFFFEF7, lr;
	s5 =	simm.s32 $0xFFFFFFFF;
	p2 =	slt.u32 s8, $0xFFFFF086  }
0x1c: {  	p1 =	slt.u32 s9, $0xF7A;
	s5 =	simm.s32 @!p2 $0x0  }
0x1d: {  	s5 =	simm.s32 @p1 $0x1;
	p0 =	seq.s32 s7, s2  }
0x1e: {  	s7 =	smul.u32 @!p0 $0xF7A, s2;
	p2 =	seq.s32 @!p0 s5, $0x0  }
0x1f: {  	s9 =	smul.u32 $0xF7A, s1;
	s8 =	simm.s32 @!p0 $0x1BF5;
	p2 =	por !p2, p0  }
0x20: {  	[sflag:s8] =	ssyncset.s32 @!p0 $0xFFFFF086;
	s6 =	sadd.s32 @!p0 s3, s7;
	s7 =	simm.s32 @!p0 $0x108  }
0x21: {  	s3 =	sadd.s32 s3, s9;
	s6 =	sadd.s32 @!p0 $0x88, s6;
	s7 =	simm.s32 @p2 $0x1082  }
0x22: {  	[simem:s7], [sflag:s8] =	dma.local @!p0 [hbm:s6], $0xF7A  }
0x23: {  	s9 =	sor.u32 $0xD0000000, s2;
	s6 =	simm.s32 $0x108;
	_ =	swait.ge @!p0 [sflag:s8], $0x0  }
0x24: {  	s3 =	sadd.s32 $0x88, s3;
	s6 =	simm.s32 @!p1 $0x1082;
	[sflag:s4] =	ssyncset.s32 $0xFFFFF086  }
0x25: {  	[simem:s6], [sflag:s4] =	dma.local [hbm:s3], $0xF7A  }
0x26: {  	[smem:$0x3F9D] =	sst s1;
	(tag) =	ssettag s2;
	_ =	strace s9  }
0x27: {  	s1 =	sld [smem:$0x3FAD]  }
0x28: {  	s2 =	sld [smem:$0x3FAE]  }
0x29: {  	s4 =	sld [smem:$0x3FB0]  }
0x2a: {  	p0 =	seq.s32 s5, $0x0;
	s5 =	sld [smem:$0x3FB1]  }
0x2b: {  	s6 =	sld [smem:$0x3FB2]  }
0x2c: {  	s7 =	sld [smem:$0x3FB3]  }
0x2d: {  	s3 =	simm.s32 $0x108;
	s8 =	sld [smem:$0x3FB4]  }
0x2e: {  	s3 =	simm.s32 @!p0 $0x1082;
	s9 =	sld [smem:$0x3FB5]  }
0x2f: {  	lr =	sadd.s32 s0, s3;
	s0 =	sld [smem:$0x3FAC]  }
0x30: {  	s3 =	sld [smem:$0x3FAF]  }
0x31: {  	[smem:$0x3FB8] =	sst s10  }
0x32: {  	s10 =	sld [smem:$0x3FB6];
	_ =	sdelay $0x3  }
0x33: {  	p0 =	seq.s32 s10, $0x1;
	s10 =	sld [smem:$0x3FB8];
	_ =	sdelay $0x3  }
0x34: {  	[smem:$0x3FB8] =	sst s10  }
0x35: {  	s10 =	sld [smem:$0x3FB7];
	_ =	sdelay $0x3  }
0x36: {  	p1 =	seq.s32 s10, $0x1;
	s10 =	sld [smem:$0x3FB8];
	_ =	sdelay $0x3  }
0x37: {  	[smem:$0x3FB8] =	sst s10  }
0x38: {  	s10 =	sld [smem:$0x3FB9]  }
0x39: {  	_ = 	snop;
	(pc) =	sbr.ind lr, $3  }
0x3a: {  	_ = 	snop  }
0x3b: {  	_ = 	snop  }
0x3c: {  	p2 =	seq.s32 s10, $0x1;
	s10 =	sld [smem:$0x3FB8]  }
0x3d: {  	_ =	shalt  }
0x3e: {  	_ =	shalt  }
0x3f: {  	_ =	shalt  }
0x40: {  	_ =	shalt  }
0x41: {  	_ =	shalt  }
0x42: {  	_ =	shalt  }
0x43: {  	_ =	shalt  }
0x44: {  	_ =	shalt  }
0x45: {  	_ =	shalt  }
0x46: {  	_ =	shalt  }
0x47: {  	_ =	shalt  }
0x48: {  	_ =	shalt  }
0x49: {  	_ =	shalt  }
0x4a: {  	_ =	shalt  }
0x4b: {  	_ =	shalt  }
0x4c: {  	_ =	shalt  }
0x4d: {  	_ =	shalt  }
0x4e: {  	_ =	shalt  }
0x4f: {  	_ =	shalt  }
0x50: {  	_ =	shalt  }
0x51: {  	_ =	shalt  }
0x52: {  	_ =	shalt  }
0x53: {  	_ =	shalt  }
0x54: {  	_ =	shalt  }
0x55: {  	_ =	shalt  }
0x56: {  	_ =	shalt  }
0x57: {  	_ =	shalt  }
0x58: {  	_ =	shalt  }
0x59: {  	_ =	shalt  }
0x5a: {  	_ =	shalt  }
0x5b: {  	_ =	shalt  }
0x5c: {  	_ =	shalt  }
0x5d: {  	_ =	shalt  }
0x5e: {  	_ =	shalt  }
0x5f: {  	_ =	shalt  }
0x60: {  	_ =	shalt  }
0x61: {  	_ =	shalt  }
0x62: {  	_ =	shalt  }
0x63: {  	_ =	shalt  }
0x64: {  	_ =	shalt  }
0x65: {  	_ =	shalt  }
0x66: {  	_ =	shalt  }
0x67: {  	_ =	shalt  }
0x68: {  	_ =	shalt  }
0x69: {  	_ =	shalt  }
0x6a: {  	_ =	shalt  }
0x6b: {  	_ =	shalt  }
0x6c: {  	_ =	shalt  }
0x6d: {  	_ =	shalt  }
0x6e: {  	_ =	shalt  }
0x6f: {  	_ =	shalt  }
0x70: {  	_ =	shalt  }
0x71: {  	_ =	shalt  }
0x72: {  	_ =	shalt  }
0x73: {  	_ =	shalt  }
0x74: {  	_ =	shalt  }
0x75: {  	_ =	shalt  }
0x76: {  	_ =	shalt  }
0x77: {  	_ =	shalt  }
0x78: {  	_ =	shalt  }
0x79: {  	_ =	shalt  }
0x7a: {  	_ =	shalt  }
0x7b: {  	_ =	shalt  }
0x7c: {  	_ =	shalt  }
0x7d: {  	_ =	shalt  }
0x7e: {  	_ =	shalt  }
0x7f: {  	_ =	shalt  }
0x80: {  	_ =	shalt  }
0x81: {  	_ =	shalt  }
0x82: {  	_ =	shalt  }
0x83: {  	_ =	shalt  }
0x84: {  	_ =	shalt  }
0x85: {  	_ =	shalt  }
0x86: {  	_ =	shalt  }
0x87: {  	_ =	shalt  }
.Lfunc_end0:
.L_simem_size_0:
called_computation.8_lowered:
.L_overlay_start_0:
0x88: {  	s2 =	sld [smem:$0x3FD9]  }
0x89: {  	s3 =	sld [smem:$0x3FFE];
	_ =	sdelay $0x1  }
0x8a: {  	s1 =	srdreg.scid  }
0x8b: {  	s0 =	sand.u32 $0x1, s1  }
0x8c: {  	s17 =	sshll.u32 s0, $0xA;
	s2 =	sadd.s32 s3, s2  }
0x8d: {  	s2 =	sadd.s32 s2, s17  }
0x8e: {  	[smem:$0x3FC4] =	sst s2  }
0x8f: {  	_ = 	snop  }
0x90: {  	s18 =	sld [smem:$0x3FC9];
	(tm) =	ssettm $0x1  }
0x91: {  	s19 =	sld [smem:$0x3FFB];
	_ =	sdelay $0x3  }
0x92: {  	_ =	strace s19  }
0x93: {  	s2 =	sld [smem:$0x3FFC];
	_ =	sdelay $0x3  }
0x94: {  	_ =	strace s2  }
0x95: {  	s2 =	sld [smem:$0x3FFD];
	_ =	sdelay $0x3  }
0x96: {  	_ =	strace s2  }
0x97: {  	_ =	strace $0x8FFFFFFF  }
0x98: {  	s20 =	sld [smem:$0x3FDB];
	_ =	sdelay $0x1  }
0x99: {  	s4 =	simm.s32 $_scs_section_size  }
0x9a: {  	s5 =	simm.s32 $_size__tile_overlayer_lowered;
	s6 =	simm.s32 $_tile_overlayer_lowered  }
0x9b: {  	s7 =	simm.s32 $0x1BFF;
	s21 =	sshll.u32 s6, $0x1;
	s4 =	sadd.s32 s4, s20  }
0x9c: {  	s22 =	simm.s32 $0x0;
	s5 =	sshll.u32 s5, $0x1;
	s6 =	sadd.s32 s21, s4  }
0x9d: {  	[timem:s22], [sflag:s7] =	dma.local [hbm:s6], s5  }
0x9e: {  	_ =	swait.ge [sflag:s7], s5  }
0x9f: {  	s5 =	ssub.s32 $0x0, s5;
	[sflag:s7] =	ssyncset.done $0x0  }
0xa0: {  	[sflag:s7] =	ssyncadd.s32 s5;
	_ =	sdelay $0x1  }
0xa1: {  	s23 =	simm.s32 $0x1B8B  }
0xa2: {  	_ =	swait.ge [sflag:s23], $0x1  }
0xa3: {  	[sflag:s23] =	ssyncset.done $0x0  }
0xa4: {  	[sflag:s23] =	ssyncadd.s32 $0xFFFFFFFF  }
0xa5: {  	s5 =	sld [smem:$0x0]  }
0xa6: {  	s6 =	sand.u32 $0xFFFFFFFE, s1  }
0xa7: {  	p0 =	sne.s32 s1, s6  }
0xa8: {  	s6 =	sshll.u32 @p0 s6, $0xE  }
0xa9: {  	s6 =	sadd.s32 @p0 $0x11B8D, s6;
	s7 =	sshll.u32 @p0 s5, $0x11  }
0xaa: {  	s6 =	sor.u32 @p0 s7, s6  }
0xab: {  	[sflag:s6] =	ssyncadd.remote.s32 @p0 $0x1;
	_ =	sdelay $0x1  }
0xac: {  	s6 =	simm.s32 @p0 $0x1B8D  }
0xad: {  	_ =	swait.eq @p0 [sflag:s6], $0x1  }
0xae: {  	[sflag:s6] =	ssyncadd.s32 @p0 $0xFFFFFFFF  }
0xaf: {  	s7 =	sshll.u32 @!p0 s1, $0xE  }
0xb0: {  	s7 =	sor.u32 @!p0 $0x4000, s7;
	s6 =	simm.s32 @!p0 $0x1B8D  }
0xb1: {  	s5 =	sshll.u32 @!p0 s5, $0x11;
	s7 =	sadd.s32 @!p0 $0x11B8D, s7;
	_ =	swait.eq @!p0 [sflag:s6], $0x1  }
0xb2: {  	s5 =	sor.u32 @!p0 s5, s7;
	[sflag:s6] =	ssyncadd.s32 @!p0 $0xFFFFFFFF  }
0xb3: {  	s25 =	simm.s32 $0x1B8E;
	s24 =	sld [smem:$0x3FFE];
	[sflag:s5] =	ssyncadd.remote.s32 @!p0 $0x1  }
0xb4: {  	s26 =	simm.s32 $execute0_lowered;
	[smem:$0x3FD2] =	sst s25  }
0xb5: {  	s6 =	sshll.u32 s26, $0x1;
	_ =	strace $0x8000004F;
	[dreg:$0x1] =	wrdreg $0xFFFFFFFF  }
0xb6: {  	s28 =	simm.s32 $_size_execute0_lowered;
	s4 =	sadd.s32 s4, s6;
	[dreg:$0x0] =	wrdreg $0x0  }
0xb7: {  	s6 =	sshll.u32 s28, $0x1;
	[dreg:$0x2] =	wrdreg s4  }
0xb8: {  	[dreg:$0x3] =	wrdreg s6  }
0xb9: {  	[dreg:$0x4] =	wrdreg $0xC0  }
0xba: {  	_ =	task [dreg:s22], $0x5FFFF  }
0xbb: {  	[dreg:$0x1] =	wrdreg $0xFFFFFFFF  }
0xbc: {  	[dreg:$0x0] =	wrdreg $0x60  }
0xbd: {  	[dreg:$0x2] =	wrdreg s18  }
0xbe: {  	[dreg:$0x3] =	wrdreg s24  }
0xbf: {  	[dreg:$0x4] =	wrdreg $0xC  }
0xc0: {  	_ =	task.clear_ibuf [dreg:s22], $0x5FFFF;
	_ =	strace $0x9000004F  }
0xc1: {  	s29 =	simm.s32 $0xC;
	_ =	strace $0x80000051  }
0xc2: {  	_ =	swait.ge [sflag:s29], $0x1  }
0xc3: {  	[sflag:s29] =	ssyncadd.s32 $0xFFFFFFFF  }
0xc4: {  	_ =	strace $0x90000051  }
0xc5: {  	_ =	sfence  }
0xc6: {  	s30 =	sld [smem:$0x0];
	_ =	sdelay $0x2  }
0xc7: {  	s31 =	sshll.u32 s1, $0xD;
	s1 =	sshrl.u32 s1, $0x2  }
0xc8: {  	s4 =	sand.u32 $0x4000, s31;
	s1 =	sadd.s32 s1, s30  }
0xc9: {  	s0 =	sor.u32 s4, s0;
	s1 =	sshll.u32 s1, $0x11  }
0xca: {  	s0 =	sor.u32 s1, s0  }
0xcb: {  	s0 =	sadd.s32 $0x8F2B, s0  }
0xcc: {  	[sflag:s0] =	ssyncadd.remote.s32 $0x1  }
0xcd: {  	_ =	sfence.sel $0xFFFF  }
0xce: {  	[dreg:$0x0] =	wrdreg $0xFFFFFFFF;
	(pc) =	sbr.abs _section_cstart, $3  }
0xcf: {  	[dreg:$0x1] =	wrdreg $0xFFFFFFFF  }
0xd0: {  	_ =	task.clear_ibuf [dreg:s22], $0x2FFFF;
	_ =	strace $0x9FFFFFFF  }
0xd1: {  	(tm) =	ssettm $0x7FFFFFFF  }
tec
execute0_lowered:
.L_overlay_start_1:
0x0: {  	(tag) =	ssettag $0x1  }
0x1: {  	s1 =	rddreg [dreg:$0x0]  }
0x2: {  	s4 =	rddreg [dreg:$0x1]  }
0x3: {  	s0 =	rddreg [dreg:$0x2]  }
0x4: {  	s3 =	simm.s32 $0x0;
	s5 =	srdreg.scid;
	s2 =	stileid.u32  }
0x5: {  	s10 =	simm.s32 $0x3;
	s11 =	simm.s32 $0x4;
	s12 =	simm.s32 $0x0  }
0x6: {  	[smem:$0x7FF] =	sst s3;
	s5 =	sand.u32 $0x1, s5;
	s7 =	smul.u32 $0xFA00, s2  }
0x7: {  	s8 =	sshll.u32 s5, $0x9;
	s9 =	ssub.s32 $0x2, s5;
	s5 =	smul.u32 $0x7D00, s5  }
.Ltmp0:
0x8: {  	s6 =	sshll.u32 s2, $0xA;
	_ =	strace $0x80000050;
	(pc) =	sbr.rel .LBB2_1-.Ltmp0, $4  }
0x9: {  	s6 =	sor.u32 s8, s6;
	s7 =	sadd.s32 s7, s4;
	s30 =	sshrl.u32 s9, $0x1  }
0xa: {  	s8 =	simm.s32 $0x50;
	s4 =	sadd.s32 s6, s4;
	s31 =	ssub.s32 s9, s30  }
0xb: {  	s7 =	sadd.s32 s5, s7;
	s9 =	simm.s32 $0x1000;
	s4 =	sadd.s32 $0xEC00, s4  }
0xc: {  	s5 =	smax.u32 s31, $0x1;
	s6 =	sadd.s32 $0x300C00, s7;
	s7 =	simm.s32 $0x5  }
.LBB2_7:
0xd: {  	s12 =	sadd.s32 $0x1, s12  }
0xe: {  	_ =	swait.ge [sflag:s10], $0x2800;
	p0 =	sne.s32 s12, s5  }
.Ltmp1:
0xf: {  	[sflag:s10] =	ssyncset.done $0x0;
	(pc) =	sbr.rel @!p0 .LBB2_8-.Ltmp1, $4  }
0x10: {  	[sflag:s10] =	ssyncadd.s32 $0xFFFFD800  }
0x11: {  	_ =	swait.ge [sflag:s11], $0x2800  }
0x12: {  	[sflag:s11] =	ssyncset.done $0x0  }
0x13: {  	[sflag:s11] =	ssyncadd.s32 $0xFFFFD800  }
.LBB2_1:
0x14: {  	[tilespmem:s3], [sflag:$0x5] =	stream.linear.gather [hbm4b:s4+s3], $0xC80, $0x38;
	[tilespmem:$0x6000] =	vst v63  }
.Ltmp2:
0x15: {  	_ = 	snop;
	(pc) =	sbr.rel .LBB2_2-.Ltmp2, $4  }
0x16: {  	_ =	swait.ge [sflag:s7], $0xC80  }
0x17: {  	s13 =	simm.s32 $0x80;
	[sflag:s7] =	ssyncset.done $0x0  }
0x18: {  	s14 =	smov.u32 s6;
	s15 =	simm.s32 $0x0;
	[sflag:s7] =	ssyncadd.s32 $0xFFFFF380  }
0x19: {  	[tilespmem:s9], [sflag:$0x1] =	stream.indirect.gather [hbm4b:s1+s8], $0x80, s3, s8, $0xb8;
	[tilespmem:$0x6000] =	vst v63  }
.LBB2_5:
0x1a: {  	s18 =	smul.u32 $0xA000, s17;
	_ =	sdelay $0x1  }
0x1b: {  	s18 =	sshrl.u32 s18, $0x2  }
0x1c: {  	s31 =	sadd.s32 $0x1, s17;
	s18 =	sadd.s32 $0x1000, s18  }
0x1d: {  	[tilespmem:s18], [sflag:s31] =	stream.indirect.gather [hbm4b:s1+s8], $0x80, s13, s8, $0xb8;
	[tilespmem:$0x6000] =	vst v63  }
.LBB2_6:
0x1e: {  	s15 =	sadd.s32 $0x1, s15  }
0x1f: {  	s17 =	sadd.s32 $0x1, s16;
	s18 =	smul.u32 $0xA000, s16;
	p0 =	sne.s32 s15, $0x19  }
.Ltmp3:
0x20: {  	_ =	swait.ge [sflag:s17], $0x2800;
	(pc) =	sbr.rel @!p0 .LBB2_7-.Ltmp3, $4  }
0x21: {  	[sflag:s17] =	ssyncset.done $0x0;
	s18 =	sshrl.u32 s18, $0x2  }
0x22: {  	s30 =	sadd.s32 $0x3, s16;
	[sflag:s17] =	ssyncadd.s32 $0xFFFFD800;
	s31 =	sadd.s32 $0x1000, s18  }
0x23: {  	[hbm4b:s14+s3] =	stream.linear.scatter [tilespmem:s31], [sflag:s30], $0x2800, $0x38;
	[tilespmem:$0x6000] =	vst v63  }
0x24: {  	s13 =	sadd.s32 $0x80, s13;
	s14 =	sadd.s32 $0x500, s14  }
.LBB2_2:
0x25: {  	p0 =	seq.s32 s15, $0x0  }
.Ltmp4:
0x26: {  	_ = 	snop;
	(pc) =	sbr.rel @p0 .LBB2_5-.Ltmp4, $3  }
0x27: {  	_ =	sdelay $0x1  }
0x28: {  	s16 =	sand.u32 $0x1, s15  }
0x29: {  	s17 =	sxor.u32 $0x1, s16  }
0x2a: {  	p0 =	seq.s32 s15, $0x18  }
.Ltmp5:
0x2b: {  	_ = 	snop;
	(pc) =	sbr.rel @p0 .LBB2_6-.Ltmp5, $1  }
0x2c: {  	_ =	sdelay $0x3  }
.Ltmp6:
0x2d: {  	(pc) =	sbr.rel .LBB2_5-.Ltmp6, $4  }
0x2e: {  	s18 =	sadd.s32 $0x3, s17  }
0x2f: {  	_ =	swait.ge [sflag:s18], $0x2800  }
0x30: {  	[sflag:s18] =	ssyncset.done $0x0  }
0x31: {  	[sflag:s18] =	ssyncadd.s32 $0xFFFFD800  }
.LBB2_8:
0x32: {  	_ =	sfence.sel $0x180000  }
0x33: {  	[bflag:$0x0] =	sbarrier.arrive $0xFFFF  }
0x34: {  	p0 =	sne.s32 s2, $0x0;
	_ =	strace $0x90000050  }
0x35: {  	s0 =	sadd.s32 @!p0 $0x100000, s0;
	[bflag:$0x2] =	sbarrier.arrive $0xFFFF  }
0x36: {  	[sflag:s0] =	ssyncadd.tile.s32 @!p0 $0x1;
	_ =	shalt  }
.Lfunc_end2:
_tile_overlayer_lowered:
.L_overlay_start_2:
0x37: {  	(tag) =	ssettag $0x2  }
0x38: {  	s0 =	rddreg [dreg:$0x0];
	s2 =	stileid.u32  }
0x39: {  	s1 =	rddreg [dreg:$0x1];
	p0 =	sne.s32 s2, $0x0  }
0x3a: {  	s3 =	rddreg [dreg:$0x2];
	[bflag:$0x3] =	sbarrier.arrive $0xFFFF;
	s2 =	simm.s32 @!p0 $0x1C05  }
0x3b: {  	[timem:s3], [sflag:s2] =	dma.local @!p0 [hbm:s0], s1  }
0x3c: {  	s0 =	simm.s32 @!p0 $0x5  }
0x3d: {  	_ =	swait.ge @!p0 [sflag:s0], s1  }
0x3e: {  	s1 =	ssub.s32 @!p0 $0x0, s1;
	[sflag:s0] =	ssyncset.done @!p0 $0x0  }
0x3f: {  	[sflag:s0] =	ssyncadd.s32 @!p0 s1  }
0x40: {  	[bflag:$0x3] =	sbarrier.arrive $0xFFFF  }
0x41: {  	_ =	shalt  }

// kernel: kernel.45.cloned.1.call-start
scs
__scs_entry_jumppad:
0x0: {  	(pc) =	sbr.rel $0x88, $3  }
0x1: {  	(tag) =	ssettag $0x0;
	lr =	simm.s32 $0x1  }
0x2: {  	[smem:$0x3F9D] =	sst lr;
	_ =	strace $0xD0000000  }
0x3: {  	_ = 	snop  }
0x4: {  	_ = 	snop  }
0x5: {  	_ = 	snop  }
0x6: {  	_ = 	snop  }
0x7: {  	_ = 	snop  }
__scs_overlays_trampoline_lowered:
0x8: {  	[smem:$0x3FAC] =	sst s0  }
0x9: {  	[smem:$0x3FAD] =	sst s1  }
0xa: {  	[smem:$0x3FAE] =	sst s2  }
0xb: {  	[smem:$0x3FAF] =	sst s3  }
0xc: {  	[smem:$0x3FB0] =	sst s4  }
0xd: {  	[smem:$0x3FB1] =	sst s5  }
0xe: {  	[smem:$0x3FB2] =	sst s6  }
0xf: {  	[smem:$0x3FB3] =	sst s7  }
0x10: {  	[smem:$0x3FB4] =	sst s8  }
0x11: {  	[smem:$0x3FB5] =	sst s9;
	s0 =	simm.s32 @!p0 $0x0  }
0x12: {  	s1 =	sld [smem:$0x3F9B];
	s0 =	simm.s32 @p0 $0x1  }
0x13: {  	[smem:$0x3FB6] =	sst s0;
	s0 =	simm.s32 @!p1 $0x0  }
0x14: {  	s2 =	sld [smem:$0x3F9A];
	s0 =	simm.s32 @p1 $0x1  }
0x15: {  	[smem:$0x3FB7] =	sst s0;
	s0 =	simm.s32 @!p2 $0x0  }
0x16: {  	s3 =	sld [smem:$0x3FDB];
	s0 =	simm.s32 @p2 $0x1  }
0x17: {  	s4 =	simm.s32 $0x1BF5;
	[smem:$0x3FB9] =	sst s0  }
0x18: {  	s0 =	sld [smem:$0x3F9C];
	_ =	swait.ge [sflag:s4], $0x0  }
0x19: {  	s7 =	sld [smem:$0x3F9D]  }
0x1a: {  	s8 =	sadd.s32 $0xFFFFE003, lr  }
0x1b: {  	s9 =	sadd.s32 $0xFFFFFEF7, lr;
	s5 =	simm.s32 $0xFFFFFFFF;
	p2 =	slt.u32 s8, $0xFFFFF086  }
0x1c: {  	p1 =	slt.u32 s9, $0xF7A;
	s5 =	simm.s32 @!p2 $0x0  }
0x1d: {  	s5 =	simm.s32 @p1 $0x1;
	p0 =	seq.s32 s7, s2  }
0x1e: {  	s7 =	smul.u32 @!p0 $0xF7A, s2;
	p2 =	seq.s32 @!p0 s5, $0x0  }
0x1f: {  	s9 =	smul.u32 $0xF7A, s1;
	s8 =	simm.s32 @!p0 $0x1BF5;
	p2 =	por !p2, p0  }
0x20: {  	[sflag:s8] =	ssyncset.s32 @!p0 $0xFFFFF086;
	s6 =	sadd.s32 @!p0 s3, s7;
	s7 =	simm.s32 @!p0 $0x108  }
0x21: {  	s3 =	sadd.s32 s3, s9;
	s6 =	sadd.s32 @!p0 $0x88, s6;
	s7 =	simm.s32 @p2 $0x1082  }
0x22: {  	[simem:s7], [sflag:s8] =	dma.local @!p0 [hbm:s6], $0xF7A  }
0x23: {  	s9 =	sor.u32 $0xD0000000, s2;
	s6 =	simm.s32 $0x108;
	_ =	swait.ge @!p0 [sflag:s8], $0x0  }
0x24: {  	s3 =	sadd.s32 $0x88, s3;
	s6 =	simm.s32 @!p1 $0x1082;
	[sflag:s4] =	ssyncset.s32 $0xFFFFF086  }
0x25: {  	[simem:s6], [sflag:s4] =	dma.local [hbm:s3], $0xF7A  }
0x26: {  	[smem:$0x3F9D] =	sst s1;
	(tag) =	ssettag s2;
	_ =	strace s9  }
0x27: {  	s1 =	sld [smem:$0x3FAD]  }
0x28: {  	s2 =	sld [smem:$0x3FAE]  }
0x29: {  	s4 =	sld [smem:$0x3FB0]  }
0x2a: {  	p0 =	seq.s32 s5, $0x0;
	s5 =	sld [smem:$0x3FB1]  }
0x2b: {  	s6 =	sld [smem:$0x3FB2]  }
0x2c: {  	s7 =	sld [smem:$0x3FB3]  }
0x2d: {  	s3 =	simm.s32 $0x108;
	s8 =	sld [smem:$0x3FB4]  }
0x2e: {  	s3 =	simm.s32 @!p0 $0x1082;
	s9 =	sld [smem:$0x3FB5]  }
0x2f: {  	lr =	sadd.s32 s0, s3;
	s0 =	sld [smem:$0x3FAC]  }
0x30: {  	s3 =	sld [smem:$0x3FAF]  }
0x31: {  	[smem:$0x3FB8] =	sst s10  }
0x32: {  	s10 =	sld [smem:$0x3FB6];
	_ =	sdelay $0x3  }
0x33: {  	p0 =	seq.s32 s10, $0x1;
	s10 =	sld [smem:$0x3FB8];
	_ =	sdelay $0x3  }
0x34: {  	[smem:$0x3FB8] =	sst s10  }
0x35: {  	s10 =	sld [smem:$0x3FB7];
	_ =	sdelay $0x3  }
0x36: {  	p1 =	seq.s32 s10, $0x1;
	s10 =	sld [smem:$0x3FB8];
	_ =	sdelay $0x3  }
0x37: {  	[smem:$0x3FB8] =	sst s10  }
0x38: {  	s10 =	sld [smem:$0x3FB9]  }
0x39: {  	_ = 	snop;
	(pc) =	sbr.ind lr, $3  }
0x3a: {  	_ = 	snop  }
0x3b: {  	_ = 	snop  }
0x3c: {  	p2 =	seq.s32 s10, $0x1;
	s10 =	sld [smem:$0x3FB8]  }
0x3d: {  	_ =	shalt  }
0x3e: {  	_ =	shalt  }
0x3f: {  	_ =	shalt  }
0x40: {  	_ =	shalt  }
0x41: {  	_ =	shalt  }
0x42: {  	_ =	shalt  }
0x43: {  	_ =	shalt  }
0x44: {  	_ =	shalt  }
0x45: {  	_ =	shalt  }
0x46: {  	_ =	shalt  }
0x47: {  	_ =	shalt  }
0x48: {  	_ =	shalt  }
0x49: {  	_ =	shalt  }
0x4a: {  	_ =	shalt  }
0x4b: {  	_ =	shalt  }
0x4c: {  	_ =	shalt  }
0x4d: {  	_ =	shalt  }
0x4e: {  	_ =	shalt  }
0x4f: {  	_ =	shalt  }
0x50: {  	_ =	shalt  }
0x51: {  	_ =	shalt  }
0x52: {  	_ =	shalt  }
0x53: {  	_ =	shalt  }
0x54: {  	_ =	shalt  }
0x55: {  	_ =	shalt  }
0x56: {  	_ =	shalt  }
0x57: {  	_ =	shalt  }
0x58: {  	_ =	shalt  }
0x59: {  	_ =	shalt  }
0x5a: {  	_ =	shalt  }
0x5b: {  	_ =	shalt  }
0x5c: {  	_ =	shalt  }
0x5d: {  	_ =	shalt  }
0x5e: {  	_ =	shalt  }
0x5f: {  	_ =	shalt  }
0x60: {  	_ =	shalt  }
0x61: {  	_ =	shalt  }
0x62: {  	_ =	shalt  }
0x63: {  	_ =	shalt  }
0x64: {  	_ =	shalt  }
0x65: {  	_ =	shalt  }
0x66: {  	_ =	shalt  }
0x67: {  	_ =	shalt  }
0x68: {  	_ =	shalt  }
0x69: {  	_ =	shalt  }
0x6a: {  	_ =	shalt  }
0x6b: {  	_ =	shalt  }
0x6c: {  	_ =	shalt  }
0x6d: {  	_ =	shalt  }
0x6e: {  	_ =	shalt  }
0x6f: {  	_ =	shalt  }
0x70: {  	_ =	shalt  }
0x71: {  	_ =	shalt  }
0x72: {  	_ =	shalt  }
0x73: {  	_ =	shalt  }
0x74: {  	_ =	shalt  }
0x75: {  	_ =	shalt  }
0x76: {  	_ =	shalt  }
0x77: {  	_ =	shalt  }
0x78: {  	_ =	shalt  }
0x79: {  	_ =	shalt  }
0x7a: {  	_ =	shalt  }
0x7b: {  	_ =	shalt  }
0x7c: {  	_ =	shalt  }
0x7d: {  	_ =	shalt  }
0x7e: {  	_ =	shalt  }
0x7f: {  	_ =	shalt  }
0x80: {  	_ =	shalt  }
0x81: {  	_ =	shalt  }
0x82: {  	_ =	shalt  }
0x83: {  	_ =	shalt  }
0x84: {  	_ =	shalt  }
0x85: {  	_ =	shalt  }
0x86: {  	_ =	shalt  }
0x87: {  	_ =	shalt  }
.Lfunc_end0:
.L_simem_size_0:
called_computation.9_lowered:
.L_overlay_start_0:
0x88: {  	s2 =	sld [smem:$0x3FD9]  }
0x89: {  	s3 =	sld [smem:$0x3FFE];
	_ =	sdelay $0x1  }
0x8a: {  	s1 =	srdreg.scid  }
0x8b: {  	s0 =	sand.u32 $0x1, s1  }
0x8c: {  	s17 =	sshll.u32 s0, $0xA;
	s2 =	sadd.s32 s3, s2  }
0x8d: {  	s2 =	sadd.s32 s2, s17  }
0x8e: {  	[smem:$0x3FC4] =	sst s2  }
0x8f: {  	_ = 	snop  }
0x90: {  	(tm) =	ssettm $0x1  }
0x91: {  	s18 =	sld [smem:$0x3FFB];
	_ =	sdelay $0x3  }
0x92: {  	_ =	strace s18  }
0x93: {  	s2 =	sld [smem:$0x3FFC];
	_ =	sdelay $0x3  }
0x94: {  	_ =	strace s2  }
0x95: {  	s2 =	sld [smem:$0x3FFD];
	_ =	sdelay $0x3  }
0x96: {  	_ =	strace s2  }
0x97: {  	_ =	strace $0x8FFFFFFF  }
0x98: {  	s19 =	sld [smem:$0x3FDB];
	_ =	sdelay $0x1  }
0x99: {  	s20 =	simm.s32 $_scs_section_size  }
0x9a: {  	s4 =	simm.s32 $_size__tile_overlayer_lowered;
	s5 =	simm.s32 $_tile_overlayer_lowered  }
0x9b: {  	s6 =	simm.s32 $0x1BFF;
	s21 =	sshll.u32 s5, $0x1;
	s3 =	sadd.s32 s20, s19  }
0x9c: {  	s22 =	simm.s32 $0x0;
	s4 =	sshll.u32 s4, $0x1;
	s5 =	sadd.s32 s21, s3  }
0x9d: {  	[timem:s22], [sflag:s6] =	dma.local [hbm:s5], s4  }
0x9e: {  	_ =	swait.ge [sflag:s6], s4  }
0x9f: {  	s4 =	ssub.s32 $0x0, s4;
	[sflag:s6] =	ssyncset.done $0x0  }
0xa0: {  	[sflag:s6] =	ssyncadd.s32 s4;
	_ =	sdelay $0x1  }
0xa1: {  	s23 =	simm.s32 $0x1B8B  }
0xa2: {  	_ =	swait.ge [sflag:s23], $0x1  }
0xa3: {  	[sflag:s23] =	ssyncset.done $0x0  }
0xa4: {  	[sflag:s23] =	ssyncadd.s32 $0xFFFFFFFF  }
0xa5: {  	s4 =	sld [smem:$0x0]  }
0xa6: {  	s5 =	sand.u32 $0xFFFFFFFE, s1  }
0xa7: {  	p0 =	sne.s32 s1, s5  }
0xa8: {  	s5 =	sshll.u32 @p0 s5, $0xE  }
0xa9: {  	s5 =	sadd.s32 @p0 $0x11B8D, s5;
	s6 =	sshll.u32 @p0 s4, $0x11  }
0xaa: {  	s5 =	sor.u32 @p0 s6, s5  }
0xab: {  	[sflag:s5] =	ssyncadd.remote.s32 @p0 $0x1;
	_ =	sdelay $0x1  }
0xac: {  	s5 =	simm.s32 @p0 $0x1B8D  }
0xad: {  	_ =	swait.eq @p0 [sflag:s5], $0x1  }
0xae: {  	[sflag:s5] =	ssyncadd.s32 @p0 $0xFFFFFFFF  }
0xaf: {  	s6 =	sshll.u32 @!p0 s1, $0xE  }
0xb0: {  	s6 =	sor.u32 @!p0 $0x4000, s6;
	s5 =	simm.s32 @!p0 $0x1B8D  }
0xb1: {  	s4 =	sshll.u32 @!p0 s4, $0x11;
	s6 =	sadd.s32 @!p0 $0x11B8D, s6;
	_ =	swait.eq @!p0 [sflag:s5], $0x1  }
0xb2: {  	s4 =	sor.u32 @!p0 s4, s6;
	[sflag:s5] =	ssyncadd.s32 @!p0 $0xFFFFFFFF  }
0xb3: {  	s25 =	simm.s32 $0x1B8E;
	s24 =	sld [smem:$0x3FFE];
	[sflag:s4] =	ssyncadd.remote.s32 @!p0 $0x1  }
0xb4: {  	s26 =	simm.s32 $execute0_lowered;
	[smem:$0x3FD2] =	sst s25  }
0xb5: {  	s5 =	sshll.u32 s26, $0x1;
	_ =	strace $0x8000005E;
	[dreg:$0x1] =	wrdreg $0xFFFFFFFF  }
0xb6: {  	s28 =	simm.s32 $_size_execute0_lowered;
	s3 =	sadd.s32 s3, s5;
	[dreg:$0x0] =	wrdreg $0x0  }
0xb7: {  	s5 =	sshll.u32 s28, $0x1;
	[dreg:$0x2] =	wrdreg s3  }
0xb8: {  	[dreg:$0x3] =	wrdreg s5  }
0xb9: {  	[dreg:$0x4] =	wrdreg $0xC0  }
0xba: {  	_ =	task [dreg:s22], $0x5FFFF  }
0xbb: {  	[dreg:$0x1] =	wrdreg $0xFFFFFFFF  }
0xbc: {  	[dreg:$0x0] =	wrdreg $0x60  }
0xbd: {  	[dreg:$0x2] =	wrdreg s24  }
0xbe: {  	[dreg:$0x3] =	wrdreg $0x60000  }
0xbf: {  	[dreg:$0x4] =	wrdreg $0xC  }
0xc0: {  	_ =	task.clear_ibuf [dreg:s22], $0x5FFFF;
	_ =	strace $0x9000005E  }
0xc1: {  	s29 =	simm.s32 $0xC;
	_ =	strace $0x80000060  }
0xc2: {  	_ =	swait.ge [sflag:s29], $0x1  }
0xc3: {  	[sflag:s29] =	ssyncadd.s32 $0xFFFFFFFF  }
0xc4: {  	_ =	strace $0x90000060  }
0xc5: {  	_ =	sfence  }
0xc6: {  	s30 =	sld [smem:$0x0];
	_ =	sdelay $0x2  }
0xc7: {  	s31 =	sshll.u32 s1, $0xD;
	s1 =	sshrl.u32 s1, $0x2  }
0xc8: {  	s4 =	sand.u32 $0x4000, s31;
	s1 =	sadd.s32 s1, s30  }
0xc9: {  	s0 =	sor.u32 s4, s0;
	s1 =	sshll.u32 s1, $0x11  }
0xca: {  	s0 =	sor.u32 s1, s0  }
0xcb: {  	s0 =	sadd.s32 $0x8F2B, s0  }
0xcc: {  	[sflag:s0] =	ssyncadd.remote.s32 $0x1  }
0xcd: {  	_ =	sfence.sel $0xFFFF  }
0xce: {  	[dreg:$0x0] =	wrdreg $0xFFFFFFFF;
	(pc) =	sbr.abs _section_cstart, $3  }
0xcf: {  	[dreg:$0x1] =	wrdreg $0xFFFFFFFF  }
0xd0: {  	_ =	task.clear_ibuf [dreg:s22], $0x2FFFF;
	_ =	strace $0x9FFFFFFF  }
0xd1: {  	(tm) =	ssettm $0x7FFFFFFF  }
tec
execute0_lowered:
.L_overlay_start_1:
0x0: {  	(tag) =	ssettag $0x1  }
0x1: {  	s5 =	rddreg [dreg:$0x0]  }
0x2: {  	s2 =	rddreg [dreg:$0x1]  }
0x3: {  	s0 =	rddreg [dreg:$0x2];
	s3 =	simm.s32 $0x0;
	s1 =	stileid.u32  }
0x4: {  	s4 =	srdreg.scid;
	s15 =	simm.s32 $0xC00;
	s12 =	smul.u32 $0x50000, s1  }
0x5: {  	[smem:$0x7FF] =	sst s3;
	s7 =	sand.u32 $0x1, s4;
	s14 =	smul.u32 $0xFA00, s1  }
0x6: {  	s24 =	sshll.u32 s1, $0x1;
	s8 =	sadd.s32 $0x1FCC00, s5;
	s17 =	smul.u32 $0x2800, s1  }
0x7: {  	s29 =	sshll.u32 s1, $0x6;
	_ =	strace $0x8000005F;
	s9 =	smul.u32 $0x28000, s7  }
0x8: {  	s6 =	sor.u32 s7, s24;
	s11 =	ssub.s32 $0x2, s7;
	s30 =	smul.u32 $0x7D00, s7  }
0x9: {  	s4 =	sshll.u32 s6, $0x9;
	s25 =	sshrl.u32 s11, $0x1;
	s26 =	sshrl.u32 s12, $0x2  }
0xa: {  	s28 =	smul.u32 $0x7D00, s6;
	s31 =	sadd.s32 s14, s8;
	s12 =	simm.s32 $0x1000  }
0xb: {  	s14 =	simm.s32 $0x1;
	s10 =	sadd.s32 s4, s5;
	s4 =	sadd.s32 $0x2C00, s5  }
0xc: {  	s9 =	sadd.s32 s9, s5;
	s11 =	ssub.s32 s11, s25;
	s13 =	sadd.s32 s26, s2  }
0xd: {  	s5 =	sor.u32 $0x1C03, s29;
	s6 =	sadd.s32 $0x506C00, s10;
	s7 =	sadd.s32 s8, s28  }
0xe: {  	s16 =	sadd.s32 $0x2F6C00, s9;
	s8 =	smax.u32 s11, $0x1;
	s9 =	sadd.s32 s30, s31  }
0xf: {  	s10 =	sshrl.u32 s13, $0x3;
	s11 =	simm.s32 $0x3;
	s13 =	simm.s32 $0x50  }
0x10: {  	s9 =	sadd.s32 $0x500, s9;
	s16 =	sadd.s32 s17, s16;
	s17 =	simm.s32 $0x0  }
.LBB2_1:
0x11: {  	[spmem:s10], [sflag:s5] =	dma.local [hbm:s4], $0x2800  }
0x12: {  	_ =	swait.ge [sflag:s11], $0x2800  }
0x13: {  	[sflag:s11] =	ssyncset.done $0x0  }
0x14: {  	s18 =	sand.u32 $0x1, s3;
	[sflag:s11] =	ssyncadd.s32 $0xFFFFD800  }
0x15: {  	[tilespmem:s3], [sflag:$0x3] =	stream.linear.gather [hbm4b:s6+s3], $0xC80, $0x38;
	[tilespmem:$0x1A000] =	vst v63  }
0x16: {  	s19 =	sxor.u32 $0x1, s18;
	s29 =	smul.u32 $0xA000, s18;
	_ =	swait.ge [sflag:s11], $0xC80  }
0x17: {  	s30 =	simm.s32 $0x1;
	s20 =	smul.u32 $0xA000, s19;
	[sflag:s11] =	ssyncset.done $0x0  }
0x18: {  	s23 =	simm.s32 $0x2;
	s18 =	sadd.s32 $0x1, s18;
	[sflag:s11] =	ssyncadd.s32 $0xFFFFF380  }
0x19: {  	s21 =	sshrl.u32 s29, $0x2;
	s20 =	sshrl.u32 s20, $0x2;
	[bflag:$0x0] =	sbarrier.arrive $0xFFFF  }
0x1a: {  	[tilespmem:s12], [sflag:$0x1] =	stream.linear.gather [hbm4b:s7+s3], $0x2800, $0x38;
	[tilespmem:$0x1A000] =	vst v63  }
0x1b: {  	s19 =	sadd.s32 $0x1, s19;
	s31 =	sadd.s32 $0x1000, s21;
	s20 =	sadd.s32 $0x1000, s20  }
0x1c: {  	[tilespmem:s20], [sflag:s19] =	stream.linear.gather [hbm4b:s9+s3], $0x2800, $0x38;
	[tilespmem:$0x1A000] =	vst v63  }
0x1d: {  	s19 =	sand.u32 $0x1, s30;
	s20 =	sadd.s32 $0x500, s9;
	_ =	swait.ge [sflag:s18], $0x2800  }
0x1e: {  	s21 =	sxor.u32 $0x1, s19;
	s22 =	smul.u32 $0xA000, s19;
	[sflag:s18] =	ssyncset.done $0x0  }
0x1f: {  	s24 =	smul.u32 $0xA000, s21;
	[sflag:s18] =	ssyncadd.s32 $0xFFFFD800;
	s18 =	simm.s32 $0x80  }
0x20: {  	[spmem:s2] =	stream.indirect.scatter.add.f32 [tilespmem:s31], [sflag:$0x3], $0x80, s3, s13, $0xb8;
	[tilespmem:$0x1A000] =	vst v63  }
.LBB2_2:
0x21: {  	s24 =	sshrl.u32 s24, $0x2;
	s22 =	sshrl.u32 s22, $0x2;
	_ =	swait.ge [sflag:s11], $0x2800  }
0x22: {  	s25 =	smov.u32 s23;
	s26 =	smov.u32 s18;
	s28 =	sadd.s32 $0x1, s23  }
0x23: {  	p0 =	sne.s32 s23, $0x17;
	s24 =	sadd.s32 $0x1000, s24;
	[sflag:s11] =	ssyncset.done $0x0  }
0x24: {  	s21 =	sadd.s32 $0x1, s21;
	s23 =	sadd.s32 $0x1, s19;
	[sflag:s11] =	ssyncadd.s32 $0xFFFFD800  }
0x25: {  	[tilespmem:s24], [sflag:s21] =	stream.linear.gather [hbm4b:s20+s3], $0x2800, $0x38;
	[tilespmem:$0x1A000] =	vst v63  }
.Ltmp0:
0x26: {  	s18 =	sadd.s32 $0x80, s18;
	s20 =	sadd.s32 $0x500, s20;
	(pc) =	sbr.rel @p0 .LBB2_2-.Ltmp0, $4  }
0x27: {  	s19 =	sand.u32 $0x1, s25;
	s25 =	sadd.s32 $0x1000, s22;
	_ =	swait.ge [sflag:s23], $0x2800  }
0x28: {  	s22 =	smul.u32 $0xA000, s19;
	s21 =	sxor.u32 $0x1, s19;
	[sflag:s23] =	ssyncset.done $0x0  }
0x29: {  	s24 =	smul.u32 $0xA000, s21;
	[sflag:s23] =	ssyncadd.s32 $0xFFFFD800;
	s23 =	smov.u32 s28  }
0x2a: {  	[spmem:s2] =	stream.indirect.scatter.add.f32 [tilespmem:s25], [sflag:$0x3], $0x80, s26, s13, $0xb8;
	[tilespmem:$0x1A000] =	vst v63  }
0x2b: {  	_ =	swait.ge [sflag:s11], $0x2800  }
0x2c: {  	s23 =	sshrl.u32 s24, $0x2;
	s21 =	sadd.s32 $0x1, s21;
	[sflag:s11] =	ssyncset.done $0x0  }
0x2d: {  	s19 =	sadd.s32 $0x1, s19;
	s23 =	sadd.s32 $0x1000, s23;
	[sflag:s11] =	ssyncadd.s32 $0xFFFFD800  }
0x2e: {  	[tilespmem:s23], [sflag:s21] =	stream.linear.gather [hbm4b:s20+s3], $0x2800, $0x38;
	[tilespmem:$0x1A000] =	vst v63  }
0x2f: {  	_ =	swait.ge [sflag:s19], $0x2800  }
0x30: {  	s31 =	sshrl.u32 s22, $0x2;
	[sflag:s19] =	ssyncset.done $0x0  }
0x31: {  	s20 =	sadd.s32 $0x1000, s31;
	[sflag:s19] =	ssyncadd.s32 $0xFFFFD800  }
0x32: {  	[spmem:s2] =	stream.indirect.scatter.add.f32 [tilespmem:s20], [sflag:$0x3], $0x80, s18, s13, $0xb8;
	[tilespmem:$0x1A000] =	vst v63  }
0x33: {  	_ =	swait.ge [sflag:s11], $0x2800  }
0x34: {  	[sflag:s11] =	ssyncset.done $0x0  }
0x35: {  	[sflag:s11] =	ssyncadd.s32 $0xFFFFD800  }
0x36: {  	_ =	swait.ge [sflag:s14], $0x2800  }
0x37: {  	[sflag:s14] =	ssyncset.done $0x0  }
0x38: {  	[sflag:s14] =	ssyncadd.s32 $0xFFFFD800  }
0x39: {  	[spmem:s2] =	stream.indirect.scatter.add.f32 [tilespmem:s12], [sflag:$0x3], $0x80, s15, s13, $0xb8;
	[tilespmem:$0x1A000] =	vst v63  }
0x3a: {  	_ =	swait.ge [sflag:s11], $0x2800  }
0x3b: {  	s17 =	sadd.s32 $0x1, s17;
	[sflag:s11] =	ssyncset.done $0x0  }
0x3c: {  	p0 =	sne.s32 s17, s8;
	[sflag:s11] =	ssyncadd.s32 $0xFFFFD800  }
.Ltmp1:
0x3d: {  	[bflag:$0x0] =	sbarrier.arrive $0xFFFF;
	(pc) =	sbr.rel @p0 .LBB2_1-.Ltmp1, $4  }
0x3e: {  	[hbm:s16], [sflag:s5] =	dma.local [spmem:s10], $0x2800  }
0x3f: {  	_ =	swait.ge [sflag:s11], $0x2800  }
0x40: {  	[sflag:s11] =	ssyncset.done $0x0  }
0x41: {  	[sflag:s11] =	ssyncadd.s32 $0xFFFFD800  }
0x42: {  	_ =	sfence.sel $0x180000  }
0x43: {  	[bflag:$0x0] =	sbarrier.arrive $0xFFFF  }
0x44: {  	p0 =	sne.s32 s1, $0x0;
	_ =	strace $0x9000005F  }
0x45: {  	s0 =	sadd.s32 @!p0 $0x100000, s0;
	[bflag:$0x2] =	sbarrier.arrive $0xFFFF  }
0x46: {  	[sflag:s0] =	ssyncadd.tile.s32 @!p0 $0x1;
	_ =	shalt  }
.Lfunc_end2:
_tile_overlayer_lowered:
.L_overlay_start_2:
0x47: {  	(tag) =	ssettag $0x2  }
0x48: {  	s0 =	rddreg [dreg:$0x0];
	s2 =	stileid.u32  }
0x49: {  	s1 =	rddreg [dreg:$0x1];
	p0 =	sne.s32 s2, $0x0  }
0x4a: {  	s3 =	rddreg [dreg:$0x2];
	[bflag:$0x3] =	sbarrier.arrive $0xFFFF;
	s2 =	simm.s32 @!p0 $0x1C03  }
0x4b: {  	[timem:s3], [sflag:s2] =	dma.local @!p0 [hbm:s0], s1  }
0x4c: {  	s0 =	simm.s32 @!p0 $0x3  }
0x4d: {  	_ =	swait.ge @!p0 [sflag:s0], s1  }
0x4e: {  	s1 =	ssub.s32 @!p0 $0x0, s1;
	[sflag:s0] =	ssyncset.done @!p0 $0x0  }
0x4f: {  	[sflag:s0] =	ssyncadd.s32 @!p0 s1  }
0x50: {  	[bflag:$0x3] =	sbarrier.arrive $0xFFFF  }
0x51: {  	_ =	shalt  }

</sc_bundles>
